<compile_context>
chip_gen: v7x
topology: tpu7x:2x2x1
jax: 0.10.2.dev20260603
libtpu: 0.0.44.dev20260713+nightly
codegen_flags: <defaults>
</compile_context>

<pallas_src>
import functools

import jax
import jax.numpy as jnp
from jax import lax
from jax.experimental import pallas as pl
from jax.experimental.pallas import tpu as pltpu
from jax.experimental.pallas import tpu_sc as plsc

_B = 4096
_P = 50
_N = 200
_D = 128
_R = 256
_L = 16
_NC = 2
_NS = 16
_NW = _NC * _NS
_BW = _B // _NW
_G = _R // _L


def _sc_body(cidx_hbm, ctx_idx_hbm, tgt_hbm, ctx_hbm, out_hbm,
             cidx_v, ctr_v, idx_v, rows_v, sc_v,
             sem_c, sem_r0, sem_r1, sem_s0, sem_s1):
    wid = lax.axis_index("s") * _NC + lax.axis_index("c")
    base = pl.multiple_of(wid * _BW, 8)

    pltpu.sync_copy(cidx_hbm.at[pl.ds(base, _BW)], cidx_v)
    pltpu.sync_copy(ctx_idx_hbm.at[pl.ds(pl.multiple_of(wid * _BW * 2, 8), _BW * 2)],
                    idx_v)
    pltpu.async_copy(tgt_hbm.at[cidx_v], ctr_v, sem_c).wait()

    row_sems = (sem_r0, sem_r1)
    sc_sems = (sem_s0, sem_s1)
    iota = lax.iota(jnp.int32, _L)
    perms = [jnp.bitwise_xor(iota, k) for k in (8, 4, 2, 1)]

    dnums = lax.GatherDimensionNumbers(
        offset_dims=(), collapsed_slice_dims=(0,), start_index_map=(0,))

    def vperm(x, idx):
        return lax.gather(x, idx[:, None], dnums, (1,),
                          mode=lax.GatherScatterMode.PROMISE_IN_BOUNDS)

    def issue_gather(b, buf):
        for h in range(2):
            pltpu.async_copy(ctx_hbm.at[idx_v.at[b * 2 + h]],
                             rows_v.at[buf, pl.ds(h * 128, 128)],
                             row_sems[buf])

    def wait_gather(buf):
        pltpu.make_async_copy(ctx_hbm.at[pl.ds(0, _R)], rows_v.at[buf],
                              row_sems[buf]).wait()

    issue_gather(0, 0)
    issue_gather(1, 1)

    def step(i, carry):
        for u in range(2):
            b = i * 2 + u
            buf = u
            wait_gather(buf)

            @pl.when(b >= 2)
            def _wait_prev_scores():
                pltpu.make_async_copy(sc_v.at[buf], out_hbm.at[pl.ds(0, _R)],
                                      sc_sems[buf]).wait()

            ctr = [ctr_v[b, pl.ds(c * _L, _L)] for c in range(_D // _L)]
            rv = rows_v.at[buf]

            lo_half = iota < 8
            idx_e = (iota * 2) & 15
            idx_o = idx_e | 1
            ctr_e = [jnp.where(lo_half, vperm(ctr[2 * q], idx_e),
                               vperm(ctr[2 * q + 1], idx_e))
                     for q in range(_D // 32)]
            ctr_o = [jnp.where(lo_half, vperm(ctr[2 * q], idx_o),
                               vperm(ctr[2 * q + 1], idx_o))
                     for q in range(_D // 32)]
            himask = jnp.full((_L,), -65536, jnp.int32)

            def group(g, carry2):
                svec = None
                for r in range(_L):
                    row = g * _L + r
                    prods = []
                    for q in range(_D // 32):
                        w = rv[row, pl.ds(q * _L, _L)]
                        lo = plsc.bitcast(lax.shift_left(w, 16), jnp.float32)
                        hi = plsc.bitcast(w & himask, jnp.float32)
                        prods.append(lo * ctr_e[q])
                        prods.append(hi * ctr_o[q])
                    while len(prods) > 1:
                        prods = [prods[i] + prods[i + 1]
                                 for i in range(0, len(prods), 2)]
                    s = prods[0]
                    for p in perms:
                        s = s + vperm(s, p)
                    svec = s if svec is None else jnp.where(iota == r, s, svec)
                sc_v[buf, pl.ds(pl.multiple_of(g * _L, 8), _L)] = svec
                return carry2

            lax.fori_loop(0, _G, group, 0)

            pltpu.async_copy(
                sc_v.at[buf],
                out_hbm.at[pl.ds(pl.multiple_of((base + b) * _R, 8), _R)],
                sc_sems[buf])

            @pl.when(b + 2 < _BW)
            def _refill():
                issue_gather(b + 2, buf)
        return carry

    lax.fori_loop(0, _BW // 2, step, 0)

    for buf in range(2):
        pltpu.make_async_copy(sc_v.at[buf], out_hbm.at[pl.ds(0, _R)],
                              sc_sems[buf]).wait()


@jax.jit
def _sc_scores(cidx, ctx_idx, tgt, ctx):
    mesh = plsc.VectorSubcoreMesh(core_axis_name="c", subcore_axis_name="s",
                                  num_cores=_NC, num_subcores=_NS)
    f = pl.kernel(
        _sc_body,
        out_type=jax.ShapeDtypeStruct((_B * _R,), jnp.float32),
        mesh=mesh,
        compiler_params=pltpu.CompilerParams(needs_layout_passes=False,
                                             use_tc_tiling_on_sc=False),
        scratch_types=[
            pltpu.VMEM((_BW,), jnp.int32),
            pltpu.VMEM((_BW, _D), jnp.float32),
            pltpu.VMEM((_BW * 2, 128), jnp.int32),
            pltpu.VMEM((2, _R, _D // 2), jnp.int32),
            pltpu.VMEM((2, _R), jnp.float32),
            pltpu.SemaphoreType.DMA,
            pltpu.SemaphoreType.DMA,
            pltpu.SemaphoreType.DMA,
            pltpu.SemaphoreType.DMA,
            pltpu.SemaphoreType.DMA,
        ],
    )
    return f(cidx, ctx_idx, tgt, ctx)


def kernel(center, positive, negative, target_embeddings, context_embeddings):
    center = center.astype(jnp.int32)
    pad = jnp.zeros((_B, _R - _P - _N), jnp.int32)
    ctx_idx = jnp.concatenate(
        [positive.astype(jnp.int32), negative.astype(jnp.int32), pad], axis=1)
    ctx_idx = ctx_idx.reshape(_B * 2, 128)
    ctx_packed = lax.bitcast_convert_type(
        context_embeddings.astype(jnp.bfloat16).reshape(-1, _D // 2, 2),
        jnp.int32)
    scores = _sc_scores(center, ctx_idx, target_embeddings, ctx_packed)
    scores = scores.reshape(_B, _R)
    return scores[:, :_P], scores[:, _P:_P + _N]

# --- scband reference (transcript-rebuilt; emitter-appended) ---
"""Pipeline reference for scband-skipgram-ns-1348619731313 (READ-ONLY COPY).

The authoritative reference and input builder live on the scoring server;
editing this copy changes nothing except your own understanding.
"""

import jax, jax.numpy as jnp
import numpy as np

VOCAB = 100000
DIM = 128
B = 4096
P = 50
N = 200

def _xavier_uniform(key, shape):
    fan_in, fan_out = shape[0], shape[1]
    a = float(np.sqrt(6.0 / (fan_in + fan_out)))
    return jax.random.uniform(key, shape, dtype=jnp.float32, minval=-a, maxval=a)

def setup_inputs(seed: int = 0) -> dict:
    key = jax.random.key(seed)
    k1, k2, k3, k4, k5 = jax.random.split(key, 5)
    center = jax.random.randint(k1, (B,), 0, VOCAB, dtype=jnp.int64)
    positive = jax.random.randint(k2, (B, P), 0, VOCAB, dtype=jnp.int64)
    negative = jax.random.randint(k3, (B, N), 0, VOCAB, dtype=jnp.int64)
    target_embeddings = _xavier_uniform(k4, (VOCAB, DIM))
    context_embeddings = _xavier_uniform(k5, (VOCAB, DIM))
    return {
        'center': center,
        'positive': positive,
        'negative': negative,
        'target_embeddings': target_embeddings,
        'context_embeddings': context_embeddings,
    }

def reference(center, positive, negative, target_embeddings, context_embeddings):
    center_embedding = jnp.take(target_embeddings, center, axis=0)          # [B, D]
    positive_embedding = jnp.take(context_embeddings, positive, axis=0)     # [B, P, D]
    negative_embedding = jnp.take(context_embeddings, negative, axis=0)     # [B, N, D]
    # torch.bmm(pe, ce.unsqueeze(2)).squeeze(2) == batched dot products
    positive_score = jnp.einsum('bpd,bd->bp', positive_embedding, center_embedding)
    negative_score = jnp.einsum('bnd,bd->bn', negative_embedding, center_embedding)
    return (positive_score, negative_score)

if __name__ == "__main__":
    import jax
    _d = setup_inputs()
    print(jax.jit(kernel)(*tuple(_d.values())))

</pallas_src>

<mosaic_0001>
#map = affine_map<(d0, d1) -> (0)>
#map1 = affine_map<(d0, d1) -> (0, 0)>
module attributes {stable_mosaic.version = 14 : i64} {
  func.func @_sc_body(%arg0: i32, %arg1: i32, %arg2: memref<4096xi32, #tpu.memory_space<hbm>>, %arg3: memref<8192x128xi32, #tpu.memory_space<hbm>>, %arg4: memref<100000x128xf32, #tpu.memory_space<hbm>>, %arg5: memref<100000x64xi32, #tpu.memory_space<hbm>>, %arg6: memref<1048576xf32, #tpu.memory_space<hbm>>, %arg7: memref<128xi32, #tpu.memory_space<vmem>>, %arg8: memref<128x128xf32, #tpu.memory_space<vmem>>, %arg9: memref<256x128xi32, #tpu.memory_space<vmem>>, %arg10: memref<2x256x64xi32, #tpu.memory_space<vmem>>, %arg11: memref<2x256xf32, #tpu.memory_space<vmem>>, %arg12: memref<!tpu.dma_semaphore, #tpu.memory_space<semaphore_mem>>, %arg13: memref<!tpu.dma_semaphore, #tpu.memory_space<semaphore_mem>>, %arg14: memref<!tpu.dma_semaphore, #tpu.memory_space<semaphore_mem>>, %arg15: memref<!tpu.dma_semaphore, #tpu.memory_space<semaphore_mem>>, %arg16: memref<!tpu.dma_semaphore, #tpu.memory_space<semaphore_mem>>) attributes {dimension_semantics = [#tpu.dimension_semantics<core_parallel>, #tpu.dimension_semantics<subcore_parallel>], iteration_bounds = array<i64: 2, 16>, scalar_prefetch = 0 : i64, scratch_operands = 10 : i64, tpu.core_type = #tpu.core_type<sc_vector_subcore>, window_params = [{transform_indices = #map}, {transform_indices = #map1}, {transform_indices = #map1}, {transform_indices = #map1}, {transform_indices = #map}]} {
    %mul3A = arith.constant 2 : i32
    %mul3A_0 = arith.muli %arg1, %mul3A : i32
    %add3A = arith.addi %mul3A_0, %arg0 : i32
    %mul3A_1 = arith.constant 128 : i32
    %mul3A_2 = arith.muli %add3A, %mul3A_1 : i32
    %multiple_of3A = tpu.assume_multiple %mul3A_2, 8 : i32
    "tpu.region"() ({
      %run_scoped3A = tpu.sem_alloc : memref<!tpu.dma_semaphore, #tpu.memory_space<semaphore_mem>>
      %dma_start3A_98 = tpu.memref_slice %arg2[%multiple_of3A] : memref<4096xi32, #tpu.memory_space<hbm>> -> memref<128xi32, #tpu.memory_space<hbm>>
      %dma_start3A_99 = tpu.memref_slice %arg2[%multiple_of3A] : memref<4096xi32, #tpu.memory_space<hbm>> -> memref<128xi32, #tpu.memory_space<hbm>>
      tpu.enqueue_dma source(%dma_start3A_99 : memref<128xi32, #tpu.memory_space<hbm>>) target(%arg7 : memref<128xi32, #tpu.memory_space<vmem>>) target_semaphore(%run_scoped3A : memref<!tpu.dma_semaphore, #tpu.memory_space<semaphore_mem>>)
      %dma_wait3A_100 = tpu.memref_slice %arg2[%multiple_of3A] : memref<4096xi32, #tpu.memory_space<hbm>> -> memref<128xi32, #tpu.memory_space<hbm>>
      %dma_wait3A_101 = tpu.memref_slice %arg2[%multiple_of3A] : memref<4096xi32, #tpu.memory_space<hbm>> -> memref<128xi32, #tpu.memory_space<hbm>>
      tpu.wait_dma2 semaphore(%run_scoped3A : memref<!tpu.dma_semaphore, #tpu.memory_space<semaphore_mem>>) src(%dma_wait3A_101 : memref<128xi32, #tpu.memory_space<hbm>>) dst(%arg7 : memref<128xi32, #tpu.memory_space<vmem>>)
      tpu.yield
    }) : () -> ()
    %mul3A_3 = arith.constant 128 : i32
    %mul3A_4 = arith.muli %add3A, %mul3A_3 : i32
    %mul3A_5 = arith.constant 2 : i32
    %mul3A_6 = arith.muli %mul3A_4, %mul3A_5 : i32
    %multiple_of3A_7 = tpu.assume_multiple %mul3A_6, 8 : i32
    "tpu.region"() ({
      %run_scoped3A = tpu.sem_alloc : memref<!tpu.dma_semaphore, #tpu.memory_space<semaphore_mem>>
      %dma_start3A_98 = arith.constant 0 : i32
      %dma_start3A_99 = tpu.memref_slice %arg3[%multiple_of3A_7, %dma_start3A_98] : memref<8192x128xi32, #tpu.memory_space<hbm>> -> memref<256x128xi32, #tpu.memory_space<hbm>>
      %dma_start3A_100 = arith.constant 0 : i32
      %dma_start3A_101 = tpu.memref_slice %arg3[%multiple_of3A_7, %dma_start3A_100] : memref<8192x128xi32, #tpu.memory_space<hbm>> -> memref<256x128xi32, #tpu.memory_space<hbm>>
      tpu.enqueue_dma source(%dma_start3A_101 : memref<256x128xi32, #tpu.memory_space<hbm>>) target(%arg9 : memref<256x128xi32, #tpu.memory_space<vmem>>) target_semaphore(%run_scoped3A : memref<!tpu.dma_semaphore, #tpu.memory_space<semaphore_mem>>)
      %dma_wait3A_102 = arith.constant 0 : i32
      %dma_wait3A_103 = tpu.memref_slice %arg3[%multiple_of3A_7, %dma_wait3A_102] : memref<8192x128xi32, #tpu.memory_space<hbm>> -> memref<256x128xi32, #tpu.memory_space<hbm>>
      %dma_wait3A_104 = arith.constant 0 : i32
      %dma_wait3A_105 = tpu.memref_slice %arg3[%multiple_of3A_7, %dma_wait3A_104] : memref<8192x128xi32, #tpu.memory_space<hbm>> -> memref<256x128xi32, #tpu.memory_space<hbm>>
      tpu.wait_dma2 semaphore(%run_scoped3A : memref<!tpu.dma_semaphore, #tpu.memory_space<semaphore_mem>>) src(%dma_wait3A_105 : memref<256x128xi32, #tpu.memory_space<hbm>>) dst(%arg9 : memref<256x128xi32, #tpu.memory_space<vmem>>)
      tpu.yield
    }) : () -> ()
    %dma_start3A = arith.constant 0 : i32
    %dma_start3A_8 = arith.constant 0 : i32
    %dma_start3A_9 = tpu.memref_slice %arg4[%dma_start3A, %dma_start3A_8] : memref<100000x128xf32, #tpu.memory_space<hbm>> -> memref<100000x128xf32, #tpu.memory_space<hbm>>
    tpu.enqueue_indirect_dma source(%dma_start3A_9 : memref<100000x128xf32, #tpu.memory_space<hbm>>) target(%arg8 : memref<128x128xf32, #tpu.memory_space<vmem>>) offsets(%arg7 : memref<128xi32, #tpu.memory_space<vmem>>) semaphore(%arg12 : memref<!tpu.dma_semaphore, #tpu.memory_space<semaphore_mem>>)
    %dma_wait3A = arith.constant 0 : i32
    %dma_wait3A_10 = arith.constant 0 : i32
    %dma_wait3A_11 = tpu.memref_slice %arg4[%dma_wait3A, %dma_wait3A_10] : memref<100000x128xf32, #tpu.memory_space<hbm>> -> memref<100000x128xf32, #tpu.memory_space<hbm>>
    tpu.wait_indirect_dma semaphore(%arg12 : memref<!tpu.dma_semaphore, #tpu.memory_space<semaphore_mem>>) src(%dma_wait3A_11 : memref<100000x128xf32, #tpu.memory_space<hbm>>) dst(%arg8 : memref<128x128xf32, #tpu.memory_space<vmem>>)
    %iota3A = tpu.iota {dimensions = array<i32: 0>} : vector<16xi32>
    %xor3A = arith.constant 8 : i32
    %xor3A_12 = vector.broadcast %xor3A : i32 to vector<16xi32>
    %xor3A_13 = arith.xori %iota3A, %xor3A_12 : vector<16xi32>
    %xor3A_14 = arith.constant 4 : i32
    %xor3A_15 = vector.broadcast %xor3A_14 : i32 to vector<16xi32>
    %xor3A_16 = arith.xori %iota3A, %xor3A_15 : vector<16xi32>
    %xor3A_17 = arith.constant 2 : i32
    %xor3A_18 = vector.broadcast %xor3A_17 : i32 to vector<16xi32>
    %xor3A_19 = arith.xori %iota3A, %xor3A_18 : vector<16xi32>
    %xor3A_20 = arith.constant 1 : i32
    %xor3A_21 = vector.broadcast %xor3A_20 : i32 to vector<16xi32>
    %xor3A_22 = arith.xori %iota3A, %xor3A_21 : vector<16xi32>
    %dma_start3A_23 = arith.constant 0 : i32
    %dma_start3A_24 = arith.constant 0 : i32
    %dma_start3A_25 = arith.constant 0 : i32
    %dma_start3A_26 = arith.constant 0 : i32
    %dma_start3A_27 = tpu.memref_slice %arg10[%dma_start3A_24, %dma_start3A_25, %dma_start3A_26] : memref<2x256x64xi32, #tpu.memory_space<vmem>> -> memref<1x128x64xi32, #tpu.memory_space<vmem>>
    %dma_start3A_28 = tpu.memref_squeeze %dma_start3A_27 : memref<1x128x64xi32, #tpu.memory_space<vmem>> -> memref<128x64xi32, #tpu.memory_space<vmem>>
    %dma_start3A_29 = arith.constant 0 : i32
    %dma_start3A_30 = tpu.memref_slice %arg9[%dma_start3A_23, %dma_start3A_29] : memref<256x128xi32, #tpu.memory_space<vmem>> -> memref<1x128xi32, #tpu.memory_space<vmem>>
    %dma_start3A_31 = tpu.memref_squeeze %dma_start3A_30 : memref<1x128xi32, #tpu.memory_space<vmem>> -> memref<128xi32, #tpu.memory_space<vmem>>
    %dma_start3A_32 = arith.constant 0 : i32
    %dma_start3A_33 = arith.constant 0 : i32
    %dma_start3A_34 = tpu.memref_slice %arg5[%dma_start3A_32, %dma_start3A_33] : memref<100000x64xi32, #tpu.memory_space<hbm>> -> memref<100000x64xi32, #tpu.memory_space<hbm>>
    tpu.enqueue_indirect_dma source(%dma_start3A_34 : memref<100000x64xi32, #tpu.memory_space<hbm>>) target(%dma_start3A_28 : memref<128x64xi32, #tpu.memory_space<vmem>>) offsets(%dma_start3A_31 : memref<128xi32, #tpu.memory_space<vmem>>) semaphore(%arg13 : memref<!tpu.dma_semaphore, #tpu.memory_space<semaphore_mem>>)
    %dma_start3A_35 = arith.constant 1 : i32
    %dma_start3A_36 = arith.constant 0 : i32
    %dma_start3A_37 = arith.constant 128 : i32
    %dma_start3A_38 = arith.constant 0 : i32
    %dma_start3A_39 = tpu.memref_slice %arg10[%dma_start3A_36, %dma_start3A_37, %dma_start3A_38] : memref<2x256x64xi32, #tpu.memory_space<vmem>> -> memref<1x128x64xi32, #tpu.memory_space<vmem>>
    %dma_start3A_40 = tpu.memref_squeeze %dma_start3A_39 : memref<1x128x64xi32, #tpu.memory_space<vmem>> -> memref<128x64xi32, #tpu.memory_space<vmem>>
    %dma_start3A_41 = arith.constant 0 : i32
    %dma_start3A_42 = tpu.memref_slice %arg9[%dma_start3A_35, %dma_start3A_41] : memref<256x128xi32, #tpu.memory_space<vmem>> -> memref<1x128xi32, #tpu.memory_space<vmem>>
    %dma_start3A_43 = tpu.memref_squeeze %dma_start3A_42 : memref<1x128xi32, #tpu.memory_space<vmem>> -> memref<128xi32, #tpu.memory_space<vmem>>
    %dma_start3A_44 = arith.constant 0 : i32
    %dma_start3A_45 = arith.constant 0 : i32
    %dma_start3A_46 = tpu.memref_slice %arg5[%dma_start3A_44, %dma_start3A_45] : memref<100000x64xi32, #tpu.memory_space<hbm>> -> memref<100000x64xi32, #tpu.memory_space<hbm>>
    tpu.enqueue_indirect_dma source(%dma_start3A_46 : memref<100000x64xi32, #tpu.memory_space<hbm>>) target(%dma_start3A_40 : memref<128x64xi32, #tpu.memory_space<vmem>>) offsets(%dma_start3A_43 : memref<128xi32, #tpu.memory_space<vmem>>) semaphore(%arg13 : memref<!tpu.dma_semaphore, #tpu.memory_space<semaphore_mem>>)
    %dma_start3A_47 = arith.constant 2 : i32
    %dma_start3A_48 = arith.constant 1 : i32
    %dma_start3A_49 = arith.constant 0 : i32
    %dma_start3A_50 = arith.constant 0 : i32
    %dma_start3A_51 = tpu.memref_slice %arg10[%dma_start3A_48, %dma_start3A_49, %dma_start3A_50] : memref<2x256x64xi32, #tpu.memory_space<vmem>> -> memref<1x128x64xi32, #tpu.memory_space<vmem>>
    %dma_start3A_52 = tpu.memref_squeeze %dma_start3A_51 : memref<1x128x64xi32, #tpu.memory_space<vmem>> -> memref<128x64xi32, #tpu.memory_space<vmem>>
    %dma_start3A_53 = arith.constant 0 : i32
    %dma_start3A_54 = tpu.memref_slice %arg9[%dma_start3A_47, %dma_start3A_53] : memref<256x128xi32, #tpu.memory_space<vmem>> -> memref<1x128xi32, #tpu.memory_space<vmem>>
    %dma_start3A_55 = tpu.memref_squeeze %dma_start3A_54 : memref<1x128xi32, #tpu.memory_space<vmem>> -> memref<128xi32, #tpu.memory_space<vmem>>
    %dma_start3A_56 = arith.constant 0 : i32
    %dma_start3A_57 = arith.constant 0 : i32
    %dma_start3A_58 = tpu.memref_slice %arg5[%dma_start3A_56, %dma_start3A_57] : memref<100000x64xi32, #tpu.memory_space<hbm>> -> memref<100000x64xi32, #tpu.memory_space<hbm>>
    tpu.enqueue_indirect_dma source(%dma_start3A_58 : memref<100000x64xi32, #tpu.memory_space<hbm>>) target(%dma_start3A_52 : memref<128x64xi32, #tpu.memory_space<vmem>>) offsets(%dma_start3A_55 : memref<128xi32, #tpu.memory_space<vmem>>) semaphore(%arg14 : memref<!tpu.dma_semaphore, #tpu.memory_space<semaphore_mem>>)
    %dma_start3A_59 = arith.constant 3 : i32
    %dma_start3A_60 = arith.constant 1 : i32
    %dma_start3A_61 = arith.constant 128 : i32
    %dma_start3A_62 = arith.constant 0 : i32
    %dma_start3A_63 = tpu.memref_slice %arg10[%dma_start3A_60, %dma_start3A_61, %dma_start3A_62] : memref<2x256x64xi32, #tpu.memory_space<vmem>> -> memref<1x128x64xi32, #tpu.memory_space<vmem>>
    %dma_start3A_64 = tpu.memref_squeeze %dma_start3A_63 : memref<1x128x64xi32, #tpu.memory_space<vmem>> -> memref<128x64xi32, #tpu.memory_space<vmem>>
    %dma_start3A_65 = arith.constant 0 : i32
    %dma_start3A_66 = tpu.memref_slice %arg9[%dma_start3A_59, %dma_start3A_65] : memref<256x128xi32, #tpu.memory_space<vmem>> -> memref<1x128xi32, #tpu.memory_space<vmem>>
    %dma_start3A_67 = tpu.memref_squeeze %dma_start3A_66 : memref<1x128xi32, #tpu.memory_space<vmem>> -> memref<128xi32, #tpu.memory_space<vmem>>
    %dma_start3A_68 = arith.constant 0 : i32
    %dma_start3A_69 = arith.constant 0 : i32
    %dma_start3A_70 = tpu.memref_slice %arg5[%dma_start3A_68, %dma_start3A_69] : memref<100000x64xi32, #tpu.memory_space<hbm>> -> memref<100000x64xi32, #tpu.memory_space<hbm>>
    tpu.enqueue_indirect_dma source(%dma_start3A_70 : memref<100000x64xi32, #tpu.memory_space<hbm>>) target(%dma_start3A_64 : memref<128x64xi32, #tpu.memory_space<vmem>>) offsets(%dma_start3A_67 : memref<128xi32, #tpu.memory_space<vmem>>) semaphore(%arg14 : memref<!tpu.dma_semaphore, #tpu.memory_space<semaphore_mem>>)
    %scan3A = arith.constant 0 : i32
    %scan3A_71 = arith.constant 0 : i32
    %scan3A_72 = arith.constant 64 : i32
    %scan3A_73 = arith.addi %scan3A_71, %scan3A_72 : i32
    %scan3A_74 = arith.constant 1 : i32
    scf.for %scan3A_98 = %scan3A_71 to %scan3A_73 step %scan3A_74  : i32 {
      %mul3A_99 = arith.constant 2 : i32
      %mul3A_100 = arith.muli %scan3A_98, %mul3A_99 : i32
      %add3A_101 = arith.constant 0 : i32
      %add3A_102 = arith.addi %mul3A_100, %add3A_101 : i32
      %dma_wait3A_103 = arith.constant 0 : i32
      %dma_wait3A_104 = arith.constant 0 : i32
      %dma_wait3A_105 = arith.constant 0 : i32
      %dma_wait3A_106 = tpu.memref_slice %arg10[%dma_wait3A_103, %dma_wait3A_104, %dma_wait3A_105] : memref<2x256x64xi32, #tpu.memory_space<vmem>> -> memref<1x256x64xi32, #tpu.memory_space<vmem>>
      %dma_wait3A_107 = tpu.memref_squeeze %dma_wait3A_106 : memref<1x256x64xi32, #tpu.memory_space<vmem>> -> memref<256x64xi32, #tpu.memory_space<vmem>>
      %dma_wait3A_108 = arith.constant 0 : i32
      %dma_wait3A_109 = arith.constant 0 : i32
      %dma_wait3A_110 = tpu.memref_slice %arg5[%dma_wait3A_108, %dma_wait3A_109] : memref<100000x64xi32, #tpu.memory_space<hbm>> -> memref<256x64xi32, #tpu.memory_space<hbm>>
      %dma_wait3A_111 = arith.constant 0 : i32
      %dma_wait3A_112 = arith.constant 0 : i32
      %dma_wait3A_113 = tpu.memref_slice %arg10[%dma_wait3A_103, %dma_wait3A_111, %dma_wait3A_112] : memref<2x256x64xi32, #tpu.memory_space<vmem>> -> memref<1x256x64xi32, #tpu.memory_space<vmem>>
      %dma_wait3A_114 = tpu.memref_squeeze %dma_wait3A_113 : memref<1x256x64xi32, #tpu.memory_space<vmem>> -> memref<256x64xi32, #tpu.memory_space<vmem>>
      %dma_wait3A_115 = arith.constant 0 : i32
      %dma_wait3A_116 = arith.constant 0 : i32
      %dma_wait3A_117 = tpu.memref_slice %arg5[%dma_wait3A_115, %dma_wait3A_116] : memref<100000x64xi32, #tpu.memory_space<hbm>> -> memref<256x64xi32, #tpu.memory_space<hbm>>
      tpu.wait_dma2 semaphore(%arg13 : memref<!tpu.dma_semaphore, #tpu.memory_space<semaphore_mem>>) src(%dma_wait3A_117 : memref<256x64xi32, #tpu.memory_space<hbm>>) dst(%dma_wait3A_114 : memref<256x64xi32, #tpu.memory_space<vmem>>)
      %ge3A = arith.constant 2 : i32
      %ge3A_118 = arith.cmpi sge, %add3A_102, %ge3A : i32
      %convert_element_type3A = arith.extui %ge3A_118 : i1 to i32
      %cond3A = arith.constant 0 : i32
      %cond3A_119 = arith.cmpi ne, %convert_element_type3A, %cond3A : i32
      scf.if %cond3A_119 {
        %dma_wait3A_379 = arith.constant 0 : i32
        %dma_wait3A_380 = arith.constant 0 : i32
        %dma_wait3A_381 = tpu.memref_slice %arg11[%dma_wait3A_379, %dma_wait3A_380] : memref<2x256xf32, #tpu.memory_space<vmem>> -> memref<1x256xf32, #tpu.memory_space<vmem>>
        %dma_wait3A_382 = tpu.memref_squeeze %dma_wait3A_381 : memref<1x256xf32, #tpu.memory_space<vmem>> -> memref<256xf32, #tpu.memory_space<vmem>>
        %dma_wait3A_383 = arith.constant 0 : i32
        %dma_wait3A_384 = tpu.memref_slice %arg6[%dma_wait3A_383] : memref<1048576xf32, #tpu.memory_space<hbm>> -> memref<256xf32, #tpu.memory_space<hbm>>
        %dma_wait3A_385 = arith.constant 0 : i32
        %dma_wait3A_386 = tpu.memref_slice %arg6[%dma_wait3A_385] : memref<1048576xf32, #tpu.memory_space<hbm>> -> memref<256xf32, #tpu.memory_space<hbm>>
        %dma_wait3A_387 = arith.constant 0 : i32
        %dma_wait3A_388 = tpu.memref_slice %arg11[%dma_wait3A_379, %dma_wait3A_387] : memref<2x256xf32, #tpu.memory_space<vmem>> -> memref<1x256xf32, #tpu.memory_space<vmem>>
        %dma_wait3A_389 = tpu.memref_squeeze %dma_wait3A_388 : memref<1x256xf32, #tpu.memory_space<vmem>> -> memref<256xf32, #tpu.memory_space<vmem>>
        tpu.wait_dma2 semaphore(%arg15 : memref<!tpu.dma_semaphore, #tpu.memory_space<semaphore_mem>>) src(%dma_wait3A_389 : memref<256xf32, #tpu.memory_space<vmem>>) dst(%dma_wait3A_386 : memref<256xf32, #tpu.memory_space<hbm>>)
      } else {
      }
      %get3A = arith.index_cast %add3A_102 : i32 to index
      %get3A_120 = arith.constant 0 : index
      %get3A_121 = tpu.vector_load %arg8[%get3A, %get3A_120] {strides = array<i32>} : memref<128x128xf32, #tpu.memory_space<vmem>>, vector<16xf32>,
      %get3A_122 = arith.index_cast %add3A_102 : i32 to index
      %get3A_123 = arith.constant 16 : index
      %get3A_124 = tpu.vector_load %arg8[%get3A_122, %get3A_123] {strides = array<i32>} : memref<128x128xf32, #tpu.memory_space<vmem>>, vector<16xf32>,
      %get3A_125 = arith.index_cast %add3A_102 : i32 to index
      %get3A_126 = arith.constant 32 : index
      %get3A_127 = tpu.vector_load %arg8[%get3A_125, %get3A_126] {strides = array<i32>} : memref<128x128xf32, #tpu.memory_space<vmem>>, vector<16xf32>,
      %get3A_128 = arith.index_cast %add3A_102 : i32 to index
      %get3A_129 = arith.constant 48 : index
      %get3A_130 = tpu.vector_load %arg8[%get3A_128, %get3A_129] {strides = array<i32>} : memref<128x128xf32, #tpu.memory_space<vmem>>, vector<16xf32>,
      %get3A_131 = arith.index_cast %add3A_102 : i32 to index
      %get3A_132 = arith.constant 64 : index
      %get3A_133 = tpu.vector_load %arg8[%get3A_131, %get3A_132] {strides = array<i32>} : memref<128x128xf32, #tpu.memory_space<vmem>>, vector<16xf32>,
      %get3A_134 = arith.index_cast %add3A_102 : i32 to index
      %get3A_135 = arith.constant 80 : index
      %get3A_136 = tpu.vector_load %arg8[%get3A_134, %get3A_135] {strides = array<i32>} : memref<128x128xf32, #tpu.memory_space<vmem>>, vector<16xf32>,
      %get3A_137 = arith.index_cast %add3A_102 : i32 to index
      %get3A_138 = arith.constant 96 : index
      %get3A_139 = tpu.vector_load %arg8[%get3A_137, %get3A_138] {strides = array<i32>} : memref<128x128xf32, #tpu.memory_space<vmem>>, vector<16xf32>,
      %get3A_140 = arith.index_cast %add3A_102 : i32 to index
      %get3A_141 = arith.constant 112 : index
      %get3A_142 = tpu.vector_load %arg8[%get3A_140, %get3A_141] {strides = array<i32>} : memref<128x128xf32, #tpu.memory_space<vmem>>, vector<16xf32>,
      %lt3A = arith.constant 8 : i32
      %lt3A_143 = vector.broadcast %lt3A : i32 to vector<16xi32>
      %lt3A_144 = arith.cmpi slt, %iota3A, %lt3A_143 : vector<16xi32>
      %mul3A_145 = arith.constant 2 : i32
      %mul3A_146 = vector.broadcast %mul3A_145 : i32 to vector<16xi32>
      %mul3A_147 = arith.muli %iota3A, %mul3A_146 : vector<16xi32>
      %and3A = arith.constant 15 : i32
      %and3A_148 = vector.broadcast %and3A : i32 to vector<16xi32>
      %and3A_149 = arith.andi %mul3A_147, %and3A_148 : vector<16xi32>
      %or3A = arith.constant 1 : i32
      %or3A_150 = vector.broadcast %or3A : i32 to vector<16xi32>
      %or3A_151 = arith.ori %and3A_149, %or3A_150 : vector<16xi32>
      %broadcast_in_dim3A = vector.shape_cast %and3A_149 : vector<16xi32> to vector<16x1xi32>
      %gather3A = vector.shape_cast %broadcast_in_dim3A : vector<16x1xi32> to vector<16xi32>
      %gather3A_152 = tpu.dynamic_gather %get3A_121[%gather3A] in [0] : vector<16xf32>, vector<16xi32> -> vector<16xf32>
      %broadcast_in_dim3A_153 = vector.shape_cast %and3A_149 : vector<16xi32> to vector<16x1xi32>
      %gather3A_154 = vector.shape_cast %broadcast_in_dim3A_153 : vector<16x1xi32> to vector<16xi32>
      %gather3A_155 = tpu.dynamic_gather %get3A_124[%gather3A_154] in [0] : vector<16xf32>, vector<16xi32> -> vector<16xf32>
      %select_n3A = arith.select %lt3A_144, %gather3A_152, %gather3A_155 : vector<16xi1>, vector<16xf32>
      %broadcast_in_dim3A_156 = vector.shape_cast %and3A_149 : vector<16xi32> to vector<16x1xi32>
      %gather3A_157 = vector.shape_cast %broadcast_in_dim3A_156 : vector<16x1xi32> to vector<16xi32>
      %gather3A_158 = tpu.dynamic_gather %get3A_127[%gather3A_157] in [0] : vector<16xf32>, vector<16xi32> -> vector<16xf32>
      %broadcast_in_dim3A_159 = vector.shape_cast %and3A_149 : vector<16xi32> to vector<16x1xi32>
      %gather3A_160 = vector.shape_cast %broadcast_in_dim3A_159 : vector<16x1xi32> to vector<16xi32>
      %gather3A_161 = tpu.dynamic_gather %get3A_130[%gather3A_160] in [0] : vector<16xf32>, vector<16xi32> -> vector<16xf32>
      %select_n3A_162 = arith.select %lt3A_144, %gather3A_158, %gather3A_161 : vector<16xi1>, vector<16xf32>
      %broadcast_in_dim3A_163 = vector.shape_cast %and3A_149 : vector<16xi32> to vector<16x1xi32>
      %gather3A_164 = vector.shape_cast %broadcast_in_dim3A_163 : vector<16x1xi32> to vector<16xi32>
      %gather3A_165 = tpu.dynamic_gather %get3A_133[%gather3A_164] in [0] : vector<16xf32>, vector<16xi32> -> vector<16xf32>
      %broadcast_in_dim3A_166 = vector.shape_cast %and3A_149 : vector<16xi32> to vector<16x1xi32>
      %gather3A_167 = vector.shape_cast %broadcast_in_dim3A_166 : vector<16x1xi32> to vector<16xi32>
      %gather3A_168 = tpu.dynamic_gather %get3A_136[%gather3A_167] in [0] : vector<16xf32>, vector<16xi32> -> vector<16xf32>
      %select_n3A_169 = arith.select %lt3A_144, %gather3A_165, %gather3A_168 : vector<16xi1>, vector<16xf32>
      %broadcast_in_dim3A_170 = vector.shape_cast %and3A_149 : vector<16xi32> to vector<16x1xi32>
      %gather3A_171 = vector.shape_cast %broadcast_in_dim3A_170 : vector<16x1xi32> to vector<16xi32>
      %gather3A_172 = tpu.dynamic_gather %get3A_139[%gather3A_171] in [0] : vector<16xf32>, vector<16xi32> -> vector<16xf32>
      %broadcast_in_dim3A_173 = vector.shape_cast %and3A_149 : vector<16xi32> to vector<16x1xi32>
      %gather3A_174 = vector.shape_cast %broadcast_in_dim3A_173 : vector<16x1xi32> to vector<16xi32>
      %gather3A_175 = tpu.dynamic_gather %get3A_142[%gather3A_174] in [0] : vector<16xf32>, vector<16xi32> -> vector<16xf32>
      %select_n3A_176 = arith.select %lt3A_144, %gather3A_172, %gather3A_175 : vector<16xi1>, vector<16xf32>
      %broadcast_in_dim3A_177 = vector.shape_cast %or3A_151 : vector<16xi32> to vector<16x1xi32>
      %gather3A_178 = vector.shape_cast %broadcast_in_dim3A_177 : vector<16x1xi32> to vector<16xi32>
      %gather3A_179 = tpu.dynamic_gather %get3A_121[%gather3A_178] in [0] : vector<16xf32>, vector<16xi32> -> vector<16xf32>
      %broadcast_in_dim3A_180 = vector.shape_cast %or3A_151 : vector<16xi32> to vector<16x1xi32>
      %gather3A_181 = vector.shape_cast %broadcast_in_dim3A_180 : vector<16x1xi32> to vector<16xi32>
      %gather3A_182 = tpu.dynamic_gather %get3A_124[%gather3A_181] in [0] : vector<16xf32>, vector<16xi32> -> vector<16xf32>
      %select_n3A_183 = arith.select %lt3A_144, %gather3A_179, %gather3A_182 : vector<16xi1>, vector<16xf32>
      %broadcast_in_dim3A_184 = vector.shape_cast %or3A_151 : vector<16xi32> to vector<16x1xi32>
      %gather3A_185 = vector.shape_cast %broadcast_in_dim3A_184 : vector<16x1xi32> to vector<16xi32>
      %gather3A_186 = tpu.dynamic_gather %get3A_127[%gather3A_185] in [0] : vector<16xf32>, vector<16xi32> -> vector<16xf32>
      %broadcast_in_dim3A_187 = vector.shape_cast %or3A_151 : vector<16xi32> to vector<16x1xi32>
      %gather3A_188 = vector.shape_cast %broadcast_in_dim3A_187 : vector<16x1xi32> to vector<16xi32>
      %gather3A_189 = tpu.dynamic_gather %get3A_130[%gather3A_188] in [0] : vector<16xf32>, vector<16xi32> -> vector<16xf32>
      %select_n3A_190 = arith.select %lt3A_144, %gather3A_186, %gather3A_189 : vector<16xi1>, vector<16xf32>
      %broadcast_in_dim3A_191 = vector.shape_cast %or3A_151 : vector<16xi32> to vector<16x1xi32>
      %gather3A_192 = vector.shape_cast %broadcast_in_dim3A_191 : vector<16x1xi32> to vector<16xi32>
      %gather3A_193 = tpu.dynamic_gather %get3A_133[%gather3A_192] in [0] : vector<16xf32>, vector<16xi32> -> vector<16xf32>
      %broadcast_in_dim3A_194 = vector.shape_cast %or3A_151 : vector<16xi32> to vector<16x1xi32>
      %gather3A_195 = vector.shape_cast %broadcast_in_dim3A_194 : vector<16x1xi32> to vector<16xi32>
      %gather3A_196 = tpu.dynamic_gather %get3A_136[%gather3A_195] in [0] : vector<16xf32>, vector<16xi32> -> vector<16xf32>
      %select_n3A_197 = arith.select %lt3A_144, %gather3A_193, %gather3A_196 : vector<16xi1>, vector<16xf32>
      %broadcast_in_dim3A_198 = vector.shape_cast %or3A_151 : vector<16xi32> to vector<16x1xi32>
      %gather3A_199 = vector.shape_cast %broadcast_in_dim3A_198 : vector<16x1xi32> to vector<16xi32>
      %gather3A_200 = tpu.dynamic_gather %get3A_139[%gather3A_199] in [0] : vector<16xf32>, vector<16xi32> -> vector<16xf32>
      %broadcast_in_dim3A_201 = vector.shape_cast %or3A_151 : vector<16xi32> to vector<16x1xi32>
      %gather3A_202 = vector.shape_cast %broadcast_in_dim3A_201 : vector<16x1xi32> to vector<16xi32>
      %gather3A_203 = tpu.dynamic_gather %get3A_142[%gather3A_202] in [0] : vector<16xf32>, vector<16xi32> -> vector<16xf32>
      %select_n3A_204 = arith.select %lt3A_144, %gather3A_200, %gather3A_203 : vector<16xi1>, vector<16xf32>
      %broadcast_in_dim3A_205 = arith.constant -65536 : i32
      %broadcast_in_dim3A_206 = vector.broadcast %broadcast_in_dim3A_205 : i32 to vector<16xi32>
      %scan3A_207 = arith.constant 0 : i32
      %scan3A_208 = arith.constant 0 : i32
      %scan3A_209 = arith.constant 0 : i32
      %scan3A_210 = arith.constant 16 : i32
      %scan3A_211 = arith.addi %scan3A_209, %scan3A_210 : i32
      %scan3A_212 = arith.constant 1 : i32
      scf.for %scan3A_379 = %scan3A_209 to %scan3A_211 step %scan3A_212  : i32 {
        %mul3A_380 = arith.constant 16 : i32
        %mul3A_381 = arith.muli %scan3A_379, %mul3A_380 : i32
        %add3A_382 = arith.constant 0 : i32
        %add3A_383 = arith.addi %mul3A_381, %add3A_382 : i32
        %get3A_384 = arith.constant 0 : i32
        %get3A_385 = arith.constant 0 : i32
        %get3A_386 = tpu.memref_slice %arg10[%scan3A_208, %get3A_384, %get3A_385] : memref<2x256x64xi32, #tpu.memory_space<vmem>> -> memref<1x256x64xi32, #tpu.memory_space<vmem>>
        %get3A_387 = tpu.memref_squeeze %get3A_386 : memref<1x256x64xi32, #tpu.memory_space<vmem>> -> memref<256x64xi32, #tpu.memory_space<vmem>>
        %get3A_388 = arith.index_cast %add3A_383 : i32 to index
        %get3A_389 = arith.constant 0 : index
        %get3A_390 = tpu.vector_load %get3A_387[%get3A_388, %get3A_389] {strides = array<i32>} : memref<256x64xi32, #tpu.memory_space<vmem>>, vector<16xi32>,
        %shift_left3A = arith.constant 16 : i32
        %shift_left3A_391 = vector.broadcast %shift_left3A : i32 to vector<16xi32>
        %shift_left3A_392 = arith.shli %get3A_390, %shift_left3A_391 : vector<16xi32>
        %bitcast3A = vector.bitcast %shift_left3A_392 : vector<16xi32> to vector<16xf32>
        %and3A_393 = arith.andi %get3A_390, %broadcast_in_dim3A_206 : vector<16xi32>
        %bitcast3A_394 = vector.bitcast %and3A_393 : vector<16xi32> to vector<16xf32>
        %mul3A_395 = arith.mulf %bitcast3A, %select_n3A : vector<16xf32>
        %mul3A_396 = arith.mulf %bitcast3A_394, %select_n3A_183 : vector<16xf32>
        %get3A_397 = arith.constant 0 : i32
        %get3A_398 = arith.constant 0 : i32
        %get3A_399 = tpu.memref_slice %arg10[%scan3A_208, %get3A_397, %get3A_398] : memref<2x256x64xi32, #tpu.memory_space<vmem>> -> memref<1x256x64xi32, #tpu.memory_space<vmem>>
        %get3A_400 = tpu.memref_squeeze %get3A_399 : memref<1x256x64xi32, #tpu.memory_space<vmem>> -> memref<256x64xi32, #tpu.memory_space<vmem>>
        %get3A_401 = arith.index_cast %add3A_383 : i32 to index
        %get3A_402 = arith.constant 16 : index
        %get3A_403 = tpu.vector_load %get3A_400[%get3A_401, %get3A_402] {strides = array<i32>} : memref<256x64xi32, #tpu.memory_space<vmem>>, vector<16xi32>,
        %shift_left3A_404 = arith.constant 16 : i32
        %shift_left3A_405 = vector.broadcast %shift_left3A_404 : i32 to vector<16xi32>
        %shift_left3A_406 = arith.shli %get3A_403, %shift_left3A_405 : vector<16xi32>
        %bitcast3A_407 = vector.bitcast %shift_left3A_406 : vector<16xi32> to vector<16xf32>
        %and3A_408 = arith.andi %get3A_403, %broadcast_in_dim3A_206 : vector<16xi32>
        %bitcast3A_409 = vector.bitcast %and3A_408 : vector<16xi32> to vector<16xf32>
        %mul3A_410 = arith.mulf %bitcast3A_407, %select_n3A_162 : vector<16xf32>
        %mul3A_411 = arith.mulf %bitcast3A_409, %select_n3A_190 : vector<16xf32>
        %get3A_412 = arith.constant 0 : i32
        %get3A_413 = arith.constant 0 : i32
        %get3A_414 = tpu.memref_slice %arg10[%scan3A_208, %get3A_412, %get3A_413] : memref<2x256x64xi32, #tpu.memory_space<vmem>> -> memref<1x256x64xi32, #tpu.memory_space<vmem>>
        %get3A_415 = tpu.memref_squeeze %get3A_414 : memref<1x256x64xi32, #tpu.memory_space<vmem>> -> memref<256x64xi32, #tpu.memory_space<vmem>>
        %get3A_416 = arith.index_cast %add3A_383 : i32 to index
        %get3A_417 = arith.constant 32 : index
        %get3A_418 = tpu.vector_load %get3A_415[%get3A_416, %get3A_417] {strides = array<i32>} : memref<256x64xi32, #tpu.memory_space<vmem>>, vector<16xi32>,
        %shift_left3A_419 = arith.constant 16 : i32
        %shift_left3A_420 = vector.broadcast %shift_left3A_419 : i32 to vector<16xi32>
        %shift_left3A_421 = arith.shli %get3A_418, %shift_left3A_420 : vector<16xi32>
        %bitcast3A_422 = vector.bitcast %shift_left3A_421 : vector<16xi32> to vector<16xf32>
        %and3A_423 = arith.andi %get3A_418, %broadcast_in_dim3A_206 : vector<16xi32>
        %bitcast3A_424 = vector.bitcast %and3A_423 : vector<16xi32> to vector<16xf32>
        %mul3A_425 = arith.mulf %bitcast3A_422, %select_n3A_169 : vector<16xf32>
        %mul3A_426 = arith.mulf %bitcast3A_424, %select_n3A_197 : vector<16xf32>
        %get3A_427 = arith.constant 0 : i32
        %get3A_428 = arith.constant 0 : i32
        %get3A_429 = tpu.memref_slice %arg10[%scan3A_208, %get3A_427, %get3A_428] : memref<2x256x64xi32, #tpu.memory_space<vmem>> -> memref<1x256x64xi32, #tpu.memory_space<vmem>>
        %get3A_430 = tpu.memref_squeeze %get3A_429 : memref<1x256x64xi32, #tpu.memory_space<vmem>> -> memref<256x64xi32, #tpu.memory_space<vmem>>
        %get3A_431 = arith.index_cast %add3A_383 : i32 to index
        %get3A_432 = arith.constant 48 : index
        %get3A_433 = tpu.vector_load %get3A_430[%get3A_431, %get3A_432] {strides = array<i32>} : memref<256x64xi32, #tpu.memory_space<vmem>>, vector<16xi32>,
        %shift_left3A_434 = arith.constant 16 : i32
        %shift_left3A_435 = vector.broadcast %shift_left3A_434 : i32 to vector<16xi32>
        %shift_left3A_436 = arith.shli %get3A_433, %shift_left3A_435 : vector<16xi32>
        %bitcast3A_437 = vector.bitcast %shift_left3A_436 : vector<16xi32> to vector<16xf32>
        %and3A_438 = arith.andi %get3A_433, %broadcast_in_dim3A_206 : vector<16xi32>
        %bitcast3A_439 = vector.bitcast %and3A_438 : vector<16xi32> to vector<16xf32>
        %mul3A_440 = arith.mulf %bitcast3A_437, %select_n3A_176 : vector<16xf32>
        %mul3A_441 = arith.mulf %bitcast3A_439, %select_n3A_204 : vector<16xf32>
        %add3A_442 = arith.addf %mul3A_395, %mul3A_396 : vector<16xf32>
        %add3A_443 = arith.addf %mul3A_410, %mul3A_411 : vector<16xf32>
        %add3A_444 = arith.addf %mul3A_425, %mul3A_426 : vector<16xf32>
        %add3A_445 = arith.addf %mul3A_440, %mul3A_441 : vector<16xf32>
        %add3A_446 = arith.addf %add3A_442, %add3A_443 : vector<16xf32>
        %add3A_447 = arith.addf %add3A_444, %add3A_445 : vector<16xf32>
        %add3A_448 = arith.addf %add3A_446, %add3A_447 : vector<16xf32>
        %broadcast_in_dim3A_449 = vector.shape_cast %xor3A_13 : vector<16xi32> to vector<16x1xi32>
        %gather3A_450 = vector.shape_cast %broadcast_in_dim3A_449 : vector<16x1xi32> to vector<16xi32>
        %gather3A_451 = tpu.dynamic_gather %add3A_448[%gather3A_450] in [0] : vector<16xf32>, vector<16xi32> -> vector<16xf32>
        %add3A_452 = arith.addf %add3A_448, %gather3A_451 : vector<16xf32>
        %broadcast_in_dim3A_453 = vector.shape_cast %xor3A_16 : vector<16xi32> to vector<16x1xi32>
        %gather3A_454 = vector.shape_cast %broadcast_in_dim3A_453 : vector<16x1xi32> to vector<16xi32>
        %gather3A_455 = tpu.dynamic_gather %add3A_452[%gather3A_454] in [0] : vector<16xf32>, vector<16xi32> -> vector<16xf32>
        %add3A_456 = arith.addf %add3A_452, %gather3A_455 : vector<16xf32>
        %broadcast_in_dim3A_457 = vector.shape_cast %xor3A_19 : vector<16xi32> to vector<16x1xi32>
        %gather3A_458 = vector.shape_cast %broadcast_in_dim3A_457 : vector<16x1xi32> to vector<16xi32>
        %gather3A_459 = tpu.dynamic_gather %add3A_456[%gather3A_458] in [0] : vector<16xf32>, vector<16xi32> -> vector<16xf32>
        %add3A_460 = arith.addf %add3A_456, %gather3A_459 : vector<16xf32>
        %broadcast_in_dim3A_461 = vector.shape_cast %xor3A_22 : vector<16xi32> to vector<16x1xi32>
        %gather3A_462 = vector.shape_cast %broadcast_in_dim3A_461 : vector<16x1xi32> to vector<16xi32>
        %gather3A_463 = tpu.dynamic_gather %add3A_460[%gather3A_462] in [0] : vector<16xf32>, vector<16xi32> -> vector<16xf32>
        %add3A_464 = arith.addf %add3A_460, %gather3A_463 : vector<16xf32>
        %mul3A_465 = arith.constant 16 : i32
        %mul3A_466 = arith.muli %scan3A_379, %mul3A_465 : i32
        %add3A_467 = arith.constant 1 : i32
        %add3A_468 = arith.addi %mul3A_466, %add3A_467 : i32
        %get3A_469 = arith.constant 0 : i32
        %get3A_470 = arith.constant 0 : i32
        %get3A_471 = tpu.memref_slice %arg10[%scan3A_208, %get3A_469, %get3A_470] : memref<2x256x64xi32, #tpu.memory_space<vmem>> -> memref<1x256x64xi32, #tpu.memory_space<vmem>>
        %get3A_472 = tpu.memref_squeeze %get3A_471 : memref<1x256x64xi32, #tpu.memory_space<vmem>> -> memref<256x64xi32, #tpu.memory_space<vmem>>
        %get3A_473 = arith.index_cast %add3A_468 : i32 to index
        %get3A_474 = arith.constant 0 : index
        %get3A_475 = tpu.vector_load %get3A_472[%get3A_473, %get3A_474] {strides = array<i32>} : memref<256x64xi32, #tpu.memory_space<vmem>>, vector<16xi32>,
        %shift_left3A_476 = arith.constant 16 : i32
        %shift_left3A_477 = vector.broadcast %shift_left3A_476 : i32 to vector<16xi32>
        %shift_left3A_478 = arith.shli %get3A_475, %shift_left3A_477 : vector<16xi32>
        %bitcast3A_479 = vector.bitcast %shift_left3A_478 : vector<16xi32> to vector<16xf32>
        %and3A_480 = arith.andi %get3A_475, %broadcast_in_dim3A_206 : vector<16xi32>
        %bitcast3A_481 = vector.bitcast %and3A_480 : vector<16xi32> to vector<16xf32>
        %mul3A_482 = arith.mulf %bitcast3A_479, %select_n3A : vector<16xf32>
        %mul3A_483 = arith.mulf %bitcast3A_481, %select_n3A_183 : vector<16xf32>
        %get3A_484 = arith.constant 0 : i32
        %get3A_485 = arith.constant 0 : i32
        %get3A_486 = tpu.memref_slice %arg10[%scan3A_208, %get3A_484, %get3A_485] : memref<2x256x64xi32, #tpu.memory_space<vmem>> -> memref<1x256x64xi32, #tpu.memory_space<vmem>>
        %get3A_487 = tpu.memref_squeeze %get3A_486 : memref<1x256x64xi32, #tpu.memory_space<vmem>> -> memref<256x64xi32, #tpu.memory_space<vmem>>
        %get3A_488 = arith.index_cast %add3A_468 : i32 to index
        %get3A_489 = arith.constant 16 : index
        %get3A_490 = tpu.vector_load %get3A_487[%get3A_488, %get3A_489] {strides = array<i32>} : memref<256x64xi32, #tpu.memory_space<vmem>>, vector<16xi32>,
        %shift_left3A_491 = arith.constant 16 : i32
        %shift_left3A_492 = vector.broadcast %shift_left3A_491 : i32 to vector<16xi32>
        %shift_left3A_493 = arith.shli %get3A_490, %shift_left3A_492 : vector<16xi32>
        %bitcast3A_494 = vector.bitcast %shift_left3A_493 : vector<16xi32> to vector<16xf32>
        %and3A_495 = arith.andi %get3A_490, %broadcast_in_dim3A_206 : vector<16xi32>
        %bitcast3A_496 = vector.bitcast %and3A_495 : vector<16xi32> to vector<16xf32>
        %mul3A_497 = arith.mulf %bitcast3A_494, %select_n3A_162 : vector<16xf32>
        %mul3A_498 = arith.mulf %bitcast3A_496, %select_n3A_190 : vector<16xf32>
        %get3A_499 = arith.constant 0 : i32
        %get3A_500 = arith.constant 0 : i32
        %get3A_501 = tpu.memref_slice %arg10[%scan3A_208, %get3A_499, %get3A_500] : memref<2x256x64xi32, #tpu.memory_space<vmem>> -> memref<1x256x64xi32, #tpu.memory_space<vmem>>
        %get3A_502 = tpu.memref_squeeze %get3A_501 : memref<1x256x64xi32, #tpu.memory_space<vmem>> -> memref<256x64xi32, #tpu.memory_space<vmem>>
        %get3A_503 = arith.index_cast %add3A_468 : i32 to index
        %get3A_504 = arith.constant 32 : index
        %get3A_505 = tpu.vector_load %get3A_502[%get3A_503, %get3A_504] {strides = array<i32>} : memref<256x64xi32, #tpu.memory_space<vmem>>, vector<16xi32>,
        %shift_left3A_506 = arith.constant 16 : i32
        %shift_left3A_507 = vector.broadcast %shift_left3A_506 : i32 to vector<16xi32>
        %shift_left3A_508 = arith.shli %get3A_505, %shift_left3A_507 : vector<16xi32>
        %bitcast3A_509 = vector.bitcast %shift_left3A_508 : vector<16xi32> to vector<16xf32>
        %and3A_510 = arith.andi %get3A_505, %broadcast_in_dim3A_206 : vector<16xi32>
        %bitcast3A_511 = vector.bitcast %and3A_510 : vector<16xi32> to vector<16xf32>
        %mul3A_512 = arith.mulf %bitcast3A_509, %select_n3A_169 : vector<16xf32>
        %mul3A_513 = arith.mulf %bitcast3A_511, %select_n3A_197 : vector<16xf32>
        %get3A_514 = arith.constant 0 : i32
        %get3A_515 = arith.constant 0 : i32
        %get3A_516 = tpu.memref_slice %arg10[%scan3A_208, %get3A_514, %get3A_515] : memref<2x256x64xi32, #tpu.memory_space<vmem>> -> memref<1x256x64xi32, #tpu.memory_space<vmem>>
        %get3A_517 = tpu.memref_squeeze %get3A_516 : memref<1x256x64xi32, #tpu.memory_space<vmem>> -> memref<256x64xi32, #tpu.memory_space<vmem>>
        %get3A_518 = arith.index_cast %add3A_468 : i32 to index
        %get3A_519 = arith.constant 48 : index
        %get3A_520 = tpu.vector_load %get3A_517[%get3A_518, %get3A_519] {strides = array<i32>} : memref<256x64xi32, #tpu.memory_space<vmem>>, vector<16xi32>,
        %shift_left3A_521 = arith.constant 16 : i32
        %shift_left3A_522 = vector.broadcast %shift_left3A_521 : i32 to vector<16xi32>
        %shift_left3A_523 = arith.shli %get3A_520, %shift_left3A_522 : vector<16xi32>
        %bitcast3A_524 = vector.bitcast %shift_left3A_523 : vector<16xi32> to vector<16xf32>
        %and3A_525 = arith.andi %get3A_520, %broadcast_in_dim3A_206 : vector<16xi32>
        %bitcast3A_526 = vector.bitcast %and3A_525 : vector<16xi32> to vector<16xf32>
        %mul3A_527 = arith.mulf %bitcast3A_524, %select_n3A_176 : vector<16xf32>
        %mul3A_528 = arith.mulf %bitcast3A_526, %select_n3A_204 : vector<16xf32>
        %add3A_529 = arith.addf %mul3A_482, %mul3A_483 : vector<16xf32>
        %add3A_530 = arith.addf %mul3A_497, %mul3A_498 : vector<16xf32>
        %add3A_531 = arith.addf %mul3A_512, %mul3A_513 : vector<16xf32>
        %add3A_532 = arith.addf %mul3A_527, %mul3A_528 : vector<16xf32>
        %add3A_533 = arith.addf %add3A_529, %add3A_530 : vector<16xf32>
        %add3A_534 = arith.addf %add3A_531, %add3A_532 : vector<16xf32>
        %add3A_535 = arith.addf %add3A_533, %add3A_534 : vector<16xf32>
        %broadcast_in_dim3A_536 = vector.shape_cast %xor3A_13 : vector<16xi32> to vector<16x1xi32>
        %gather3A_537 = vector.shape_cast %broadcast_in_dim3A_536 : vector<16x1xi32> to vector<16xi32>
        %gather3A_538 = tpu.dynamic_gather %add3A_535[%gather3A_537] in [0] : vector<16xf32>, vector<16xi32> -> vector<16xf32>
        %add3A_539 = arith.addf %add3A_535, %gather3A_538 : vector<16xf32>
        %broadcast_in_dim3A_540 = vector.shape_cast %xor3A_16 : vector<16xi32> to vector<16x1xi32>
        %gather3A_541 = vector.shape_cast %broadcast_in_dim3A_540 : vector<16x1xi32> to vector<16xi32>
        %gather3A_542 = tpu.dynamic_gather %add3A_539[%gather3A_541] in [0] : vector<16xf32>, vector<16xi32> -> vector<16xf32>
        %add3A_543 = arith.addf %add3A_539, %gather3A_542 : vector<16xf32>
        %broadcast_in_dim3A_544 = vector.shape_cast %xor3A_19 : vector<16xi32> to vector<16x1xi32>
        %gather3A_545 = vector.shape_cast %broadcast_in_dim3A_544 : vector<16x1xi32> to vector<16xi32>
        %gather3A_546 = tpu.dynamic_gather %add3A_543[%gather3A_545] in [0] : vector<16xf32>, vector<16xi32> -> vector<16xf32>
        %add3A_547 = arith.addf %add3A_543, %gather3A_546 : vector<16xf32>
        %broadcast_in_dim3A_548 = vector.shape_cast %xor3A_22 : vector<16xi32> to vector<16x1xi32>
        %gather3A_549 = vector.shape_cast %broadcast_in_dim3A_548 : vector<16x1xi32> to vector<16xi32>
        %gather3A_550 = tpu.dynamic_gather %add3A_547[%gather3A_549] in [0] : vector<16xf32>, vector<16xi32> -> vector<16xf32>
        %add3A_551 = arith.addf %add3A_547, %gather3A_550 : vector<16xf32>
        %eq3A = arith.constant 1 : i32
        %eq3A_552 = vector.broadcast %eq3A : i32 to vector<16xi32>
        %eq3A_553 = arith.cmpi eq, %iota3A, %eq3A_552 : vector<16xi32>
        %select_n3A_554 = arith.select %eq3A_553, %add3A_551, %add3A_464 : vector<16xi1>, vector<16xf32>
        %mul3A_555 = arith.constant 16 : i32
        %mul3A_556 = arith.muli %scan3A_379, %mul3A_555 : i32
        %add3A_557 = arith.constant 2 : i32
        %add3A_558 = arith.addi %mul3A_556, %add3A_557 : i32
        %get3A_559 = arith.constant 0 : i32
        %get3A_560 = arith.constant 0 : i32
        %get3A_561 = tpu.memref_slice %arg10[%scan3A_208, %get3A_559, %get3A_560] : memref<2x256x64xi32, #tpu.memory_space<vmem>> -> memref<1x256x64xi32, #tpu.memory_space<vmem>>
        %get3A_562 = tpu.memref_squeeze %get3A_561 : memref<1x256x64xi32, #tpu.memory_space<vmem>> -> memref<256x64xi32, #tpu.memory_space<vmem>>
        %get3A_563 = arith.index_cast %add3A_558 : i32 to index
        %get3A_564 = arith.constant 0 : index
        %get3A_565 = tpu.vector_load %get3A_562[%get3A_563, %get3A_564] {strides = array<i32>} : memref<256x64xi32, #tpu.memory_space<vmem>>, vector<16xi32>,
        %shift_left3A_566 = arith.constant 16 : i32
        %shift_left3A_567 = vector.broadcast %shift_left3A_566 : i32 to vector<16xi32>
        %shift_left3A_568 = arith.shli %get3A_565, %shift_left3A_567 : vector<16xi32>
        %bitcast3A_569 = vector.bitcast %shift_left3A_568 : vector<16xi32> to vector<16xf32>
        %and3A_570 = arith.andi %get3A_565, %broadcast_in_dim3A_206 : vector<16xi32>
        %bitcast3A_571 = vector.bitcast %and3A_570 : vector<16xi32> to vector<16xf32>
        %mul3A_572 = arith.mulf %bitcast3A_569, %select_n3A : vector<16xf32>
        %mul3A_573 = arith.mulf %bitcast3A_571, %select_n3A_183 : vector<16xf32>
        %get3A_574 = arith.constant 0 : i32
        %get3A_575 = arith.constant 0 : i32
        %get3A_576 = tpu.memref_slice %arg10[%scan3A_208, %get3A_574, %get3A_575] : memref<2x256x64xi32, #tpu.memory_space<vmem>> -> memref<1x256x64xi32, #tpu.memory_space<vmem>>
        %get3A_577 = tpu.memref_squeeze %get3A_576 : memref<1x256x64xi32, #tpu.memory_space<vmem>> -> memref<256x64xi32, #tpu.memory_space<vmem>>
        %get3A_578 = arith.index_cast %add3A_558 : i32 to index
        %get3A_579 = arith.constant 16 : index
        %get3A_580 = tpu.vector_load %get3A_577[%get3A_578, %get3A_579] {strides = array<i32>} : memref<256x64xi32, #tpu.memory_space<vmem>>, vector<16xi32>,
        %shift_left3A_581 = arith.constant 16 : i32
        %shift_left3A_582 = vector.broadcast %shift_left3A_581 : i32 to vector<16xi32>
        %shift_left3A_583 = arith.shli %get3A_580, %shift_left3A_582 : vector<16xi32>
        %bitcast3A_584 = vector.bitcast %shift_left3A_583 : vector<16xi32> to vector<16xf32>
        %and3A_585 = arith.andi %get3A_580, %broadcast_in_dim3A_206 : vector<16xi32>
        %bitcast3A_586 = vector.bitcast %and3A_585 : vector<16xi32> to vector<16xf32>
        %mul3A_587 = arith.mulf %bitcast3A_584, %select_n3A_162 : vector<16xf32>
        %mul3A_588 = arith.mulf %bitcast3A_586, %select_n3A_190 : vector<16xf32>
        %get3A_589 = arith.constant 0 : i32
        %get3A_590 = arith.constant 0 : i32
        %get3A_591 = tpu.memref_slice %arg10[%scan3A_208, %get3A_589, %get3A_590] : memref<2x256x64xi32, #tpu.memory_space<vmem>> -> memref<1x256x64xi32, #tpu.memory_space<vmem>>
        %get3A_592 = tpu.memref_squeeze %get3A_591 : memref<1x256x64xi32, #tpu.memory_space<vmem>> -> memref<256x64xi32, #tpu.memory_space<vmem>>
        %get3A_593 = arith.index_cast %add3A_558 : i32 to index
        %get3A_594 = arith.constant 32 : index
        %get3A_595 = tpu.vector_load %get3A_592[%get3A_593, %get3A_594] {strides = array<i32>} : memref<256x64xi32, #tpu.memory_space<vmem>>, vector<16xi32>,
        %shift_left3A_596 = arith.constant 16 : i32
        %shift_left3A_597 = vector.broadcast %shift_left3A_596 : i32 to vector<16xi32>
        %shift_left3A_598 = arith.shli %get3A_595, %shift_left3A_597 : vector<16xi32>
        %bitcast3A_599 = vector.bitcast %shift_left3A_598 : vector<16xi32> to vector<16xf32>
        %and3A_600 = arith.andi %get3A_595, %broadcast_in_dim3A_206 : vector<16xi32>
        %bitcast3A_601 = vector.bitcast %and3A_600 : vector<16xi32> to vector<16xf32>
        %mul3A_602 = arith.mulf %bitcast3A_599, %select_n3A_169 : vector<16xf32>
        %mul3A_603 = arith.mulf %bitcast3A_601, %select_n3A_197 : vector<16xf32>
        %get3A_604 = arith.constant 0 : i32
        %get3A_605 = arith.constant 0 : i32
        %get3A_606 = tpu.memref_slice %arg10[%scan3A_208, %get3A_604, %get3A_605] : memref<2x256x64xi32, #tpu.memory_space<vmem>> -> memref<1x256x64xi32, #tpu.memory_space<vmem>>
        %get3A_607 = tpu.memref_squeeze %get3A_606 : memref<1x256x64xi32, #tpu.memory_space<vmem>> -> memref<256x64xi32, #tpu.memory_space<vmem>>
        %get3A_608 = arith.index_cast %add3A_558 : i32 to index
        %get3A_609 = arith.constant 48 : index
        %get3A_610 = tpu.vector_load %get3A_607[%get3A_608, %get3A_609] {strides = array<i32>} : memref<256x64xi32, #tpu.memory_space<vmem>>, vector<16xi32>,
        %shift_left3A_611 = arith.constant 16 : i32
        %shift_left3A_612 = vector.broadcast %shift_left3A_611 : i32 to vector<16xi32>
        %shift_left3A_613 = arith.shli %get3A_610, %shift_left3A_612 : vector<16xi32>
        %bitcast3A_614 = vector.bitcast %shift_left3A_613 : vector<16xi32> to vector<16xf32>
        %and3A_615 = arith.andi %get3A_610, %broadcast_in_dim3A_206 : vector<16xi32>
        %bitcast3A_616 = vector.bitcast %and3A_615 : vector<16xi32> to vector<16xf32>
        %mul3A_617 = arith.mulf %bitcast3A_614, %select_n3A_176 : vector<16xf32>
        %mul3A_618 = arith.mulf %bitcast3A_616, %select_n3A_204 : vector<16xf32>
        %add3A_619 = arith.addf %mul3A_572, %mul3A_573 : vector<16xf32>
        %add3A_620 = arith.addf %mul3A_587, %mul3A_588 : vector<16xf32>
        %add3A_621 = arith.addf %mul3A_602, %mul3A_603 : vector<16xf32>
        %add3A_622 = arith.addf %mul3A_617, %mul3A_618 : vector<16xf32>
        %add3A_623 = arith.addf %add3A_619, %add3A_620 : vector<16xf32>
        %add3A_624 = arith.addf %add3A_621, %add3A_622 : vector<16xf32>
        %add3A_625 = arith.addf %add3A_623, %add3A_624 : vector<16xf32>
        %broadcast_in_dim3A_626 = vector.shape_cast %xor3A_13 : vector<16xi32> to vector<16x1xi32>
        %gather3A_627 = vector.shape_cast %broadcast_in_dim3A_626 : vector<16x1xi32> to vector<16xi32>
        %gather3A_628 = tpu.dynamic_gather %add3A_625[%gather3A_627] in [0] : vector<16xf32>, vector<16xi32> -> vector<16xf32>
        %add3A_629 = arith.addf %add3A_625, %gather3A_628 : vector<16xf32>
        %broadcast_in_dim3A_630 = vector.shape_cast %xor3A_16 : vector<16xi32> to vector<16x1xi32>
        %gather3A_631 = vector.shape_cast %broadcast_in_dim3A_630 : vector<16x1xi32> to vector<16xi32>
        %gather3A_632 = tpu.dynamic_gather %add3A_629[%gather3A_631] in [0] : vector<16xf32>, vector<16xi32> -> vector<16xf32>
        %add3A_633 = arith.addf %add3A_629, %gather3A_632 : vector<16xf32>
        %broadcast_in_dim3A_634 = vector.shape_cast %xor3A_19 : vector<16xi32> to vector<16x1xi32>
        %gather3A_635 = vector.shape_cast %broadcast_in_dim3A_634 : vector<16x1xi32> to vector<16xi32>
        %gather3A_636 = tpu.dynamic_gather %add3A_633[%gather3A_635] in [0] : vector<16xf32>, vector<16xi32> -> vector<16xf32>
        %add3A_637 = arith.addf %add3A_633, %gather3A_636 : vector<16xf32>
        %broadcast_in_dim3A_638 = vector.shape_cast %xor3A_22 : vector<16xi32> to vector<16x1xi32>
        %gather3A_639 = vector.shape_cast %broadcast_in_dim3A_638 : vector<16x1xi32> to vector<16xi32>
        %gather3A_640 = tpu.dynamic_gather %add3A_637[%gather3A_639] in [0] : vector<16xf32>, vector<16xi32> -> vector<16xf32>
        %add3A_641 = arith.addf %add3A_637, %gather3A_640 : vector<16xf32>
        %eq3A_642 = arith.constant 2 : i32
        %eq3A_643 = vector.broadcast %eq3A_642 : i32 to vector<16xi32>
        %eq3A_644 = arith.cmpi eq, %iota3A, %eq3A_643 : vector<16xi32>
        %select_n3A_645 = arith.select %eq3A_644, %add3A_641, %select_n3A_554 : vector<16xi1>, vector<16xf32>
        %mul3A_646 = arith.constant 16 : i32
        %mul3A_647 = arith.muli %scan3A_379, %mul3A_646 : i32
        %add3A_648 = arith.constant 3 : i32
        %add3A_649 = arith.addi %mul3A_647, %add3A_648 : i32
        %get3A_650 = arith.constant 0 : i32
        %get3A_651 = arith.constant 0 : i32
        %get3A_652 = tpu.memref_slice %arg10[%scan3A_208, %get3A_650, %get3A_651] : memref<2x256x64xi32, #tpu.memory_space<vmem>> -> memref<1x256x64xi32, #tpu.memory_space<vmem>>
        %get3A_653 = tpu.memref_squeeze %get3A_652 : memref<1x256x64xi32, #tpu.memory_space<vmem>> -> memref<256x64xi32, #tpu.memory_space<vmem>>
        %get3A_654 = arith.index_cast %add3A_649 : i32 to index
        %get3A_655 = arith.constant 0 : index
        %get3A_656 = tpu.vector_load %get3A_653[%get3A_654, %get3A_655] {strides = array<i32>} : memref<256x64xi32, #tpu.memory_space<vmem>>, vector<16xi32>,
        %shift_left3A_657 = arith.constant 16 : i32
        %shift_left3A_658 = vector.broadcast %shift_left3A_657 : i32 to vector<16xi32>
        %shift_left3A_659 = arith.shli %get3A_656, %shift_left3A_658 : vector<16xi32>
        %bitcast3A_660 = vector.bitcast %shift_left3A_659 : vector<16xi32> to vector<16xf32>
        %and3A_661 = arith.andi %get3A_656, %broadcast_in_dim3A_206 : vector<16xi32>
        %bitcast3A_662 = vector.bitcast %and3A_661 : vector<16xi32> to vector<16xf32>
        %mul3A_663 = arith.mulf %bitcast3A_660, %select_n3A : vector<16xf32>
        %mul3A_664 = arith.mulf %bitcast3A_662, %select_n3A_183 : vector<16xf32>
        %get3A_665 = arith.constant 0 : i32
        %get3A_666 = arith.constant 0 : i32
        %get3A_667 = tpu.memref_slice %arg10[%scan3A_208, %get3A_665, %get3A_666] : memref<2x256x64xi32, #tpu.memory_space<vmem>> -> memref<1x256x64xi32, #tpu.memory_space<vmem>>
        %get3A_668 = tpu.memref_squeeze %get3A_667 : memref<1x256x64xi32, #tpu.memory_space<vmem>> -> memref<256x64xi32, #tpu.memory_space<vmem>>
        %get3A_669 = arith.index_cast %add3A_649 : i32 to index
        %get3A_670 = arith.constant 16 : index
        %get3A_671 = tpu.vector_load %get3A_668[%get3A_669, %get3A_670] {strides = array<i32>} : memref<256x64xi32, #tpu.memory_space<vmem>>, vector<16xi32>,
        %shift_left3A_672 = arith.constant 16 : i32
        %shift_left3A_673 = vector.broadcast %shift_left3A_672 : i32 to vector<16xi32>
        %shift_left3A_674 = arith.shli %get3A_671, %shift_left3A_673 : vector<16xi32>
        %bitcast3A_675 = vector.bitcast %shift_left3A_674 : vector<16xi32> to vector<16xf32>
        %and3A_676 = arith.andi %get3A_671, %broadcast_in_dim3A_206 : vector<16xi32>
        %bitcast3A_677 = vector.bitcast %and3A_676 : vector<16xi32> to vector<16xf32>
        %mul3A_678 = arith.mulf %bitcast3A_675, %select_n3A_162 : vector<16xf32>
        %mul3A_679 = arith.mulf %bitcast3A_677, %select_n3A_190 : vector<16xf32>
        %get3A_680 = arith.constant 0 : i32
        %get3A_681 = arith.constant 0 : i32
        %get3A_682 = tpu.memref_slice %arg10[%scan3A_208, %get3A_680, %get3A_681] : memref<2x256x64xi32, #tpu.memory_space<vmem>> -> memref<1x256x64xi32, #tpu.memory_space<vmem>>
        %get3A_683 = tpu.memref_squeeze %get3A_682 : memref<1x256x64xi32, #tpu.memory_space<vmem>> -> memref<256x64xi32, #tpu.memory_space<vmem>>
        %get3A_684 = arith.index_cast %add3A_649 : i32 to index
        %get3A_685 = arith.constant 32 : index
        %get3A_686 = tpu.vector_load %get3A_683[%get3A_684, %get3A_685] {strides = array<i32>} : memref<256x64xi32, #tpu.memory_space<vmem>>, vector<16xi32>,
        %shift_left3A_687 = arith.constant 16 : i32
        %shift_left3A_688 = vector.broadcast %shift_left3A_687 : i32 to vector<16xi32>
        %shift_left3A_689 = arith.shli %get3A_686, %shift_left3A_688 : vector<16xi32>
        %bitcast3A_690 = vector.bitcast %shift_left3A_689 : vector<16xi32> to vector<16xf32>
        %and3A_691 = arith.andi %get3A_686, %broadcast_in_dim3A_206 : vector<16xi32>
        %bitcast3A_692 = vector.bitcast %and3A_691 : vector<16xi32> to vector<16xf32>
        %mul3A_693 = arith.mulf %bitcast3A_690, %select_n3A_169 : vector<16xf32>
        %mul3A_694 = arith.mulf %bitcast3A_692, %select_n3A_197 : vector<16xf32>
        %get3A_695 = arith.constant 0 : i32
        %get3A_696 = arith.constant 0 : i32
        %get3A_697 = tpu.memref_slice %arg10[%scan3A_208, %get3A_695, %get3A_696] : memref<2x256x64xi32, #tpu.memory_space<vmem>> -> memref<1x256x64xi32, #tpu.memory_space<vmem>>
        %get3A_698 = tpu.memref_squeeze %get3A_697 : memref<1x256x64xi32, #tpu.memory_space<vmem>> -> memref<256x64xi32, #tpu.memory_space<vmem>>
        %get3A_699 = arith.index_cast %add3A_649 : i32 to index
        %get3A_700 = arith.constant 48 : index
        %get3A_701 = tpu.vector_load %get3A_698[%get3A_699, %get3A_700] {strides = array<i32>} : memref<256x64xi32, #tpu.memory_space<vmem>>, vector<16xi32>,
        %shift_left3A_702 = arith.constant 16 : i32
        %shift_left3A_703 = vector.broadcast %shift_left3A_702 : i32 to vector<16xi32>
        %shift_left3A_704 = arith.shli %get3A_701, %shift_left3A_703 : vector<16xi32>
        %bitcast3A_705 = vector.bitcast %shift_left3A_704 : vector<16xi32> to vector<16xf32>
        %and3A_706 = arith.andi %get3A_701, %broadcast_in_dim3A_206 : vector<16xi32>
        %bitcast3A_707 = vector.bitcast %and3A_706 : vector<16xi32> to vector<16xf32>
        %mul3A_708 = arith.mulf %bitcast3A_705, %select_n3A_176 : vector<16xf32>
        %mul3A_709 = arith.mulf %bitcast3A_707, %select_n3A_204 : vector<16xf32>
        %add3A_710 = arith.addf %mul3A_663, %mul3A_664 : vector<16xf32>
        %add3A_711 = arith.addf %mul3A_678, %mul3A_679 : vector<16xf32>
        %add3A_712 = arith.addf %mul3A_693, %mul3A_694 : vector<16xf32>
        %add3A_713 = arith.addf %mul3A_708, %mul3A_709 : vector<16xf32>
        %add3A_714 = arith.addf %add3A_710, %add3A_711 : vector<16xf32>
        %add3A_715 = arith.addf %add3A_712, %add3A_713 : vector<16xf32>
        %add3A_716 = arith.addf %add3A_714, %add3A_715 : vector<16xf32>
        %broadcast_in_dim3A_717 = vector.shape_cast %xor3A_13 : vector<16xi32> to vector<16x1xi32>
        %gather3A_718 = vector.shape_cast %broadcast_in_dim3A_717 : vector<16x1xi32> to vector<16xi32>
        %gather3A_719 = tpu.dynamic_gather %add3A_716[%gather3A_718] in [0] : vector<16xf32>, vector<16xi32> -> vector<16xf32>
        %add3A_720 = arith.addf %add3A_716, %gather3A_719 : vector<16xf32>
        %broadcast_in_dim3A_721 = vector.shape_cast %xor3A_16 : vector<16xi32> to vector<16x1xi32>
        %gather3A_722 = vector.shape_cast %broadcast_in_dim3A_721 : vector<16x1xi32> to vector<16xi32>
        %gather3A_723 = tpu.dynamic_gather %add3A_720[%gather3A_722] in [0] : vector<16xf32>, vector<16xi32> -> vector<16xf32>
        %add3A_724 = arith.addf %add3A_720, %gather3A_723 : vector<16xf32>
        %broadcast_in_dim3A_725 = vector.shape_cast %xor3A_19 : vector<16xi32> to vector<16x1xi32>
        %gather3A_726 = vector.shape_cast %broadcast_in_dim3A_725 : vector<16x1xi32> to vector<16xi32>
        %gather3A_727 = tpu.dynamic_gather %add3A_724[%gather3A_726] in [0] : vector<16xf32>, vector<16xi32> -> vector<16xf32>
        %add3A_728 = arith.addf %add3A_724, %gather3A_727 : vector<16xf32>
        %broadcast_in_dim3A_729 = vector.shape_cast %xor3A_22 : vector<16xi32> to vector<16x1xi32>
        %gather3A_730 = vector.shape_cast %broadcast_in_dim3A_729 : vector<16x1xi32> to vector<16xi32>
        %gather3A_731 = tpu.dynamic_gather %add3A_728[%gather3A_730] in [0] : vector<16xf32>, vector<16xi32> -> vector<16xf32>
        %add3A_732 = arith.addf %add3A_728, %gather3A_731 : vector<16xf32>
        %eq3A_733 = arith.constant 3 : i32
        %eq3A_734 = vector.broadcast %eq3A_733 : i32 to vector<16xi32>
        %eq3A_735 = arith.cmpi eq, %iota3A, %eq3A_734 : vector<16xi32>
        %select_n3A_736 = arith.select %eq3A_735, %add3A_732, %select_n3A_645 : vector<16xi1>, vector<16xf32>
        %mul3A_737 = arith.constant 16 : i32
        %mul3A_738 = arith.muli %scan3A_379, %mul3A_737 : i32
        %add3A_739 = arith.constant 4 : i32
        %add3A_740 = arith.addi %mul3A_738, %add3A_739 : i32
        %get3A_741 = arith.constant 0 : i32
        %get3A_742 = arith.constant 0 : i32
        %get3A_743 = tpu.memref_slice %arg10[%scan3A_208, %get3A_741, %get3A_742] : memref<2x256x64xi32, #tpu.memory_space<vmem>> -> memref<1x256x64xi32, #tpu.memory_space<vmem>>
        %get3A_744 = tpu.memref_squeeze %get3A_743 : memref<1x256x64xi32, #tpu.memory_space<vmem>> -> memref<256x64xi32, #tpu.memory_space<vmem>>
        %get3A_745 = arith.index_cast %add3A_740 : i32 to index
        %get3A_746 = arith.constant 0 : index
        %get3A_747 = tpu.vector_load %get3A_744[%get3A_745, %get3A_746] {strides = array<i32>} : memref<256x64xi32, #tpu.memory_space<vmem>>, vector<16xi32>,
        %shift_left3A_748 = arith.constant 16 : i32
        %shift_left3A_749 = vector.broadcast %shift_left3A_748 : i32 to vector<16xi32>
        %shift_left3A_750 = arith.shli %get3A_747, %shift_left3A_749 : vector<16xi32>
        %bitcast3A_751 = vector.bitcast %shift_left3A_750 : vector<16xi32> to vector<16xf32>
        %and3A_752 = arith.andi %get3A_747, %broadcast_in_dim3A_206 : vector<16xi32>
        %bitcast3A_753 = vector.bitcast %and3A_752 : vector<16xi32> to vector<16xf32>
        %mul3A_754 = arith.mulf %bitcast3A_751, %select_n3A : vector<16xf32>
        %mul3A_755 = arith.mulf %bitcast3A_753, %select_n3A_183 : vector<16xf32>
        %get3A_756 = arith.constant 0 : i32
        %get3A_757 = arith.constant 0 : i32
        %get3A_758 = tpu.memref_slice %arg10[%scan3A_208, %get3A_756, %get3A_757] : memref<2x256x64xi32, #tpu.memory_space<vmem>> -> memref<1x256x64xi32, #tpu.memory_space<vmem>>
        %get3A_759 = tpu.memref_squeeze %get3A_758 : memref<1x256x64xi32, #tpu.memory_space<vmem>> -> memref<256x64xi32, #tpu.memory_space<vmem>>
        %get3A_760 = arith.index_cast %add3A_740 : i32 to index
        %get3A_761 = arith.constant 16 : index
        %get3A_762 = tpu.vector_load %get3A_759[%get3A_760, %get3A_761] {strides = array<i32>} : memref<256x64xi32, #tpu.memory_space<vmem>>, vector<16xi32>,
        %shift_left3A_763 = arith.constant 16 : i32
        %shift_left3A_764 = vector.broadcast %shift_left3A_763 : i32 to vector<16xi32>
        %shift_left3A_765 = arith.shli %get3A_762, %shift_left3A_764 : vector<16xi32>
        %bitcast3A_766 = vector.bitcast %shift_left3A_765 : vector<16xi32> to vector<16xf32>
        %and3A_767 = arith.andi %get3A_762, %broadcast_in_dim3A_206 : vector<16xi32>
        %bitcast3A_768 = vector.bitcast %and3A_767 : vector<16xi32> to vector<16xf32>
        %mul3A_769 = arith.mulf %bitcast3A_766, %select_n3A_162 : vector<16xf32>
        %mul3A_770 = arith.mulf %bitcast3A_768, %select_n3A_190 : vector<16xf32>
        %get3A_771 = arith.constant 0 : i32
        %get3A_772 = arith.constant 0 : i32
        %get3A_773 = tpu.memref_slice %arg10[%scan3A_208, %get3A_771, %get3A_772] : memref<2x256x64xi32, #tpu.memory_space<vmem>> -> memref<1x256x64xi32, #tpu.memory_space<vmem>>
        %get3A_774 = tpu.memref_squeeze %get3A_773 : memref<1x256x64xi32, #tpu.memory_space<vmem>> -> memref<256x64xi32, #tpu.memory_space<vmem>>
        %get3A_775 = arith.index_cast %add3A_740 : i32 to index
        %get3A_776 = arith.constant 32 : index
        %get3A_777 = tpu.vector_load %get3A_774[%get3A_775, %get3A_776] {strides = array<i32>} : memref<256x64xi32, #tpu.memory_space<vmem>>, vector<16xi32>,
        %shift_left3A_778 = arith.constant 16 : i32
        %shift_left3A_779 = vector.broadcast %shift_left3A_778 : i32 to vector<16xi32>
        %shift_left3A_780 = arith.shli %get3A_777, %shift_left3A_779 : vector<16xi32>
        %bitcast3A_781 = vector.bitcast %shift_left3A_780 : vector<16xi32> to vector<16xf32>
        %and3A_782 = arith.andi %get3A_777, %broadcast_in_dim3A_206 : vector<16xi32>
        %bitcast3A_783 = vector.bitcast %and3A_782 : vector<16xi32> to vector<16xf32>
        %mul3A_784 = arith.mulf %bitcast3A_781, %select_n3A_169 : vector<16xf32>
        %mul3A_785 = arith.mulf %bitcast3A_783, %select_n3A_197 : vector<16xf32>
        %get3A_786 = arith.constant 0 : i32
        %get3A_787 = arith.constant 0 : i32
        %get3A_788 = tpu.memref_slice %arg10[%scan3A_208, %get3A_786, %get3A_787] : memref<2x256x64xi32, #tpu.memory_space<vmem>> -> memref<1x256x64xi32, #tpu.memory_space<vmem>>
        %get3A_789 = tpu.memref_squeeze %get3A_788 : memref<1x256x64xi32, #tpu.memory_space<vmem>> -> memref<256x64xi32, #tpu.memory_space<vmem>>
        %get3A_790 = arith.index_cast %add3A_740 : i32 to index
        %get3A_791 = arith.constant 48 : index
        %get3A_792 = tpu.vector_load %get3A_789[%get3A_790, %get3A_791] {strides = array<i32>} : memref<256x64xi32, #tpu.memory_space<vmem>>, vector<16xi32>,
        %shift_left3A_793 = arith.constant 16 : i32
        %shift_left3A_794 = vector.broadcast %shift_left3A_793 : i32 to vector<16xi32>
        %shift_left3A_795 = arith.shli %get3A_792, %shift_left3A_794 : vector<16xi32>
        %bitcast3A_796 = vector.bitcast %shift_left3A_795 : vector<16xi32> to vector<16xf32>
        %and3A_797 = arith.andi %get3A_792, %broadcast_in_dim3A_206 : vector<16xi32>
        %bitcast3A_798 = vector.bitcast %and3A_797 : vector<16xi32> to vector<16xf32>
        %mul3A_799 = arith.mulf %bitcast3A_796, %select_n3A_176 : vector<16xf32>
        %mul3A_800 = arith.mulf %bitcast3A_798, %select_n3A_204 : vector<16xf32>
        %add3A_801 = arith.addf %mul3A_754, %mul3A_755 : vector<16xf32>
        %add3A_802 = arith.addf %mul3A_769, %mul3A_770 : vector<16xf32>
        %add3A_803 = arith.addf %mul3A_784, %mul3A_785 : vector<16xf32>
        %add3A_804 = arith.addf %mul3A_799, %mul3A_800 : vector<16xf32>
        %add3A_805 = arith.addf %add3A_801, %add3A_802 : vector<16xf32>
        %add3A_806 = arith.addf %add3A_803, %add3A_804 : vector<16xf32>
        %add3A_807 = arith.addf %add3A_805, %add3A_806 : vector<16xf32>
        %broadcast_in_dim3A_808 = vector.shape_cast %xor3A_13 : vector<16xi32> to vector<16x1xi32>
        %gather3A_809 = vector.shape_cast %broadcast_in_dim3A_808 : vector<16x1xi32> to vector<16xi32>
        %gather3A_810 = tpu.dynamic_gather %add3A_807[%gather3A_809] in [0] : vector<16xf32>, vector<16xi32> -> vector<16xf32>
        %add3A_811 = arith.addf %add3A_807, %gather3A_810 : vector<16xf32>
        %broadcast_in_dim3A_812 = vector.shape_cast %xor3A_16 : vector<16xi32> to vector<16x1xi32>
        %gather3A_813 = vector.shape_cast %broadcast_in_dim3A_812 : vector<16x1xi32> to vector<16xi32>
        %gather3A_814 = tpu.dynamic_gather %add3A_811[%gather3A_813] in [0] : vector<16xf32>, vector<16xi32> -> vector<16xf32>
        %add3A_815 = arith.addf %add3A_811, %gather3A_814 : vector<16xf32>
        %broadcast_in_dim3A_816 = vector.shape_cast %xor3A_19 : vector<16xi32> to vector<16x1xi32>
        %gather3A_817 = vector.shape_cast %broadcast_in_dim3A_816 : vector<16x1xi32> to vector<16xi32>
        %gather3A_818 = tpu.dynamic_gather %add3A_815[%gather3A_817] in [0] : vector<16xf32>, vector<16xi32> -> vector<16xf32>
        %add3A_819 = arith.addf %add3A_815, %gather3A_818 : vector<16xf32>
        %broadcast_in_dim3A_820 = vector.shape_cast %xor3A_22 : vector<16xi32> to vector<16x1xi32>
        %gather3A_821 = vector.shape_cast %broadcast_in_dim3A_820 : vector<16x1xi32> to vector<16xi32>
        %gather3A_822 = tpu.dynamic_gather %add3A_819[%gather3A_821] in [0] : vector<16xf32>, vector<16xi32> -> vector<16xf32>
        %add3A_823 = arith.addf %add3A_819, %gather3A_822 : vector<16xf32>
        %eq3A_824 = arith.constant 4 : i32
        %eq3A_825 = vector.broadcast %eq3A_824 : i32 to vector<16xi32>
        %eq3A_826 = arith.cmpi eq, %iota3A, %eq3A_825 : vector<16xi32>
        %select_n3A_827 = arith.select %eq3A_826, %add3A_823, %select_n3A_736 : vector<16xi1>, vector<16xf32>
        %mul3A_828 = arith.constant 16 : i32
        %mul3A_829 = arith.muli %scan3A_379, %mul3A_828 : i32
        %add3A_830 = arith.constant 5 : i32
        %add3A_831 = arith.addi %mul3A_829, %add3A_830 : i32
        %get3A_832 = arith.constant 0 : i32
        %get3A_833 = arith.constant 0 : i32
        %get3A_834 = tpu.memref_slice %arg10[%scan3A_208, %get3A_832, %get3A_833] : memref<2x256x64xi32, #tpu.memory_space<vmem>> -> memref<1x256x64xi32, #tpu.memory_space<vmem>>
        %get3A_835 = tpu.memref_squeeze %get3A_834 : memref<1x256x64xi32, #tpu.memory_space<vmem>> -> memref<256x64xi32, #tpu.memory_space<vmem>>
        %get3A_836 = arith.index_cast %add3A_831 : i32 to index
        %get3A_837 = arith.constant 0 : index
        %get3A_838 = tpu.vector_load %get3A_835[%get3A_836, %get3A_837] {strides = array<i32>} : memref<256x64xi32, #tpu.memory_space<vmem>>, vector<16xi32>,
        %shift_left3A_839 = arith.constant 16 : i32
        %shift_left3A_840 = vector.broadcast %shift_left3A_839 : i32 to vector<16xi32>
        %shift_left3A_841 = arith.shli %get3A_838, %shift_left3A_840 : vector<16xi32>
        %bitcast3A_842 = vector.bitcast %shift_left3A_841 : vector<16xi32> to vector<16xf32>
        %and3A_843 = arith.andi %get3A_838, %broadcast_in_dim3A_206 : vector<16xi32>
        %bitcast3A_844 = vector.bitcast %and3A_843 : vector<16xi32> to vector<16xf32>
        %mul3A_845 = arith.mulf %bitcast3A_842, %select_n3A : vector<16xf32>
        %mul3A_846 = arith.mulf %bitcast3A_844, %select_n3A_183 : vector<16xf32>
        %get3A_847 = arith.constant 0 : i32
        %get3A_848 = arith.constant 0 : i32
        %get3A_849 = tpu.memref_slice %arg10[%scan3A_208, %get3A_847, %get3A_848] : memref<2x256x64xi32, #tpu.memory_space<vmem>> -> memref<1x256x64xi32, #tpu.memory_space<vmem>>
        %get3A_850 = tpu.memref_squeeze %get3A_849 : memref<1x256x64xi32, #tpu.memory_space<vmem>> -> memref<256x64xi32, #tpu.memory_space<vmem>>
        %get3A_851 = arith.index_cast %add3A_831 : i32 to index
        %get3A_852 = arith.constant 16 : index
        %get3A_853 = tpu.vector_load %get3A_850[%get3A_851, %get3A_852] {strides = array<i32>} : memref<256x64xi32, #tpu.memory_space<vmem>>, vector<16xi32>,
        %shift_left3A_854 = arith.constant 16 : i32
        %shift_left3A_855 = vector.broadcast %shift_left3A_854 : i32 to vector<16xi32>
        %shift_left3A_856 = arith.shli %get3A_853, %shift_left3A_855 : vector<16xi32>
        %bitcast3A_857 = vector.bitcast %shift_left3A_856 : vector<16xi32> to vector<16xf32>
        %and3A_858 = arith.andi %get3A_853, %broadcast_in_dim3A_206 : vector<16xi32>
        %bitcast3A_859 = vector.bitcast %and3A_858 : vector<16xi32> to vector<16xf32>
        %mul3A_860 = arith.mulf %bitcast3A_857, %select_n3A_162 : vector<16xf32>
        %mul3A_861 = arith.mulf %bitcast3A_859, %select_n3A_190 : vector<16xf32>
        %get3A_862 = arith.constant 0 : i32
        %get3A_863 = arith.constant 0 : i32
        %get3A_864 = tpu.memref_slice %arg10[%scan3A_208, %get3A_862, %get3A_863] : memref<2x256x64xi32, #tpu.memory_space<vmem>> -> memref<1x256x64xi32, #tpu.memory_space<vmem>>
        %get3A_865 = tpu.memref_squeeze %get3A_864 : memref<1x256x64xi32, #tpu.memory_space<vmem>> -> memref<256x64xi32, #tpu.memory_space<vmem>>
        %get3A_866 = arith.index_cast %add3A_831 : i32 to index
        %get3A_867 = arith.constant 32 : index
        %get3A_868 = tpu.vector_load %get3A_865[%get3A_866, %get3A_867] {strides = array<i32>} : memref<256x64xi32, #tpu.memory_space<vmem>>, vector<16xi32>,
        %shift_left3A_869 = arith.constant 16 : i32
        %shift_left3A_870 = vector.broadcast %shift_left3A_869 : i32 to vector<16xi32>
        %shift_left3A_871 = arith.shli %get3A_868, %shift_left3A_870 : vector<16xi32>
        %bitcast3A_872 = vector.bitcast %shift_left3A_871 : vector<16xi32> to vector<16xf32>
        %and3A_873 = arith.andi %get3A_868, %broadcast_in_dim3A_206 : vector<16xi32>
        %bitcast3A_874 = vector.bitcast %and3A_873 : vector<16xi32> to vector<16xf32>
        %mul3A_875 = arith.mulf %bitcast3A_872, %select_n3A_169 : vector<16xf32>
        %mul3A_876 = arith.mulf %bitcast3A_874, %select_n3A_197 : vector<16xf32>
        %get3A_877 = arith.constant 0 : i32
        %get3A_878 = arith.constant 0 : i32
        %get3A_879 = tpu.memref_slice %arg10[%scan3A_208, %get3A_877, %get3A_878] : memref<2x256x64xi32, #tpu.memory_space<vmem>> -> memref<1x256x64xi32, #tpu.memory_space<vmem>>
        %get3A_880 = tpu.memref_squeeze %get3A_879 : memref<1x256x64xi32, #tpu.memory_space<vmem>> -> memref<256x64xi32, #tpu.memory_space<vmem>>
        %get3A_881 = arith.index_cast %add3A_831 : i32 to index
        %get3A_882 = arith.constant 48 : index
        %get3A_883 = tpu.vector_load %get3A_880[%get3A_881, %get3A_882] {strides = array<i32>} : memref<256x64xi32, #tpu.memory_space<vmem>>, vector<16xi32>,
        %shift_left3A_884 = arith.constant 16 : i32
        %shift_left3A_885 = vector.broadcast %shift_left3A_884 : i32 to vector<16xi32>
        %shift_left3A_886 = arith.shli %get3A_883, %shift_left3A_885 : vector<16xi32>
        %bitcast3A_887 = vector.bitcast %shift_left3A_886 : vector<16xi32> to vector<16xf32>
        %and3A_888 = arith.andi %get3A_883, %broadcast_in_dim3A_206 : vector<16xi32>
        %bitcast3A_889 = vector.bitcast %and3A_888 : vector<16xi32> to vector<16xf32>
        %mul3A_890 = arith.mulf %bitcast3A_887, %select_n3A_176 : vector<16xf32>
        %mul3A_891 = arith.mulf %bitcast3A_889, %select_n3A_204 : vector<16xf32>
        %add3A_892 = arith.addf %mul3A_845, %mul3A_846 : vector<16xf32>
        %add3A_893 = arith.addf %mul3A_860, %mul3A_861 : vector<16xf32>
        %add3A_894 = arith.addf %mul3A_875, %mul3A_876 : vector<16xf32>
        %add3A_895 = arith.addf %mul3A_890, %mul3A_891 : vector<16xf32>
        %add3A_896 = arith.addf %add3A_892, %add3A_893 : vector<16xf32>
        %add3A_897 = arith.addf %add3A_894, %add3A_895 : vector<16xf32>
        %add3A_898 = arith.addf %add3A_896, %add3A_897 : vector<16xf32>
        %broadcast_in_dim3A_899 = vector.shape_cast %xor3A_13 : vector<16xi32> to vector<16x1xi32>
        %gather3A_900 = vector.shape_cast %broadcast_in_dim3A_899 : vector<16x1xi32> to vector<16xi32>
        %gather3A_901 = tpu.dynamic_gather %add3A_898[%gather3A_900] in [0] : vector<16xf32>, vector<16xi32> -> vector<16xf32>
        %add3A_902 = arith.addf %add3A_898, %gather3A_901 : vector<16xf32>
        %broadcast_in_dim3A_903 = vector.shape_cast %xor3A_16 : vector<16xi32> to vector<16x1xi32>
        %gather3A_904 = vector.shape_cast %broadcast_in_dim3A_903 : vector<16x1xi32> to vector<16xi32>
        %gather3A_905 = tpu.dynamic_gather %add3A_902[%gather3A_904] in [0] : vector<16xf32>, vector<16xi32> -> vector<16xf32>
        %add3A_906 = arith.addf %add3A_902, %gather3A_905 : vector<16xf32>
        %broadcast_in_dim3A_907 = vector.shape_cast %xor3A_19 : vector<16xi32> to vector<16x1xi32>
        %gather3A_908 = vector.shape_cast %broadcast_in_dim3A_907 : vector<16x1xi32> to vector<16xi32>
        %gather3A_909 = tpu.dynamic_gather %add3A_906[%gather3A_908] in [0] : vector<16xf32>, vector<16xi32> -> vector<16xf32>
        %add3A_910 = arith.addf %add3A_906, %gather3A_909 : vector<16xf32>
        %broadcast_in_dim3A_911 = vector.shape_cast %xor3A_22 : vector<16xi32> to vector<16x1xi32>
        %gather3A_912 = vector.shape_cast %broadcast_in_dim3A_911 : vector<16x1xi32> to vector<16xi32>
        %gather3A_913 = tpu.dynamic_gather %add3A_910[%gather3A_912] in [0] : vector<16xf32>, vector<16xi32> -> vector<16xf32>
        %add3A_914 = arith.addf %add3A_910, %gather3A_913 : vector<16xf32>
        %eq3A_915 = arith.constant 5 : i32
        %eq3A_916 = vector.broadcast %eq3A_915 : i32 to vector<16xi32>
        %eq3A_917 = arith.cmpi eq, %iota3A, %eq3A_916 : vector<16xi32>
        %select_n3A_918 = arith.select %eq3A_917, %add3A_914, %select_n3A_827 : vector<16xi1>, vector<16xf32>
        %mul3A_919 = arith.constant 16 : i32
        %mul3A_920 = arith.muli %scan3A_379, %mul3A_919 : i32
        %add3A_921 = arith.constant 6 : i32
        %add3A_922 = arith.addi %mul3A_920, %add3A_921 : i32
        %get3A_923 = arith.constant 0 : i32
        %get3A_924 = arith.constant 0 : i32
        %get3A_925 = tpu.memref_slice %arg10[%scan3A_208, %get3A_923, %get3A_924] : memref<2x256x64xi32, #tpu.memory_space<vmem>> -> memref<1x256x64xi32, #tpu.memory_space<vmem>>
        %get3A_926 = tpu.memref_squeeze %get3A_925 : memref<1x256x64xi32, #tpu.memory_space<vmem>> -> memref<256x64xi32, #tpu.memory_space<vmem>>
        %get3A_927 = arith.index_cast %add3A_922 : i32 to index
        %get3A_928 = arith.constant 0 : index
        %get3A_929 = tpu.vector_load %get3A_926[%get3A_927, %get3A_928] {strides = array<i32>} : memref<256x64xi32, #tpu.memory_space<vmem>>, vector<16xi32>,
        %shift_left3A_930 = arith.constant 16 : i32
        %shift_left3A_931 = vector.broadcast %shift_left3A_930 : i32 to vector<16xi32>
        %shift_left3A_932 = arith.shli %get3A_929, %shift_left3A_931 : vector<16xi32>
        %bitcast3A_933 = vector.bitcast %shift_left3A_932 : vector<16xi32> to vector<16xf32>
        %and3A_934 = arith.andi %get3A_929, %broadcast_in_dim3A_206 : vector<16xi32>
        %bitcast3A_935 = vector.bitcast %and3A_934 : vector<16xi32> to vector<16xf32>
        %mul3A_936 = arith.mulf %bitcast3A_933, %select_n3A : vector<16xf32>
        %mul3A_937 = arith.mulf %bitcast3A_935, %select_n3A_183 : vector<16xf32>
        %get3A_938 = arith.constant 0 : i32
        %get3A_939 = arith.constant 0 : i32
        %get3A_940 = tpu.memref_slice %arg10[%scan3A_208, %get3A_938, %get3A_939] : memref<2x256x64xi32, #tpu.memory_space<vmem>> -> memref<1x256x64xi32, #tpu.memory_space<vmem>>
        %get3A_941 = tpu.memref_squeeze %get3A_940 : memref<1x256x64xi32, #tpu.memory_space<vmem>> -> memref<256x64xi32, #tpu.memory_space<vmem>>
        %get3A_942 = arith.index_cast %add3A_922 : i32 to index
        %get3A_943 = arith.constant 16 : index
        %get3A_944 = tpu.vector_load %get3A_941[%get3A_942, %get3A_943] {strides = array<i32>} : memref<256x64xi32, #tpu.memory_space<vmem>>, vector<16xi32>,
        %shift_left3A_945 = arith.constant 16 : i32
        %shift_left3A_946 = vector.broadcast %shift_left3A_945 : i32 to vector<16xi32>
        %shift_left3A_947 = arith.shli %get3A_944, %shift_left3A_946 : vector<16xi32>
        %bitcast3A_948 = vector.bitcast %shift_left3A_947 : vector<16xi32> to vector<16xf32>
        %and3A_949 = arith.andi %get3A_944, %broadcast_in_dim3A_206 : vector<16xi32>
        %bitcast3A_950 = vector.bitcast %and3A_949 : vector<16xi32> to vector<16xf32>
        %mul3A_951 = arith.mulf %bitcast3A_948, %select_n3A_162 : vector<16xf32>
        %mul3A_952 = arith.mulf %bitcast3A_950, %select_n3A_190 : vector<16xf32>
        %get3A_953 = arith.constant 0 : i32
        %get3A_954 = arith.constant 0 : i32
        %get3A_955 = tpu.memref_slice %arg10[%scan3A_208, %get3A_953, %get3A_954] : memref<2x256x64xi32, #tpu.memory_space<vmem>> -> memref<1x256x64xi32, #tpu.memory_space<vmem>>
        %get3A_956 = tpu.memref_squeeze %get3A_955 : memref<1x256x64xi32, #tpu.memory_space<vmem>> -> memref<256x64xi32, #tpu.memory_space<vmem>>
        %get3A_957 = arith.index_cast %add3A_922 : i32 to index
        %get3A_958 = arith.constant 32 : index
        %get3A_959 = tpu.vector_load %get3A_956[%get3A_957, %get3A_958] {strides = array<i32>} : memref<256x64xi32, #tpu.memory_space<vmem>>, vector<16xi32>,
        %shift_left3A_960 = arith.constant 16 : i32
        %shift_left3A_961 = vector.broadcast %shift_left3A_960 : i32 to vector<16xi32>
        %shift_left3A_962 = arith.shli %get3A_959, %shift_left3A_961 : vector<16xi32>
        %bitcast3A_963 = vector.bitcast %shift_left3A_962 : vector<16xi32> to vector<16xf32>
        %and3A_964 = arith.andi %get3A_959, %broadcast_in_dim3A_206 : vector<16xi32>
        %bitcast3A_965 = vector.bitcast %and3A_964 : vector<16xi32> to vector<16xf32>
        %mul3A_966 = arith.mulf %bitcast3A_963, %select_n3A_169 : vector<16xf32>
        %mul3A_967 = arith.mulf %bitcast3A_965, %select_n3A_197 : vector<16xf32>
        %get3A_968 = arith.constant 0 : i32
        %get3A_969 = arith.constant 0 : i32
        %get3A_970 = tpu.memref_slice %arg10[%scan3A_208, %get3A_968, %get3A_969] : memref<2x256x64xi32, #tpu.memory_space<vmem>> -> memref<1x256x64xi32, #tpu.memory_space<vmem>>
        %get3A_971 = tpu.memref_squeeze %get3A_970 : memref<1x256x64xi32, #tpu.memory_space<vmem>> -> memref<256x64xi32, #tpu.memory_space<vmem>>
        %get3A_972 = arith.index_cast %add3A_922 : i32 to index
        %get3A_973 = arith.constant 48 : index
        %get3A_974 = tpu.vector_load %get3A_971[%get3A_972, %get3A_973] {strides = array<i32>} : memref<256x64xi32, #tpu.memory_space<vmem>>, vector<16xi32>,
        %shift_left3A_975 = arith.constant 16 : i32
        %shift_left3A_976 = vector.broadcast %shift_left3A_975 : i32 to vector<16xi32>
        %shift_left3A_977 = arith.shli %get3A_974, %shift_left3A_976 : vector<16xi32>
        %bitcast3A_978 = vector.bitcast %shift_left3A_977 : vector<16xi32> to vector<16xf32>
        %and3A_979 = arith.andi %get3A_974, %broadcast_in_dim3A_206 : vector<16xi32>
        %bitcast3A_980 = vector.bitcast %and3A_979 : vector<16xi32> to vector<16xf32>
        %mul3A_981 = arith.mulf %bitcast3A_978, %select_n3A_176 : vector<16xf32>
        %mul3A_982 = arith.mulf %bitcast3A_980, %select_n3A_204 : vector<16xf32>
        %add3A_983 = arith.addf %mul3A_936, %mul3A_937 : vector<16xf32>
        %add3A_984 = arith.addf %mul3A_951, %mul3A_952 : vector<16xf32>
        %add3A_985 = arith.addf %mul3A_966, %mul3A_967 : vector<16xf32>
        %add3A_986 = arith.addf %mul3A_981, %mul3A_982 : vector<16xf32>
        %add3A_987 = arith.addf %add3A_983, %add3A_984 : vector<16xf32>
        %add3A_988 = arith.addf %add3A_985, %add3A_986 : vector<16xf32>
        %add3A_989 = arith.addf %add3A_987, %add3A_988 : vector<16xf32>
        %broadcast_in_dim3A_990 = vector.shape_cast %xor3A_13 : vector<16xi32> to vector<16x1xi32>
        %gather3A_991 = vector.shape_cast %broadcast_in_dim3A_990 : vector<16x1xi32> to vector<16xi32>
        %gather3A_992 = tpu.dynamic_gather %add3A_989[%gather3A_991] in [0] : vector<16xf32>, vector<16xi32> -> vector<16xf32>
        %add3A_993 = arith.addf %add3A_989, %gather3A_992 : vector<16xf32>
        %broadcast_in_dim3A_994 = vector.shape_cast %xor3A_16 : vector<16xi32> to vector<16x1xi32>
        %gather3A_995 = vector.shape_cast %broadcast_in_dim3A_994 : vector<16x1xi32> to vector<16xi32>
        %gather3A_996 = tpu.dynamic_gather %add3A_993[%gather3A_995] in [0] : vector<16xf32>, vector<16xi32> -> vector<16xf32>
        %add3A_997 = arith.addf %add3A_993, %gather3A_996 : vector<16xf32>
        %broadcast_in_dim3A_998 = vector.shape_cast %xor3A_19 : vector<16xi32> to vector<16x1xi32>
        %gather3A_999 = vector.shape_cast %broadcast_in_dim3A_998 : vector<16x1xi32> to vector<16xi32>
        %gather3A_1000 = tpu.dynamic_gather %add3A_997[%gather3A_999] in [0] : vector<16xf32>, vector<16xi32> -> vector<16xf32>
        %add3A_1001 = arith.addf %add3A_997, %gather3A_1000 : vector<16xf32>
        %broadcast_in_dim3A_1002 = vector.shape_cast %xor3A_22 : vector<16xi32> to vector<16x1xi32>
        %gather3A_1003 = vector.shape_cast %broadcast_in_dim3A_1002 : vector<16x1xi32> to vector<16xi32>
        %gather3A_1004 = tpu.dynamic_gather %add3A_1001[%gather3A_1003] in [0] : vector<16xf32>, vector<16xi32> -> vector<16xf32>
        %add3A_1005 = arith.addf %add3A_1001, %gather3A_1004 : vector<16xf32>
        %eq3A_1006 = arith.constant 6 : i32
        %eq3A_1007 = vector.broadcast %eq3A_1006 : i32 to vector<16xi32>
        %eq3A_1008 = arith.cmpi eq, %iota3A, %eq3A_1007 : vector<16xi32>
        %select_n3A_1009 = arith.select %eq3A_1008, %add3A_1005, %select_n3A_918 : vector<16xi1>, vector<16xf32>
        %mul3A_1010 = arith.constant 16 : i32
        %mul3A_1011 = arith.muli %scan3A_379, %mul3A_1010 : i32
        %add3A_1012 = arith.constant 7 : i32
        %add3A_1013 = arith.addi %mul3A_1011, %add3A_1012 : i32
        %get3A_1014 = arith.constant 0 : i32
        %get3A_1015 = arith.constant 0 : i32
        %get3A_1016 = tpu.memref_slice %arg10[%scan3A_208, %get3A_1014, %get3A_1015] : memref<2x256x64xi32, #tpu.memory_space<vmem>> -> memref<1x256x64xi32, #tpu.memory_space<vmem>>
        %get3A_1017 = tpu.memref_squeeze %get3A_1016 : memref<1x256x64xi32, #tpu.memory_space<vmem>> -> memref<256x64xi32, #tpu.memory_space<vmem>>
        %get3A_1018 = arith.index_cast %add3A_1013 : i32 to index
        %get3A_1019 = arith.constant 0 : index
        %get3A_1020 = tpu.vector_load %get3A_1017[%get3A_1018, %get3A_1019] {strides = array<i32>} : memref<256x64xi32, #tpu.memory_space<vmem>>, vector<16xi32>,
        %shift_left3A_1021 = arith.constant 16 : i32
        %shift_left3A_1022 = vector.broadcast %shift_left3A_1021 : i32 to vector<16xi32>
        %shift_left3A_1023 = arith.shli %get3A_1020, %shift_left3A_1022 : vector<16xi32>
        %bitcast3A_1024 = vector.bitcast %shift_left3A_1023 : vector<16xi32> to vector<16xf32>
        %and3A_1025 = arith.andi %get3A_1020, %broadcast_in_dim3A_206 : vector<16xi32>
        %bitcast3A_1026 = vector.bitcast %and3A_1025 : vector<16xi32> to vector<16xf32>
        %mul3A_1027 = arith.mulf %bitcast3A_1024, %select_n3A : vector<16xf32>
        %mul3A_1028 = arith.mulf %bitcast3A_1026, %select_n3A_183 : vector<16xf32>
        %get3A_1029 = arith.constant 0 : i32
        %get3A_1030 = arith.constant 0 : i32
        %get3A_1031 = tpu.memref_slice %arg10[%scan3A_208, %get3A_1029, %get3A_1030] : memref<2x256x64xi32, #tpu.memory_space<vmem>> -> memref<1x256x64xi32, #tpu.memory_space<vmem>>
        %get3A_1032 = tpu.memref_squeeze %get3A_1031 : memref<1x256x64xi32, #tpu.memory_space<vmem>> -> memref<256x64xi32, #tpu.memory_space<vmem>>
        %get3A_1033 = arith.index_cast %add3A_1013 : i32 to index
        %get3A_1034 = arith.constant 16 : index
        %get3A_1035 = tpu.vector_load %get3A_1032[%get3A_1033, %get3A_1034] {strides = array<i32>} : memref<256x64xi32, #tpu.memory_space<vmem>>, vector<16xi32>,
        %shift_left3A_1036 = arith.constant 16 : i32
        %shift_left3A_1037 = vector.broadcast %shift_left3A_1036 : i32 to vector<16xi32>
        %shift_left3A_1038 = arith.shli %get3A_1035, %shift_left3A_1037 : vector<16xi32>
        %bitcast3A_1039 = vector.bitcast %shift_left3A_1038 : vector<16xi32> to vector<16xf32>
        %and3A_1040 = arith.andi %get3A_1035, %broadcast_in_dim3A_206 : vector<16xi32>
        %bitcast3A_1041 = vector.bitcast %and3A_1040 : vector<16xi32> to vector<16xf32>
        %mul3A_1042 = arith.mulf %bitcast3A_1039, %select_n3A_162 : vector<16xf32>
        %mul3A_1043 = arith.mulf %bitcast3A_1041, %select_n3A_190 : vector<16xf32>
        %get3A_1044 = arith.constant 0 : i32
        %get3A_1045 = arith.constant 0 : i32
        %get3A_1046 = tpu.memref_slice %arg10[%scan3A_208, %get3A_1044, %get3A_1045] : memref<2x256x64xi32, #tpu.memory_space<vmem>> -> memref<1x256x64xi32, #tpu.memory_space<vmem>>
        %get3A_1047 = tpu.memref_squeeze %get3A_1046 : memref<1x256x64xi32, #tpu.memory_space<vmem>> -> memref<256x64xi32, #tpu.memory_space<vmem>>
        %get3A_1048 = arith.index_cast %add3A_1013 : i32 to index
        %get3A_1049 = arith.constant 32 : index
        %get3A_1050 = tpu.vector_load %get3A_1047[%get3A_1048, %get3A_1049] {strides = array<i32>} : memref<256x64xi32, #tpu.memory_space<vmem>>, vector<16xi32>,
        %shift_left3A_1051 = arith.constant 16 : i32
        %shift_left3A_1052 = vector.broadcast %shift_left3A_1051 : i32 to vector<16xi32>
        %shift_left3A_1053 = arith.shli %get3A_1050, %shift_left3A_1052 : vector<16xi32>
        %bitcast3A_1054 = vector.bitcast %shift_left3A_1053 : vector<16xi32> to vector<16xf32>
        %and3A_1055 = arith.andi %get3A_1050, %broadcast_in_dim3A_206 : vector<16xi32>
        %bitcast3A_1056 = vector.bitcast %and3A_1055 : vector<16xi32> to vector<16xf32>
        %mul3A_1057 = arith.mulf %bitcast3A_1054, %select_n3A_169 : vector<16xf32>
        %mul3A_1058 = arith.mulf %bitcast3A_1056, %select_n3A_197 : vector<16xf32>
        %get3A_1059 = arith.constant 0 : i32
        %get3A_1060 = arith.constant 0 : i32
        %get3A_1061 = tpu.memref_slice %arg10[%scan3A_208, %get3A_1059, %get3A_1060] : memref<2x256x64xi32, #tpu.memory_space<vmem>> -> memref<1x256x64xi32, #tpu.memory_space<vmem>>
        %get3A_1062 = tpu.memref_squeeze %get3A_1061 : memref<1x256x64xi32, #tpu.memory_space<vmem>> -> memref<256x64xi32, #tpu.memory_space<vmem>>
        %get3A_1063 = arith.index_cast %add3A_1013 : i32 to index
        %get3A_1064 = arith.constant 48 : index
        %get3A_1065 = tpu.vector_load %get3A_1062[%get3A_1063, %get3A_1064] {strides = array<i32>} : memref<256x64xi32, #tpu.memory_space<vmem>>, vector<16xi32>,
        %shift_left3A_1066 = arith.constant 16 : i32
        %shift_left3A_1067 = vector.broadcast %shift_left3A_1066 : i32 to vector<16xi32>
        %shift_left3A_1068 = arith.shli %get3A_1065, %shift_left3A_1067 : vector<16xi32>
        %bitcast3A_1069 = vector.bitcast %shift_left3A_1068 : vector<16xi32> to vector<16xf32>
        %and3A_1070 = arith.andi %get3A_1065, %broadcast_in_dim3A_206 : vector<16xi32>
        %bitcast3A_1071 = vector.bitcast %and3A_1070 : vector<16xi32> to vector<16xf32>
        %mul3A_1072 = arith.mulf %bitcast3A_1069, %select_n3A_176 : vector<16xf32>
        %mul3A_1073 = arith.mulf %bitcast3A_1071, %select_n3A_204 : vector<16xf32>
        %add3A_1074 = arith.addf %mul3A_1027, %mul3A_1028 : vector<16xf32>
        %add3A_1075 = arith.addf %mul3A_1042, %mul3A_1043 : vector<16xf32>
        %add3A_1076 = arith.addf %mul3A_1057, %mul3A_1058 : vector<16xf32>
        %add3A_1077 = arith.addf %mul3A_1072, %mul3A_1073 : vector<16xf32>
        %add3A_1078 = arith.addf %add3A_1074, %add3A_1075 : vector<16xf32>
        %add3A_1079 = arith.addf %add3A_1076, %add3A_1077 : vector<16xf32>
        %add3A_1080 = arith.addf %add3A_1078, %add3A_1079 : vector<16xf32>
        %broadcast_in_dim3A_1081 = vector.shape_cast %xor3A_13 : vector<16xi32> to vector<16x1xi32>
        %gather3A_1082 = vector.shape_cast %broadcast_in_dim3A_1081 : vector<16x1xi32> to vector<16xi32>
        %gather3A_1083 = tpu.dynamic_gather %add3A_1080[%gather3A_1082] in [0] : vector<16xf32>, vector<16xi32> -> vector<16xf32>
        %add3A_1084 = arith.addf %add3A_1080, %gather3A_1083 : vector<16xf32>
        %broadcast_in_dim3A_1085 = vector.shape_cast %xor3A_16 : vector<16xi32> to vector<16x1xi32>
        %gather3A_1086 = vector.shape_cast %broadcast_in_dim3A_1085 : vector<16x1xi32> to vector<16xi32>
        %gather3A_1087 = tpu.dynamic_gather %add3A_1084[%gather3A_1086] in [0] : vector<16xf32>, vector<16xi32> -> vector<16xf32>
        %add3A_1088 = arith.addf %add3A_1084, %gather3A_1087 : vector<16xf32>
        %broadcast_in_dim3A_1089 = vector.shape_cast %xor3A_19 : vector<16xi32> to vector<16x1xi32>
        %gather3A_1090 = vector.shape_cast %broadcast_in_dim3A_1089 : vector<16x1xi32> to vector<16xi32>
        %gather3A_1091 = tpu.dynamic_gather %add3A_1088[%gather3A_1090] in [0] : vector<16xf32>, vector<16xi32> -> vector<16xf32>
        %add3A_1092 = arith.addf %add3A_1088, %gather3A_1091 : vector<16xf32>
        %broadcast_in_dim3A_1093 = vector.shape_cast %xor3A_22 : vector<16xi32> to vector<16x1xi32>
        %gather3A_1094 = vector.shape_cast %broadcast_in_dim3A_1093 : vector<16x1xi32> to vector<16xi32>
        %gather3A_1095 = tpu.dynamic_gather %add3A_1092[%gather3A_1094] in [0] : vector<16xf32>, vector<16xi32> -> vector<16xf32>
        %add3A_1096 = arith.addf %add3A_1092, %gather3A_1095 : vector<16xf32>
        %eq3A_1097 = arith.constant 7 : i32
        %eq3A_1098 = vector.broadcast %eq3A_1097 : i32 to vector<16xi32>
        %eq3A_1099 = arith.cmpi eq, %iota3A, %eq3A_1098 : vector<16xi32>
        %select_n3A_1100 = arith.select %eq3A_1099, %add3A_1096, %select_n3A_1009 : vector<16xi1>, vector<16xf32>
        %mul3A_1101 = arith.constant 16 : i32
        %mul3A_1102 = arith.muli %scan3A_379, %mul3A_1101 : i32
        %add3A_1103 = arith.constant 8 : i32
        %add3A_1104 = arith.addi %mul3A_1102, %add3A_1103 : i32
        %get3A_1105 = arith.constant 0 : i32
        %get3A_1106 = arith.constant 0 : i32
        %get3A_1107 = tpu.memref_slice %arg10[%scan3A_208, %get3A_1105, %get3A_1106] : memref<2x256x64xi32, #tpu.memory_space<vmem>> -> memref<1x256x64xi32, #tpu.memory_space<vmem>>
        %get3A_1108 = tpu.memref_squeeze %get3A_1107 : memref<1x256x64xi32, #tpu.memory_space<vmem>> -> memref<256x64xi32, #tpu.memory_space<vmem>>
        %get3A_1109 = arith.index_cast %add3A_1104 : i32 to index
        %get3A_1110 = arith.constant 0 : index
        %get3A_1111 = tpu.vector_load %get3A_1108[%get3A_1109, %get3A_1110] {strides = array<i32>} : memref<256x64xi32, #tpu.memory_space<vmem>>, vector<16xi32>,
        %shift_left3A_1112 = arith.constant 16 : i32
        %shift_left3A_1113 = vector.broadcast %shift_left3A_1112 : i32 to vector<16xi32>
        %shift_left3A_1114 = arith.shli %get3A_1111, %shift_left3A_1113 : vector<16xi32>
        %bitcast3A_1115 = vector.bitcast %shift_left3A_1114 : vector<16xi32> to vector<16xf32>
        %and3A_1116 = arith.andi %get3A_1111, %broadcast_in_dim3A_206 : vector<16xi32>
        %bitcast3A_1117 = vector.bitcast %and3A_1116 : vector<16xi32> to vector<16xf32>
        %mul3A_1118 = arith.mulf %bitcast3A_1115, %select_n3A : vector<16xf32>
        %mul3A_1119 = arith.mulf %bitcast3A_1117, %select_n3A_183 : vector<16xf32>
        %get3A_1120 = arith.constant 0 : i32
        %get3A_1121 = arith.constant 0 : i32
        %get3A_1122 = tpu.memref_slice %arg10[%scan3A_208, %get3A_1120, %get3A_1121] : memref<2x256x64xi32, #tpu.memory_space<vmem>> -> memref<1x256x64xi32, #tpu.memory_space<vmem>>
        %get3A_1123 = tpu.memref_squeeze %get3A_1122 : memref<1x256x64xi32, #tpu.memory_space<vmem>> -> memref<256x64xi32, #tpu.memory_space<vmem>>
        %get3A_1124 = arith.index_cast %add3A_1104 : i32 to index
        %get3A_1125 = arith.constant 16 : index
        %get3A_1126 = tpu.vector_load %get3A_1123[%get3A_1124, %get3A_1125] {strides = array<i32>} : memref<256x64xi32, #tpu.memory_space<vmem>>, vector<16xi32>,
        %shift_left3A_1127 = arith.constant 16 : i32
        %shift_left3A_1128 = vector.broadcast %shift_left3A_1127 : i32 to vector<16xi32>
        %shift_left3A_1129 = arith.shli %get3A_1126, %shift_left3A_1128 : vector<16xi32>
        %bitcast3A_1130 = vector.bitcast %shift_left3A_1129 : vector<16xi32> to vector<16xf32>
        %and3A_1131 = arith.andi %get3A_1126, %broadcast_in_dim3A_206 : vector<16xi32>
        %bitcast3A_1132 = vector.bitcast %and3A_1131 : vector<16xi32> to vector<16xf32>
        %mul3A_1133 = arith.mulf %bitcast3A_1130, %select_n3A_162 : vector<16xf32>
        %mul3A_1134 = arith.mulf %bitcast3A_1132, %select_n3A_190 : vector<16xf32>
        %get3A_1135 = arith.constant 0 : i32
        %get3A_1136 = arith.constant 0 : i32
        %get3A_1137 = tpu.memref_slice %arg10[%scan3A_208, %get3A_1135, %get3A_1136] : memref<2x256x64xi32, #tpu.memory_space<vmem>> -> memref<1x256x64xi32, #tpu.memory_space<vmem>>
        %get3A_1138 = tpu.memref_squeeze %get3A_1137 : memref<1x256x64xi32, #tpu.memory_space<vmem>> -> memref<256x64xi32, #tpu.memory_space<vmem>>
        %get3A_1139 = arith.index_cast %add3A_1104 : i32 to index
        %get3A_1140 = arith.constant 32 : index
        %get3A_1141 = tpu.vector_load %get3A_1138[%get3A_1139, %get3A_1140] {strides = array<i32>} : memref<256x64xi32, #tpu.memory_space<vmem>>, vector<16xi32>,
        %shift_left3A_1142 = arith.constant 16 : i32
        %shift_left3A_1143 = vector.broadcast %shift_left3A_1142 : i32 to vector<16xi32>
        %shift_left3A_1144 = arith.shli %get3A_1141, %shift_left3A_1143 : vector<16xi32>
        %bitcast3A_1145 = vector.bitcast %shift_left3A_1144 : vector<16xi32> to vector<16xf32>
        %and3A_1146 = arith.andi %get3A_1141, %broadcast_in_dim3A_206 : vector<16xi32>
        %bitcast3A_1147 = vector.bitcast %and3A_1146 : vector<16xi32> to vector<16xf32>
        %mul3A_1148 = arith.mulf %bitcast3A_1145, %select_n3A_169 : vector<16xf32>
        %mul3A_1149 = arith.mulf %bitcast3A_1147, %select_n3A_197 : vector<16xf32>
        %get3A_1150 = arith.constant 0 : i32
        %get3A_1151 = arith.constant 0 : i32
        %get3A_1152 = tpu.memref_slice %arg10[%scan3A_208, %get3A_1150, %get3A_1151] : memref<2x256x64xi32, #tpu.memory_space<vmem>> -> memref<1x256x64xi32, #tpu.memory_space<vmem>>
        %get3A_1153 = tpu.memref_squeeze %get3A_1152 : memref<1x256x64xi32, #tpu.memory_space<vmem>> -> memref<256x64xi32, #tpu.memory_space<vmem>>
        %get3A_1154 = arith.index_cast %add3A_1104 : i32 to index
        %get3A_1155 = arith.constant 48 : index
        %get3A_1156 = tpu.vector_load %get3A_1153[%get3A_1154, %get3A_1155] {strides = array<i32>} : memref<256x64xi32, #tpu.memory_space<vmem>>, vector<16xi32>,
        %shift_left3A_1157 = arith.constant 16 : i32
        %shift_left3A_1158 = vector.broadcast %shift_left3A_1157 : i32 to vector<16xi32>
        %shift_left3A_1159 = arith.shli %get3A_1156, %shift_left3A_1158 : vector<16xi32>
        %bitcast3A_1160 = vector.bitcast %shift_left3A_1159 : vector<16xi32> to vector<16xf32>
        %and3A_1161 = arith.andi %get3A_1156, %broadcast_in_dim3A_206 : vector<16xi32>
        %bitcast3A_1162 = vector.bitcast %and3A_1161 : vector<16xi32> to vector<16xf32>
        %mul3A_1163 = arith.mulf %bitcast3A_1160, %select_n3A_176 : vector<16xf32>
        %mul3A_1164 = arith.mulf %bitcast3A_1162, %select_n3A_204 : vector<16xf32>
        %add3A_1165 = arith.addf %mul3A_1118, %mul3A_1119 : vector<16xf32>
        %add3A_1166 = arith.addf %mul3A_1133, %mul3A_1134 : vector<16xf32>
        %add3A_1167 = arith.addf %mul3A_1148, %mul3A_1149 : vector<16xf32>
        %add3A_1168 = arith.addf %mul3A_1163, %mul3A_1164 : vector<16xf32>
        %add3A_1169 = arith.addf %add3A_1165, %add3A_1166 : vector<16xf32>
        %add3A_1170 = arith.addf %add3A_1167, %add3A_1168 : vector<16xf32>
        %add3A_1171 = arith.addf %add3A_1169, %add3A_1170 : vector<16xf32>
        %broadcast_in_dim3A_1172 = vector.shape_cast %xor3A_13 : vector<16xi32> to vector<16x1xi32>
        %gather3A_1173 = vector.shape_cast %broadcast_in_dim3A_1172 : vector<16x1xi32> to vector<16xi32>
        %gather3A_1174 = tpu.dynamic_gather %add3A_1171[%gather3A_1173] in [0] : vector<16xf32>, vector<16xi32> -> vector<16xf32>
        %add3A_1175 = arith.addf %add3A_1171, %gather3A_1174 : vector<16xf32>
        %broadcast_in_dim3A_1176 = vector.shape_cast %xor3A_16 : vector<16xi32> to vector<16x1xi32>
        %gather3A_1177 = vector.shape_cast %broadcast_in_dim3A_1176 : vector<16x1xi32> to vector<16xi32>
        %gather3A_1178 = tpu.dynamic_gather %add3A_1175[%gather3A_1177] in [0] : vector<16xf32>, vector<16xi32> -> vector<16xf32>
        %add3A_1179 = arith.addf %add3A_1175, %gather3A_1178 : vector<16xf32>
        %broadcast_in_dim3A_1180 = vector.shape_cast %xor3A_19 : vector<16xi32> to vector<16x1xi32>
        %gather3A_1181 = vector.shape_cast %broadcast_in_dim3A_1180 : vector<16x1xi32> to vector<16xi32>
        %gather3A_1182 = tpu.dynamic_gather %add3A_1179[%gather3A_1181] in [0] : vector<16xf32>, vector<16xi32> -> vector<16xf32>
        %add3A_1183 = arith.addf %add3A_1179, %gather3A_1182 : vector<16xf32>
        %broadcast_in_dim3A_1184 = vector.shape_cast %xor3A_22 : vector<16xi32> to vector<16x1xi32>
        %gather3A_1185 = vector.shape_cast %broadcast_in_dim3A_1184 : vector<16x1xi32> to vector<16xi32>
        %gather3A_1186 = tpu.dynamic_gather %add3A_1183[%gather3A_1185] in [0] : vector<16xf32>, vector<16xi32> -> vector<16xf32>
        %add3A_1187 = arith.addf %add3A_1183, %gather3A_1186 : vector<16xf32>
        %eq3A_1188 = arith.constant 8 : i32
        %eq3A_1189 = vector.broadcast %eq3A_1188 : i32 to vector<16xi32>
        %eq3A_1190 = arith.cmpi eq, %iota3A, %eq3A_1189 : vector<16xi32>
        %select_n3A_1191 = arith.select %eq3A_1190, %add3A_1187, %select_n3A_1100 : vector<16xi1>, vector<16xf32>
        %mul3A_1192 = arith.constant 16 : i32
        %mul3A_1193 = arith.muli %scan3A_379, %mul3A_1192 : i32
        %add3A_1194 = arith.constant 9 : i32
        %add3A_1195 = arith.addi %mul3A_1193, %add3A_1194 : i32
        %get3A_1196 = arith.constant 0 : i32
        %get3A_1197 = arith.constant 0 : i32
        %get3A_1198 = tpu.memref_slice %arg10[%scan3A_208, %get3A_1196, %get3A_1197] : memref<2x256x64xi32, #tpu.memory_space<vmem>> -> memref<1x256x64xi32, #tpu.memory_space<vmem>>
        %get3A_1199 = tpu.memref_squeeze %get3A_1198 : memref<1x256x64xi32, #tpu.memory_space<vmem>> -> memref<256x64xi32, #tpu.memory_space<vmem>>
        %get3A_1200 = arith.index_cast %add3A_1195 : i32 to index
        %get3A_1201 = arith.constant 0 : index
        %get3A_1202 = tpu.vector_load %get3A_1199[%get3A_1200, %get3A_1201] {strides = array<i32>} : memref<256x64xi32, #tpu.memory_space<vmem>>, vector<16xi32>,
        %shift_left3A_1203 = arith.constant 16 : i32
        %shift_left3A_1204 = vector.broadcast %shift_left3A_1203 : i32 to vector<16xi32>
        %shift_left3A_1205 = arith.shli %get3A_1202, %shift_left3A_1204 : vector<16xi32>
        %bitcast3A_1206 = vector.bitcast %shift_left3A_1205 : vector<16xi32> to vector<16xf32>
        %and3A_1207 = arith.andi %get3A_1202, %broadcast_in_dim3A_206 : vector<16xi32>
        %bitcast3A_1208 = vector.bitcast %and3A_1207 : vector<16xi32> to vector<16xf32>
        %mul3A_1209 = arith.mulf %bitcast3A_1206, %select_n3A : vector<16xf32>
        %mul3A_1210 = arith.mulf %bitcast3A_1208, %select_n3A_183 : vector<16xf32>
        %get3A_1211 = arith.constant 0 : i32
        %get3A_1212 = arith.constant 0 : i32
        %get3A_1213 = tpu.memref_slice %arg10[%scan3A_208, %get3A_1211, %get3A_1212] : memref<2x256x64xi32, #tpu.memory_space<vmem>> -> memref<1x256x64xi32, #tpu.memory_space<vmem>>
        %get3A_1214 = tpu.memref_squeeze %get3A_1213 : memref<1x256x64xi32, #tpu.memory_space<vmem>> -> memref<256x64xi32, #tpu.memory_space<vmem>>
        %get3A_1215 = arith.index_cast %add3A_1195 : i32 to index
        %get3A_1216 = arith.constant 16 : index
        %get3A_1217 = tpu.vector_load %get3A_1214[%get3A_1215, %get3A_1216] {strides = array<i32>} : memref<256x64xi32, #tpu.memory_space<vmem>>, vector<16xi32>,
        %shift_left3A_1218 = arith.constant 16 : i32
        %shift_left3A_1219 = vector.broadcast %shift_left3A_1218 : i32 to vector<16xi32>
        %shift_left3A_1220 = arith.shli %get3A_1217, %shift_left3A_1219 : vector<16xi32>
        %bitcast3A_1221 = vector.bitcast %shift_left3A_1220 : vector<16xi32> to vector<16xf32>
        %and3A_1222 = arith.andi %get3A_1217, %broadcast_in_dim3A_206 : vector<16xi32>
        %bitcast3A_1223 = vector.bitcast %and3A_1222 : vector<16xi32> to vector<16xf32>
        %mul3A_1224 = arith.mulf %bitcast3A_1221, %select_n3A_162 : vector<16xf32>
        %mul3A_1225 = arith.mulf %bitcast3A_1223, %select_n3A_190 : vector<16xf32>
        %get3A_1226 = arith.constant 0 : i32
        %get3A_1227 = arith.constant 0 : i32
        %get3A_1228 = tpu.memref_slice %arg10[%scan3A_208, %get3A_1226, %get3A_1227] : memref<2x256x64xi32, #tpu.memory_space<vmem>> -> memref<1x256x64xi32, #tpu.memory_space<vmem>>
        %get3A_1229 = tpu.memref_squeeze %get3A_1228 : memref<1x256x64xi32, #tpu.memory_space<vmem>> -> memref<256x64xi32, #tpu.memory_space<vmem>>
        %get3A_1230 = arith.index_cast %add3A_1195 : i32 to index
        %get3A_1231 = arith.constant 32 : index
        %get3A_1232 = tpu.vector_load %get3A_1229[%get3A_1230, %get3A_1231] {strides = array<i32>} : memref<256x64xi32, #tpu.memory_space<vmem>>, vector<16xi32>,
        %shift_left3A_1233 = arith.constant 16 : i32
        %shift_left3A_1234 = vector.broadcast %shift_left3A_1233 : i32 to vector<16xi32>
        %shift_left3A_1235 = arith.shli %get3A_1232, %shift_left3A_1234 : vector<16xi32>
        %bitcast3A_1236 = vector.bitcast %shift_left3A_1235 : vector<16xi32> to vector<16xf32>
        %and3A_1237 = arith.andi %get3A_1232, %broadcast_in_dim3A_206 : vector<16xi32>
        %bitcast3A_1238 = vector.bitcast %and3A_1237 : vector<16xi32> to vector<16xf32>
        %mul3A_1239 = arith.mulf %bitcast3A_1236, %select_n3A_169 : vector<16xf32>
        %mul3A_1240 = arith.mulf %bitcast3A_1238, %select_n3A_197 : vector<16xf32>
        %get3A_1241 = arith.constant 0 : i32
        %get3A_1242 = arith.constant 0 : i32
        %get3A_1243 = tpu.memref_slice %arg10[%scan3A_208, %get3A_1241, %get3A_1242] : memref<2x256x64xi32, #tpu.memory_space<vmem>> -> memref<1x256x64xi32, #tpu.memory_space<vmem>>
        %get3A_1244 = tpu.memref_squeeze %get3A_1243 : memref<1x256x64xi32, #tpu.memory_space<vmem>> -> memref<256x64xi32, #tpu.memory_space<vmem>>
        %get3A_1245 = arith.index_cast %add3A_1195 : i32 to index
        %get3A_1246 = arith.constant 48 : index
        %get3A_1247 = tpu.vector_load %get3A_1244[%get3A_1245, %get3A_1246] {strides = array<i32>} : memref<256x64xi32, #tpu.memory_space<vmem>>, vector<16xi32>,
        %shift_left3A_1248 = arith.constant 16 : i32
        %shift_left3A_1249 = vector.broadcast %shift_left3A_1248 : i32 to vector<16xi32>
        %shift_left3A_1250 = arith.shli %get3A_1247, %shift_left3A_1249 : vector<16xi32>
        %bitcast3A_1251 = vector.bitcast %shift_left3A_1250 : vector<16xi32> to vector<16xf32>
        %and3A_1252 = arith.andi %get3A_1247, %broadcast_in_dim3A_206 : vector<16xi32>
        %bitcast3A_1253 = vector.bitcast %and3A_1252 : vector<16xi32> to vector<16xf32>
        %mul3A_1254 = arith.mulf %bitcast3A_1251, %select_n3A_176 : vector<16xf32>
        %mul3A_1255 = arith.mulf %bitcast3A_1253, %select_n3A_204 : vector<16xf32>
        %add3A_1256 = arith.addf %mul3A_1209, %mul3A_1210 : vector<16xf32>
        %add3A_1257 = arith.addf %mul3A_1224, %mul3A_1225 : vector<16xf32>
        %add3A_1258 = arith.addf %mul3A_1239, %mul3A_1240 : vector<16xf32>
        %add3A_1259 = arith.addf %mul3A_1254, %mul3A_1255 : vector<16xf32>
        %add3A_1260 = arith.addf %add3A_1256, %add3A_1257 : vector<16xf32>
        %add3A_1261 = arith.addf %add3A_1258, %add3A_1259 : vector<16xf32>
        %add3A_1262 = arith.addf %add3A_1260, %add3A_1261 : vector<16xf32>
        %broadcast_in_dim3A_1263 = vector.shape_cast %xor3A_13 : vector<16xi32> to vector<16x1xi32>
        %gather3A_1264 = vector.shape_cast %broadcast_in_dim3A_1263 : vector<16x1xi32> to vector<16xi32>
        %gather3A_1265 = tpu.dynamic_gather %add3A_1262[%gather3A_1264] in [0] : vector<16xf32>, vector<16xi32> -> vector<16xf32>
        %add3A_1266 = arith.addf %add3A_1262, %gather3A_1265 : vector<16xf32>
        %broadcast_in_dim3A_1267 = vector.shape_cast %xor3A_16 : vector<16xi32> to vector<16x1xi32>
        %gather3A_1268 = vector.shape_cast %broadcast_in_dim3A_1267 : vector<16x1xi32> to vector<16xi32>
        %gather3A_1269 = tpu.dynamic_gather %add3A_1266[%gather3A_1268] in [0] : vector<16xf32>, vector<16xi32> -> vector<16xf32>
        %add3A_1270 = arith.addf %add3A_1266, %gather3A_1269 : vector<16xf32>
        %broadcast_in_dim3A_1271 = vector.shape_cast %xor3A_19 : vector<16xi32> to vector<16x1xi32>
        %gather3A_1272 = vector.shape_cast %broadcast_in_dim3A_1271 : vector<16x1xi32> to vector<16xi32>
        %gather3A_1273 = tpu.dynamic_gather %add3A_1270[%gather3A_1272] in [0] : vector<16xf32>, vector<16xi32> -> vector<16xf32>
        %add3A_1274 = arith.addf %add3A_1270, %gather3A_1273 : vector<16xf32>
        %broadcast_in_dim3A_1275 = vector.shape_cast %xor3A_22 : vector<16xi32> to vector<16x1xi32>
        %gather3A_1276 = vector.shape_cast %broadcast_in_dim3A_1275 : vector<16x1xi32> to vector<16xi32>
        %gather3A_1277 = tpu.dynamic_gather %add3A_1274[%gather3A_1276] in [0] : vector<16xf32>, vector<16xi32> -> vector<16xf32>
        %add3A_1278 = arith.addf %add3A_1274, %gather3A_1277 : vector<16xf32>
        %eq3A_1279 = arith.constant 9 : i32
        %eq3A_1280 = vector.broadcast %eq3A_1279 : i32 to vector<16xi32>
        %eq3A_1281 = arith.cmpi eq, %iota3A, %eq3A_1280 : vector<16xi32>
        %select_n3A_1282 = arith.select %eq3A_1281, %add3A_1278, %select_n3A_1191 : vector<16xi1>, vector<16xf32>
        %mul3A_1283 = arith.constant 16 : i32
        %mul3A_1284 = arith.muli %scan3A_379, %mul3A_1283 : i32
        %add3A_1285 = arith.constant 10 : i32
        %add3A_1286 = arith.addi %mul3A_1284, %add3A_1285 : i32
        %get3A_1287 = arith.constant 0 : i32
        %get3A_1288 = arith.constant 0 : i32
        %get3A_1289 = tpu.memref_slice %arg10[%scan3A_208, %get3A_1287, %get3A_1288] : memref<2x256x64xi32, #tpu.memory_space<vmem>> -> memref<1x256x64xi32, #tpu.memory_space<vmem>>
        %get3A_1290 = tpu.memref_squeeze %get3A_1289 : memref<1x256x64xi32, #tpu.memory_space<vmem>> -> memref<256x64xi32, #tpu.memory_space<vmem>>
        %get3A_1291 = arith.index_cast %add3A_1286 : i32 to index
        %get3A_1292 = arith.constant 0 : index
        %get3A_1293 = tpu.vector_load %get3A_1290[%get3A_1291, %get3A_1292] {strides = array<i32>} : memref<256x64xi32, #tpu.memory_space<vmem>>, vector<16xi32>,
        %shift_left3A_1294 = arith.constant 16 : i32
        %shift_left3A_1295 = vector.broadcast %shift_left3A_1294 : i32 to vector<16xi32>
        %shift_left3A_1296 = arith.shli %get3A_1293, %shift_left3A_1295 : vector<16xi32>
        %bitcast3A_1297 = vector.bitcast %shift_left3A_1296 : vector<16xi32> to vector<16xf32>
        %and3A_1298 = arith.andi %get3A_1293, %broadcast_in_dim3A_206 : vector<16xi32>
        %bitcast3A_1299 = vector.bitcast %and3A_1298 : vector<16xi32> to vector<16xf32>
        %mul3A_1300 = arith.mulf %bitcast3A_1297, %select_n3A : vector<16xf32>
        %mul3A_1301 = arith.mulf %bitcast3A_1299, %select_n3A_183 : vector<16xf32>
        %get3A_1302 = arith.constant 0 : i32
        %get3A_1303 = arith.constant 0 : i32
        %get3A_1304 = tpu.memref_slice %arg10[%scan3A_208, %get3A_1302, %get3A_1303] : memref<2x256x64xi32, #tpu.memory_space<vmem>> -> memref<1x256x64xi32, #tpu.memory_space<vmem>>
        %get3A_1305 = tpu.memref_squeeze %get3A_1304 : memref<1x256x64xi32, #tpu.memory_space<vmem>> -> memref<256x64xi32, #tpu.memory_space<vmem>>
        %get3A_1306 = arith.index_cast %add3A_1286 : i32 to index
        %get3A_1307 = arith.constant 16 : index
        %get3A_1308 = tpu.vector_load %get3A_1305[%get3A_1306, %get3A_1307] {strides = array<i32>} : memref<256x64xi32, #tpu.memory_space<vmem>>, vector<16xi32>,
        %shift_left3A_1309 = arith.constant 16 : i32
        %shift_left3A_1310 = vector.broadcast %shift_left3A_1309 : i32 to vector<16xi32>
        %shift_left3A_1311 = arith.shli %get3A_1308, %shift_left3A_1310 : vector<16xi32>
        %bitcast3A_1312 = vector.bitcast %shift_left3A_1311 : vector<16xi32> to vector<16xf32>
        %and3A_1313 = arith.andi %get3A_1308, %broadcast_in_dim3A_206 : vector<16xi32>
        %bitcast3A_1314 = vector.bitcast %and3A_1313 : vector<16xi32> to vector<16xf32>
        %mul3A_1315 = arith.mulf %bitcast3A_1312, %select_n3A_162 : vector<16xf32>
        %mul3A_1316 = arith.mulf %bitcast3A_1314, %select_n3A_190 : vector<16xf32>
        %get3A_1317 = arith.constant 0 : i32
        %get3A_1318 = arith.constant 0 : i32
        %get3A_1319 = tpu.memref_slice %arg10[%scan3A_208, %get3A_1317, %get3A_1318] : memref<2x256x64xi32, #tpu.memory_space<vmem>> -> memref<1x256x64xi32, #tpu.memory_space<vmem>>
        %get3A_1320 = tpu.memref_squeeze %get3A_1319 : memref<1x256x64xi32, #tpu.memory_space<vmem>> -> memref<256x64xi32, #tpu.memory_space<vmem>>
        %get3A_1321 = arith.index_cast %add3A_1286 : i32 to index
        %get3A_1322 = arith.constant 32 : index
        %get3A_1323 = tpu.vector_load %get3A_1320[%get3A_1321, %get3A_1322] {strides = array<i32>} : memref<256x64xi32, #tpu.memory_space<vmem>>, vector<16xi32>,
        %shift_left3A_1324 = arith.constant 16 : i32
        %shift_left3A_1325 = vector.broadcast %shift_left3A_1324 : i32 to vector<16xi32>
        %shift_left3A_1326 = arith.shli %get3A_1323, %shift_left3A_1325 : vector<16xi32>
        %bitcast3A_1327 = vector.bitcast %shift_left3A_1326 : vector<16xi32> to vector<16xf32>
        %and3A_1328 = arith.andi %get3A_1323, %broadcast_in_dim3A_206 : vector<16xi32>
        %bitcast3A_1329 = vector.bitcast %and3A_1328 : vector<16xi32> to vector<16xf32>
        %mul3A_1330 = arith.mulf %bitcast3A_1327, %select_n3A_169 : vector<16xf32>
        %mul3A_1331 = arith.mulf %bitcast3A_1329, %select_n3A_197 : vector<16xf32>
        %get3A_1332 = arith.constant 0 : i32
        %get3A_1333 = arith.constant 0 : i32
        %get3A_1334 = tpu.memref_slice %arg10[%scan3A_208, %get3A_1332, %get3A_1333] : memref<2x256x64xi32, #tpu.memory_space<vmem>> -> memref<1x256x64xi32, #tpu.memory_space<vmem>>
        %get3A_1335 = tpu.memref_squeeze %get3A_1334 : memref<1x256x64xi32, #tpu.memory_space<vmem>> -> memref<256x64xi32, #tpu.memory_space<vmem>>
        %get3A_1336 = arith.index_cast %add3A_1286 : i32 to index
        %get3A_1337 = arith.constant 48 : index
        %get3A_1338 = tpu.vector_load %get3A_1335[%get3A_1336, %get3A_1337] {strides = array<i32>} : memref<256x64xi32, #tpu.memory_space<vmem>>, vector<16xi32>,
        %shift_left3A_1339 = arith.constant 16 : i32
        %shift_left3A_1340 = vector.broadcast %shift_left3A_1339 : i32 to vector<16xi32>
        %shift_left3A_1341 = arith.shli %get3A_1338, %shift_left3A_1340 : vector<16xi32>
        %bitcast3A_1342 = vector.bitcast %shift_left3A_1341 : vector<16xi32> to vector<16xf32>
        %and3A_1343 = arith.andi %get3A_1338, %broadcast_in_dim3A_206 : vector<16xi32>
        %bitcast3A_1344 = vector.bitcast %and3A_1343 : vector<16xi32> to vector<16xf32>
        %mul3A_1345 = arith.mulf %bitcast3A_1342, %select_n3A_176 : vector<16xf32>
        %mul3A_1346 = arith.mulf %bitcast3A_1344, %select_n3A_204 : vector<16xf32>
        %add3A_1347 = arith.addf %mul3A_1300, %mul3A_1301 : vector<16xf32>
        %add3A_1348 = arith.addf %mul3A_1315, %mul3A_1316 : vector<16xf32>
        %add3A_1349 = arith.addf %mul3A_1330, %mul3A_1331 : vector<16xf32>
        %add3A_1350 = arith.addf %mul3A_1345, %mul3A_1346 : vector<16xf32>
        %add3A_1351 = arith.addf %add3A_1347, %add3A_1348 : vector<16xf32>
        %add3A_1352 = arith.addf %add3A_1349, %add3A_1350 : vector<16xf32>
        %add3A_1353 = arith.addf %add3A_1351, %add3A_1352 : vector<16xf32>
        %broadcast_in_dim3A_1354 = vector.shape_cast %xor3A_13 : vector<16xi32> to vector<16x1xi32>
        %gather3A_1355 = vector.shape_cast %broadcast_in_dim3A_1354 : vector<16x1xi32> to vector<16xi32>
        %gather3A_1356 = tpu.dynamic_gather %add3A_1353[%gather3A_1355] in [0] : vector<16xf32>, vector<16xi32> -> vector<16xf32>
        %add3A_1357 = arith.addf %add3A_1353, %gather3A_1356 : vector<16xf32>
        %broadcast_in_dim3A_1358 = vector.shape_cast %xor3A_16 : vector<16xi32> to vector<16x1xi32>
        %gather3A_1359 = vector.shape_cast %broadcast_in_dim3A_1358 : vector<16x1xi32> to vector<16xi32>
        %gather3A_1360 = tpu.dynamic_gather %add3A_1357[%gather3A_1359] in [0] : vector<16xf32>, vector<16xi32> -> vector<16xf32>
        %add3A_1361 = arith.addf %add3A_1357, %gather3A_1360 : vector<16xf32>
        %broadcast_in_dim3A_1362 = vector.shape_cast %xor3A_19 : vector<16xi32> to vector<16x1xi32>
        %gather3A_1363 = vector.shape_cast %broadcast_in_dim3A_1362 : vector<16x1xi32> to vector<16xi32>
        %gather3A_1364 = tpu.dynamic_gather %add3A_1361[%gather3A_1363] in [0] : vector<16xf32>, vector<16xi32> -> vector<16xf32>
        %add3A_1365 = arith.addf %add3A_1361, %gather3A_1364 : vector<16xf32>
        %broadcast_in_dim3A_1366 = vector.shape_cast %xor3A_22 : vector<16xi32> to vector<16x1xi32>
        %gather3A_1367 = vector.shape_cast %broadcast_in_dim3A_1366 : vector<16x1xi32> to vector<16xi32>
        %gather3A_1368 = tpu.dynamic_gather %add3A_1365[%gather3A_1367] in [0] : vector<16xf32>, vector<16xi32> -> vector<16xf32>
        %add3A_1369 = arith.addf %add3A_1365, %gather3A_1368 : vector<16xf32>
        %eq3A_1370 = arith.constant 10 : i32
        %eq3A_1371 = vector.broadcast %eq3A_1370 : i32 to vector<16xi32>
        %eq3A_1372 = arith.cmpi eq, %iota3A, %eq3A_1371 : vector<16xi32>
        %select_n3A_1373 = arith.select %eq3A_1372, %add3A_1369, %select_n3A_1282 : vector<16xi1>, vector<16xf32>
        %mul3A_1374 = arith.constant 16 : i32
        %mul3A_1375 = arith.muli %scan3A_379, %mul3A_1374 : i32
        %add3A_1376 = arith.constant 11 : i32
        %add3A_1377 = arith.addi %mul3A_1375, %add3A_1376 : i32
        %get3A_1378 = arith.constant 0 : i32
        %get3A_1379 = arith.constant 0 : i32
        %get3A_1380 = tpu.memref_slice %arg10[%scan3A_208, %get3A_1378, %get3A_1379] : memref<2x256x64xi32, #tpu.memory_space<vmem>> -> memref<1x256x64xi32, #tpu.memory_space<vmem>>
        %get3A_1381 = tpu.memref_squeeze %get3A_1380 : memref<1x256x64xi32, #tpu.memory_space<vmem>> -> memref<256x64xi32, #tpu.memory_space<vmem>>
        %get3A_1382 = arith.index_cast %add3A_1377 : i32 to index
        %get3A_1383 = arith.constant 0 : index
        %get3A_1384 = tpu.vector_load %get3A_1381[%get3A_1382, %get3A_1383] {strides = array<i32>} : memref<256x64xi32, #tpu.memory_space<vmem>>, vector<16xi32>,
        %shift_left3A_1385 = arith.constant 16 : i32
        %shift_left3A_1386 = vector.broadcast %shift_left3A_1385 : i32 to vector<16xi32>
        %shift_left3A_1387 = arith.shli %get3A_1384, %shift_left3A_1386 : vector<16xi32>
        %bitcast3A_1388 = vector.bitcast %shift_left3A_1387 : vector<16xi32> to vector<16xf32>
        %and3A_1389 = arith.andi %get3A_1384, %broadcast_in_dim3A_206 : vector<16xi32>
        %bitcast3A_1390 = vector.bitcast %and3A_1389 : vector<16xi32> to vector<16xf32>
        %mul3A_1391 = arith.mulf %bitcast3A_1388, %select_n3A : vector<16xf32>
        %mul3A_1392 = arith.mulf %bitcast3A_1390, %select_n3A_183 : vector<16xf32>
        %get3A_1393 = arith.constant 0 : i32
        %get3A_1394 = arith.constant 0 : i32
        %get3A_1395 = tpu.memref_slice %arg10[%scan3A_208, %get3A_1393, %get3A_1394] : memref<2x256x64xi32, #tpu.memory_space<vmem>> -> memref<1x256x64xi32, #tpu.memory_space<vmem>>
        %get3A_1396 = tpu.memref_squeeze %get3A_1395 : memref<1x256x64xi32, #tpu.memory_space<vmem>> -> memref<256x64xi32, #tpu.memory_space<vmem>>
        %get3A_1397 = arith.index_cast %add3A_1377 : i32 to index
        %get3A_1398 = arith.constant 16 : index
        %get3A_1399 = tpu.vector_load %get3A_1396[%get3A_1397, %get3A_1398] {strides = array<i32>} : memref<256x64xi32, #tpu.memory_space<vmem>>, vector<16xi32>,
        %shift_left3A_1400 = arith.constant 16 : i32
        %shift_left3A_1401 = vector.broadcast %shift_left3A_1400 : i32 to vector<16xi32>
        %shift_left3A_1402 = arith.shli %get3A_1399, %shift_left3A_1401 : vector<16xi32>
        %bitcast3A_1403 = vector.bitcast %shift_left3A_1402 : vector<16xi32> to vector<16xf32>
        %and3A_1404 = arith.andi %get3A_1399, %broadcast_in_dim3A_206 : vector<16xi32>
        %bitcast3A_1405 = vector.bitcast %and3A_1404 : vector<16xi32> to vector<16xf32>
        %mul3A_1406 = arith.mulf %bitcast3A_1403, %select_n3A_162 : vector<16xf32>
        %mul3A_1407 = arith.mulf %bitcast3A_1405, %select_n3A_190 : vector<16xf32>
        %get3A_1408 = arith.constant 0 : i32
        %get3A_1409 = arith.constant 0 : i32
        %get3A_1410 = tpu.memref_slice %arg10[%scan3A_208, %get3A_1408, %get3A_1409] : memref<2x256x64xi32, #tpu.memory_space<vmem>> -> memref<1x256x64xi32, #tpu.memory_space<vmem>>
        %get3A_1411 = tpu.memref_squeeze %get3A_1410 : memref<1x256x64xi32, #tpu.memory_space<vmem>> -> memref<256x64xi32, #tpu.memory_space<vmem>>
        %get3A_1412 = arith.index_cast %add3A_1377 : i32 to index
        %get3A_1413 = arith.constant 32 : index
        %get3A_1414 = tpu.vector_load %get3A_1411[%get3A_1412, %get3A_1413] {strides = array<i32>} : memref<256x64xi32, #tpu.memory_space<vmem>>, vector<16xi32>,
        %shift_left3A_1415 = arith.constant 16 : i32
        %shift_left3A_1416 = vector.broadcast %shift_left3A_1415 : i32 to vector<16xi32>
        %shift_left3A_1417 = arith.shli %get3A_1414, %shift_left3A_1416 : vector<16xi32>
        %bitcast3A_1418 = vector.bitcast %shift_left3A_1417 : vector<16xi32> to vector<16xf32>
        %and3A_1419 = arith.andi %get3A_1414, %broadcast_in_dim3A_206 : vector<16xi32>
        %bitcast3A_1420 = vector.bitcast %and3A_1419 : vector<16xi32> to vector<16xf32>
        %mul3A_1421 = arith.mulf %bitcast3A_1418, %select_n3A_169 : vector<16xf32>
        %mul3A_1422 = arith.mulf %bitcast3A_1420, %select_n3A_197 : vector<16xf32>
        %get3A_1423 = arith.constant 0 : i32
        %get3A_1424 = arith.constant 0 : i32
        %get3A_1425 = tpu.memref_slice %arg10[%scan3A_208, %get3A_1423, %get3A_1424] : memref<2x256x64xi32, #tpu.memory_space<vmem>> -> memref<1x256x64xi32, #tpu.memory_space<vmem>>
        %get3A_1426 = tpu.memref_squeeze %get3A_1425 : memref<1x256x64xi32, #tpu.memory_space<vmem>> -> memref<256x64xi32, #tpu.memory_space<vmem>>
        %get3A_1427 = arith.index_cast %add3A_1377 : i32 to index
        %get3A_1428 = arith.constant 48 : index
        %get3A_1429 = tpu.vector_load %get3A_1426[%get3A_1427, %get3A_1428] {strides = array<i32>} : memref<256x64xi32, #tpu.memory_space<vmem>>, vector<16xi32>,
        %shift_left3A_1430 = arith.constant 16 : i32
        %shift_left3A_1431 = vector.broadcast %shift_left3A_1430 : i32 to vector<16xi32>
        %shift_left3A_1432 = arith.shli %get3A_1429, %shift_left3A_1431 : vector<16xi32>
        %bitcast3A_1433 = vector.bitcast %shift_left3A_1432 : vector<16xi32> to vector<16xf32>
        %and3A_1434 = arith.andi %get3A_1429, %broadcast_in_dim3A_206 : vector<16xi32>
        %bitcast3A_1435 = vector.bitcast %and3A_1434 : vector<16xi32> to vector<16xf32>
        %mul3A_1436 = arith.mulf %bitcast3A_1433, %select_n3A_176 : vector<16xf32>
        %mul3A_1437 = arith.mulf %bitcast3A_1435, %select_n3A_204 : vector<16xf32>
        %add3A_1438 = arith.addf %mul3A_1391, %mul3A_1392 : vector<16xf32>
        %add3A_1439 = arith.addf %mul3A_1406, %mul3A_1407 : vector<16xf32>
        %add3A_1440 = arith.addf %mul3A_1421, %mul3A_1422 : vector<16xf32>
        %add3A_1441 = arith.addf %mul3A_1436, %mul3A_1437 : vector<16xf32>
        %add3A_1442 = arith.addf %add3A_1438, %add3A_1439 : vector<16xf32>
        %add3A_1443 = arith.addf %add3A_1440, %add3A_1441 : vector<16xf32>
        %add3A_1444 = arith.addf %add3A_1442, %add3A_1443 : vector<16xf32>
        %broadcast_in_dim3A_1445 = vector.shape_cast %xor3A_13 : vector<16xi32> to vector<16x1xi32>
        %gather3A_1446 = vector.shape_cast %broadcast_in_dim3A_1445 : vector<16x1xi32> to vector<16xi32>
        %gather3A_1447 = tpu.dynamic_gather %add3A_1444[%gather3A_1446] in [0] : vector<16xf32>, vector<16xi32> -> vector<16xf32>
        %add3A_1448 = arith.addf %add3A_1444, %gather3A_1447 : vector<16xf32>
        %broadcast_in_dim3A_1449 = vector.shape_cast %xor3A_16 : vector<16xi32> to vector<16x1xi32>
        %gather3A_1450 = vector.shape_cast %broadcast_in_dim3A_1449 : vector<16x1xi32> to vector<16xi32>
        %gather3A_1451 = tpu.dynamic_gather %add3A_1448[%gather3A_1450] in [0] : vector<16xf32>, vector<16xi32> -> vector<16xf32>
        %add3A_1452 = arith.addf %add3A_1448, %gather3A_1451 : vector<16xf32>
        %broadcast_in_dim3A_1453 = vector.shape_cast %xor3A_19 : vector<16xi32> to vector<16x1xi32>
        %gather3A_1454 = vector.shape_cast %broadcast_in_dim3A_1453 : vector<16x1xi32> to vector<16xi32>
        %gather3A_1455 = tpu.dynamic_gather %add3A_1452[%gather3A_1454] in [0] : vector<16xf32>, vector<16xi32> -> vector<16xf32>
        %add3A_1456 = arith.addf %add3A_1452, %gather3A_1455 : vector<16xf32>
        %broadcast_in_dim3A_1457 = vector.shape_cast %xor3A_22 : vector<16xi32> to vector<16x1xi32>
        %gather3A_1458 = vector.shape_cast %broadcast_in_dim3A_1457 : vector<16x1xi32> to vector<16xi32>
        %gather3A_1459 = tpu.dynamic_gather %add3A_1456[%gather3A_1458] in [0] : vector<16xf32>, vector<16xi32> -> vector<16xf32>
        %add3A_1460 = arith.addf %add3A_1456, %gather3A_1459 : vector<16xf32>
        %eq3A_1461 = arith.constant 11 : i32
        %eq3A_1462 = vector.broadcast %eq3A_1461 : i32 to vector<16xi32>
        %eq3A_1463 = arith.cmpi eq, %iota3A, %eq3A_1462 : vector<16xi32>
        %select_n3A_1464 = arith.select %eq3A_1463, %add3A_1460, %select_n3A_1373 : vector<16xi1>, vector<16xf32>
        %mul3A_1465 = arith.constant 16 : i32
        %mul3A_1466 = arith.muli %scan3A_379, %mul3A_1465 : i32
        %add3A_1467 = arith.constant 12 : i32
        %add3A_1468 = arith.addi %mul3A_1466, %add3A_1467 : i32
        %get3A_1469 = arith.constant 0 : i32
        %get3A_1470 = arith.constant 0 : i32
        %get3A_1471 = tpu.memref_slice %arg10[%scan3A_208, %get3A_1469, %get3A_1470] : memref<2x256x64xi32, #tpu.memory_space<vmem>> -> memref<1x256x64xi32, #tpu.memory_space<vmem>>
        %get3A_1472 = tpu.memref_squeeze %get3A_1471 : memref<1x256x64xi32, #tpu.memory_space<vmem>> -> memref<256x64xi32, #tpu.memory_space<vmem>>
        %get3A_1473 = arith.index_cast %add3A_1468 : i32 to index
        %get3A_1474 = arith.constant 0 : index
        %get3A_1475 = tpu.vector_load %get3A_1472[%get3A_1473, %get3A_1474] {strides = array<i32>} : memref<256x64xi32, #tpu.memory_space<vmem>>, vector<16xi32>,
        %shift_left3A_1476 = arith.constant 16 : i32
        %shift_left3A_1477 = vector.broadcast %shift_left3A_1476 : i32 to vector<16xi32>
        %shift_left3A_1478 = arith.shli %get3A_1475, %shift_left3A_1477 : vector<16xi32>
        %bitcast3A_1479 = vector.bitcast %shift_left3A_1478 : vector<16xi32> to vector<16xf32>
        %and3A_1480 = arith.andi %get3A_1475, %broadcast_in_dim3A_206 : vector<16xi32>
        %bitcast3A_1481 = vector.bitcast %and3A_1480 : vector<16xi32> to vector<16xf32>
        %mul3A_1482 = arith.mulf %bitcast3A_1479, %select_n3A : vector<16xf32>
        %mul3A_1483 = arith.mulf %bitcast3A_1481, %select_n3A_183 : vector<16xf32>
        %get3A_1484 = arith.constant 0 : i32
        %get3A_1485 = arith.constant 0 : i32
        %get3A_1486 = tpu.memref_slice %arg10[%scan3A_208, %get3A_1484, %get3A_1485] : memref<2x256x64xi32, #tpu.memory_space<vmem>> -> memref<1x256x64xi32, #tpu.memory_space<vmem>>
        %get3A_1487 = tpu.memref_squeeze %get3A_1486 : memref<1x256x64xi32, #tpu.memory_space<vmem>> -> memref<256x64xi32, #tpu.memory_space<vmem>>
        %get3A_1488 = arith.index_cast %add3A_1468 : i32 to index
        %get3A_1489 = arith.constant 16 : index
        %get3A_1490 = tpu.vector_load %get3A_1487[%get3A_1488, %get3A_1489] {strides = array<i32>} : memref<256x64xi32, #tpu.memory_space<vmem>>, vector<16xi32>,
        %shift_left3A_1491 = arith.constant 16 : i32
        %shift_left3A_1492 = vector.broadcast %shift_left3A_1491 : i32 to vector<16xi32>
        %shift_left3A_1493 = arith.shli %get3A_1490, %shift_left3A_1492 : vector<16xi32>
        %bitcast3A_1494 = vector.bitcast %shift_left3A_1493 : vector<16xi32> to vector<16xf32>
        %and3A_1495 = arith.andi %get3A_1490, %broadcast_in_dim3A_206 : vector<16xi32>
        %bitcast3A_1496 = vector.bitcast %and3A_1495 : vector<16xi32> to vector<16xf32>
        %mul3A_1497 = arith.mulf %bitcast3A_1494, %select_n3A_162 : vector<16xf32>
        %mul3A_1498 = arith.mulf %bitcast3A_1496, %select_n3A_190 : vector<16xf32>
        %get3A_1499 = arith.constant 0 : i32
        %get3A_1500 = arith.constant 0 : i32
        %get3A_1501 = tpu.memref_slice %arg10[%scan3A_208, %get3A_1499, %get3A_1500] : memref<2x256x64xi32, #tpu.memory_space<vmem>> -> memref<1x256x64xi32, #tpu.memory_space<vmem>>
        %get3A_1502 = tpu.memref_squeeze %get3A_1501 : memref<1x256x64xi32, #tpu.memory_space<vmem>> -> memref<256x64xi32, #tpu.memory_space<vmem>>
        %get3A_1503 = arith.index_cast %add3A_1468 : i32 to index
        %get3A_1504 = arith.constant 32 : index
        %get3A_1505 = tpu.vector_load %get3A_1502[%get3A_1503, %get3A_1504] {strides = array<i32>} : memref<256x64xi32, #tpu.memory_space<vmem>>, vector<16xi32>,
        %shift_left3A_1506 = arith.constant 16 : i32
        %shift_left3A_1507 = vector.broadcast %shift_left3A_1506 : i32 to vector<16xi32>
        %shift_left3A_1508 = arith.shli %get3A_1505, %shift_left3A_1507 : vector<16xi32>
        %bitcast3A_1509 = vector.bitcast %shift_left3A_1508 : vector<16xi32> to vector<16xf32>
        %and3A_1510 = arith.andi %get3A_1505, %broadcast_in_dim3A_206 : vector<16xi32>
        %bitcast3A_1511 = vector.bitcast %and3A_1510 : vector<16xi32> to vector<16xf32>
        %mul3A_1512 = arith.mulf %bitcast3A_1509, %select_n3A_169 : vector<16xf32>
        %mul3A_1513 = arith.mulf %bitcast3A_1511, %select_n3A_197 : vector<16xf32>
        %get3A_1514 = arith.constant 0 : i32
        %get3A_1515 = arith.constant 0 : i32
        %get3A_1516 = tpu.memref_slice %arg10[%scan3A_208, %get3A_1514, %get3A_1515] : memref<2x256x64xi32, #tpu.memory_space<vmem>> -> memref<1x256x64xi32, #tpu.memory_space<vmem>>
        %get3A_1517 = tpu.memref_squeeze %get3A_1516 : memref<1x256x64xi32, #tpu.memory_space<vmem>> -> memref<256x64xi32, #tpu.memory_space<vmem>>
        %get3A_1518 = arith.index_cast %add3A_1468 : i32 to index
        %get3A_1519 = arith.constant 48 : index
        %get3A_1520 = tpu.vector_load %get3A_1517[%get3A_1518, %get3A_1519] {strides = array<i32>} : memref<256x64xi32, #tpu.memory_space<vmem>>, vector<16xi32>,
        %shift_left3A_1521 = arith.constant 16 : i32
        %shift_left3A_1522 = vector.broadcast %shift_left3A_1521 : i32 to vector<16xi32>
        %shift_left3A_1523 = arith.shli %get3A_1520, %shift_left3A_1522 : vector<16xi32>
        %bitcast3A_1524 = vector.bitcast %shift_left3A_1523 : vector<16xi32> to vector<16xf32>
        %and3A_1525 = arith.andi %get3A_1520, %broadcast_in_dim3A_206 : vector<16xi32>
        %bitcast3A_1526 = vector.bitcast %and3A_1525 : vector<16xi32> to vector<16xf32>
        %mul3A_1527 = arith.mulf %bitcast3A_1524, %select_n3A_176 : vector<16xf32>
        %mul3A_1528 = arith.mulf %bitcast3A_1526, %select_n3A_204 : vector<16xf32>
        %add3A_1529 = arith.addf %mul3A_1482, %mul3A_1483 : vector<16xf32>
        %add3A_1530 = arith.addf %mul3A_1497, %mul3A_1498 : vector<16xf32>
        %add3A_1531 = arith.addf %mul3A_1512, %mul3A_1513 : vector<16xf32>
        %add3A_1532 = arith.addf %mul3A_1527, %mul3A_1528 : vector<16xf32>
        %add3A_1533 = arith.addf %add3A_1529, %add3A_1530 : vector<16xf32>
        %add3A_1534 = arith.addf %add3A_1531, %add3A_1532 : vector<16xf32>
        %add3A_1535 = arith.addf %add3A_1533, %add3A_1534 : vector<16xf32>
        %broadcast_in_dim3A_1536 = vector.shape_cast %xor3A_13 : vector<16xi32> to vector<16x1xi32>
        %gather3A_1537 = vector.shape_cast %broadcast_in_dim3A_1536 : vector<16x1xi32> to vector<16xi32>
        %gather3A_1538 = tpu.dynamic_gather %add3A_1535[%gather3A_1537] in [0] : vector<16xf32>, vector<16xi32> -> vector<16xf32>
        %add3A_1539 = arith.addf %add3A_1535, %gather3A_1538 : vector<16xf32>
        %broadcast_in_dim3A_1540 = vector.shape_cast %xor3A_16 : vector<16xi32> to vector<16x1xi32>
        %gather3A_1541 = vector.shape_cast %broadcast_in_dim3A_1540 : vector<16x1xi32> to vector<16xi32>
        %gather3A_1542 = tpu.dynamic_gather %add3A_1539[%gather3A_1541] in [0] : vector<16xf32>, vector<16xi32> -> vector<16xf32>
        %add3A_1543 = arith.addf %add3A_1539, %gather3A_1542 : vector<16xf32>
        %broadcast_in_dim3A_1544 = vector.shape_cast %xor3A_19 : vector<16xi32> to vector<16x1xi32>
        %gather3A_1545 = vector.shape_cast %broadcast_in_dim3A_1544 : vector<16x1xi32> to vector<16xi32>
        %gather3A_1546 = tpu.dynamic_gather %add3A_1543[%gather3A_1545] in [0] : vector<16xf32>, vector<16xi32> -> vector<16xf32>
        %add3A_1547 = arith.addf %add3A_1543, %gather3A_1546 : vector<16xf32>
        %broadcast_in_dim3A_1548 = vector.shape_cast %xor3A_22 : vector<16xi32> to vector<16x1xi32>
        %gather3A_1549 = vector.shape_cast %broadcast_in_dim3A_1548 : vector<16x1xi32> to vector<16xi32>
        %gather3A_1550 = tpu.dynamic_gather %add3A_1547[%gather3A_1549] in [0] : vector<16xf32>, vector<16xi32> -> vector<16xf32>
        %add3A_1551 = arith.addf %add3A_1547, %gather3A_1550 : vector<16xf32>
        %eq3A_1552 = arith.constant 12 : i32
        %eq3A_1553 = vector.broadcast %eq3A_1552 : i32 to vector<16xi32>
        %eq3A_1554 = arith.cmpi eq, %iota3A, %eq3A_1553 : vector<16xi32>
        %select_n3A_1555 = arith.select %eq3A_1554, %add3A_1551, %select_n3A_1464 : vector<16xi1>, vector<16xf32>
        %mul3A_1556 = arith.constant 16 : i32
        %mul3A_1557 = arith.muli %scan3A_379, %mul3A_1556 : i32
        %add3A_1558 = arith.constant 13 : i32
        %add3A_1559 = arith.addi %mul3A_1557, %add3A_1558 : i32
        %get3A_1560 = arith.constant 0 : i32
        %get3A_1561 = arith.constant 0 : i32
        %get3A_1562 = tpu.memref_slice %arg10[%scan3A_208, %get3A_1560, %get3A_1561] : memref<2x256x64xi32, #tpu.memory_space<vmem>> -> memref<1x256x64xi32, #tpu.memory_space<vmem>>
        %get3A_1563 = tpu.memref_squeeze %get3A_1562 : memref<1x256x64xi32, #tpu.memory_space<vmem>> -> memref<256x64xi32, #tpu.memory_space<vmem>>
        %get3A_1564 = arith.index_cast %add3A_1559 : i32 to index
        %get3A_1565 = arith.constant 0 : index
        %get3A_1566 = tpu.vector_load %get3A_1563[%get3A_1564, %get3A_1565] {strides = array<i32>} : memref<256x64xi32, #tpu.memory_space<vmem>>, vector<16xi32>,
        %shift_left3A_1567 = arith.constant 16 : i32
        %shift_left3A_1568 = vector.broadcast %shift_left3A_1567 : i32 to vector<16xi32>
        %shift_left3A_1569 = arith.shli %get3A_1566, %shift_left3A_1568 : vector<16xi32>
        %bitcast3A_1570 = vector.bitcast %shift_left3A_1569 : vector<16xi32> to vector<16xf32>
        %and3A_1571 = arith.andi %get3A_1566, %broadcast_in_dim3A_206 : vector<16xi32>
        %bitcast3A_1572 = vector.bitcast %and3A_1571 : vector<16xi32> to vector<16xf32>
        %mul3A_1573 = arith.mulf %bitcast3A_1570, %select_n3A : vector<16xf32>
        %mul3A_1574 = arith.mulf %bitcast3A_1572, %select_n3A_183 : vector<16xf32>
        %get3A_1575 = arith.constant 0 : i32
        %get3A_1576 = arith.constant 0 : i32
        %get3A_1577 = tpu.memref_slice %arg10[%scan3A_208, %get3A_1575, %get3A_1576] : memref<2x256x64xi32, #tpu.memory_space<vmem>> -> memref<1x256x64xi32, #tpu.memory_space<vmem>>
        %get3A_1578 = tpu.memref_squeeze %get3A_1577 : memref<1x256x64xi32, #tpu.memory_space<vmem>> -> memref<256x64xi32, #tpu.memory_space<vmem>>
        %get3A_1579 = arith.index_cast %add3A_1559 : i32 to index
        %get3A_1580 = arith.constant 16 : index
        %get3A_1581 = tpu.vector_load %get3A_1578[%get3A_1579, %get3A_1580] {strides = array<i32>} : memref<256x64xi32, #tpu.memory_space<vmem>>, vector<16xi32>,
        %shift_left3A_1582 = arith.constant 16 : i32
        %shift_left3A_1583 = vector.broadcast %shift_left3A_1582 : i32 to vector<16xi32>
        %shift_left3A_1584 = arith.shli %get3A_1581, %shift_left3A_1583 : vector<16xi32>
        %bitcast3A_1585 = vector.bitcast %shift_left3A_1584 : vector<16xi32> to vector<16xf32>
        %and3A_1586 = arith.andi %get3A_1581, %broadcast_in_dim3A_206 : vector<16xi32>
        %bitcast3A_1587 = vector.bitcast %and3A_1586 : vector<16xi32> to vector<16xf32>
        %mul3A_1588 = arith.mulf %bitcast3A_1585, %select_n3A_162 : vector<16xf32>
        %mul3A_1589 = arith.mulf %bitcast3A_1587, %select_n3A_190 : vector<16xf32>
        %get3A_1590 = arith.constant 0 : i32
        %get3A_1591 = arith.constant 0 : i32
        %get3A_1592 = tpu.memref_slice %arg10[%scan3A_208, %get3A_1590, %get3A_1591] : memref<2x256x64xi32, #tpu.memory_space<vmem>> -> memref<1x256x64xi32, #tpu.memory_space<vmem>>
        %get3A_1593 = tpu.memref_squeeze %get3A_1592 : memref<1x256x64xi32, #tpu.memory_space<vmem>> -> memref<256x64xi32, #tpu.memory_space<vmem>>
        %get3A_1594 = arith.index_cast %add3A_1559 : i32 to index
        %get3A_1595 = arith.constant 32 : index
        %get3A_1596 = tpu.vector_load %get3A_1593[%get3A_1594, %get3A_1595] {strides = array<i32>} : memref<256x64xi32, #tpu.memory_space<vmem>>, vector<16xi32>,
        %shift_left3A_1597 = arith.constant 16 : i32
        %shift_left3A_1598 = vector.broadcast %shift_left3A_1597 : i32 to vector<16xi32>
        %shift_left3A_1599 = arith.shli %get3A_1596, %shift_left3A_1598 : vector<16xi32>
        %bitcast3A_1600 = vector.bitcast %shift_left3A_1599 : vector<16xi32> to vector<16xf32>
        %and3A_1601 = arith.andi %get3A_1596, %broadcast_in_dim3A_206 : vector<16xi32>
        %bitcast3A_1602 = vector.bitcast %and3A_1601 : vector<16xi32> to vector<16xf32>
        %mul3A_1603 = arith.mulf %bitcast3A_1600, %select_n3A_169 : vector<16xf32>
        %mul3A_1604 = arith.mulf %bitcast3A_1602, %select_n3A_197 : vector<16xf32>
        %get3A_1605 = arith.constant 0 : i32
        %get3A_1606 = arith.constant 0 : i32
        %get3A_1607 = tpu.memref_slice %arg10[%scan3A_208, %get3A_1605, %get3A_1606] : memref<2x256x64xi32, #tpu.memory_space<vmem>> -> memref<1x256x64xi32, #tpu.memory_space<vmem>>
        %get3A_1608 = tpu.memref_squeeze %get3A_1607 : memref<1x256x64xi32, #tpu.memory_space<vmem>> -> memref<256x64xi32, #tpu.memory_space<vmem>>
        %get3A_1609 = arith.index_cast %add3A_1559 : i32 to index
        %get3A_1610 = arith.constant 48 : index
        %get3A_1611 = tpu.vector_load %get3A_1608[%get3A_1609, %get3A_1610] {strides = array<i32>} : memref<256x64xi32, #tpu.memory_space<vmem>>, vector<16xi32>,
        %shift_left3A_1612 = arith.constant 16 : i32
        %shift_left3A_1613 = vector.broadcast %shift_left3A_1612 : i32 to vector<16xi32>
        %shift_left3A_1614 = arith.shli %get3A_1611, %shift_left3A_1613 : vector<16xi32>
        %bitcast3A_1615 = vector.bitcast %shift_left3A_1614 : vector<16xi32> to vector<16xf32>
        %and3A_1616 = arith.andi %get3A_1611, %broadcast_in_dim3A_206 : vector<16xi32>
        %bitcast3A_1617 = vector.bitcast %and3A_1616 : vector<16xi32> to vector<16xf32>
        %mul3A_1618 = arith.mulf %bitcast3A_1615, %select_n3A_176 : vector<16xf32>
        %mul3A_1619 = arith.mulf %bitcast3A_1617, %select_n3A_204 : vector<16xf32>
        %add3A_1620 = arith.addf %mul3A_1573, %mul3A_1574 : vector<16xf32>
        %add3A_1621 = arith.addf %mul3A_1588, %mul3A_1589 : vector<16xf32>
        %add3A_1622 = arith.addf %mul3A_1603, %mul3A_1604 : vector<16xf32>
        %add3A_1623 = arith.addf %mul3A_1618, %mul3A_1619 : vector<16xf32>
        %add3A_1624 = arith.addf %add3A_1620, %add3A_1621 : vector<16xf32>
        %add3A_1625 = arith.addf %add3A_1622, %add3A_1623 : vector<16xf32>
        %add3A_1626 = arith.addf %add3A_1624, %add3A_1625 : vector<16xf32>
        %broadcast_in_dim3A_1627 = vector.shape_cast %xor3A_13 : vector<16xi32> to vector<16x1xi32>
        %gather3A_1628 = vector.shape_cast %broadcast_in_dim3A_1627 : vector<16x1xi32> to vector<16xi32>
        %gather3A_1629 = tpu.dynamic_gather %add3A_1626[%gather3A_1628] in [0] : vector<16xf32>, vector<16xi32> -> vector<16xf32>
        %add3A_1630 = arith.addf %add3A_1626, %gather3A_1629 : vector<16xf32>
        %broadcast_in_dim3A_1631 = vector.shape_cast %xor3A_16 : vector<16xi32> to vector<16x1xi32>
        %gather3A_1632 = vector.shape_cast %broadcast_in_dim3A_1631 : vector<16x1xi32> to vector<16xi32>
        %gather3A_1633 = tpu.dynamic_gather %add3A_1630[%gather3A_1632] in [0] : vector<16xf32>, vector<16xi32> -> vector<16xf32>
        %add3A_1634 = arith.addf %add3A_1630, %gather3A_1633 : vector<16xf32>
        %broadcast_in_dim3A_1635 = vector.shape_cast %xor3A_19 : vector<16xi32> to vector<16x1xi32>
        %gather3A_1636 = vector.shape_cast %broadcast_in_dim3A_1635 : vector<16x1xi32> to vector<16xi32>
        %gather3A_1637 = tpu.dynamic_gather %add3A_1634[%gather3A_1636] in [0] : vector<16xf32>, vector<16xi32> -> vector<16xf32>
        %add3A_1638 = arith.addf %add3A_1634, %gather3A_1637 : vector<16xf32>
        %broadcast_in_dim3A_1639 = vector.shape_cast %xor3A_22 : vector<16xi32> to vector<16x1xi32>
        %gather3A_1640 = vector.shape_cast %broadcast_in_dim3A_1639 : vector<16x1xi32> to vector<16xi32>
        %gather3A_1641 = tpu.dynamic_gather %add3A_1638[%gather3A_1640] in [0] : vector<16xf32>, vector<16xi32> -> vector<16xf32>
        %add3A_1642 = arith.addf %add3A_1638, %gather3A_1641 : vector<16xf32>
        %eq3A_1643 = arith.constant 13 : i32
        %eq3A_1644 = vector.broadcast %eq3A_1643 : i32 to vector<16xi32>
        %eq3A_1645 = arith.cmpi eq, %iota3A, %eq3A_1644 : vector<16xi32>
        %select_n3A_1646 = arith.select %eq3A_1645, %add3A_1642, %select_n3A_1555 : vector<16xi1>, vector<16xf32>
        %mul3A_1647 = arith.constant 16 : i32
        %mul3A_1648 = arith.muli %scan3A_379, %mul3A_1647 : i32
        %add3A_1649 = arith.constant 14 : i32
        %add3A_1650 = arith.addi %mul3A_1648, %add3A_1649 : i32
        %get3A_1651 = arith.constant 0 : i32
        %get3A_1652 = arith.constant 0 : i32
        %get3A_1653 = tpu.memref_slice %arg10[%scan3A_208, %get3A_1651, %get3A_1652] : memref<2x256x64xi32, #tpu.memory_space<vmem>> -> memref<1x256x64xi32, #tpu.memory_space<vmem>>
        %get3A_1654 = tpu.memref_squeeze %get3A_1653 : memref<1x256x64xi32, #tpu.memory_space<vmem>> -> memref<256x64xi32, #tpu.memory_space<vmem>>
        %get3A_1655 = arith.index_cast %add3A_1650 : i32 to index
        %get3A_1656 = arith.constant 0 : index
        %get3A_1657 = tpu.vector_load %get3A_1654[%get3A_1655, %get3A_1656] {strides = array<i32>} : memref<256x64xi32, #tpu.memory_space<vmem>>, vector<16xi32>,
        %shift_left3A_1658 = arith.constant 16 : i32
        %shift_left3A_1659 = vector.broadcast %shift_left3A_1658 : i32 to vector<16xi32>
        %shift_left3A_1660 = arith.shli %get3A_1657, %shift_left3A_1659 : vector<16xi32>
        %bitcast3A_1661 = vector.bitcast %shift_left3A_1660 : vector<16xi32> to vector<16xf32>
        %and3A_1662 = arith.andi %get3A_1657, %broadcast_in_dim3A_206 : vector<16xi32>
        %bitcast3A_1663 = vector.bitcast %and3A_1662 : vector<16xi32> to vector<16xf32>
        %mul3A_1664 = arith.mulf %bitcast3A_1661, %select_n3A : vector<16xf32>
        %mul3A_1665 = arith.mulf %bitcast3A_1663, %select_n3A_183 : vector<16xf32>
        %get3A_1666 = arith.constant 0 : i32
        %get3A_1667 = arith.constant 0 : i32
        %get3A_1668 = tpu.memref_slice %arg10[%scan3A_208, %get3A_1666, %get3A_1667] : memref<2x256x64xi32, #tpu.memory_space<vmem>> -> memref<1x256x64xi32, #tpu.memory_space<vmem>>
        %get3A_1669 = tpu.memref_squeeze %get3A_1668 : memref<1x256x64xi32, #tpu.memory_space<vmem>> -> memref<256x64xi32, #tpu.memory_space<vmem>>
        %get3A_1670 = arith.index_cast %add3A_1650 : i32 to index
        %get3A_1671 = arith.constant 16 : index
        %get3A_1672 = tpu.vector_load %get3A_1669[%get3A_1670, %get3A_1671] {strides = array<i32>} : memref<256x64xi32, #tpu.memory_space<vmem>>, vector<16xi32>,
        %shift_left3A_1673 = arith.constant 16 : i32
        %shift_left3A_1674 = vector.broadcast %shift_left3A_1673 : i32 to vector<16xi32>
        %shift_left3A_1675 = arith.shli %get3A_1672, %shift_left3A_1674 : vector<16xi32>
        %bitcast3A_1676 = vector.bitcast %shift_left3A_1675 : vector<16xi32> to vector<16xf32>
        %and3A_1677 = arith.andi %get3A_1672, %broadcast_in_dim3A_206 : vector<16xi32>
        %bitcast3A_1678 = vector.bitcast %and3A_1677 : vector<16xi32> to vector<16xf32>
        %mul3A_1679 = arith.mulf %bitcast3A_1676, %select_n3A_162 : vector<16xf32>
        %mul3A_1680 = arith.mulf %bitcast3A_1678, %select_n3A_190 : vector<16xf32>
        %get3A_1681 = arith.constant 0 : i32
        %get3A_1682 = arith.constant 0 : i32
        %get3A_1683 = tpu.memref_slice %arg10[%scan3A_208, %get3A_1681, %get3A_1682] : memref<2x256x64xi32, #tpu.memory_space<vmem>> -> memref<1x256x64xi32, #tpu.memory_space<vmem>>
        %get3A_1684 = tpu.memref_squeeze %get3A_1683 : memref<1x256x64xi32, #tpu.memory_space<vmem>> -> memref<256x64xi32, #tpu.memory_space<vmem>>
        %get3A_1685 = arith.index_cast %add3A_1650 : i32 to index
        %get3A_1686 = arith.constant 32 : index
        %get3A_1687 = tpu.vector_load %get3A_1684[%get3A_1685, %get3A_1686] {strides = array<i32>} : memref<256x64xi32, #tpu.memory_space<vmem>>, vector<16xi32>,
        %shift_left3A_1688 = arith.constant 16 : i32
        %shift_left3A_1689 = vector.broadcast %shift_left3A_1688 : i32 to vector<16xi32>
        %shift_left3A_1690 = arith.shli %get3A_1687, %shift_left3A_1689 : vector<16xi32>
        %bitcast3A_1691 = vector.bitcast %shift_left3A_1690 : vector<16xi32> to vector<16xf32>
        %and3A_1692 = arith.andi %get3A_1687, %broadcast_in_dim3A_206 : vector<16xi32>
        %bitcast3A_1693 = vector.bitcast %and3A_1692 : vector<16xi32> to vector<16xf32>
        %mul3A_1694 = arith.mulf %bitcast3A_1691, %select_n3A_169 : vector<16xf32>
        %mul3A_1695 = arith.mulf %bitcast3A_1693, %select_n3A_197 : vector<16xf32>
        %get3A_1696 = arith.constant 0 : i32
        %get3A_1697 = arith.constant 0 : i32
        %get3A_1698 = tpu.memref_slice %arg10[%scan3A_208, %get3A_1696, %get3A_1697] : memref<2x256x64xi32, #tpu.memory_space<vmem>> -> memref<1x256x64xi32, #tpu.memory_space<vmem>>
        %get3A_1699 = tpu.memref_squeeze %get3A_1698 : memref<1x256x64xi32, #tpu.memory_space<vmem>> -> memref<256x64xi32, #tpu.memory_space<vmem>>
        %get3A_1700 = arith.index_cast %add3A_1650 : i32 to index
        %get3A_1701 = arith.constant 48 : index
        %get3A_1702 = tpu.vector_load %get3A_1699[%get3A_1700, %get3A_1701] {strides = array<i32>} : memref<256x64xi32, #tpu.memory_space<vmem>>, vector<16xi32>,
        %shift_left3A_1703 = arith.constant 16 : i32
        %shift_left3A_1704 = vector.broadcast %shift_left3A_1703 : i32 to vector<16xi32>
        %shift_left3A_1705 = arith.shli %get3A_1702, %shift_left3A_1704 : vector<16xi32>
        %bitcast3A_1706 = vector.bitcast %shift_left3A_1705 : vector<16xi32> to vector<16xf32>
        %and3A_1707 = arith.andi %get3A_1702, %broadcast_in_dim3A_206 : vector<16xi32>
        %bitcast3A_1708 = vector.bitcast %and3A_1707 : vector<16xi32> to vector<16xf32>
        %mul3A_1709 = arith.mulf %bitcast3A_1706, %select_n3A_176 : vector<16xf32>
        %mul3A_1710 = arith.mulf %bitcast3A_1708, %select_n3A_204 : vector<16xf32>
        %add3A_1711 = arith.addf %mul3A_1664, %mul3A_1665 : vector<16xf32>
        %add3A_1712 = arith.addf %mul3A_1679, %mul3A_1680 : vector<16xf32>
        %add3A_1713 = arith.addf %mul3A_1694, %mul3A_1695 : vector<16xf32>
        %add3A_1714 = arith.addf %mul3A_1709, %mul3A_1710 : vector<16xf32>
        %add3A_1715 = arith.addf %add3A_1711, %add3A_1712 : vector<16xf32>
        %add3A_1716 = arith.addf %add3A_1713, %add3A_1714 : vector<16xf32>
        %add3A_1717 = arith.addf %add3A_1715, %add3A_1716 : vector<16xf32>
        %broadcast_in_dim3A_1718 = vector.shape_cast %xor3A_13 : vector<16xi32> to vector<16x1xi32>
        %gather3A_1719 = vector.shape_cast %broadcast_in_dim3A_1718 : vector<16x1xi32> to vector<16xi32>
        %gather3A_1720 = tpu.dynamic_gather %add3A_1717[%gather3A_1719] in [0] : vector<16xf32>, vector<16xi32> -> vector<16xf32>
        %add3A_1721 = arith.addf %add3A_1717, %gather3A_1720 : vector<16xf32>
        %broadcast_in_dim3A_1722 = vector.shape_cast %xor3A_16 : vector<16xi32> to vector<16x1xi32>
        %gather3A_1723 = vector.shape_cast %broadcast_in_dim3A_1722 : vector<16x1xi32> to vector<16xi32>
        %gather3A_1724 = tpu.dynamic_gather %add3A_1721[%gather3A_1723] in [0] : vector<16xf32>, vector<16xi32> -> vector<16xf32>
        %add3A_1725 = arith.addf %add3A_1721, %gather3A_1724 : vector<16xf32>
        %broadcast_in_dim3A_1726 = vector.shape_cast %xor3A_19 : vector<16xi32> to vector<16x1xi32>
        %gather3A_1727 = vector.shape_cast %broadcast_in_dim3A_1726 : vector<16x1xi32> to vector<16xi32>
        %gather3A_1728 = tpu.dynamic_gather %add3A_1725[%gather3A_1727] in [0] : vector<16xf32>, vector<16xi32> -> vector<16xf32>
        %add3A_1729 = arith.addf %add3A_1725, %gather3A_1728 : vector<16xf32>
        %broadcast_in_dim3A_1730 = vector.shape_cast %xor3A_22 : vector<16xi32> to vector<16x1xi32>
        %gather3A_1731 = vector.shape_cast %broadcast_in_dim3A_1730 : vector<16x1xi32> to vector<16xi32>
        %gather3A_1732 = tpu.dynamic_gather %add3A_1729[%gather3A_1731] in [0] : vector<16xf32>, vector<16xi32> -> vector<16xf32>
        %add3A_1733 = arith.addf %add3A_1729, %gather3A_1732 : vector<16xf32>
        %eq3A_1734 = arith.constant 14 : i32
        %eq3A_1735 = vector.broadcast %eq3A_1734 : i32 to vector<16xi32>
        %eq3A_1736 = arith.cmpi eq, %iota3A, %eq3A_1735 : vector<16xi32>
        %select_n3A_1737 = arith.select %eq3A_1736, %add3A_1733, %select_n3A_1646 : vector<16xi1>, vector<16xf32>
        %mul3A_1738 = arith.constant 16 : i32
        %mul3A_1739 = arith.muli %scan3A_379, %mul3A_1738 : i32
        %add3A_1740 = arith.constant 15 : i32
        %add3A_1741 = arith.addi %mul3A_1739, %add3A_1740 : i32
        %get3A_1742 = arith.constant 0 : i32
        %get3A_1743 = arith.constant 0 : i32
        %get3A_1744 = tpu.memref_slice %arg10[%scan3A_208, %get3A_1742, %get3A_1743] : memref<2x256x64xi32, #tpu.memory_space<vmem>> -> memref<1x256x64xi32, #tpu.memory_space<vmem>>
        %get3A_1745 = tpu.memref_squeeze %get3A_1744 : memref<1x256x64xi32, #tpu.memory_space<vmem>> -> memref<256x64xi32, #tpu.memory_space<vmem>>
        %get3A_1746 = arith.index_cast %add3A_1741 : i32 to index
        %get3A_1747 = arith.constant 0 : index
        %get3A_1748 = tpu.vector_load %get3A_1745[%get3A_1746, %get3A_1747] {strides = array<i32>} : memref<256x64xi32, #tpu.memory_space<vmem>>, vector<16xi32>,
        %shift_left3A_1749 = arith.constant 16 : i32
        %shift_left3A_1750 = vector.broadcast %shift_left3A_1749 : i32 to vector<16xi32>
        %shift_left3A_1751 = arith.shli %get3A_1748, %shift_left3A_1750 : vector<16xi32>
        %bitcast3A_1752 = vector.bitcast %shift_left3A_1751 : vector<16xi32> to vector<16xf32>
        %and3A_1753 = arith.andi %get3A_1748, %broadcast_in_dim3A_206 : vector<16xi32>
        %bitcast3A_1754 = vector.bitcast %and3A_1753 : vector<16xi32> to vector<16xf32>
        %mul3A_1755 = arith.mulf %bitcast3A_1752, %select_n3A : vector<16xf32>
        %mul3A_1756 = arith.mulf %bitcast3A_1754, %select_n3A_183 : vector<16xf32>
        %get3A_1757 = arith.constant 0 : i32
        %get3A_1758 = arith.constant 0 : i32
        %get3A_1759 = tpu.memref_slice %arg10[%scan3A_208, %get3A_1757, %get3A_1758] : memref<2x256x64xi32, #tpu.memory_space<vmem>> -> memref<1x256x64xi32, #tpu.memory_space<vmem>>
        %get3A_1760 = tpu.memref_squeeze %get3A_1759 : memref<1x256x64xi32, #tpu.memory_space<vmem>> -> memref<256x64xi32, #tpu.memory_space<vmem>>
        %get3A_1761 = arith.index_cast %add3A_1741 : i32 to index
        %get3A_1762 = arith.constant 16 : index
        %get3A_1763 = tpu.vector_load %get3A_1760[%get3A_1761, %get3A_1762] {strides = array<i32>} : memref<256x64xi32, #tpu.memory_space<vmem>>, vector<16xi32>,
        %shift_left3A_1764 = arith.constant 16 : i32
        %shift_left3A_1765 = vector.broadcast %shift_left3A_1764 : i32 to vector<16xi32>
        %shift_left3A_1766 = arith.shli %get3A_1763, %shift_left3A_1765 : vector<16xi32>
        %bitcast3A_1767 = vector.bitcast %shift_left3A_1766 : vector<16xi32> to vector<16xf32>
        %and3A_1768 = arith.andi %get3A_1763, %broadcast_in_dim3A_206 : vector<16xi32>
        %bitcast3A_1769 = vector.bitcast %and3A_1768 : vector<16xi32> to vector<16xf32>
        %mul3A_1770 = arith.mulf %bitcast3A_1767, %select_n3A_162 : vector<16xf32>
        %mul3A_1771 = arith.mulf %bitcast3A_1769, %select_n3A_190 : vector<16xf32>
        %get3A_1772 = arith.constant 0 : i32
        %get3A_1773 = arith.constant 0 : i32
        %get3A_1774 = tpu.memref_slice %arg10[%scan3A_208, %get3A_1772, %get3A_1773] : memref<2x256x64xi32, #tpu.memory_space<vmem>> -> memref<1x256x64xi32, #tpu.memory_space<vmem>>
        %get3A_1775 = tpu.memref_squeeze %get3A_1774 : memref<1x256x64xi32, #tpu.memory_space<vmem>> -> memref<256x64xi32, #tpu.memory_space<vmem>>
        %get3A_1776 = arith.index_cast %add3A_1741 : i32 to index
        %get3A_1777 = arith.constant 32 : index
        %get3A_1778 = tpu.vector_load %get3A_1775[%get3A_1776, %get3A_1777] {strides = array<i32>} : memref<256x64xi32, #tpu.memory_space<vmem>>, vector<16xi32>,
        %shift_left3A_1779 = arith.constant 16 : i32
        %shift_left3A_1780 = vector.broadcast %shift_left3A_1779 : i32 to vector<16xi32>
        %shift_left3A_1781 = arith.shli %get3A_1778, %shift_left3A_1780 : vector<16xi32>
        %bitcast3A_1782 = vector.bitcast %shift_left3A_1781 : vector<16xi32> to vector<16xf32>
        %and3A_1783 = arith.andi %get3A_1778, %broadcast_in_dim3A_206 : vector<16xi32>
        %bitcast3A_1784 = vector.bitcast %and3A_1783 : vector<16xi32> to vector<16xf32>
        %mul3A_1785 = arith.mulf %bitcast3A_1782, %select_n3A_169 : vector<16xf32>
        %mul3A_1786 = arith.mulf %bitcast3A_1784, %select_n3A_197 : vector<16xf32>
        %get3A_1787 = arith.constant 0 : i32
        %get3A_1788 = arith.constant 0 : i32
        %get3A_1789 = tpu.memref_slice %arg10[%scan3A_208, %get3A_1787, %get3A_1788] : memref<2x256x64xi32, #tpu.memory_space<vmem>> -> memref<1x256x64xi32, #tpu.memory_space<vmem>>
        %get3A_1790 = tpu.memref_squeeze %get3A_1789 : memref<1x256x64xi32, #tpu.memory_space<vmem>> -> memref<256x64xi32, #tpu.memory_space<vmem>>
        %get3A_1791 = arith.index_cast %add3A_1741 : i32 to index
        %get3A_1792 = arith.constant 48 : index
        %get3A_1793 = tpu.vector_load %get3A_1790[%get3A_1791, %get3A_1792] {strides = array<i32>} : memref<256x64xi32, #tpu.memory_space<vmem>>, vector<16xi32>,
        %shift_left3A_1794 = arith.constant 16 : i32
        %shift_left3A_1795 = vector.broadcast %shift_left3A_1794 : i32 to vector<16xi32>
        %shift_left3A_1796 = arith.shli %get3A_1793, %shift_left3A_1795 : vector<16xi32>
        %bitcast3A_1797 = vector.bitcast %shift_left3A_1796 : vector<16xi32> to vector<16xf32>
        %and3A_1798 = arith.andi %get3A_1793, %broadcast_in_dim3A_206 : vector<16xi32>
        %bitcast3A_1799 = vector.bitcast %and3A_1798 : vector<16xi32> to vector<16xf32>
        %mul3A_1800 = arith.mulf %bitcast3A_1797, %select_n3A_176 : vector<16xf32>
        %mul3A_1801 = arith.mulf %bitcast3A_1799, %select_n3A_204 : vector<16xf32>
        %add3A_1802 = arith.addf %mul3A_1755, %mul3A_1756 : vector<16xf32>
        %add3A_1803 = arith.addf %mul3A_1770, %mul3A_1771 : vector<16xf32>
        %add3A_1804 = arith.addf %mul3A_1785, %mul3A_1786 : vector<16xf32>
        %add3A_1805 = arith.addf %mul3A_1800, %mul3A_1801 : vector<16xf32>
        %add3A_1806 = arith.addf %add3A_1802, %add3A_1803 : vector<16xf32>
        %add3A_1807 = arith.addf %add3A_1804, %add3A_1805 : vector<16xf32>
        %add3A_1808 = arith.addf %add3A_1806, %add3A_1807 : vector<16xf32>
        %broadcast_in_dim3A_1809 = vector.shape_cast %xor3A_13 : vector<16xi32> to vector<16x1xi32>
        %gather3A_1810 = vector.shape_cast %broadcast_in_dim3A_1809 : vector<16x1xi32> to vector<16xi32>
        %gather3A_1811 = tpu.dynamic_gather %add3A_1808[%gather3A_1810] in [0] : vector<16xf32>, vector<16xi32> -> vector<16xf32>
        %add3A_1812 = arith.addf %add3A_1808, %gather3A_1811 : vector<16xf32>
        %broadcast_in_dim3A_1813 = vector.shape_cast %xor3A_16 : vector<16xi32> to vector<16x1xi32>
        %gather3A_1814 = vector.shape_cast %broadcast_in_dim3A_1813 : vector<16x1xi32> to vector<16xi32>
        %gather3A_1815 = tpu.dynamic_gather %add3A_1812[%gather3A_1814] in [0] : vector<16xf32>, vector<16xi32> -> vector<16xf32>
        %add3A_1816 = arith.addf %add3A_1812, %gather3A_1815 : vector<16xf32>
        %broadcast_in_dim3A_1817 = vector.shape_cast %xor3A_19 : vector<16xi32> to vector<16x1xi32>
        %gather3A_1818 = vector.shape_cast %broadcast_in_dim3A_1817 : vector<16x1xi32> to vector<16xi32>
        %gather3A_1819 = tpu.dynamic_gather %add3A_1816[%gather3A_1818] in [0] : vector<16xf32>, vector<16xi32> -> vector<16xf32>
        %add3A_1820 = arith.addf %add3A_1816, %gather3A_1819 : vector<16xf32>
        %broadcast_in_dim3A_1821 = vector.shape_cast %xor3A_22 : vector<16xi32> to vector<16x1xi32>
        %gather3A_1822 = vector.shape_cast %broadcast_in_dim3A_1821 : vector<16x1xi32> to vector<16xi32>
        %gather3A_1823 = tpu.dynamic_gather %add3A_1820[%gather3A_1822] in [0] : vector<16xf32>, vector<16xi32> -> vector<16xf32>
        %add3A_1824 = arith.addf %add3A_1820, %gather3A_1823 : vector<16xf32>
        %eq3A_1825 = arith.constant 15 : i32
        %eq3A_1826 = vector.broadcast %eq3A_1825 : i32 to vector<16xi32>
        %eq3A_1827 = arith.cmpi eq, %iota3A, %eq3A_1826 : vector<16xi32>
        %select_n3A_1828 = arith.select %eq3A_1827, %add3A_1824, %select_n3A_1737 : vector<16xi1>, vector<16xf32>
        %mul3A_1829 = arith.constant 16 : i32
        %mul3A_1830 = arith.muli %scan3A_379, %mul3A_1829 : i32
        %multiple_of3A_1831 = tpu.assume_multiple %mul3A_1830, 8 : i32
        %swap3A = arith.constant 0 : i32
        %swap3A_1832 = arith.index_cast %swap3A : i32 to index
        %swap3A_1833 = arith.index_cast %multiple_of3A_1831 : i32 to index
        %swap3A_1834 = tpu.vector_load %arg11[%swap3A_1832, %swap3A_1833] {strides = array<i32>} : memref<2x256xf32, #tpu.memory_space<vmem>>, vector<16xf32>,
        tpu.vector_store %arg11[%swap3A_1832, %swap3A_1833], %select_n3A_1828 {strides = array<i32>} : memref<2x256xf32, #tpu.memory_space<vmem>>, vector<16xf32>,
      }
      %scan3A_213 = arith.constant 16 : i32
      %add3A_214 = arith.addi %multiple_of3A, %add3A_102 : i32
      %mul3A_215 = arith.constant 256 : i32
      %mul3A_216 = arith.muli %add3A_214, %mul3A_215 : i32
      %multiple_of3A_217 = tpu.assume_multiple %mul3A_216, 8 : i32
      %dma_start3A_218 = arith.constant 0 : i32
      %dma_start3A_219 = arith.constant 0 : i32
      %dma_start3A_220 = tpu.memref_slice %arg11[%dma_start3A_218, %dma_start3A_219] : memref<2x256xf32, #tpu.memory_space<vmem>> -> memref<1x256xf32, #tpu.memory_space<vmem>>
      %dma_start3A_221 = tpu.memref_squeeze %dma_start3A_220 : memref<1x256xf32, #tpu.memory_space<vmem>> -> memref<256xf32, #tpu.memory_space<vmem>>
      %dma_start3A_222 = tpu.memref_slice %arg6[%multiple_of3A_217] : memref<1048576xf32, #tpu.memory_space<hbm>> -> memref<256xf32, #tpu.memory_space<hbm>>
      %dma_start3A_223 = tpu.memref_slice %arg6[%multiple_of3A_217] : memref<1048576xf32, #tpu.memory_space<hbm>> -> memref<256xf32, #tpu.memory_space<hbm>>
      %dma_start3A_224 = arith.constant 0 : i32
      %dma_start3A_225 = tpu.memref_slice %arg11[%dma_start3A_218, %dma_start3A_224] : memref<2x256xf32, #tpu.memory_space<vmem>> -> memref<1x256xf32, #tpu.memory_space<vmem>>
      %dma_start3A_226 = tpu.memref_squeeze %dma_start3A_225 : memref<1x256xf32, #tpu.memory_space<vmem>> -> memref<256xf32, #tpu.memory_space<vmem>>
      tpu.enqueue_dma source(%dma_start3A_226 : memref<256xf32, #tpu.memory_space<vmem>>) target(%dma_start3A_223 : memref<256xf32, #tpu.memory_space<hbm>>) target_semaphore(%arg15 : memref<!tpu.dma_semaphore, #tpu.memory_space<semaphore_mem>>)
      %add3A_227 = arith.constant 2 : i32
      %add3A_228 = arith.addi %add3A_102, %add3A_227 : i32
      %lt3A_229 = arith.constant 128 : i32
      %lt3A_230 = arith.cmpi slt, %add3A_228, %lt3A_229 : i32
      %convert_element_type3A_231 = arith.extui %lt3A_230 : i1 to i32
      %cond3A_232 = arith.constant 0 : i32
      %cond3A_233 = arith.cmpi ne, %convert_element_type3A_231, %cond3A_232 : i32
      scf.if %cond3A_233 {
        %add3A_379 = arith.constant 2 : i32
        %add3A_380 = arith.addi %add3A_102, %add3A_379 : i32
        %mul3A_381 = arith.constant 2 : i32
        %mul3A_382 = arith.muli %add3A_380, %mul3A_381 : i32
        %add3A_383 = arith.constant 0 : i32
        %add3A_384 = arith.addi %mul3A_382, %add3A_383 : i32
        %dma_start3A_385 = arith.constant 0 : i32
        %dma_start3A_386 = arith.constant 0 : i32
        %dma_start3A_387 = arith.constant 0 : i32
        %dma_start3A_388 = tpu.memref_slice %arg10[%dma_start3A_385, %dma_start3A_386, %dma_start3A_387] : memref<2x256x64xi32, #tpu.memory_space<vmem>> -> memref<1x128x64xi32, #tpu.memory_space<vmem>>
        %dma_start3A_389 = tpu.memref_squeeze %dma_start3A_388 : memref<1x128x64xi32, #tpu.memory_space<vmem>> -> memref<128x64xi32, #tpu.memory_space<vmem>>
        %dma_start3A_390 = arith.constant 0 : i32
        %dma_start3A_391 = tpu.memref_slice %arg9[%add3A_384, %dma_start3A_390] : memref<256x128xi32, #tpu.memory_space<vmem>> -> memref<1x128xi32, #tpu.memory_space<vmem>>
        %dma_start3A_392 = tpu.memref_squeeze %dma_start3A_391 : memref<1x128xi32, #tpu.memory_space<vmem>> -> memref<128xi32, #tpu.memory_space<vmem>>
        %dma_start3A_393 = arith.constant 0 : i32
        %dma_start3A_394 = arith.constant 0 : i32
        %dma_start3A_395 = tpu.memref_slice %arg5[%dma_start3A_393, %dma_start3A_394] : memref<100000x64xi32, #tpu.memory_space<hbm>> -> memref<100000x64xi32, #tpu.memory_space<hbm>>
        tpu.enqueue_indirect_dma source(%dma_start3A_395 : memref<100000x64xi32, #tpu.memory_space<hbm>>) target(%dma_start3A_389 : memref<128x64xi32, #tpu.memory_space<vmem>>) offsets(%dma_start3A_392 : memref<128xi32, #tpu.memory_space<vmem>>) semaphore(%arg13 : memref<!tpu.dma_semaphore, #tpu.memory_space<semaphore_mem>>)
        %mul3A_396 = arith.constant 2 : i32
        %mul3A_397 = arith.muli %add3A_380, %mul3A_396 : i32
        %add3A_398 = arith.constant 1 : i32
        %add3A_399 = arith.addi %mul3A_397, %add3A_398 : i32
        %dma_start3A_400 = arith.constant 0 : i32
        %dma_start3A_401 = arith.constant 128 : i32
        %dma_start3A_402 = arith.constant 0 : i32
        %dma_start3A_403 = tpu.memref_slice %arg10[%dma_start3A_400, %dma_start3A_401, %dma_start3A_402] : memref<2x256x64xi32, #tpu.memory_space<vmem>> -> memref<1x128x64xi32, #tpu.memory_space<vmem>>
        %dma_start3A_404 = tpu.memref_squeeze %dma_start3A_403 : memref<1x128x64xi32, #tpu.memory_space<vmem>> -> memref<128x64xi32, #tpu.memory_space<vmem>>
        %dma_start3A_405 = arith.constant 0 : i32
        %dma_start3A_406 = tpu.memref_slice %arg9[%add3A_399, %dma_start3A_405] : memref<256x128xi32, #tpu.memory_space<vmem>> -> memref<1x128xi32, #tpu.memory_space<vmem>>
        %dma_start3A_407 = tpu.memref_squeeze %dma_start3A_406 : memref<1x128xi32, #tpu.memory_space<vmem>> -> memref<128xi32, #tpu.memory_space<vmem>>
        %dma_start3A_408 = arith.constant 0 : i32
        %dma_start3A_409 = arith.constant 0 : i32
        %dma_start3A_410 = tpu.memref_slice %arg5[%dma_start3A_408, %dma_start3A_409] : memref<100000x64xi32, #tpu.memory_space<hbm>> -> memref<100000x64xi32, #tpu.memory_space<hbm>>
        tpu.enqueue_indirect_dma source(%dma_start3A_410 : memref<100000x64xi32, #tpu.memory_space<hbm>>) target(%dma_start3A_404 : memref<128x64xi32, #tpu.memory_space<vmem>>) offsets(%dma_start3A_407 : memref<128xi32, #tpu.memory_space<vmem>>) semaphore(%arg13 : memref<!tpu.dma_semaphore, #tpu.memory_space<semaphore_mem>>)
      } else {
      }
      %mul3A_234 = arith.constant 2 : i32
      %mul3A_235 = arith.muli %scan3A_98, %mul3A_234 : i32
      %add3A_236 = arith.constant 1 : i32
      %add3A_237 = arith.addi %mul3A_235, %add3A_236 : i32
      %dma_wait3A_238 = arith.constant 1 : i32
      %dma_wait3A_239 = arith.constant 0 : i32
      %dma_wait3A_240 = arith.constant 0 : i32
      %dma_wait3A_241 = tpu.memref_slice %arg10[%dma_wait3A_238, %dma_wait3A_239, %dma_wait3A_240] : memref<2x256x64xi32, #tpu.memory_space<vmem>> -> memref<1x256x64xi32, #tpu.memory_space<vmem>>
      %dma_wait3A_242 = tpu.memref_squeeze %dma_wait3A_241 : memref<1x256x64xi32, #tpu.memory_space<vmem>> -> memref<256x64xi32, #tpu.memory_space<vmem>>
      %dma_wait3A_243 = arith.constant 0 : i32
      %dma_wait3A_244 = arith.constant 0 : i32
      %dma_wait3A_245 = tpu.memref_slice %arg5[%dma_wait3A_243, %dma_wait3A_244] : memref<100000x64xi32, #tpu.memory_space<hbm>> -> memref<256x64xi32, #tpu.memory_space<hbm>>
      %dma_wait3A_246 = arith.constant 0 : i32
      %dma_wait3A_247 = arith.constant 0 : i32
      %dma_wait3A_248 = tpu.memref_slice %arg10[%dma_wait3A_238, %dma_wait3A_246, %dma_wait3A_247] : memref<2x256x64xi32, #tpu.memory_space<vmem>> -> memref<1x256x64xi32, #tpu.memory_space<vmem>>
      %dma_wait3A_249 = tpu.memref_squeeze %dma_wait3A_248 : memref<1x256x64xi32, #tpu.memory_space<vmem>> -> memref<256x64xi32, #tpu.memory_space<vmem>>
      %dma_wait3A_250 = arith.constant 0 : i32
      %dma_wait3A_251 = arith.constant 0 : i32
      %dma_wait3A_252 = tpu.memref_slice %arg5[%dma_wait3A_250, %dma_wait3A_251] : memref<100000x64xi32, #tpu.memory_space<hbm>> -> memref<256x64xi32, #tpu.memory_space<hbm>>
      tpu.wait_dma2 semaphore(%arg14 : memref<!tpu.dma_semaphore, #tpu.memory_space<semaphore_mem>>) src(%dma_wait3A_252 : memref<256x64xi32, #tpu.memory_space<hbm>>) dst(%dma_wait3A_249 : memref<256x64xi32, #tpu.memory_space<vmem>>)
      %ge3A_253 = arith.constant 2 : i32
      %ge3A_254 = arith.cmpi sge, %add3A_237, %ge3A_253 : i32
      %convert_element_type3A_255 = arith.extui %ge3A_254 : i1 to i32
      %cond3A_256 = arith.constant 0 : i32
      %cond3A_257 = arith.cmpi ne, %convert_element_type3A_255, %cond3A_256 : i32
      scf.if %cond3A_257 {
        %dma_wait3A_379 = arith.constant 1 : i32
        %dma_wait3A_380 = arith.constant 0 : i32
        %dma_wait3A_381 = tpu.memref_slice %arg11[%dma_wait3A_379, %dma_wait3A_380] : memref<2x256xf32, #tpu.memory_space<vmem>> -> memref<1x256xf32, #tpu.memory_space<vmem>>
        %dma_wait3A_382 = tpu.memref_squeeze %dma_wait3A_381 : memref<1x256xf32, #tpu.memory_space<vmem>> -> memref<256xf32, #tpu.memory_space<vmem>>
        %dma_wait3A_383 = arith.constant 0 : i32
        %dma_wait3A_384 = tpu.memref_slice %arg6[%dma_wait3A_383] : memref<1048576xf32, #tpu.memory_space<hbm>> -> memref<256xf32, #tpu.memory_space<hbm>>
        %dma_wait3A_385 = arith.constant 0 : i32
        %dma_wait3A_386 = tpu.memref_slice %arg6[%dma_wait3A_385] : memref<1048576xf32, #tpu.memory_space<hbm>> -> memref<256xf32, #tpu.memory_space<hbm>>
        %dma_wait3A_387 = arith.constant 0 : i32
        %dma_wait3A_388 = tpu.memref_slice %arg11[%dma_wait3A_379, %dma_wait3A_387] : memref<2x256xf32, #tpu.memory_space<vmem>> -> memref<1x256xf32, #tpu.memory_space<vmem>>
        %dma_wait3A_389 = tpu.memref_squeeze %dma_wait3A_388 : memref<1x256xf32, #tpu.memory_space<vmem>> -> memref<256xf32, #tpu.memory_space<vmem>>
        tpu.wait_dma2 semaphore(%arg16 : memref<!tpu.dma_semaphore, #tpu.memory_space<semaphore_mem>>) src(%dma_wait3A_389 : memref<256xf32, #tpu.memory_space<vmem>>) dst(%dma_wait3A_386 : memref<256xf32, #tpu.memory_space<hbm>>)
      } else {
      }
      %get3A_258 = arith.index_cast %add3A_237 : i32 to index
      %get3A_259 = arith.constant 0 : index
      %get3A_260 = tpu.vector_load %arg8[%get3A_258, %get3A_259] {strides = array<i32>} : memref<128x128xf32, #tpu.memory_space<vmem>>, vector<16xf32>,
      %get3A_261 = arith.index_cast %add3A_237 : i32 to index
      %get3A_262 = arith.constant 16 : index
      %get3A_263 = tpu.vector_load %arg8[%get3A_261, %get3A_262] {strides = array<i32>} : memref<128x128xf32, #tpu.memory_space<vmem>>, vector<16xf32>,
      %get3A_264 = arith.index_cast %add3A_237 : i32 to index
      %get3A_265 = arith.constant 32 : index
      %get3A_266 = tpu.vector_load %arg8[%get3A_264, %get3A_265] {strides = array<i32>} : memref<128x128xf32, #tpu.memory_space<vmem>>, vector<16xf32>,
      %get3A_267 = arith.index_cast %add3A_237 : i32 to index
      %get3A_268 = arith.constant 48 : index
      %get3A_269 = tpu.vector_load %arg8[%get3A_267, %get3A_268] {strides = array<i32>} : memref<128x128xf32, #tpu.memory_space<vmem>>, vector<16xf32>,
      %get3A_270 = arith.index_cast %add3A_237 : i32 to index
      %get3A_271 = arith.constant 64 : index
      %get3A_272 = tpu.vector_load %arg8[%get3A_270, %get3A_271] {strides = array<i32>} : memref<128x128xf32, #tpu.memory_space<vmem>>, vector<16xf32>,
      %get3A_273 = arith.index_cast %add3A_237 : i32 to index
      %get3A_274 = arith.constant 80 : index
      %get3A_275 = tpu.vector_load %arg8[%get3A_273, %get3A_274] {strides = array<i32>} : memref<128x128xf32, #tpu.memory_space<vmem>>, vector<16xf32>,
      %get3A_276 = arith.index_cast %add3A_237 : i32 to index
      %get3A_277 = arith.constant 96 : index
      %get3A_278 = tpu.vector_load %arg8[%get3A_276, %get3A_277] {strides = array<i32>} : memref<128x128xf32, #tpu.memory_space<vmem>>, vector<16xf32>,
      %get3A_279 = arith.index_cast %add3A_237 : i32 to index
      %get3A_280 = arith.constant 112 : index
      %get3A_281 = tpu.vector_load %arg8[%get3A_279, %get3A_280] {strides = array<i32>} : memref<128x128xf32, #tpu.memory_space<vmem>>, vector<16xf32>,
      %lt3A_282 = arith.constant 8 : i32
      %lt3A_283 = vector.broadcast %lt3A_282 : i32 to vector<16xi32>
      %lt3A_284 = arith.cmpi slt, %iota3A, %lt3A_283 : vector<16xi32>
      %mul3A_285 = arith.constant 2 : i32
      %mul3A_286 = vector.broadcast %mul3A_285 : i32 to vector<16xi32>
      %mul3A_287 = arith.muli %iota3A, %mul3A_286 : vector<16xi32>
      %and3A_288 = arith.constant 15 : i32
      %and3A_289 = vector.broadcast %and3A_288 : i32 to vector<16xi32>
      %and3A_290 = arith.andi %mul3A_287, %and3A_289 : vector<16xi32>
      %or3A_291 = arith.constant 1 : i32
      %or3A_292 = vector.broadcast %or3A_291 : i32 to vector<16xi32>
      %or3A_293 = arith.ori %and3A_290, %or3A_292 : vector<16xi32>
      %broadcast_in_dim3A_294 = vector.shape_cast %and3A_290 : vector<16xi32> to vector<16x1xi32>
      %gather3A_295 = vector.shape_cast %broadcast_in_dim3A_294 : vector<16x1xi32> to vector<16xi32>
      %gather3A_296 = tpu.dynamic_gather %get3A_260[%gather3A_295] in [0] : vector<16xf32>, vector<16xi32> -> vector<16xf32>
      %broadcast_in_dim3A_297 = vector.shape_cast %and3A_290 : vector<16xi32> to vector<16x1xi32>
      %gather3A_298 = vector.shape_cast %broadcast_in_dim3A_297 : vector<16x1xi32> to vector<16xi32>
      %gather3A_299 = tpu.dynamic_gather %get3A_263[%gather3A_298] in [0] : vector<16xf32>, vector<16xi32> -> vector<16xf32>
      %select_n3A_300 = arith.select %lt3A_284, %gather3A_296, %gather3A_299 : vector<16xi1>, vector<16xf32>
      %broadcast_in_dim3A_301 = vector.shape_cast %and3A_290 : vector<16xi32> to vector<16x1xi32>
      %gather3A_302 = vector.shape_cast %broadcast_in_dim3A_301 : vector<16x1xi32> to vector<16xi32>
      %gather3A_303 = tpu.dynamic_gather %get3A_266[%gather3A_302] in [0] : vector<16xf32>, vector<16xi32> -> vector<16xf32>
      %broadcast_in_dim3A_304 = vector.shape_cast %and3A_290 : vector<16xi32> to vector<16x1xi32>
      %gather3A_305 = vector.shape_cast %broadcast_in_dim3A_304 : vector<16x1xi32> to vector<16xi32>
      %gather3A_306 = tpu.dynamic_gather %get3A_269[%gather3A_305] in [0] : vector<16xf32>, vector<16xi32> -> vector<16xf32>
      %select_n3A_307 = arith.select %lt3A_284, %gather3A_303, %gather3A_306 : vector<16xi1>, vector<16xf32>
      %broadcast_in_dim3A_308 = vector.shape_cast %and3A_290 : vector<16xi32> to vector<16x1xi32>
      %gather3A_309 = vector.shape_cast %broadcast_in_dim3A_308 : vector<16x1xi32> to vector<16xi32>
      %gather3A_310 = tpu.dynamic_gather %get3A_272[%gather3A_309] in [0] : vector<16xf32>, vector<16xi32> -> vector<16xf32>
      %broadcast_in_dim3A_311 = vector.shape_cast %and3A_290 : vector<16xi32> to vector<16x1xi32>
      %gather3A_312 = vector.shape_cast %broadcast_in_dim3A_311 : vector<16x1xi32> to vector<16xi32>
      %gather3A_313 = tpu.dynamic_gather %get3A_275[%gather3A_312] in [0] : vector<16xf32>, vector<16xi32> -> vector<16xf32>
      %select_n3A_314 = arith.select %lt3A_284, %gather3A_310, %gather3A_313 : vector<16xi1>, vector<16xf32>
      %broadcast_in_dim3A_315 = vector.shape_cast %and3A_290 : vector<16xi32> to vector<16x1xi32>
      %gather3A_316 = vector.shape_cast %broadcast_in_dim3A_315 : vector<16x1xi32> to vector<16xi32>
      %gather3A_317 = tpu.dynamic_gather %get3A_278[%gather3A_316] in [0] : vector<16xf32>, vector<16xi32> -> vector<16xf32>
      %broadcast_in_dim3A_318 = vector.shape_cast %and3A_290 : vector<16xi32> to vector<16x1xi32>
      %gather3A_319 = vector.shape_cast %broadcast_in_dim3A_318 : vector<16x1xi32> to vector<16xi32>
      %gather3A_320 = tpu.dynamic_gather %get3A_281[%gather3A_319] in [0] : vector<16xf32>, vector<16xi32> -> vector<16xf32>
      %select_n3A_321 = arith.select %lt3A_284, %gather3A_317, %gather3A_320 : vector<16xi1>, vector<16xf32>
      %broadcast_in_dim3A_322 = vector.shape_cast %or3A_293 : vector<16xi32> to vector<16x1xi32>
      %gather3A_323 = vector.shape_cast %broadcast_in_dim3A_322 : vector<16x1xi32> to vector<16xi32>
      %gather3A_324 = tpu.dynamic_gather %get3A_260[%gather3A_323] in [0] : vector<16xf32>, vector<16xi32> -> vector<16xf32>
      %broadcast_in_dim3A_325 = vector.shape_cast %or3A_293 : vector<16xi32> to vector<16x1xi32>
      %gather3A_326 = vector.shape_cast %broadcast_in_dim3A_325 : vector<16x1xi32> to vector<16xi32>
      %gather3A_327 = tpu.dynamic_gather %get3A_263[%gather3A_326] in [0] : vector<16xf32>, vector<16xi32> -> vector<16xf32>
      %select_n3A_328 = arith.select %lt3A_284, %gather3A_324, %gather3A_327 : vector<16xi1>, vector<16xf32>
      %broadcast_in_dim3A_329 = vector.shape_cast %or3A_293 : vector<16xi32> to vector<16x1xi32>
      %gather3A_330 = vector.shape_cast %broadcast_in_dim3A_329 : vector<16x1xi32> to vector<16xi32>
      %gather3A_331 = tpu.dynamic_gather %get3A_266[%gather3A_330] in [0] : vector<16xf32>, vector<16xi32> -> vector<16xf32>
      %broadcast_in_dim3A_332 = vector.shape_cast %or3A_293 : vector<16xi32> to vector<16x1xi32>
      %gather3A_333 = vector.shape_cast %broadcast_in_dim3A_332 : vector<16x1xi32> to vector<16xi32>
      %gather3A_334 = tpu.dynamic_gather %get3A_269[%gather3A_333] in [0] : vector<16xf32>, vector<16xi32> -> vector<16xf32>
      %select_n3A_335 = arith.select %lt3A_284, %gather3A_331, %gather3A_334 : vector<16xi1>, vector<16xf32>
      %broadcast_in_dim3A_336 = vector.shape_cast %or3A_293 : vector<16xi32> to vector<16x1xi32>
      %gather3A_337 = vector.shape_cast %broadcast_in_dim3A_336 : vector<16x1xi32> to vector<16xi32>
      %gather3A_338 = tpu.dynamic_gather %get3A_272[%gather3A_337] in [0] : vector<16xf32>, vector<16xi32> -> vector<16xf32>
      %broadcast_in_dim3A_339 = vector.shape_cast %or3A_293 : vector<16xi32> to vector<16x1xi32>
      %gather3A_340 = vector.shape_cast %broadcast_in_dim3A_339 : vector<16x1xi32> to vector<16xi32>
      %gather3A_341 = tpu.dynamic_gather %get3A_275[%gather3A_340] in [0] : vector<16xf32>, vector<16xi32> -> vector<16xf32>
      %select_n3A_342 = arith.select %lt3A_284, %gather3A_338, %gather3A_341 : vector<16xi1>, vector<16xf32>
      %broadcast_in_dim3A_343 = vector.shape_cast %or3A_293 : vector<16xi32> to vector<16x1xi32>
      %gather3A_344 = vector.shape_cast %broadcast_in_dim3A_343 : vector<16x1xi32> to vector<16xi32>
      %gather3A_345 = tpu.dynamic_gather %get3A_278[%gather3A_344] in [0] : vector<16xf32>, vector<16xi32> -> vector<16xf32>
      %broadcast_in_dim3A_346 = vector.shape_cast %or3A_293 : vector<16xi32> to vector<16x1xi32>
      %gather3A_347 = vector.shape_cast %broadcast_in_dim3A_346 : vector<16x1xi32> to vector<16xi32>
      %gather3A_348 = tpu.dynamic_gather %get3A_281[%gather3A_347] in [0] : vector<16xf32>, vector<16xi32> -> vector<16xf32>
      %select_n3A_349 = arith.select %lt3A_284, %gather3A_345, %gather3A_348 : vector<16xi1>, vector<16xf32>
      %broadcast_in_dim3A_350 = arith.constant -65536 : i32
      %broadcast_in_dim3A_351 = vector.broadcast %broadcast_in_dim3A_350 : i32 to vector<16xi32>
      %scan3A_352 = arith.constant 0 : i32
      %scan3A_353 = arith.constant 1 : i32
      %scan3A_354 = arith.constant 0 : i32
      %scan3A_355 = arith.constant 16 : i32
      %scan3A_356 = arith.addi %scan3A_354, %scan3A_355 : i32
      %scan3A_357 = arith.constant 1 : i32
      scf.for %scan3A_379 = %scan3A_354 to %scan3A_356 step %scan3A_357  : i32 {
        %mul3A_380 = arith.constant 16 : i32
        %mul3A_381 = arith.muli %scan3A_379, %mul3A_380 : i32
        %add3A_382 = arith.constant 0 : i32
        %add3A_383 = arith.addi %mul3A_381, %add3A_382 : i32
        %get3A_384 = arith.constant 0 : i32
        %get3A_385 = arith.constant 0 : i32
        %get3A_386 = tpu.memref_slice %arg10[%scan3A_353, %get3A_384, %get3A_385] : memref<2x256x64xi32, #tpu.memory_space<vmem>> -> memref<1x256x64xi32, #tpu.memory_space<vmem>>
        %get3A_387 = tpu.memref_squeeze %get3A_386 : memref<1x256x64xi32, #tpu.memory_space<vmem>> -> memref<256x64xi32, #tpu.memory_space<vmem>>
        %get3A_388 = arith.index_cast %add3A_383 : i32 to index
        %get3A_389 = arith.constant 0 : index
        %get3A_390 = tpu.vector_load %get3A_387[%get3A_388, %get3A_389] {strides = array<i32>} : memref<256x64xi32, #tpu.memory_space<vmem>>, vector<16xi32>,
        %shift_left3A = arith.constant 16 : i32
        %shift_left3A_391 = vector.broadcast %shift_left3A : i32 to vector<16xi32>
        %shift_left3A_392 = arith.shli %get3A_390, %shift_left3A_391 : vector<16xi32>
        %bitcast3A = vector.bitcast %shift_left3A_392 : vector<16xi32> to vector<16xf32>
        %and3A_393 = arith.andi %get3A_390, %broadcast_in_dim3A_351 : vector<16xi32>
        %bitcast3A_394 = vector.bitcast %and3A_393 : vector<16xi32> to vector<16xf32>
        %mul3A_395 = arith.mulf %bitcast3A, %select_n3A_300 : vector<16xf32>
        %mul3A_396 = arith.mulf %bitcast3A_394, %select_n3A_328 : vector<16xf32>
        %get3A_397 = arith.constant 0 : i32
        %get3A_398 = arith.constant 0 : i32
        %get3A_399 = tpu.memref_slice %arg10[%scan3A_353, %get3A_397, %get3A_398] : memref<2x256x64xi32, #tpu.memory_space<vmem>> -> memref<1x256x64xi32, #tpu.memory_space<vmem>>
        %get3A_400 = tpu.memref_squeeze %get3A_399 : memref<1x256x64xi32, #tpu.memory_space<vmem>> -> memref<256x64xi32, #tpu.memory_space<vmem>>
        %get3A_401 = arith.index_cast %add3A_383 : i32 to index
        %get3A_402 = arith.constant 16 : index
        %get3A_403 = tpu.vector_load %get3A_400[%get3A_401, %get3A_402] {strides = array<i32>} : memref<256x64xi32, #tpu.memory_space<vmem>>, vector<16xi32>,
        %shift_left3A_404 = arith.constant 16 : i32
        %shift_left3A_405 = vector.broadcast %shift_left3A_404 : i32 to vector<16xi32>
        %shift_left3A_406 = arith.shli %get3A_403, %shift_left3A_405 : vector<16xi32>
        %bitcast3A_407 = vector.bitcast %shift_left3A_406 : vector<16xi32> to vector<16xf32>
        %and3A_408 = arith.andi %get3A_403, %broadcast_in_dim3A_351 : vector<16xi32>
        %bitcast3A_409 = vector.bitcast %and3A_408 : vector<16xi32> to vector<16xf32>
        %mul3A_410 = arith.mulf %bitcast3A_407, %select_n3A_307 : vector<16xf32>
        %mul3A_411 = arith.mulf %bitcast3A_409, %select_n3A_335 : vector<16xf32>
        %get3A_412 = arith.constant 0 : i32
        %get3A_413 = arith.constant 0 : i32
        %get3A_414 = tpu.memref_slice %arg10[%scan3A_353, %get3A_412, %get3A_413] : memref<2x256x64xi32, #tpu.memory_space<vmem>> -> memref<1x256x64xi32, #tpu.memory_space<vmem>>
        %get3A_415 = tpu.memref_squeeze %get3A_414 : memref<1x256x64xi32, #tpu.memory_space<vmem>> -> memref<256x64xi32, #tpu.memory_space<vmem>>
        %get3A_416 = arith.index_cast %add3A_383 : i32 to index
        %get3A_417 = arith.constant 32 : index
        %get3A_418 = tpu.vector_load %get3A_415[%get3A_416, %get3A_417] {strides = array<i32>} : memref<256x64xi32, #tpu.memory_space<vmem>>, vector<16xi32>,
        %shift_left3A_419 = arith.constant 16 : i32
        %shift_left3A_420 = vector.broadcast %shift_left3A_419 : i32 to vector<16xi32>
        %shift_left3A_421 = arith.shli %get3A_418, %shift_left3A_420 : vector<16xi32>
        %bitcast3A_422 = vector.bitcast %shift_left3A_421 : vector<16xi32> to vector<16xf32>
        %and3A_423 = arith.andi %get3A_418, %broadcast_in_dim3A_351 : vector<16xi32>
        %bitcast3A_424 = vector.bitcast %and3A_423 : vector<16xi32> to vector<16xf32>
        %mul3A_425 = arith.mulf %bitcast3A_422, %select_n3A_314 : vector<16xf32>
        %mul3A_426 = arith.mulf %bitcast3A_424, %select_n3A_342 : vector<16xf32>
        %get3A_427 = arith.constant 0 : i32
        %get3A_428 = arith.constant 0 : i32
        %get3A_429 = tpu.memref_slice %arg10[%scan3A_353, %get3A_427, %get3A_428] : memref<2x256x64xi32, #tpu.memory_space<vmem>> -> memref<1x256x64xi32, #tpu.memory_space<vmem>>
        %get3A_430 = tpu.memref_squeeze %get3A_429 : memref<1x256x64xi32, #tpu.memory_space<vmem>> -> memref<256x64xi32, #tpu.memory_space<vmem>>
        %get3A_431 = arith.index_cast %add3A_383 : i32 to index
        %get3A_432 = arith.constant 48 : index
        %get3A_433 = tpu.vector_load %get3A_430[%get3A_431, %get3A_432] {strides = array<i32>} : memref<256x64xi32, #tpu.memory_space<vmem>>, vector<16xi32>,
        %shift_left3A_434 = arith.constant 16 : i32
        %shift_left3A_435 = vector.broadcast %shift_left3A_434 : i32 to vector<16xi32>
        %shift_left3A_436 = arith.shli %get3A_433, %shift_left3A_435 : vector<16xi32>
        %bitcast3A_437 = vector.bitcast %shift_left3A_436 : vector<16xi32> to vector<16xf32>
        %and3A_438 = arith.andi %get3A_433, %broadcast_in_dim3A_351 : vector<16xi32>
        %bitcast3A_439 = vector.bitcast %and3A_438 : vector<16xi32> to vector<16xf32>
        %mul3A_440 = arith.mulf %bitcast3A_437, %select_n3A_321 : vector<16xf32>
        %mul3A_441 = arith.mulf %bitcast3A_439, %select_n3A_349 : vector<16xf32>
        %add3A_442 = arith.addf %mul3A_395, %mul3A_396 : vector<16xf32>
        %add3A_443 = arith.addf %mul3A_410, %mul3A_411 : vector<16xf32>
        %add3A_444 = arith.addf %mul3A_425, %mul3A_426 : vector<16xf32>
        %add3A_445 = arith.addf %mul3A_440, %mul3A_441 : vector<16xf32>
        %add3A_446 = arith.addf %add3A_442, %add3A_443 : vector<16xf32>
        %add3A_447 = arith.addf %add3A_444, %add3A_445 : vector<16xf32>
        %add3A_448 = arith.addf %add3A_446, %add3A_447 : vector<16xf32>
        %broadcast_in_dim3A_449 = vector.shape_cast %xor3A_13 : vector<16xi32> to vector<16x1xi32>
        %gather3A_450 = vector.shape_cast %broadcast_in_dim3A_449 : vector<16x1xi32> to vector<16xi32>
        %gather3A_451 = tpu.dynamic_gather %add3A_448[%gather3A_450] in [0] : vector<16xf32>, vector<16xi32> -> vector<16xf32>
        %add3A_452 = arith.addf %add3A_448, %gather3A_451 : vector<16xf32>
        %broadcast_in_dim3A_453 = vector.shape_cast %xor3A_16 : vector<16xi32> to vector<16x1xi32>
        %gather3A_454 = vector.shape_cast %broadcast_in_dim3A_453 : vector<16x1xi32> to vector<16xi32>
        %gather3A_455 = tpu.dynamic_gather %add3A_452[%gather3A_454] in [0] : vector<16xf32>, vector<16xi32> -> vector<16xf32>
        %add3A_456 = arith.addf %add3A_452, %gather3A_455 : vector<16xf32>
        %broadcast_in_dim3A_457 = vector.shape_cast %xor3A_19 : vector<16xi32> to vector<16x1xi32>
        %gather3A_458 = vector.shape_cast %broadcast_in_dim3A_457 : vector<16x1xi32> to vector<16xi32>
        %gather3A_459 = tpu.dynamic_gather %add3A_456[%gather3A_458] in [0] : vector<16xf32>, vector<16xi32> -> vector<16xf32>
        %add3A_460 = arith.addf %add3A_456, %gather3A_459 : vector<16xf32>
        %broadcast_in_dim3A_461 = vector.shape_cast %xor3A_22 : vector<16xi32> to vector<16x1xi32>
        %gather3A_462 = vector.shape_cast %broadcast_in_dim3A_461 : vector<16x1xi32> to vector<16xi32>
        %gather3A_463 = tpu.dynamic_gather %add3A_460[%gather3A_462] in [0] : vector<16xf32>, vector<16xi32> -> vector<16xf32>
        %add3A_464 = arith.addf %add3A_460, %gather3A_463 : vector<16xf32>
        %mul3A_465 = arith.constant 16 : i32
        %mul3A_466 = arith.muli %scan3A_379, %mul3A_465 : i32
        %add3A_467 = arith.constant 1 : i32
        %add3A_468 = arith.addi %mul3A_466, %add3A_467 : i32
        %get3A_469 = arith.constant 0 : i32
        %get3A_470 = arith.constant 0 : i32
        %get3A_471 = tpu.memref_slice %arg10[%scan3A_353, %get3A_469, %get3A_470] : memref<2x256x64xi32, #tpu.memory_space<vmem>> -> memref<1x256x64xi32, #tpu.memory_space<vmem>>
        %get3A_472 = tpu.memref_squeeze %get3A_471 : memref<1x256x64xi32, #tpu.memory_space<vmem>> -> memref<256x64xi32, #tpu.memory_space<vmem>>
        %get3A_473 = arith.index_cast %add3A_468 : i32 to index
        %get3A_474 = arith.constant 0 : index
        %get3A_475 = tpu.vector_load %get3A_472[%get3A_473, %get3A_474] {strides = array<i32>} : memref<256x64xi32, #tpu.memory_space<vmem>>, vector<16xi32>,
        %shift_left3A_476 = arith.constant 16 : i32
        %shift_left3A_477 = vector.broadcast %shift_left3A_476 : i32 to vector<16xi32>
        %shift_left3A_478 = arith.shli %get3A_475, %shift_left3A_477 : vector<16xi32>
        %bitcast3A_479 = vector.bitcast %shift_left3A_478 : vector<16xi32> to vector<16xf32>
        %and3A_480 = arith.andi %get3A_475, %broadcast_in_dim3A_351 : vector<16xi32>
        %bitcast3A_481 = vector.bitcast %and3A_480 : vector<16xi32> to vector<16xf32>
        %mul3A_482 = arith.mulf %bitcast3A_479, %select_n3A_300 : vector<16xf32>
        %mul3A_483 = arith.mulf %bitcast3A_481, %select_n3A_328 : vector<16xf32>
        %get3A_484 = arith.constant 0 : i32
        %get3A_485 = arith.constant 0 : i32
        %get3A_486 = tpu.memref_slice %arg10[%scan3A_353, %get3A_484, %get3A_485] : memref<2x256x64xi32, #tpu.memory_space<vmem>> -> memref<1x256x64xi32, #tpu.memory_space<vmem>>
        %get3A_487 = tpu.memref_squeeze %get3A_486 : memref<1x256x64xi32, #tpu.memory_space<vmem>> -> memref<256x64xi32, #tpu.memory_space<vmem>>
        %get3A_488 = arith.index_cast %add3A_468 : i32 to index
        %get3A_489 = arith.constant 16 : index
        %get3A_490 = tpu.vector_load %get3A_487[%get3A_488, %get3A_489] {strides = array<i32>} : memref<256x64xi32, #tpu.memory_space<vmem>>, vector<16xi32>,
        %shift_left3A_491 = arith.constant 16 : i32
        %shift_left3A_492 = vector.broadcast %shift_left3A_491 : i32 to vector<16xi32>
        %shift_left3A_493 = arith.shli %get3A_490, %shift_left3A_492 : vector<16xi32>
        %bitcast3A_494 = vector.bitcast %shift_left3A_493 : vector<16xi32> to vector<16xf32>
        %and3A_495 = arith.andi %get3A_490, %broadcast_in_dim3A_351 : vector<16xi32>
        %bitcast3A_496 = vector.bitcast %and3A_495 : vector<16xi32> to vector<16xf32>
        %mul3A_497 = arith.mulf %bitcast3A_494, %select_n3A_307 : vector<16xf32>
        %mul3A_498 = arith.mulf %bitcast3A_496, %select_n3A_335 : vector<16xf32>
        %get3A_499 = arith.constant 0 : i32
        %get3A_500 = arith.constant 0 : i32
        %get3A_501 = tpu.memref_slice %arg10[%scan3A_353, %get3A_499, %get3A_500] : memref<2x256x64xi32, #tpu.memory_space<vmem>> -> memref<1x256x64xi32, #tpu.memory_space<vmem>>
        %get3A_502 = tpu.memref_squeeze %get3A_501 : memref<1x256x64xi32, #tpu.memory_space<vmem>> -> memref<256x64xi32, #tpu.memory_space<vmem>>
        %get3A_503 = arith.index_cast %add3A_468 : i32 to index
        %get3A_504 = arith.constant 32 : index
        %get3A_505 = tpu.vector_load %get3A_502[%get3A_503, %get3A_504] {strides = array<i32>} : memref<256x64xi32, #tpu.memory_space<vmem>>, vector<16xi32>,
        %shift_left3A_506 = arith.constant 16 : i32
        %shift_left3A_507 = vector.broadcast %shift_left3A_506 : i32 to vector<16xi32>
        %shift_left3A_508 = arith.shli %get3A_505, %shift_left3A_507 : vector<16xi32>
        %bitcast3A_509 = vector.bitcast %shift_left3A_508 : vector<16xi32> to vector<16xf32>
        %and3A_510 = arith.andi %get3A_505, %broadcast_in_dim3A_351 : vector<16xi32>
        %bitcast3A_511 = vector.bitcast %and3A_510 : vector<16xi32> to vector<16xf32>
        %mul3A_512 = arith.mulf %bitcast3A_509, %select_n3A_314 : vector<16xf32>
        %mul3A_513 = arith.mulf %bitcast3A_511, %select_n3A_342 : vector<16xf32>
        %get3A_514 = arith.constant 0 : i32
        %get3A_515 = arith.constant 0 : i32
        %get3A_516 = tpu.memref_slice %arg10[%scan3A_353, %get3A_514, %get3A_515] : memref<2x256x64xi32, #tpu.memory_space<vmem>> -> memref<1x256x64xi32, #tpu.memory_space<vmem>>
        %get3A_517 = tpu.memref_squeeze %get3A_516 : memref<1x256x64xi32, #tpu.memory_space<vmem>> -> memref<256x64xi32, #tpu.memory_space<vmem>>
        %get3A_518 = arith.index_cast %add3A_468 : i32 to index
        %get3A_519 = arith.constant 48 : index
        %get3A_520 = tpu.vector_load %get3A_517[%get3A_518, %get3A_519] {strides = array<i32>} : memref<256x64xi32, #tpu.memory_space<vmem>>, vector<16xi32>,
        %shift_left3A_521 = arith.constant 16 : i32
        %shift_left3A_522 = vector.broadcast %shift_left3A_521 : i32 to vector<16xi32>
        %shift_left3A_523 = arith.shli %get3A_520, %shift_left3A_522 : vector<16xi32>
        %bitcast3A_524 = vector.bitcast %shift_left3A_523 : vector<16xi32> to vector<16xf32>
        %and3A_525 = arith.andi %get3A_520, %broadcast_in_dim3A_351 : vector<16xi32>
        %bitcast3A_526 = vector.bitcast %and3A_525 : vector<16xi32> to vector<16xf32>
        %mul3A_527 = arith.mulf %bitcast3A_524, %select_n3A_321 : vector<16xf32>
        %mul3A_528 = arith.mulf %bitcast3A_526, %select_n3A_349 : vector<16xf32>
        %add3A_529 = arith.addf %mul3A_482, %mul3A_483 : vector<16xf32>
        %add3A_530 = arith.addf %mul3A_497, %mul3A_498 : vector<16xf32>
        %add3A_531 = arith.addf %mul3A_512, %mul3A_513 : vector<16xf32>
        %add3A_532 = arith.addf %mul3A_527, %mul3A_528 : vector<16xf32>
        %add3A_533 = arith.addf %add3A_529, %add3A_530 : vector<16xf32>
        %add3A_534 = arith.addf %add3A_531, %add3A_532 : vector<16xf32>
        %add3A_535 = arith.addf %add3A_533, %add3A_534 : vector<16xf32>
        %broadcast_in_dim3A_536 = vector.shape_cast %xor3A_13 : vector<16xi32> to vector<16x1xi32>
        %gather3A_537 = vector.shape_cast %broadcast_in_dim3A_536 : vector<16x1xi32> to vector<16xi32>
        %gather3A_538 = tpu.dynamic_gather %add3A_535[%gather3A_537] in [0] : vector<16xf32>, vector<16xi32> -> vector<16xf32>
        %add3A_539 = arith.addf %add3A_535, %gather3A_538 : vector<16xf32>
        %broadcast_in_dim3A_540 = vector.shape_cast %xor3A_16 : vector<16xi32> to vector<16x1xi32>
        %gather3A_541 = vector.shape_cast %broadcast_in_dim3A_540 : vector<16x1xi32> to vector<16xi32>
        %gather3A_542 = tpu.dynamic_gather %add3A_539[%gather3A_541] in [0] : vector<16xf32>, vector<16xi32> -> vector<16xf32>
        %add3A_543 = arith.addf %add3A_539, %gather3A_542 : vector<16xf32>
        %broadcast_in_dim3A_544 = vector.shape_cast %xor3A_19 : vector<16xi32> to vector<16x1xi32>
        %gather3A_545 = vector.shape_cast %broadcast_in_dim3A_544 : vector<16x1xi32> to vector<16xi32>
        %gather3A_546 = tpu.dynamic_gather %add3A_543[%gather3A_545] in [0] : vector<16xf32>, vector<16xi32> -> vector<16xf32>
        %add3A_547 = arith.addf %add3A_543, %gather3A_546 : vector<16xf32>
        %broadcast_in_dim3A_548 = vector.shape_cast %xor3A_22 : vector<16xi32> to vector<16x1xi32>
        %gather3A_549 = vector.shape_cast %broadcast_in_dim3A_548 : vector<16x1xi32> to vector<16xi32>
        %gather3A_550 = tpu.dynamic_gather %add3A_547[%gather3A_549] in [0] : vector<16xf32>, vector<16xi32> -> vector<16xf32>
        %add3A_551 = arith.addf %add3A_547, %gather3A_550 : vector<16xf32>
        %eq3A = arith.constant 1 : i32
        %eq3A_552 = vector.broadcast %eq3A : i32 to vector<16xi32>
        %eq3A_553 = arith.cmpi eq, %iota3A, %eq3A_552 : vector<16xi32>
        %select_n3A_554 = arith.select %eq3A_553, %add3A_551, %add3A_464 : vector<16xi1>, vector<16xf32>
        %mul3A_555 = arith.constant 16 : i32
        %mul3A_556 = arith.muli %scan3A_379, %mul3A_555 : i32
        %add3A_557 = arith.constant 2 : i32
        %add3A_558 = arith.addi %mul3A_556, %add3A_557 : i32
        %get3A_559 = arith.constant 0 : i32
        %get3A_560 = arith.constant 0 : i32
        %get3A_561 = tpu.memref_slice %arg10[%scan3A_353, %get3A_559, %get3A_560] : memref<2x256x64xi32, #tpu.memory_space<vmem>> -> memref<1x256x64xi32, #tpu.memory_space<vmem>>
        %get3A_562 = tpu.memref_squeeze %get3A_561 : memref<1x256x64xi32, #tpu.memory_space<vmem>> -> memref<256x64xi32, #tpu.memory_space<vmem>>
        %get3A_563 = arith.index_cast %add3A_558 : i32 to index
        %get3A_564 = arith.constant 0 : index
        %get3A_565 = tpu.vector_load %get3A_562[%get3A_563, %get3A_564] {strides = array<i32>} : memref<256x64xi32, #tpu.memory_space<vmem>>, vector<16xi32>,
        %shift_left3A_566 = arith.constant 16 : i32
        %shift_left3A_567 = vector.broadcast %shift_left3A_566 : i32 to vector<16xi32>
        %shift_left3A_568 = arith.shli %get3A_565, %shift_left3A_567 : vector<16xi32>
        %bitcast3A_569 = vector.bitcast %shift_left3A_568 : vector<16xi32> to vector<16xf32>
        %and3A_570 = arith.andi %get3A_565, %broadcast_in_dim3A_351 : vector<16xi32>
        %bitcast3A_571 = vector.bitcast %and3A_570 : vector<16xi32> to vector<16xf32>
        %mul3A_572 = arith.mulf %bitcast3A_569, %select_n3A_300 : vector<16xf32>
        %mul3A_573 = arith.mulf %bitcast3A_571, %select_n3A_328 : vector<16xf32>
        %get3A_574 = arith.constant 0 : i32
        %get3A_575 = arith.constant 0 : i32
        %get3A_576 = tpu.memref_slice %arg10[%scan3A_353, %get3A_574, %get3A_575] : memref<2x256x64xi32, #tpu.memory_space<vmem>> -> memref<1x256x64xi32, #tpu.memory_space<vmem>>
        %get3A_577 = tpu.memref_squeeze %get3A_576 : memref<1x256x64xi32, #tpu.memory_space<vmem>> -> memref<256x64xi32, #tpu.memory_space<vmem>>
        %get3A_578 = arith.index_cast %add3A_558 : i32 to index
        %get3A_579 = arith.constant 16 : index
        %get3A_580 = tpu.vector_load %get3A_577[%get3A_578, %get3A_579] {strides = array<i32>} : memref<256x64xi32, #tpu.memory_space<vmem>>, vector<16xi32>,
        %shift_left3A_581 = arith.constant 16 : i32
        %shift_left3A_582 = vector.broadcast %shift_left3A_581 : i32 to vector<16xi32>
        %shift_left3A_583 = arith.shli %get3A_580, %shift_left3A_582 : vector<16xi32>
        %bitcast3A_584 = vector.bitcast %shift_left3A_583 : vector<16xi32> to vector<16xf32>
        %and3A_585 = arith.andi %get3A_580, %broadcast_in_dim3A_351 : vector<16xi32>
        %bitcast3A_586 = vector.bitcast %and3A_585 : vector<16xi32> to vector<16xf32>
        %mul3A_587 = arith.mulf %bitcast3A_584, %select_n3A_307 : vector<16xf32>
        %mul3A_588 = arith.mulf %bitcast3A_586, %select_n3A_335 : vector<16xf32>
        %get3A_589 = arith.constant 0 : i32
        %get3A_590 = arith.constant 0 : i32
        %get3A_591 = tpu.memref_slice %arg10[%scan3A_353, %get3A_589, %get3A_590] : memref<2x256x64xi32, #tpu.memory_space<vmem>> -> memref<1x256x64xi32, #tpu.memory_space<vmem>>
        %get3A_592 = tpu.memref_squeeze %get3A_591 : memref<1x256x64xi32, #tpu.memory_space<vmem>> -> memref<256x64xi32, #tpu.memory_space<vmem>>
        %get3A_593 = arith.index_cast %add3A_558 : i32 to index
        %get3A_594 = arith.constant 32 : index
        %get3A_595 = tpu.vector_load %get3A_592[%get3A_593, %get3A_594] {strides = array<i32>} : memref<256x64xi32, #tpu.memory_space<vmem>>, vector<16xi32>,
        %shift_left3A_596 = arith.constant 16 : i32
        %shift_left3A_597 = vector.broadcast %shift_left3A_596 : i32 to vector<16xi32>
        %shift_left3A_598 = arith.shli %get3A_595, %shift_left3A_597 : vector<16xi32>
        %bitcast3A_599 = vector.bitcast %shift_left3A_598 : vector<16xi32> to vector<16xf32>
        %and3A_600 = arith.andi %get3A_595, %broadcast_in_dim3A_351 : vector<16xi32>
        %bitcast3A_601 = vector.bitcast %and3A_600 : vector<16xi32> to vector<16xf32>
        %mul3A_602 = arith.mulf %bitcast3A_599, %select_n3A_314 : vector<16xf32>
        %mul3A_603 = arith.mulf %bitcast3A_601, %select_n3A_342 : vector<16xf32>
        %get3A_604 = arith.constant 0 : i32
        %get3A_605 = arith.constant 0 : i32
        %get3A_606 = tpu.memref_slice %arg10[%scan3A_353, %get3A_604, %get3A_605] : memref<2x256x64xi32, #tpu.memory_space<vmem>> -> memref<1x256x64xi32, #tpu.memory_space<vmem>>
        %get3A_607 = tpu.memref_squeeze %get3A_606 : memref<1x256x64xi32, #tpu.memory_space<vmem>> -> memref<256x64xi32, #tpu.memory_space<vmem>>
        %get3A_608 = arith.index_cast %add3A_558 : i32 to index
        %get3A_609 = arith.constant 48 : index
        %get3A_610 = tpu.vector_load %get3A_607[%get3A_608, %get3A_609] {strides = array<i32>} : memref<256x64xi32, #tpu.memory_space<vmem>>, vector<16xi32>,
        %shift_left3A_611 = arith.constant 16 : i32
        %shift_left3A_612 = vector.broadcast %shift_left3A_611 : i32 to vector<16xi32>
        %shift_left3A_613 = arith.shli %get3A_610, %shift_left3A_612 : vector<16xi32>
        %bitcast3A_614 = vector.bitcast %shift_left3A_613 : vector<16xi32> to vector<16xf32>
        %and3A_615 = arith.andi %get3A_610, %broadcast_in_dim3A_351 : vector<16xi32>
        %bitcast3A_616 = vector.bitcast %and3A_615 : vector<16xi32> to vector<16xf32>
        %mul3A_617 = arith.mulf %bitcast3A_614, %select_n3A_321 : vector<16xf32>
        %mul3A_618 = arith.mulf %bitcast3A_616, %select_n3A_349 : vector<16xf32>
        %add3A_619 = arith.addf %mul3A_572, %mul3A_573 : vector<16xf32>
        %add3A_620 = arith.addf %mul3A_587, %mul3A_588 : vector<16xf32>
        %add3A_621 = arith.addf %mul3A_602, %mul3A_603 : vector<16xf32>
        %add3A_622 = arith.addf %mul3A_617, %mul3A_618 : vector<16xf32>
        %add3A_623 = arith.addf %add3A_619, %add3A_620 : vector<16xf32>
        %add3A_624 = arith.addf %add3A_621, %add3A_622 : vector<16xf32>
        %add3A_625 = arith.addf %add3A_623, %add3A_624 : vector<16xf32>
        %broadcast_in_dim3A_626 = vector.shape_cast %xor3A_13 : vector<16xi32> to vector<16x1xi32>
        %gather3A_627 = vector.shape_cast %broadcast_in_dim3A_626 : vector<16x1xi32> to vector<16xi32>
        %gather3A_628 = tpu.dynamic_gather %add3A_625[%gather3A_627] in [0] : vector<16xf32>, vector<16xi32> -> vector<16xf32>
        %add3A_629 = arith.addf %add3A_625, %gather3A_628 : vector<16xf32>
        %broadcast_in_dim3A_630 = vector.shape_cast %xor3A_16 : vector<16xi32> to vector<16x1xi32>
        %gather3A_631 = vector.shape_cast %broadcast_in_dim3A_630 : vector<16x1xi32> to vector<16xi32>
        %gather3A_632 = tpu.dynamic_gather %add3A_629[%gather3A_631] in [0] : vector<16xf32>, vector<16xi32> -> vector<16xf32>
        %add3A_633 = arith.addf %add3A_629, %gather3A_632 : vector<16xf32>
        %broadcast_in_dim3A_634 = vector.shape_cast %xor3A_19 : vector<16xi32> to vector<16x1xi32>
        %gather3A_635 = vector.shape_cast %broadcast_in_dim3A_634 : vector<16x1xi32> to vector<16xi32>
        %gather3A_636 = tpu.dynamic_gather %add3A_633[%gather3A_635] in [0] : vector<16xf32>, vector<16xi32> -> vector<16xf32>
        %add3A_637 = arith.addf %add3A_633, %gather3A_636 : vector<16xf32>
        %broadcast_in_dim3A_638 = vector.shape_cast %xor3A_22 : vector<16xi32> to vector<16x1xi32>
        %gather3A_639 = vector.shape_cast %broadcast_in_dim3A_638 : vector<16x1xi32> to vector<16xi32>
        %gather3A_640 = tpu.dynamic_gather %add3A_637[%gather3A_639] in [0] : vector<16xf32>, vector<16xi32> -> vector<16xf32>
        %add3A_641 = arith.addf %add3A_637, %gather3A_640 : vector<16xf32>
        %eq3A_642 = arith.constant 2 : i32
        %eq3A_643 = vector.broadcast %eq3A_642 : i32 to vector<16xi32>
        %eq3A_644 = arith.cmpi eq, %iota3A, %eq3A_643 : vector<16xi32>
        %select_n3A_645 = arith.select %eq3A_644, %add3A_641, %select_n3A_554 : vector<16xi1>, vector<16xf32>
        %mul3A_646 = arith.constant 16 : i32
        %mul3A_647 = arith.muli %scan3A_379, %mul3A_646 : i32
        %add3A_648 = arith.constant 3 : i32
        %add3A_649 = arith.addi %mul3A_647, %add3A_648 : i32
        %get3A_650 = arith.constant 0 : i32
        %get3A_651 = arith.constant 0 : i32
        %get3A_652 = tpu.memref_slice %arg10[%scan3A_353, %get3A_650, %get3A_651] : memref<2x256x64xi32, #tpu.memory_space<vmem>> -> memref<1x256x64xi32, #tpu.memory_space<vmem>>
        %get3A_653 = tpu.memref_squeeze %get3A_652 : memref<1x256x64xi32, #tpu.memory_space<vmem>> -> memref<256x64xi32, #tpu.memory_space<vmem>>
        %get3A_654 = arith.index_cast %add3A_649 : i32 to index
        %get3A_655 = arith.constant 0 : index
        %get3A_656 = tpu.vector_load %get3A_653[%get3A_654, %get3A_655] {strides = array<i32>} : memref<256x64xi32, #tpu.memory_space<vmem>>, vector<16xi32>,
        %shift_left3A_657 = arith.constant 16 : i32
        %shift_left3A_658 = vector.broadcast %shift_left3A_657 : i32 to vector<16xi32>
        %shift_left3A_659 = arith.shli %get3A_656, %shift_left3A_658 : vector<16xi32>
        %bitcast3A_660 = vector.bitcast %shift_left3A_659 : vector<16xi32> to vector<16xf32>
        %and3A_661 = arith.andi %get3A_656, %broadcast_in_dim3A_351 : vector<16xi32>
        %bitcast3A_662 = vector.bitcast %and3A_661 : vector<16xi32> to vector<16xf32>
        %mul3A_663 = arith.mulf %bitcast3A_660, %select_n3A_300 : vector<16xf32>
        %mul3A_664 = arith.mulf %bitcast3A_662, %select_n3A_328 : vector<16xf32>
        %get3A_665 = arith.constant 0 : i32
        %get3A_666 = arith.constant 0 : i32
        %get3A_667 = tpu.memref_slice %arg10[%scan3A_353, %get3A_665, %get3A_666] : memref<2x256x64xi32, #tpu.memory_space<vmem>> -> memref<1x256x64xi32, #tpu.memory_space<vmem>>
        %get3A_668 = tpu.memref_squeeze %get3A_667 : memref<1x256x64xi32, #tpu.memory_space<vmem>> -> memref<256x64xi32, #tpu.memory_space<vmem>>
        %get3A_669 = arith.index_cast %add3A_649 : i32 to index
        %get3A_670 = arith.constant 16 : index
        %get3A_671 = tpu.vector_load %get3A_668[%get3A_669, %get3A_670] {strides = array<i32>} : memref<256x64xi32, #tpu.memory_space<vmem>>, vector<16xi32>,
        %shift_left3A_672 = arith.constant 16 : i32
        %shift_left3A_673 = vector.broadcast %shift_left3A_672 : i32 to vector<16xi32>
        %shift_left3A_674 = arith.shli %get3A_671, %shift_left3A_673 : vector<16xi32>
        %bitcast3A_675 = vector.bitcast %shift_left3A_674 : vector<16xi32> to vector<16xf32>
        %and3A_676 = arith.andi %get3A_671, %broadcast_in_dim3A_351 : vector<16xi32>
        %bitcast3A_677 = vector.bitcast %and3A_676 : vector<16xi32> to vector<16xf32>
        %mul3A_678 = arith.mulf %bitcast3A_675, %select_n3A_307 : vector<16xf32>
        %mul3A_679 = arith.mulf %bitcast3A_677, %select_n3A_335 : vector<16xf32>
        %get3A_680 = arith.constant 0 : i32
        %get3A_681 = arith.constant 0 : i32
        %get3A_682 = tpu.memref_slice %arg10[%scan3A_353, %get3A_680, %get3A_681] : memref<2x256x64xi32, #tpu.memory_space<vmem>> -> memref<1x256x64xi32, #tpu.memory_space<vmem>>
        %get3A_683 = tpu.memref_squeeze %get3A_682 : memref<1x256x64xi32, #tpu.memory_space<vmem>> -> memref<256x64xi32, #tpu.memory_space<vmem>>
        %get3A_684 = arith.index_cast %add3A_649 : i32 to index
        %get3A_685 = arith.constant 32 : index
        %get3A_686 = tpu.vector_load %get3A_683[%get3A_684, %get3A_685] {strides = array<i32>} : memref<256x64xi32, #tpu.memory_space<vmem>>, vector<16xi32>,
        %shift_left3A_687 = arith.constant 16 : i32
        %shift_left3A_688 = vector.broadcast %shift_left3A_687 : i32 to vector<16xi32>
        %shift_left3A_689 = arith.shli %get3A_686, %shift_left3A_688 : vector<16xi32>
        %bitcast3A_690 = vector.bitcast %shift_left3A_689 : vector<16xi32> to vector<16xf32>
        %and3A_691 = arith.andi %get3A_686, %broadcast_in_dim3A_351 : vector<16xi32>
        %bitcast3A_692 = vector.bitcast %and3A_691 : vector<16xi32> to vector<16xf32>
        %mul3A_693 = arith.mulf %bitcast3A_690, %select_n3A_314 : vector<16xf32>
        %mul3A_694 = arith.mulf %bitcast3A_692, %select_n3A_342 : vector<16xf32>
        %get3A_695 = arith.constant 0 : i32
        %get3A_696 = arith.constant 0 : i32
        %get3A_697 = tpu.memref_slice %arg10[%scan3A_353, %get3A_695, %get3A_696] : memref<2x256x64xi32, #tpu.memory_space<vmem>> -> memref<1x256x64xi32, #tpu.memory_space<vmem>>
        %get3A_698 = tpu.memref_squeeze %get3A_697 : memref<1x256x64xi32, #tpu.memory_space<vmem>> -> memref<256x64xi32, #tpu.memory_space<vmem>>
        %get3A_699 = arith.index_cast %add3A_649 : i32 to index
        %get3A_700 = arith.constant 48 : index
        %get3A_701 = tpu.vector_load %get3A_698[%get3A_699, %get3A_700] {strides = array<i32>} : memref<256x64xi32, #tpu.memory_space<vmem>>, vector<16xi32>,
        %shift_left3A_702 = arith.constant 16 : i32
        %shift_left3A_703 = vector.broadcast %shift_left3A_702 : i32 to vector<16xi32>
        %shift_left3A_704 = arith.shli %get3A_701, %shift_left3A_703 : vector<16xi32>
        %bitcast3A_705 = vector.bitcast %shift_left3A_704 : vector<16xi32> to vector<16xf32>
        %and3A_706 = arith.andi %get3A_701, %broadcast_in_dim3A_351 : vector<16xi32>
        %bitcast3A_707 = vector.bitcast %and3A_706 : vector<16xi32> to vector<16xf32>
        %mul3A_708 = arith.mulf %bitcast3A_705, %select_n3A_321 : vector<16xf32>
        %mul3A_709 = arith.mulf %bitcast3A_707, %select_n3A_349 : vector<16xf32>
        %add3A_710 = arith.addf %mul3A_663, %mul3A_664 : vector<16xf32>
        %add3A_711 = arith.addf %mul3A_678, %mul3A_679 : vector<16xf32>
        %add3A_712 = arith.addf %mul3A_693, %mul3A_694 : vector<16xf32>
        %add3A_713 = arith.addf %mul3A_708, %mul3A_709 : vector<16xf32>
        %add3A_714 = arith.addf %add3A_710, %add3A_711 : vector<16xf32>
        %add3A_715 = arith.addf %add3A_712, %add3A_713 : vector<16xf32>
        %add3A_716 = arith.addf %add3A_714, %add3A_715 : vector<16xf32>
        %broadcast_in_dim3A_717 = vector.shape_cast %xor3A_13 : vector<16xi32> to vector<16x1xi32>
        %gather3A_718 = vector.shape_cast %broadcast_in_dim3A_717 : vector<16x1xi32> to vector<16xi32>
        %gather3A_719 = tpu.dynamic_gather %add3A_716[%gather3A_718] in [0] : vector<16xf32>, vector<16xi32> -> vector<16xf32>
        %add3A_720 = arith.addf %add3A_716, %gather3A_719 : vector<16xf32>
        %broadcast_in_dim3A_721 = vector.shape_cast %xor3A_16 : vector<16xi32> to vector<16x1xi32>
        %gather3A_722 = vector.shape_cast %broadcast_in_dim3A_721 : vector<16x1xi32> to vector<16xi32>
        %gather3A_723 = tpu.dynamic_gather %add3A_720[%gather3A_722] in [0] : vector<16xf32>, vector<16xi32> -> vector<16xf32>
        %add3A_724 = arith.addf %add3A_720, %gather3A_723 : vector<16xf32>
        %broadcast_in_dim3A_725 = vector.shape_cast %xor3A_19 : vector<16xi32> to vector<16x1xi32>
        %gather3A_726 = vector.shape_cast %broadcast_in_dim3A_725 : vector<16x1xi32> to vector<16xi32>
        %gather3A_727 = tpu.dynamic_gather %add3A_724[%gather3A_726] in [0] : vector<16xf32>, vector<16xi32> -> vector<16xf32>
        %add3A_728 = arith.addf %add3A_724, %gather3A_727 : vector<16xf32>
        %broadcast_in_dim3A_729 = vector.shape_cast %xor3A_22 : vector<16xi32> to vector<16x1xi32>
        %gather3A_730 = vector.shape_cast %broadcast_in_dim3A_729 : vector<16x1xi32> to vector<16xi32>
        %gather3A_731 = tpu.dynamic_gather %add3A_728[%gather3A_730] in [0] : vector<16xf32>, vector<16xi32> -> vector<16xf32>
        %add3A_732 = arith.addf %add3A_728, %gather3A_731 : vector<16xf32>
        %eq3A_733 = arith.constant 3 : i32
        %eq3A_734 = vector.broadcast %eq3A_733 : i32 to vector<16xi32>
        %eq3A_735 = arith.cmpi eq, %iota3A, %eq3A_734 : vector<16xi32>
        %select_n3A_736 = arith.select %eq3A_735, %add3A_732, %select_n3A_645 : vector<16xi1>, vector<16xf32>
        %mul3A_737 = arith.constant 16 : i32
        %mul3A_738 = arith.muli %scan3A_379, %mul3A_737 : i32
        %add3A_739 = arith.constant 4 : i32
        %add3A_740 = arith.addi %mul3A_738, %add3A_739 : i32
        %get3A_741 = arith.constant 0 : i32
        %get3A_742 = arith.constant 0 : i32
        %get3A_743 = tpu.memref_slice %arg10[%scan3A_353, %get3A_741, %get3A_742] : memref<2x256x64xi32, #tpu.memory_space<vmem>> -> memref<1x256x64xi32, #tpu.memory_space<vmem>>
        %get3A_744 = tpu.memref_squeeze %get3A_743 : memref<1x256x64xi32, #tpu.memory_space<vmem>> -> memref<256x64xi32, #tpu.memory_space<vmem>>
        %get3A_745 = arith.index_cast %add3A_740 : i32 to index
        %get3A_746 = arith.constant 0 : index
        %get3A_747 = tpu.vector_load %get3A_744[%get3A_745, %get3A_746] {strides = array<i32>} : memref<256x64xi32, #tpu.memory_space<vmem>>, vector<16xi32>,
        %shift_left3A_748 = arith.constant 16 : i32
        %shift_left3A_749 = vector.broadcast %shift_left3A_748 : i32 to vector<16xi32>
        %shift_left3A_750 = arith.shli %get3A_747, %shift_left3A_749 : vector<16xi32>
        %bitcast3A_751 = vector.bitcast %shift_left3A_750 : vector<16xi32> to vector<16xf32>
        %and3A_752 = arith.andi %get3A_747, %broadcast_in_dim3A_351 : vector<16xi32>
        %bitcast3A_753 = vector.bitcast %and3A_752 : vector<16xi32> to vector<16xf32>
        %mul3A_754 = arith.mulf %bitcast3A_751, %select_n3A_300 : vector<16xf32>
        %mul3A_755 = arith.mulf %bitcast3A_753, %select_n3A_328 : vector<16xf32>
        %get3A_756 = arith.constant 0 : i32
        %get3A_757 = arith.constant 0 : i32
        %get3A_758 = tpu.memref_slice %arg10[%scan3A_353, %get3A_756, %get3A_757] : memref<2x256x64xi32, #tpu.memory_space<vmem>> -> memref<1x256x64xi32, #tpu.memory_space<vmem>>
        %get3A_759 = tpu.memref_squeeze %get3A_758 : memref<1x256x64xi32, #tpu.memory_space<vmem>> -> memref<256x64xi32, #tpu.memory_space<vmem>>
        %get3A_760 = arith.index_cast %add3A_740 : i32 to index
        %get3A_761 = arith.constant 16 : index
        %get3A_762 = tpu.vector_load %get3A_759[%get3A_760, %get3A_761] {strides = array<i32>} : memref<256x64xi32, #tpu.memory_space<vmem>>, vector<16xi32>,
        %shift_left3A_763 = arith.constant 16 : i32
        %shift_left3A_764 = vector.broadcast %shift_left3A_763 : i32 to vector<16xi32>
        %shift_left3A_765 = arith.shli %get3A_762, %shift_left3A_764 : vector<16xi32>
        %bitcast3A_766 = vector.bitcast %shift_left3A_765 : vector<16xi32> to vector<16xf32>
        %and3A_767 = arith.andi %get3A_762, %broadcast_in_dim3A_351 : vector<16xi32>
        %bitcast3A_768 = vector.bitcast %and3A_767 : vector<16xi32> to vector<16xf32>
        %mul3A_769 = arith.mulf %bitcast3A_766, %select_n3A_307 : vector<16xf32>
        %mul3A_770 = arith.mulf %bitcast3A_768, %select_n3A_335 : vector<16xf32>
        %get3A_771 = arith.constant 0 : i32
        %get3A_772 = arith.constant 0 : i32
        %get3A_773 = tpu.memref_slice %arg10[%scan3A_353, %get3A_771, %get3A_772] : memref<2x256x64xi32, #tpu.memory_space<vmem>> -> memref<1x256x64xi32, #tpu.memory_space<vmem>>
        %get3A_774 = tpu.memref_squeeze %get3A_773 : memref<1x256x64xi32, #tpu.memory_space<vmem>> -> memref<256x64xi32, #tpu.memory_space<vmem>>
        %get3A_775 = arith.index_cast %add3A_740 : i32 to index
        %get3A_776 = arith.constant 32 : index
        %get3A_777 = tpu.vector_load %get3A_774[%get3A_775, %get3A_776] {strides = array<i32>} : memref<256x64xi32, #tpu.memory_space<vmem>>, vector<16xi32>,
        %shift_left3A_778 = arith.constant 16 : i32
        %shift_left3A_779 = vector.broadcast %shift_left3A_778 : i32 to vector<16xi32>
        %shift_left3A_780 = arith.shli %get3A_777, %shift_left3A_779 : vector<16xi32>
        %bitcast3A_781 = vector.bitcast %shift_left3A_780 : vector<16xi32> to vector<16xf32>
        %and3A_782 = arith.andi %get3A_777, %broadcast_in_dim3A_351 : vector<16xi32>
        %bitcast3A_783 = vector.bitcast %and3A_782 : vector<16xi32> to vector<16xf32>
        %mul3A_784 = arith.mulf %bitcast3A_781, %select_n3A_314 : vector<16xf32>
        %mul3A_785 = arith.mulf %bitcast3A_783, %select_n3A_342 : vector<16xf32>
        %get3A_786 = arith.constant 0 : i32
        %get3A_787 = arith.constant 0 : i32
        %get3A_788 = tpu.memref_slice %arg10[%scan3A_353, %get3A_786, %get3A_787] : memref<2x256x64xi32, #tpu.memory_space<vmem>> -> memref<1x256x64xi32, #tpu.memory_space<vmem>>
        %get3A_789 = tpu.memref_squeeze %get3A_788 : memref<1x256x64xi32, #tpu.memory_space<vmem>> -> memref<256x64xi32, #tpu.memory_space<vmem>>
        %get3A_790 = arith.index_cast %add3A_740 : i32 to index
        %get3A_791 = arith.constant 48 : index
        %get3A_792 = tpu.vector_load %get3A_789[%get3A_790, %get3A_791] {strides = array<i32>} : memref<256x64xi32, #tpu.memory_space<vmem>>, vector<16xi32>,
        %shift_left3A_793 = arith.constant 16 : i32
        %shift_left3A_794 = vector.broadcast %shift_left3A_793 : i32 to vector<16xi32>
        %shift_left3A_795 = arith.shli %get3A_792, %shift_left3A_794 : vector<16xi32>
        %bitcast3A_796 = vector.bitcast %shift_left3A_795 : vector<16xi32> to vector<16xf32>
        %and3A_797 = arith.andi %get3A_792, %broadcast_in_dim3A_351 : vector<16xi32>
        %bitcast3A_798 = vector.bitcast %and3A_797 : vector<16xi32> to vector<16xf32>
        %mul3A_799 = arith.mulf %bitcast3A_796, %select_n3A_321 : vector<16xf32>
        %mul3A_800 = arith.mulf %bitcast3A_798, %select_n3A_349 : vector<16xf32>
        %add3A_801 = arith.addf %mul3A_754, %mul3A_755 : vector<16xf32>
        %add3A_802 = arith.addf %mul3A_769, %mul3A_770 : vector<16xf32>
        %add3A_803 = arith.addf %mul3A_784, %mul3A_785 : vector<16xf32>
        %add3A_804 = arith.addf %mul3A_799, %mul3A_800 : vector<16xf32>
        %add3A_805 = arith.addf %add3A_801, %add3A_802 : vector<16xf32>
        %add3A_806 = arith.addf %add3A_803, %add3A_804 : vector<16xf32>
        %add3A_807 = arith.addf %add3A_805, %add3A_806 : vector<16xf32>
        %broadcast_in_dim3A_808 = vector.shape_cast %xor3A_13 : vector<16xi32> to vector<16x1xi32>
        %gather3A_809 = vector.shape_cast %broadcast_in_dim3A_808 : vector<16x1xi32> to vector<16xi32>
        %gather3A_810 = tpu.dynamic_gather %add3A_807[%gather3A_809] in [0] : vector<16xf32>, vector<16xi32> -> vector<16xf32>
        %add3A_811 = arith.addf %add3A_807, %gather3A_810 : vector<16xf32>
        %broadcast_in_dim3A_812 = vector.shape_cast %xor3A_16 : vector<16xi32> to vector<16x1xi32>
        %gather3A_813 = vector.shape_cast %broadcast_in_dim3A_812 : vector<16x1xi32> to vector<16xi32>
        %gather3A_814 = tpu.dynamic_gather %add3A_811[%gather3A_813] in [0] : vector<16xf32>, vector<16xi32> -> vector<16xf32>
        %add3A_815 = arith.addf %add3A_811, %gather3A_814 : vector<16xf32>
        %broadcast_in_dim3A_816 = vector.shape_cast %xor3A_19 : vector<16xi32> to vector<16x1xi32>
        %gather3A_817 = vector.shape_cast %broadcast_in_dim3A_816 : vector<16x1xi32> to vector<16xi32>
        %gather3A_818 = tpu.dynamic_gather %add3A_815[%gather3A_817] in [0] : vector<16xf32>, vector<16xi32> -> vector<16xf32>
        %add3A_819 = arith.addf %add3A_815, %gather3A_818 : vector<16xf32>
        %broadcast_in_dim3A_820 = vector.shape_cast %xor3A_22 : vector<16xi32> to vector<16x1xi32>
        %gather3A_821 = vector.shape_cast %broadcast_in_dim3A_820 : vector<16x1xi32> to vector<16xi32>
        %gather3A_822 = tpu.dynamic_gather %add3A_819[%gather3A_821] in [0] : vector<16xf32>, vector<16xi32> -> vector<16xf32>
        %add3A_823 = arith.addf %add3A_819, %gather3A_822 : vector<16xf32>
        %eq3A_824 = arith.constant 4 : i32
        %eq3A_825 = vector.broadcast %eq3A_824 : i32 to vector<16xi32>
        %eq3A_826 = arith.cmpi eq, %iota3A, %eq3A_825 : vector<16xi32>
        %select_n3A_827 = arith.select %eq3A_826, %add3A_823, %select_n3A_736 : vector<16xi1>, vector<16xf32>
        %mul3A_828 = arith.constant 16 : i32
        %mul3A_829 = arith.muli %scan3A_379, %mul3A_828 : i32
        %add3A_830 = arith.constant 5 : i32
        %add3A_831 = arith.addi %mul3A_829, %add3A_830 : i32
        %get3A_832 = arith.constant 0 : i32
        %get3A_833 = arith.constant 0 : i32
        %get3A_834 = tpu.memref_slice %arg10[%scan3A_353, %get3A_832, %get3A_833] : memref<2x256x64xi32, #tpu.memory_space<vmem>> -> memref<1x256x64xi32, #tpu.memory_space<vmem>>
        %get3A_835 = tpu.memref_squeeze %get3A_834 : memref<1x256x64xi32, #tpu.memory_space<vmem>> -> memref<256x64xi32, #tpu.memory_space<vmem>>
        %get3A_836 = arith.index_cast %add3A_831 : i32 to index
        %get3A_837 = arith.constant 0 : index
        %get3A_838 = tpu.vector_load %get3A_835[%get3A_836, %get3A_837] {strides = array<i32>} : memref<256x64xi32, #tpu.memory_space<vmem>>, vector<16xi32>,
        %shift_left3A_839 = arith.constant 16 : i32
        %shift_left3A_840 = vector.broadcast %shift_left3A_839 : i32 to vector<16xi32>
        %shift_left3A_841 = arith.shli %get3A_838, %shift_left3A_840 : vector<16xi32>
        %bitcast3A_842 = vector.bitcast %shift_left3A_841 : vector<16xi32> to vector<16xf32>
        %and3A_843 = arith.andi %get3A_838, %broadcast_in_dim3A_351 : vector<16xi32>
        %bitcast3A_844 = vector.bitcast %and3A_843 : vector<16xi32> to vector<16xf32>
        %mul3A_845 = arith.mulf %bitcast3A_842, %select_n3A_300 : vector<16xf32>
        %mul3A_846 = arith.mulf %bitcast3A_844, %select_n3A_328 : vector<16xf32>
        %get3A_847 = arith.constant 0 : i32
        %get3A_848 = arith.constant 0 : i32
        %get3A_849 = tpu.memref_slice %arg10[%scan3A_353, %get3A_847, %get3A_848] : memref<2x256x64xi32, #tpu.memory_space<vmem>> -> memref<1x256x64xi32, #tpu.memory_space<vmem>>
        %get3A_850 = tpu.memref_squeeze %get3A_849 : memref<1x256x64xi32, #tpu.memory_space<vmem>> -> memref<256x64xi32, #tpu.memory_space<vmem>>
        %get3A_851 = arith.index_cast %add3A_831 : i32 to index
        %get3A_852 = arith.constant 16 : index
        %get3A_853 = tpu.vector_load %get3A_850[%get3A_851, %get3A_852] {strides = array<i32>} : memref<256x64xi32, #tpu.memory_space<vmem>>, vector<16xi32>,
        %shift_left3A_854 = arith.constant 16 : i32
        %shift_left3A_855 = vector.broadcast %shift_left3A_854 : i32 to vector<16xi32>
        %shift_left3A_856 = arith.shli %get3A_853, %shift_left3A_855 : vector<16xi32>
        %bitcast3A_857 = vector.bitcast %shift_left3A_856 : vector<16xi32> to vector<16xf32>
        %and3A_858 = arith.andi %get3A_853, %broadcast_in_dim3A_351 : vector<16xi32>
        %bitcast3A_859 = vector.bitcast %and3A_858 : vector<16xi32> to vector<16xf32>
        %mul3A_860 = arith.mulf %bitcast3A_857, %select_n3A_307 : vector<16xf32>
        %mul3A_861 = arith.mulf %bitcast3A_859, %select_n3A_335 : vector<16xf32>
        %get3A_862 = arith.constant 0 : i32
        %get3A_863 = arith.constant 0 : i32
        %get3A_864 = tpu.memref_slice %arg10[%scan3A_353, %get3A_862, %get3A_863] : memref<2x256x64xi32, #tpu.memory_space<vmem>> -> memref<1x256x64xi32, #tpu.memory_space<vmem>>
        %get3A_865 = tpu.memref_squeeze %get3A_864 : memref<1x256x64xi32, #tpu.memory_space<vmem>> -> memref<256x64xi32, #tpu.memory_space<vmem>>
        %get3A_866 = arith.index_cast %add3A_831 : i32 to index
        %get3A_867 = arith.constant 32 : index
        %get3A_868 = tpu.vector_load %get3A_865[%get3A_866, %get3A_867] {strides = array<i32>} : memref<256x64xi32, #tpu.memory_space<vmem>>, vector<16xi32>,
        %shift_left3A_869 = arith.constant 16 : i32
        %shift_left3A_870 = vector.broadcast %shift_left3A_869 : i32 to vector<16xi32>
        %shift_left3A_871 = arith.shli %get3A_868, %shift_left3A_870 : vector<16xi32>
        %bitcast3A_872 = vector.bitcast %shift_left3A_871 : vector<16xi32> to vector<16xf32>
        %and3A_873 = arith.andi %get3A_868, %broadcast_in_dim3A_351 : vector<16xi32>
        %bitcast3A_874 = vector.bitcast %and3A_873 : vector<16xi32> to vector<16xf32>
        %mul3A_875 = arith.mulf %bitcast3A_872, %select_n3A_314 : vector<16xf32>
        %mul3A_876 = arith.mulf %bitcast3A_874, %select_n3A_342 : vector<16xf32>
        %get3A_877 = arith.constant 0 : i32
        %get3A_878 = arith.constant 0 : i32
        %get3A_879 = tpu.memref_slice %arg10[%scan3A_353, %get3A_877, %get3A_878] : memref<2x256x64xi32, #tpu.memory_space<vmem>> -> memref<1x256x64xi32, #tpu.memory_space<vmem>>
        %get3A_880 = tpu.memref_squeeze %get3A_879 : memref<1x256x64xi32, #tpu.memory_space<vmem>> -> memref<256x64xi32, #tpu.memory_space<vmem>>
        %get3A_881 = arith.index_cast %add3A_831 : i32 to index
        %get3A_882 = arith.constant 48 : index
        %get3A_883 = tpu.vector_load %get3A_880[%get3A_881, %get3A_882] {strides = array<i32>} : memref<256x64xi32, #tpu.memory_space<vmem>>, vector<16xi32>,
        %shift_left3A_884 = arith.constant 16 : i32
        %shift_left3A_885 = vector.broadcast %shift_left3A_884 : i32 to vector<16xi32>
        %shift_left3A_886 = arith.shli %get3A_883, %shift_left3A_885 : vector<16xi32>
        %bitcast3A_887 = vector.bitcast %shift_left3A_886 : vector<16xi32> to vector<16xf32>
        %and3A_888 = arith.andi %get3A_883, %broadcast_in_dim3A_351 : vector<16xi32>
        %bitcast3A_889 = vector.bitcast %and3A_888 : vector<16xi32> to vector<16xf32>
        %mul3A_890 = arith.mulf %bitcast3A_887, %select_n3A_321 : vector<16xf32>
        %mul3A_891 = arith.mulf %bitcast3A_889, %select_n3A_349 : vector<16xf32>
        %add3A_892 = arith.addf %mul3A_845, %mul3A_846 : vector<16xf32>
        %add3A_893 = arith.addf %mul3A_860, %mul3A_861 : vector<16xf32>
        %add3A_894 = arith.addf %mul3A_875, %mul3A_876 : vector<16xf32>
        %add3A_895 = arith.addf %mul3A_890, %mul3A_891 : vector<16xf32>
        %add3A_896 = arith.addf %add3A_892, %add3A_893 : vector<16xf32>
        %add3A_897 = arith.addf %add3A_894, %add3A_895 : vector<16xf32>
        %add3A_898 = arith.addf %add3A_896, %add3A_897 : vector<16xf32>
        %broadcast_in_dim3A_899 = vector.shape_cast %xor3A_13 : vector<16xi32> to vector<16x1xi32>
        %gather3A_900 = vector.shape_cast %broadcast_in_dim3A_899 : vector<16x1xi32> to vector<16xi32>
        %gather3A_901 = tpu.dynamic_gather %add3A_898[%gather3A_900] in [0] : vector<16xf32>, vector<16xi32> -> vector<16xf32>
        %add3A_902 = arith.addf %add3A_898, %gather3A_901 : vector<16xf32>
        %broadcast_in_dim3A_903 = vector.shape_cast %xor3A_16 : vector<16xi32> to vector<16x1xi32>
        %gather3A_904 = vector.shape_cast %broadcast_in_dim3A_903 : vector<16x1xi32> to vector<16xi32>
        %gather3A_905 = tpu.dynamic_gather %add3A_902[%gather3A_904] in [0] : vector<16xf32>, vector<16xi32> -> vector<16xf32>
        %add3A_906 = arith.addf %add3A_902, %gather3A_905 : vector<16xf32>
        %broadcast_in_dim3A_907 = vector.shape_cast %xor3A_19 : vector<16xi32> to vector<16x1xi32>
        %gather3A_908 = vector.shape_cast %broadcast_in_dim3A_907 : vector<16x1xi32> to vector<16xi32>
        %gather3A_909 = tpu.dynamic_gather %add3A_906[%gather3A_908] in [0] : vector<16xf32>, vector<16xi32> -> vector<16xf32>
        %add3A_910 = arith.addf %add3A_906, %gather3A_909 : vector<16xf32>
        %broadcast_in_dim3A_911 = vector.shape_cast %xor3A_22 : vector<16xi32> to vector<16x1xi32>
        %gather3A_912 = vector.shape_cast %broadcast_in_dim3A_911 : vector<16x1xi32> to vector<16xi32>
        %gather3A_913 = tpu.dynamic_gather %add3A_910[%gather3A_912] in [0] : vector<16xf32>, vector<16xi32> -> vector<16xf32>
        %add3A_914 = arith.addf %add3A_910, %gather3A_913 : vector<16xf32>
        %eq3A_915 = arith.constant 5 : i32
        %eq3A_916 = vector.broadcast %eq3A_915 : i32 to vector<16xi32>
        %eq3A_917 = arith.cmpi eq, %iota3A, %eq3A_916 : vector<16xi32>
        %select_n3A_918 = arith.select %eq3A_917, %add3A_914, %select_n3A_827 : vector<16xi1>, vector<16xf32>
        %mul3A_919 = arith.constant 16 : i32
        %mul3A_920 = arith.muli %scan3A_379, %mul3A_919 : i32
        %add3A_921 = arith.constant 6 : i32
        %add3A_922 = arith.addi %mul3A_920, %add3A_921 : i32
        %get3A_923 = arith.constant 0 : i32
        %get3A_924 = arith.constant 0 : i32
        %get3A_925 = tpu.memref_slice %arg10[%scan3A_353, %get3A_923, %get3A_924] : memref<2x256x64xi32, #tpu.memory_space<vmem>> -> memref<1x256x64xi32, #tpu.memory_space<vmem>>
        %get3A_926 = tpu.memref_squeeze %get3A_925 : memref<1x256x64xi32, #tpu.memory_space<vmem>> -> memref<256x64xi32, #tpu.memory_space<vmem>>
        %get3A_927 = arith.index_cast %add3A_922 : i32 to index
        %get3A_928 = arith.constant 0 : index
        %get3A_929 = tpu.vector_load %get3A_926[%get3A_927, %get3A_928] {strides = array<i32>} : memref<256x64xi32, #tpu.memory_space<vmem>>, vector<16xi32>,
        %shift_left3A_930 = arith.constant 16 : i32
        %shift_left3A_931 = vector.broadcast %shift_left3A_930 : i32 to vector<16xi32>
        %shift_left3A_932 = arith.shli %get3A_929, %shift_left3A_931 : vector<16xi32>
        %bitcast3A_933 = vector.bitcast %shift_left3A_932 : vector<16xi32> to vector<16xf32>
        %and3A_934 = arith.andi %get3A_929, %broadcast_in_dim3A_351 : vector<16xi32>
        %bitcast3A_935 = vector.bitcast %and3A_934 : vector<16xi32> to vector<16xf32>
        %mul3A_936 = arith.mulf %bitcast3A_933, %select_n3A_300 : vector<16xf32>
        %mul3A_937 = arith.mulf %bitcast3A_935, %select_n3A_328 : vector<16xf32>
        %get3A_938 = arith.constant 0 : i32
        %get3A_939 = arith.constant 0 : i32
        %get3A_940 = tpu.memref_slice %arg10[%scan3A_353, %get3A_938, %get3A_939] : memref<2x256x64xi32, #tpu.memory_space<vmem>> -> memref<1x256x64xi32, #tpu.memory_space<vmem>>
        %get3A_941 = tpu.memref_squeeze %get3A_940 : memref<1x256x64xi32, #tpu.memory_space<vmem>> -> memref<256x64xi32, #tpu.memory_space<vmem>>
        %get3A_942 = arith.index_cast %add3A_922 : i32 to index
        %get3A_943 = arith.constant 16 : index
        %get3A_944 = tpu.vector_load %get3A_941[%get3A_942, %get3A_943] {strides = array<i32>} : memref<256x64xi32, #tpu.memory_space<vmem>>, vector<16xi32>,
        %shift_left3A_945 = arith.constant 16 : i32
        %shift_left3A_946 = vector.broadcast %shift_left3A_945 : i32 to vector<16xi32>
        %shift_left3A_947 = arith.shli %get3A_944, %shift_left3A_946 : vector<16xi32>
        %bitcast3A_948 = vector.bitcast %shift_left3A_947 : vector<16xi32> to vector<16xf32>
        %and3A_949 = arith.andi %get3A_944, %broadcast_in_dim3A_351 : vector<16xi32>
        %bitcast3A_950 = vector.bitcast %and3A_949 : vector<16xi32> to vector<16xf32>
        %mul3A_951 = arith.mulf %bitcast3A_948, %select_n3A_307 : vector<16xf32>
        %mul3A_952 = arith.mulf %bitcast3A_950, %select_n3A_335 : vector<16xf32>
        %get3A_953 = arith.constant 0 : i32
        %get3A_954 = arith.constant 0 : i32
        %get3A_955 = tpu.memref_slice %arg10[%scan3A_353, %get3A_953, %get3A_954] : memref<2x256x64xi32, #tpu.memory_space<vmem>> -> memref<1x256x64xi32, #tpu.memory_space<vmem>>
        %get3A_956 = tpu.memref_squeeze %get3A_955 : memref<1x256x64xi32, #tpu.memory_space<vmem>> -> memref<256x64xi32, #tpu.memory_space<vmem>>
        %get3A_957 = arith.index_cast %add3A_922 : i32 to index
        %get3A_958 = arith.constant 32 : index
        %get3A_959 = tpu.vector_load %get3A_956[%get3A_957, %get3A_958] {strides = array<i32>} : memref<256x64xi32, #tpu.memory_space<vmem>>, vector<16xi32>,
        %shift_left3A_960 = arith.constant 16 : i32
        %shift_left3A_961 = vector.broadcast %shift_left3A_960 : i32 to vector<16xi32>
        %shift_left3A_962 = arith.shli %get3A_959, %shift_left3A_961 : vector<16xi32>
        %bitcast3A_963 = vector.bitcast %shift_left3A_962 : vector<16xi32> to vector<16xf32>
        %and3A_964 = arith.andi %get3A_959, %broadcast_in_dim3A_351 : vector<16xi32>
        %bitcast3A_965 = vector.bitcast %and3A_964 : vector<16xi32> to vector<16xf32>
        %mul3A_966 = arith.mulf %bitcast3A_963, %select_n3A_314 : vector<16xf32>
        %mul3A_967 = arith.mulf %bitcast3A_965, %select_n3A_342 : vector<16xf32>
        %get3A_968 = arith.constant 0 : i32
        %get3A_969 = arith.constant 0 : i32
        %get3A_970 = tpu.memref_slice %arg10[%scan3A_353, %get3A_968, %get3A_969] : memref<2x256x64xi32, #tpu.memory_space<vmem>> -> memref<1x256x64xi32, #tpu.memory_space<vmem>>
        %get3A_971 = tpu.memref_squeeze %get3A_970 : memref<1x256x64xi32, #tpu.memory_space<vmem>> -> memref<256x64xi32, #tpu.memory_space<vmem>>
        %get3A_972 = arith.index_cast %add3A_922 : i32 to index
        %get3A_973 = arith.constant 48 : index
        %get3A_974 = tpu.vector_load %get3A_971[%get3A_972, %get3A_973] {strides = array<i32>} : memref<256x64xi32, #tpu.memory_space<vmem>>, vector<16xi32>,
        %shift_left3A_975 = arith.constant 16 : i32
        %shift_left3A_976 = vector.broadcast %shift_left3A_975 : i32 to vector<16xi32>
        %shift_left3A_977 = arith.shli %get3A_974, %shift_left3A_976 : vector<16xi32>
        %bitcast3A_978 = vector.bitcast %shift_left3A_977 : vector<16xi32> to vector<16xf32>
        %and3A_979 = arith.andi %get3A_974, %broadcast_in_dim3A_351 : vector<16xi32>
        %bitcast3A_980 = vector.bitcast %and3A_979 : vector<16xi32> to vector<16xf32>
        %mul3A_981 = arith.mulf %bitcast3A_978, %select_n3A_321 : vector<16xf32>
        %mul3A_982 = arith.mulf %bitcast3A_980, %select_n3A_349 : vector<16xf32>
        %add3A_983 = arith.addf %mul3A_936, %mul3A_937 : vector<16xf32>
        %add3A_984 = arith.addf %mul3A_951, %mul3A_952 : vector<16xf32>
        %add3A_985 = arith.addf %mul3A_966, %mul3A_967 : vector<16xf32>
        %add3A_986 = arith.addf %mul3A_981, %mul3A_982 : vector<16xf32>
        %add3A_987 = arith.addf %add3A_983, %add3A_984 : vector<16xf32>
        %add3A_988 = arith.addf %add3A_985, %add3A_986 : vector<16xf32>
        %add3A_989 = arith.addf %add3A_987, %add3A_988 : vector<16xf32>
        %broadcast_in_dim3A_990 = vector.shape_cast %xor3A_13 : vector<16xi32> to vector<16x1xi32>
        %gather3A_991 = vector.shape_cast %broadcast_in_dim3A_990 : vector<16x1xi32> to vector<16xi32>
        %gather3A_992 = tpu.dynamic_gather %add3A_989[%gather3A_991] in [0] : vector<16xf32>, vector<16xi32> -> vector<16xf32>
        %add3A_993 = arith.addf %add3A_989, %gather3A_992 : vector<16xf32>
        %broadcast_in_dim3A_994 = vector.shape_cast %xor3A_16 : vector<16xi32> to vector<16x1xi32>
        %gather3A_995 = vector.shape_cast %broadcast_in_dim3A_994 : vector<16x1xi32> to vector<16xi32>
        %gather3A_996 = tpu.dynamic_gather %add3A_993[%gather3A_995] in [0] : vector<16xf32>, vector<16xi32> -> vector<16xf32>
        %add3A_997 = arith.addf %add3A_993, %gather3A_996 : vector<16xf32>
        %broadcast_in_dim3A_998 = vector.shape_cast %xor3A_19 : vector<16xi32> to vector<16x1xi32>
        %gather3A_999 = vector.shape_cast %broadcast_in_dim3A_998 : vector<16x1xi32> to vector<16xi32>
        %gather3A_1000 = tpu.dynamic_gather %add3A_997[%gather3A_999] in [0] : vector<16xf32>, vector<16xi32> -> vector<16xf32>
        %add3A_1001 = arith.addf %add3A_997, %gather3A_1000 : vector<16xf32>
        %broadcast_in_dim3A_1002 = vector.shape_cast %xor3A_22 : vector<16xi32> to vector<16x1xi32>
        %gather3A_1003 = vector.shape_cast %broadcast_in_dim3A_1002 : vector<16x1xi32> to vector<16xi32>
        %gather3A_1004 = tpu.dynamic_gather %add3A_1001[%gather3A_1003] in [0] : vector<16xf32>, vector<16xi32> -> vector<16xf32>
        %add3A_1005 = arith.addf %add3A_1001, %gather3A_1004 : vector<16xf32>
        %eq3A_1006 = arith.constant 6 : i32
        %eq3A_1007 = vector.broadcast %eq3A_1006 : i32 to vector<16xi32>
        %eq3A_1008 = arith.cmpi eq, %iota3A, %eq3A_1007 : vector<16xi32>
        %select_n3A_1009 = arith.select %eq3A_1008, %add3A_1005, %select_n3A_918 : vector<16xi1>, vector<16xf32>
        %mul3A_1010 = arith.constant 16 : i32
        %mul3A_1011 = arith.muli %scan3A_379, %mul3A_1010 : i32
        %add3A_1012 = arith.constant 7 : i32
        %add3A_1013 = arith.addi %mul3A_1011, %add3A_1012 : i32
        %get3A_1014 = arith.constant 0 : i32
        %get3A_1015 = arith.constant 0 : i32
        %get3A_1016 = tpu.memref_slice %arg10[%scan3A_353, %get3A_1014, %get3A_1015] : memref<2x256x64xi32, #tpu.memory_space<vmem>> -> memref<1x256x64xi32, #tpu.memory_space<vmem>>
        %get3A_1017 = tpu.memref_squeeze %get3A_1016 : memref<1x256x64xi32, #tpu.memory_space<vmem>> -> memref<256x64xi32, #tpu.memory_space<vmem>>
        %get3A_1018 = arith.index_cast %add3A_1013 : i32 to index
        %get3A_1019 = arith.constant 0 : index
        %get3A_1020 = tpu.vector_load %get3A_1017[%get3A_1018, %get3A_1019] {strides = array<i32>} : memref<256x64xi32, #tpu.memory_space<vmem>>, vector<16xi32>,
        %shift_left3A_1021 = arith.constant 16 : i32
        %shift_left3A_1022 = vector.broadcast %shift_left3A_1021 : i32 to vector<16xi32>
        %shift_left3A_1023 = arith.shli %get3A_1020, %shift_left3A_1022 : vector<16xi32>
        %bitcast3A_1024 = vector.bitcast %shift_left3A_1023 : vector<16xi32> to vector<16xf32>
        %and3A_1025 = arith.andi %get3A_1020, %broadcast_in_dim3A_351 : vector<16xi32>
        %bitcast3A_1026 = vector.bitcast %and3A_1025 : vector<16xi32> to vector<16xf32>
        %mul3A_1027 = arith.mulf %bitcast3A_1024, %select_n3A_300 : vector<16xf32>
        %mul3A_1028 = arith.mulf %bitcast3A_1026, %select_n3A_328 : vector<16xf32>
        %get3A_1029 = arith.constant 0 : i32
        %get3A_1030 = arith.constant 0 : i32
        %get3A_1031 = tpu.memref_slice %arg10[%scan3A_353, %get3A_1029, %get3A_1030] : memref<2x256x64xi32, #tpu.memory_space<vmem>> -> memref<1x256x64xi32, #tpu.memory_space<vmem>>
        %get3A_1032 = tpu.memref_squeeze %get3A_1031 : memref<1x256x64xi32, #tpu.memory_space<vmem>> -> memref<256x64xi32, #tpu.memory_space<vmem>>
        %get3A_1033 = arith.index_cast %add3A_1013 : i32 to index
        %get3A_1034 = arith.constant 16 : index
        %get3A_1035 = tpu.vector_load %get3A_1032[%get3A_1033, %get3A_1034] {strides = array<i32>} : memref<256x64xi32, #tpu.memory_space<vmem>>, vector<16xi32>,
        %shift_left3A_1036 = arith.constant 16 : i32
        %shift_left3A_1037 = vector.broadcast %shift_left3A_1036 : i32 to vector<16xi32>
        %shift_left3A_1038 = arith.shli %get3A_1035, %shift_left3A_1037 : vector<16xi32>
        %bitcast3A_1039 = vector.bitcast %shift_left3A_1038 : vector<16xi32> to vector<16xf32>
        %and3A_1040 = arith.andi %get3A_1035, %broadcast_in_dim3A_351 : vector<16xi32>
        %bitcast3A_1041 = vector.bitcast %and3A_1040 : vector<16xi32> to vector<16xf32>
        %mul3A_1042 = arith.mulf %bitcast3A_1039, %select_n3A_307 : vector<16xf32>
        %mul3A_1043 = arith.mulf %bitcast3A_1041, %select_n3A_335 : vector<16xf32>
        %get3A_1044 = arith.constant 0 : i32
        %get3A_1045 = arith.constant 0 : i32
        %get3A_1046 = tpu.memref_slice %arg10[%scan3A_353, %get3A_1044, %get3A_1045] : memref<2x256x64xi32, #tpu.memory_space<vmem>> -> memref<1x256x64xi32, #tpu.memory_space<vmem>>
        %get3A_1047 = tpu.memref_squeeze %get3A_1046 : memref<1x256x64xi32, #tpu.memory_space<vmem>> -> memref<256x64xi32, #tpu.memory_space<vmem>>
        %get3A_1048 = arith.index_cast %add3A_1013 : i32 to index
        %get3A_1049 = arith.constant 32 : index
        %get3A_1050 = tpu.vector_load %get3A_1047[%get3A_1048, %get3A_1049] {strides = array<i32>} : memref<256x64xi32, #tpu.memory_space<vmem>>, vector<16xi32>,
        %shift_left3A_1051 = arith.constant 16 : i32
        %shift_left3A_1052 = vector.broadcast %shift_left3A_1051 : i32 to vector<16xi32>
        %shift_left3A_1053 = arith.shli %get3A_1050, %shift_left3A_1052 : vector<16xi32>
        %bitcast3A_1054 = vector.bitcast %shift_left3A_1053 : vector<16xi32> to vector<16xf32>
        %and3A_1055 = arith.andi %get3A_1050, %broadcast_in_dim3A_351 : vector<16xi32>
        %bitcast3A_1056 = vector.bitcast %and3A_1055 : vector<16xi32> to vector<16xf32>
        %mul3A_1057 = arith.mulf %bitcast3A_1054, %select_n3A_314 : vector<16xf32>
        %mul3A_1058 = arith.mulf %bitcast3A_1056, %select_n3A_342 : vector<16xf32>
        %get3A_1059 = arith.constant 0 : i32
        %get3A_1060 = arith.constant 0 : i32
        %get3A_1061 = tpu.memref_slice %arg10[%scan3A_353, %get3A_1059, %get3A_1060] : memref<2x256x64xi32, #tpu.memory_space<vmem>> -> memref<1x256x64xi32, #tpu.memory_space<vmem>>
        %get3A_1062 = tpu.memref_squeeze %get3A_1061 : memref<1x256x64xi32, #tpu.memory_space<vmem>> -> memref<256x64xi32, #tpu.memory_space<vmem>>
        %get3A_1063 = arith.index_cast %add3A_1013 : i32 to index
        %get3A_1064 = arith.constant 48 : index
        %get3A_1065 = tpu.vector_load %get3A_1062[%get3A_1063, %get3A_1064] {strides = array<i32>} : memref<256x64xi32, #tpu.memory_space<vmem>>, vector<16xi32>,
        %shift_left3A_1066 = arith.constant 16 : i32
        %shift_left3A_1067 = vector.broadcast %shift_left3A_1066 : i32 to vector<16xi32>
        %shift_left3A_1068 = arith.shli %get3A_1065, %shift_left3A_1067 : vector<16xi32>
        %bitcast3A_1069 = vector.bitcast %shift_left3A_1068 : vector<16xi32> to vector<16xf32>
        %and3A_1070 = arith.andi %get3A_1065, %broadcast_in_dim3A_351 : vector<16xi32>
        %bitcast3A_1071 = vector.bitcast %and3A_1070 : vector<16xi32> to vector<16xf32>
        %mul3A_1072 = arith.mulf %bitcast3A_1069, %select_n3A_321 : vector<16xf32>
        %mul3A_1073 = arith.mulf %bitcast3A_1071, %select_n3A_349 : vector<16xf32>
        %add3A_1074 = arith.addf %mul3A_1027, %mul3A_1028 : vector<16xf32>
        %add3A_1075 = arith.addf %mul3A_1042, %mul3A_1043 : vector<16xf32>
        %add3A_1076 = arith.addf %mul3A_1057, %mul3A_1058 : vector<16xf32>
        %add3A_1077 = arith.addf %mul3A_1072, %mul3A_1073 : vector<16xf32>
        %add3A_1078 = arith.addf %add3A_1074, %add3A_1075 : vector<16xf32>
        %add3A_1079 = arith.addf %add3A_1076, %add3A_1077 : vector<16xf32>
        %add3A_1080 = arith.addf %add3A_1078, %add3A_1079 : vector<16xf32>
        %broadcast_in_dim3A_1081 = vector.shape_cast %xor3A_13 : vector<16xi32> to vector<16x1xi32>
        %gather3A_1082 = vector.shape_cast %broadcast_in_dim3A_1081 : vector<16x1xi32> to vector<16xi32>
        %gather3A_1083 = tpu.dynamic_gather %add3A_1080[%gather3A_1082] in [0] : vector<16xf32>, vector<16xi32> -> vector<16xf32>
        %add3A_1084 = arith.addf %add3A_1080, %gather3A_1083 : vector<16xf32>
        %broadcast_in_dim3A_1085 = vector.shape_cast %xor3A_16 : vector<16xi32> to vector<16x1xi32>
        %gather3A_1086 = vector.shape_cast %broadcast_in_dim3A_1085 : vector<16x1xi32> to vector<16xi32>
        %gather3A_1087 = tpu.dynamic_gather %add3A_1084[%gather3A_1086] in [0] : vector<16xf32>, vector<16xi32> -> vector<16xf32>
        %add3A_1088 = arith.addf %add3A_1084, %gather3A_1087 : vector<16xf32>
        %broadcast_in_dim3A_1089 = vector.shape_cast %xor3A_19 : vector<16xi32> to vector<16x1xi32>
        %gather3A_1090 = vector.shape_cast %broadcast_in_dim3A_1089 : vector<16x1xi32> to vector<16xi32>
        %gather3A_1091 = tpu.dynamic_gather %add3A_1088[%gather3A_1090] in [0] : vector<16xf32>, vector<16xi32> -> vector<16xf32>
        %add3A_1092 = arith.addf %add3A_1088, %gather3A_1091 : vector<16xf32>
        %broadcast_in_dim3A_1093 = vector.shape_cast %xor3A_22 : vector<16xi32> to vector<16x1xi32>
        %gather3A_1094 = vector.shape_cast %broadcast_in_dim3A_1093 : vector<16x1xi32> to vector<16xi32>
        %gather3A_1095 = tpu.dynamic_gather %add3A_1092[%gather3A_1094] in [0] : vector<16xf32>, vector<16xi32> -> vector<16xf32>
        %add3A_1096 = arith.addf %add3A_1092, %gather3A_1095 : vector<16xf32>
        %eq3A_1097 = arith.constant 7 : i32
        %eq3A_1098 = vector.broadcast %eq3A_1097 : i32 to vector<16xi32>
        %eq3A_1099 = arith.cmpi eq, %iota3A, %eq3A_1098 : vector<16xi32>
        %select_n3A_1100 = arith.select %eq3A_1099, %add3A_1096, %select_n3A_1009 : vector<16xi1>, vector<16xf32>
        %mul3A_1101 = arith.constant 16 : i32
        %mul3A_1102 = arith.muli %scan3A_379, %mul3A_1101 : i32
        %add3A_1103 = arith.constant 8 : i32
        %add3A_1104 = arith.addi %mul3A_1102, %add3A_1103 : i32
        %get3A_1105 = arith.constant 0 : i32
        %get3A_1106 = arith.constant 0 : i32
        %get3A_1107 = tpu.memref_slice %arg10[%scan3A_353, %get3A_1105, %get3A_1106] : memref<2x256x64xi32, #tpu.memory_space<vmem>> -> memref<1x256x64xi32, #tpu.memory_space<vmem>>
        %get3A_1108 = tpu.memref_squeeze %get3A_1107 : memref<1x256x64xi32, #tpu.memory_space<vmem>> -> memref<256x64xi32, #tpu.memory_space<vmem>>
        %get3A_1109 = arith.index_cast %add3A_1104 : i32 to index
        %get3A_1110 = arith.constant 0 : index
        %get3A_1111 = tpu.vector_load %get3A_1108[%get3A_1109, %get3A_1110] {strides = array<i32>} : memref<256x64xi32, #tpu.memory_space<vmem>>, vector<16xi32>,
        %shift_left3A_1112 = arith.constant 16 : i32
        %shift_left3A_1113 = vector.broadcast %shift_left3A_1112 : i32 to vector<16xi32>
        %shift_left3A_1114 = arith.shli %get3A_1111, %shift_left3A_1113 : vector<16xi32>
        %bitcast3A_1115 = vector.bitcast %shift_left3A_1114 : vector<16xi32> to vector<16xf32>
        %and3A_1116 = arith.andi %get3A_1111, %broadcast_in_dim3A_351 : vector<16xi32>
        %bitcast3A_1117 = vector.bitcast %and3A_1116 : vector<16xi32> to vector<16xf32>
        %mul3A_1118 = arith.mulf %bitcast3A_1115, %select_n3A_300 : vector<16xf32>
        %mul3A_1119 = arith.mulf %bitcast3A_1117, %select_n3A_328 : vector<16xf32>
        %get3A_1120 = arith.constant 0 : i32
        %get3A_1121 = arith.constant 0 : i32
        %get3A_1122 = tpu.memref_slice %arg10[%scan3A_353, %get3A_1120, %get3A_1121] : memref<2x256x64xi32, #tpu.memory_space<vmem>> -> memref<1x256x64xi32, #tpu.memory_space<vmem>>
        %get3A_1123 = tpu.memref_squeeze %get3A_1122 : memref<1x256x64xi32, #tpu.memory_space<vmem>> -> memref<256x64xi32, #tpu.memory_space<vmem>>
        %get3A_1124 = arith.index_cast %add3A_1104 : i32 to index
        %get3A_1125 = arith.constant 16 : index
        %get3A_1126 = tpu.vector_load %get3A_1123[%get3A_1124, %get3A_1125] {strides = array<i32>} : memref<256x64xi32, #tpu.memory_space<vmem>>, vector<16xi32>,
        %shift_left3A_1127 = arith.constant 16 : i32
        %shift_left3A_1128 = vector.broadcast %shift_left3A_1127 : i32 to vector<16xi32>
        %shift_left3A_1129 = arith.shli %get3A_1126, %shift_left3A_1128 : vector<16xi32>
        %bitcast3A_1130 = vector.bitcast %shift_left3A_1129 : vector<16xi32> to vector<16xf32>
        %and3A_1131 = arith.andi %get3A_1126, %broadcast_in_dim3A_351 : vector<16xi32>
        %bitcast3A_1132 = vector.bitcast %and3A_1131 : vector<16xi32> to vector<16xf32>
        %mul3A_1133 = arith.mulf %bitcast3A_1130, %select_n3A_307 : vector<16xf32>
        %mul3A_1134 = arith.mulf %bitcast3A_1132, %select_n3A_335 : vector<16xf32>
        %get3A_1135 = arith.constant 0 : i32
        %get3A_1136 = arith.constant 0 : i32
        %get3A_1137 = tpu.memref_slice %arg10[%scan3A_353, %get3A_1135, %get3A_1136] : memref<2x256x64xi32, #tpu.memory_space<vmem>> -> memref<1x256x64xi32, #tpu.memory_space<vmem>>
        %get3A_1138 = tpu.memref_squeeze %get3A_1137 : memref<1x256x64xi32, #tpu.memory_space<vmem>> -> memref<256x64xi32, #tpu.memory_space<vmem>>
        %get3A_1139 = arith.index_cast %add3A_1104 : i32 to index
        %get3A_1140 = arith.constant 32 : index
        %get3A_1141 = tpu.vector_load %get3A_1138[%get3A_1139, %get3A_1140] {strides = array<i32>} : memref<256x64xi32, #tpu.memory_space<vmem>>, vector<16xi32>,
        %shift_left3A_1142 = arith.constant 16 : i32
        %shift_left3A_1143 = vector.broadcast %shift_left3A_1142 : i32 to vector<16xi32>
        %shift_left3A_1144 = arith.shli %get3A_1141, %shift_left3A_1143 : vector<16xi32>
        %bitcast3A_1145 = vector.bitcast %shift_left3A_1144 : vector<16xi32> to vector<16xf32>
        %and3A_1146 = arith.andi %get3A_1141, %broadcast_in_dim3A_351 : vector<16xi32>
        %bitcast3A_1147 = vector.bitcast %and3A_1146 : vector<16xi32> to vector<16xf32>
        %mul3A_1148 = arith.mulf %bitcast3A_1145, %select_n3A_314 : vector<16xf32>
        %mul3A_1149 = arith.mulf %bitcast3A_1147, %select_n3A_342 : vector<16xf32>
        %get3A_1150 = arith.constant 0 : i32
        %get3A_1151 = arith.constant 0 : i32
        %get3A_1152 = tpu.memref_slice %arg10[%scan3A_353, %get3A_1150, %get3A_1151] : memref<2x256x64xi32, #tpu.memory_space<vmem>> -> memref<1x256x64xi32, #tpu.memory_space<vmem>>
        %get3A_1153 = tpu.memref_squeeze %get3A_1152 : memref<1x256x64xi32, #tpu.memory_space<vmem>> -> memref<256x64xi32, #tpu.memory_space<vmem>>
        %get3A_1154 = arith.index_cast %add3A_1104 : i32 to index
        %get3A_1155 = arith.constant 48 : index
        %get3A_1156 = tpu.vector_load %get3A_1153[%get3A_1154, %get3A_1155] {strides = array<i32>} : memref<256x64xi32, #tpu.memory_space<vmem>>, vector<16xi32>,
        %shift_left3A_1157 = arith.constant 16 : i32
        %shift_left3A_1158 = vector.broadcast %shift_left3A_1157 : i32 to vector<16xi32>
        %shift_left3A_1159 = arith.shli %get3A_1156, %shift_left3A_1158 : vector<16xi32>
        %bitcast3A_1160 = vector.bitcast %shift_left3A_1159 : vector<16xi32> to vector<16xf32>
        %and3A_1161 = arith.andi %get3A_1156, %broadcast_in_dim3A_351 : vector<16xi32>
        %bitcast3A_1162 = vector.bitcast %and3A_1161 : vector<16xi32> to vector<16xf32>
        %mul3A_1163 = arith.mulf %bitcast3A_1160, %select_n3A_321 : vector<16xf32>
        %mul3A_1164 = arith.mulf %bitcast3A_1162, %select_n3A_349 : vector<16xf32>
        %add3A_1165 = arith.addf %mul3A_1118, %mul3A_1119 : vector<16xf32>
        %add3A_1166 = arith.addf %mul3A_1133, %mul3A_1134 : vector<16xf32>
        %add3A_1167 = arith.addf %mul3A_1148, %mul3A_1149 : vector<16xf32>
        %add3A_1168 = arith.addf %mul3A_1163, %mul3A_1164 : vector<16xf32>
        %add3A_1169 = arith.addf %add3A_1165, %add3A_1166 : vector<16xf32>
        %add3A_1170 = arith.addf %add3A_1167, %add3A_1168 : vector<16xf32>
        %add3A_1171 = arith.addf %add3A_1169, %add3A_1170 : vector<16xf32>
        %broadcast_in_dim3A_1172 = vector.shape_cast %xor3A_13 : vector<16xi32> to vector<16x1xi32>
        %gather3A_1173 = vector.shape_cast %broadcast_in_dim3A_1172 : vector<16x1xi32> to vector<16xi32>
        %gather3A_1174 = tpu.dynamic_gather %add3A_1171[%gather3A_1173] in [0] : vector<16xf32>, vector<16xi32> -> vector<16xf32>
        %add3A_1175 = arith.addf %add3A_1171, %gather3A_1174 : vector<16xf32>
        %broadcast_in_dim3A_1176 = vector.shape_cast %xor3A_16 : vector<16xi32> to vector<16x1xi32>
        %gather3A_1177 = vector.shape_cast %broadcast_in_dim3A_1176 : vector<16x1xi32> to vector<16xi32>
        %gather3A_1178 = tpu.dynamic_gather %add3A_1175[%gather3A_1177] in [0] : vector<16xf32>, vector<16xi32> -> vector<16xf32>
        %add3A_1179 = arith.addf %add3A_1175, %gather3A_1178 : vector<16xf32>
        %broadcast_in_dim3A_1180 = vector.shape_cast %xor3A_19 : vector<16xi32> to vector<16x1xi32>
        %gather3A_1181 = vector.shape_cast %broadcast_in_dim3A_1180 : vector<16x1xi32> to vector<16xi32>
        %gather3A_1182 = tpu.dynamic_gather %add3A_1179[%gather3A_1181] in [0] : vector<16xf32>, vector<16xi32> -> vector<16xf32>
        %add3A_1183 = arith.addf %add3A_1179, %gather3A_1182 : vector<16xf32>
        %broadcast_in_dim3A_1184 = vector.shape_cast %xor3A_22 : vector<16xi32> to vector<16x1xi32>
        %gather3A_1185 = vector.shape_cast %broadcast_in_dim3A_1184 : vector<16x1xi32> to vector<16xi32>
        %gather3A_1186 = tpu.dynamic_gather %add3A_1183[%gather3A_1185] in [0] : vector<16xf32>, vector<16xi32> -> vector<16xf32>
        %add3A_1187 = arith.addf %add3A_1183, %gather3A_1186 : vector<16xf32>
        %eq3A_1188 = arith.constant 8 : i32
        %eq3A_1189 = vector.broadcast %eq3A_1188 : i32 to vector<16xi32>
        %eq3A_1190 = arith.cmpi eq, %iota3A, %eq3A_1189 : vector<16xi32>
        %select_n3A_1191 = arith.select %eq3A_1190, %add3A_1187, %select_n3A_1100 : vector<16xi1>, vector<16xf32>
        %mul3A_1192 = arith.constant 16 : i32
        %mul3A_1193 = arith.muli %scan3A_379, %mul3A_1192 : i32
        %add3A_1194 = arith.constant 9 : i32
        %add3A_1195 = arith.addi %mul3A_1193, %add3A_1194 : i32
        %get3A_1196 = arith.constant 0 : i32
        %get3A_1197 = arith.constant 0 : i32
        %get3A_1198 = tpu.memref_slice %arg10[%scan3A_353, %get3A_1196, %get3A_1197] : memref<2x256x64xi32, #tpu.memory_space<vmem>> -> memref<1x256x64xi32, #tpu.memory_space<vmem>>
        %get3A_1199 = tpu.memref_squeeze %get3A_1198 : memref<1x256x64xi32, #tpu.memory_space<vmem>> -> memref<256x64xi32, #tpu.memory_space<vmem>>
        %get3A_1200 = arith.index_cast %add3A_1195 : i32 to index
        %get3A_1201 = arith.constant 0 : index
        %get3A_1202 = tpu.vector_load %get3A_1199[%get3A_1200, %get3A_1201] {strides = array<i32>} : memref<256x64xi32, #tpu.memory_space<vmem>>, vector<16xi32>,
        %shift_left3A_1203 = arith.constant 16 : i32
        %shift_left3A_1204 = vector.broadcast %shift_left3A_1203 : i32 to vector<16xi32>
        %shift_left3A_1205 = arith.shli %get3A_1202, %shift_left3A_1204 : vector<16xi32>
        %bitcast3A_1206 = vector.bitcast %shift_left3A_1205 : vector<16xi32> to vector<16xf32>
        %and3A_1207 = arith.andi %get3A_1202, %broadcast_in_dim3A_351 : vector<16xi32>
        %bitcast3A_1208 = vector.bitcast %and3A_1207 : vector<16xi32> to vector<16xf32>
        %mul3A_1209 = arith.mulf %bitcast3A_1206, %select_n3A_300 : vector<16xf32>
        %mul3A_1210 = arith.mulf %bitcast3A_1208, %select_n3A_328 : vector<16xf32>
        %get3A_1211 = arith.constant 0 : i32
        %get3A_1212 = arith.constant 0 : i32
        %get3A_1213 = tpu.memref_slice %arg10[%scan3A_353, %get3A_1211, %get3A_1212] : memref<2x256x64xi32, #tpu.memory_space<vmem>> -> memref<1x256x64xi32, #tpu.memory_space<vmem>>
        %get3A_1214 = tpu.memref_squeeze %get3A_1213 : memref<1x256x64xi32, #tpu.memory_space<vmem>> -> memref<256x64xi32, #tpu.memory_space<vmem>>
        %get3A_1215 = arith.index_cast %add3A_1195 : i32 to index
        %get3A_1216 = arith.constant 16 : index
        %get3A_1217 = tpu.vector_load %get3A_1214[%get3A_1215, %get3A_1216] {strides = array<i32>} : memref<256x64xi32, #tpu.memory_space<vmem>>, vector<16xi32>,
        %shift_left3A_1218 = arith.constant 16 : i32
        %shift_left3A_1219 = vector.broadcast %shift_left3A_1218 : i32 to vector<16xi32>
        %shift_left3A_1220 = arith.shli %get3A_1217, %shift_left3A_1219 : vector<16xi32>
        %bitcast3A_1221 = vector.bitcast %shift_left3A_1220 : vector<16xi32> to vector<16xf32>
        %and3A_1222 = arith.andi %get3A_1217, %broadcast_in_dim3A_351 : vector<16xi32>
        %bitcast3A_1223 = vector.bitcast %and3A_1222 : vector<16xi32> to vector<16xf32>
        %mul3A_1224 = arith.mulf %bitcast3A_1221, %select_n3A_307 : vector<16xf32>
        %mul3A_1225 = arith.mulf %bitcast3A_1223, %select_n3A_335 : vector<16xf32>
        %get3A_1226 = arith.constant 0 : i32
        %get3A_1227 = arith.constant 0 : i32
        %get3A_1228 = tpu.memref_slice %arg10[%scan3A_353, %get3A_1226, %get3A_1227] : memref<2x256x64xi32, #tpu.memory_space<vmem>> -> memref<1x256x64xi32, #tpu.memory_space<vmem>>
        %get3A_1229 = tpu.memref_squeeze %get3A_1228 : memref<1x256x64xi32, #tpu.memory_space<vmem>> -> memref<256x64xi32, #tpu.memory_space<vmem>>
        %get3A_1230 = arith.index_cast %add3A_1195 : i32 to index
        %get3A_1231 = arith.constant 32 : index
        %get3A_1232 = tpu.vector_load %get3A_1229[%get3A_1230, %get3A_1231] {strides = array<i32>} : memref<256x64xi32, #tpu.memory_space<vmem>>, vector<16xi32>,
        %shift_left3A_1233 = arith.constant 16 : i32
        %shift_left3A_1234 = vector.broadcast %shift_left3A_1233 : i32 to vector<16xi32>
        %shift_left3A_1235 = arith.shli %get3A_1232, %shift_left3A_1234 : vector<16xi32>
        %bitcast3A_1236 = vector.bitcast %shift_left3A_1235 : vector<16xi32> to vector<16xf32>
        %and3A_1237 = arith.andi %get3A_1232, %broadcast_in_dim3A_351 : vector<16xi32>
        %bitcast3A_1238 = vector.bitcast %and3A_1237 : vector<16xi32> to vector<16xf32>
        %mul3A_1239 = arith.mulf %bitcast3A_1236, %select_n3A_314 : vector<16xf32>
        %mul3A_1240 = arith.mulf %bitcast3A_1238, %select_n3A_342 : vector<16xf32>
        %get3A_1241 = arith.constant 0 : i32
        %get3A_1242 = arith.constant 0 : i32
        %get3A_1243 = tpu.memref_slice %arg10[%scan3A_353, %get3A_1241, %get3A_1242] : memref<2x256x64xi32, #tpu.memory_space<vmem>> -> memref<1x256x64xi32, #tpu.memory_space<vmem>>
        %get3A_1244 = tpu.memref_squeeze %get3A_1243 : memref<1x256x64xi32, #tpu.memory_space<vmem>> -> memref<256x64xi32, #tpu.memory_space<vmem>>
        %get3A_1245 = arith.index_cast %add3A_1195 : i32 to index
        %get3A_1246 = arith.constant 48 : index
        %get3A_1247 = tpu.vector_load %get3A_1244[%get3A_1245, %get3A_1246] {strides = array<i32>} : memref<256x64xi32, #tpu.memory_space<vmem>>, vector<16xi32>,
        %shift_left3A_1248 = arith.constant 16 : i32
        %shift_left3A_1249 = vector.broadcast %shift_left3A_1248 : i32 to vector<16xi32>
        %shift_left3A_1250 = arith.shli %get3A_1247, %shift_left3A_1249 : vector<16xi32>
        %bitcast3A_1251 = vector.bitcast %shift_left3A_1250 : vector<16xi32> to vector<16xf32>
        %and3A_1252 = arith.andi %get3A_1247, %broadcast_in_dim3A_351 : vector<16xi32>
        %bitcast3A_1253 = vector.bitcast %and3A_1252 : vector<16xi32> to vector<16xf32>
        %mul3A_1254 = arith.mulf %bitcast3A_1251, %select_n3A_321 : vector<16xf32>
        %mul3A_1255 = arith.mulf %bitcast3A_1253, %select_n3A_349 : vector<16xf32>
        %add3A_1256 = arith.addf %mul3A_1209, %mul3A_1210 : vector<16xf32>
        %add3A_1257 = arith.addf %mul3A_1224, %mul3A_1225 : vector<16xf32>
        %add3A_1258 = arith.addf %mul3A_1239, %mul3A_1240 : vector<16xf32>
        %add3A_1259 = arith.addf %mul3A_1254, %mul3A_1255 : vector<16xf32>
        %add3A_1260 = arith.addf %add3A_1256, %add3A_1257 : vector<16xf32>
        %add3A_1261 = arith.addf %add3A_1258, %add3A_1259 : vector<16xf32>
        %add3A_1262 = arith.addf %add3A_1260, %add3A_1261 : vector<16xf32>
        %broadcast_in_dim3A_1263 = vector.shape_cast %xor3A_13 : vector<16xi32> to vector<16x1xi32>
        %gather3A_1264 = vector.shape_cast %broadcast_in_dim3A_1263 : vector<16x1xi32> to vector<16xi32>
        %gather3A_1265 = tpu.dynamic_gather %add3A_1262[%gather3A_1264] in [0] : vector<16xf32>, vector<16xi32> -> vector<16xf32>
        %add3A_1266 = arith.addf %add3A_1262, %gather3A_1265 : vector<16xf32>
        %broadcast_in_dim3A_1267 = vector.shape_cast %xor3A_16 : vector<16xi32> to vector<16x1xi32>
        %gather3A_1268 = vector.shape_cast %broadcast_in_dim3A_1267 : vector<16x1xi32> to vector<16xi32>
        %gather3A_1269 = tpu.dynamic_gather %add3A_1266[%gather3A_1268] in [0] : vector<16xf32>, vector<16xi32> -> vector<16xf32>
        %add3A_1270 = arith.addf %add3A_1266, %gather3A_1269 : vector<16xf32>
        %broadcast_in_dim3A_1271 = vector.shape_cast %xor3A_19 : vector<16xi32> to vector<16x1xi32>
        %gather3A_1272 = vector.shape_cast %broadcast_in_dim3A_1271 : vector<16x1xi32> to vector<16xi32>
        %gather3A_1273 = tpu.dynamic_gather %add3A_1270[%gather3A_1272] in [0] : vector<16xf32>, vector<16xi32> -> vector<16xf32>
        %add3A_1274 = arith.addf %add3A_1270, %gather3A_1273 : vector<16xf32>
        %broadcast_in_dim3A_1275 = vector.shape_cast %xor3A_22 : vector<16xi32> to vector<16x1xi32>
        %gather3A_1276 = vector.shape_cast %broadcast_in_dim3A_1275 : vector<16x1xi32> to vector<16xi32>
        %gather3A_1277 = tpu.dynamic_gather %add3A_1274[%gather3A_1276] in [0] : vector<16xf32>, vector<16xi32> -> vector<16xf32>
        %add3A_1278 = arith.addf %add3A_1274, %gather3A_1277 : vector<16xf32>
        %eq3A_1279 = arith.constant 9 : i32
        %eq3A_1280 = vector.broadcast %eq3A_1279 : i32 to vector<16xi32>
        %eq3A_1281 = arith.cmpi eq, %iota3A, %eq3A_1280 : vector<16xi32>
        %select_n3A_1282 = arith.select %eq3A_1281, %add3A_1278, %select_n3A_1191 : vector<16xi1>, vector<16xf32>
        %mul3A_1283 = arith.constant 16 : i32
        %mul3A_1284 = arith.muli %scan3A_379, %mul3A_1283 : i32
        %add3A_1285 = arith.constant 10 : i32
        %add3A_1286 = arith.addi %mul3A_1284, %add3A_1285 : i32
        %get3A_1287 = arith.constant 0 : i32
        %get3A_1288 = arith.constant 0 : i32
        %get3A_1289 = tpu.memref_slice %arg10[%scan3A_353, %get3A_1287, %get3A_1288] : memref<2x256x64xi32, #tpu.memory_space<vmem>> -> memref<1x256x64xi32, #tpu.memory_space<vmem>>
        %get3A_1290 = tpu.memref_squeeze %get3A_1289 : memref<1x256x64xi32, #tpu.memory_space<vmem>> -> memref<256x64xi32, #tpu.memory_space<vmem>>
        %get3A_1291 = arith.index_cast %add3A_1286 : i32 to index
        %get3A_1292 = arith.constant 0 : index
        %get3A_1293 = tpu.vector_load %get3A_1290[%get3A_1291, %get3A_1292] {strides = array<i32>} : memref<256x64xi32, #tpu.memory_space<vmem>>, vector<16xi32>,
        %shift_left3A_1294 = arith.constant 16 : i32
        %shift_left3A_1295 = vector.broadcast %shift_left3A_1294 : i32 to vector<16xi32>
        %shift_left3A_1296 = arith.shli %get3A_1293, %shift_left3A_1295 : vector<16xi32>
        %bitcast3A_1297 = vector.bitcast %shift_left3A_1296 : vector<16xi32> to vector<16xf32>
        %and3A_1298 = arith.andi %get3A_1293, %broadcast_in_dim3A_351 : vector<16xi32>
        %bitcast3A_1299 = vector.bitcast %and3A_1298 : vector<16xi32> to vector<16xf32>
        %mul3A_1300 = arith.mulf %bitcast3A_1297, %select_n3A_300 : vector<16xf32>
        %mul3A_1301 = arith.mulf %bitcast3A_1299, %select_n3A_328 : vector<16xf32>
        %get3A_1302 = arith.constant 0 : i32
        %get3A_1303 = arith.constant 0 : i32
        %get3A_1304 = tpu.memref_slice %arg10[%scan3A_353, %get3A_1302, %get3A_1303] : memref<2x256x64xi32, #tpu.memory_space<vmem>> -> memref<1x256x64xi32, #tpu.memory_space<vmem>>
        %get3A_1305 = tpu.memref_squeeze %get3A_1304 : memref<1x256x64xi32, #tpu.memory_space<vmem>> -> memref<256x64xi32, #tpu.memory_space<vmem>>
        %get3A_1306 = arith.index_cast %add3A_1286 : i32 to index
        %get3A_1307 = arith.constant 16 : index
        %get3A_1308 = tpu.vector_load %get3A_1305[%get3A_1306, %get3A_1307] {strides = array<i32>} : memref<256x64xi32, #tpu.memory_space<vmem>>, vector<16xi32>,
        %shift_left3A_1309 = arith.constant 16 : i32
        %shift_left3A_1310 = vector.broadcast %shift_left3A_1309 : i32 to vector<16xi32>
        %shift_left3A_1311 = arith.shli %get3A_1308, %shift_left3A_1310 : vector<16xi32>
        %bitcast3A_1312 = vector.bitcast %shift_left3A_1311 : vector<16xi32> to vector<16xf32>
        %and3A_1313 = arith.andi %get3A_1308, %broadcast_in_dim3A_351 : vector<16xi32>
        %bitcast3A_1314 = vector.bitcast %and3A_1313 : vector<16xi32> to vector<16xf32>
        %mul3A_1315 = arith.mulf %bitcast3A_1312, %select_n3A_307 : vector<16xf32>
        %mul3A_1316 = arith.mulf %bitcast3A_1314, %select_n3A_335 : vector<16xf32>
        %get3A_1317 = arith.constant 0 : i32
        %get3A_1318 = arith.constant 0 : i32
        %get3A_1319 = tpu.memref_slice %arg10[%scan3A_353, %get3A_1317, %get3A_1318] : memref<2x256x64xi32, #tpu.memory_space<vmem>> -> memref<1x256x64xi32, #tpu.memory_space<vmem>>
        %get3A_1320 = tpu.memref_squeeze %get3A_1319 : memref<1x256x64xi32, #tpu.memory_space<vmem>> -> memref<256x64xi32, #tpu.memory_space<vmem>>
        %get3A_1321 = arith.index_cast %add3A_1286 : i32 to index
        %get3A_1322 = arith.constant 32 : index
        %get3A_1323 = tpu.vector_load %get3A_1320[%get3A_1321, %get3A_1322] {strides = array<i32>} : memref<256x64xi32, #tpu.memory_space<vmem>>, vector<16xi32>,
        %shift_left3A_1324 = arith.constant 16 : i32
        %shift_left3A_1325 = vector.broadcast %shift_left3A_1324 : i32 to vector<16xi32>
        %shift_left3A_1326 = arith.shli %get3A_1323, %shift_left3A_1325 : vector<16xi32>
        %bitcast3A_1327 = vector.bitcast %shift_left3A_1326 : vector<16xi32> to vector<16xf32>
        %and3A_1328 = arith.andi %get3A_1323, %broadcast_in_dim3A_351 : vector<16xi32>
        %bitcast3A_1329 = vector.bitcast %and3A_1328 : vector<16xi32> to vector<16xf32>
        %mul3A_1330 = arith.mulf %bitcast3A_1327, %select_n3A_314 : vector<16xf32>
        %mul3A_1331 = arith.mulf %bitcast3A_1329, %select_n3A_342 : vector<16xf32>
        %get3A_1332 = arith.constant 0 : i32
        %get3A_1333 = arith.constant 0 : i32
        %get3A_1334 = tpu.memref_slice %arg10[%scan3A_353, %get3A_1332, %get3A_1333] : memref<2x256x64xi32, #tpu.memory_space<vmem>> -> memref<1x256x64xi32, #tpu.memory_space<vmem>>
        %get3A_1335 = tpu.memref_squeeze %get3A_1334 : memref<1x256x64xi32, #tpu.memory_space<vmem>> -> memref<256x64xi32, #tpu.memory_space<vmem>>
        %get3A_1336 = arith.index_cast %add3A_1286 : i32 to index
        %get3A_1337 = arith.constant 48 : index
        %get3A_1338 = tpu.vector_load %get3A_1335[%get3A_1336, %get3A_1337] {strides = array<i32>} : memref<256x64xi32, #tpu.memory_space<vmem>>, vector<16xi32>,
        %shift_left3A_1339 = arith.constant 16 : i32
        %shift_left3A_1340 = vector.broadcast %shift_left3A_1339 : i32 to vector<16xi32>
        %shift_left3A_1341 = arith.shli %get3A_1338, %shift_left3A_1340 : vector<16xi32>
        %bitcast3A_1342 = vector.bitcast %shift_left3A_1341 : vector<16xi32> to vector<16xf32>
        %and3A_1343 = arith.andi %get3A_1338, %broadcast_in_dim3A_351 : vector<16xi32>
        %bitcast3A_1344 = vector.bitcast %and3A_1343 : vector<16xi32> to vector<16xf32>
        %mul3A_1345 = arith.mulf %bitcast3A_1342, %select_n3A_321 : vector<16xf32>
        %mul3A_1346 = arith.mulf %bitcast3A_1344, %select_n3A_349 : vector<16xf32>
        %add3A_1347 = arith.addf %mul3A_1300, %mul3A_1301 : vector<16xf32>
        %add3A_1348 = arith.addf %mul3A_1315, %mul3A_1316 : vector<16xf32>
        %add3A_1349 = arith.addf %mul3A_1330, %mul3A_1331 : vector<16xf32>
        %add3A_1350 = arith.addf %mul3A_1345, %mul3A_1346 : vector<16xf32>
        %add3A_1351 = arith.addf %add3A_1347, %add3A_1348 : vector<16xf32>
        %add3A_1352 = arith.addf %add3A_1349, %add3A_1350 : vector<16xf32>
        %add3A_1353 = arith.addf %add3A_1351, %add3A_1352 : vector<16xf32>
        %broadcast_in_dim3A_1354 = vector.shape_cast %xor3A_13 : vector<16xi32> to vector<16x1xi32>
        %gather3A_1355 = vector.shape_cast %broadcast_in_dim3A_1354 : vector<16x1xi32> to vector<16xi32>
        %gather3A_1356 = tpu.dynamic_gather %add3A_1353[%gather3A_1355] in [0] : vector<16xf32>, vector<16xi32> -> vector<16xf32>
        %add3A_1357 = arith.addf %add3A_1353, %gather3A_1356 : vector<16xf32>
        %broadcast_in_dim3A_1358 = vector.shape_cast %xor3A_16 : vector<16xi32> to vector<16x1xi32>
        %gather3A_1359 = vector.shape_cast %broadcast_in_dim3A_1358 : vector<16x1xi32> to vector<16xi32>
        %gather3A_1360 = tpu.dynamic_gather %add3A_1357[%gather3A_1359] in [0] : vector<16xf32>, vector<16xi32> -> vector<16xf32>
        %add3A_1361 = arith.addf %add3A_1357, %gather3A_1360 : vector<16xf32>
        %broadcast_in_dim3A_1362 = vector.shape_cast %xor3A_19 : vector<16xi32> to vector<16x1xi32>
        %gather3A_1363 = vector.shape_cast %broadcast_in_dim3A_1362 : vector<16x1xi32> to vector<16xi32>
        %gather3A_1364 = tpu.dynamic_gather %add3A_1361[%gather3A_1363] in [0] : vector<16xf32>, vector<16xi32> -> vector<16xf32>
        %add3A_1365 = arith.addf %add3A_1361, %gather3A_1364 : vector<16xf32>
        %broadcast_in_dim3A_1366 = vector.shape_cast %xor3A_22 : vector<16xi32> to vector<16x1xi32>
        %gather3A_1367 = vector.shape_cast %broadcast_in_dim3A_1366 : vector<16x1xi32> to vector<16xi32>
        %gather3A_1368 = tpu.dynamic_gather %add3A_1365[%gather3A_1367] in [0] : vector<16xf32>, vector<16xi32> -> vector<16xf32>
        %add3A_1369 = arith.addf %add3A_1365, %gather3A_1368 : vector<16xf32>
        %eq3A_1370 = arith.constant 10 : i32
        %eq3A_1371 = vector.broadcast %eq3A_1370 : i32 to vector<16xi32>
        %eq3A_1372 = arith.cmpi eq, %iota3A, %eq3A_1371 : vector<16xi32>
        %select_n3A_1373 = arith.select %eq3A_1372, %add3A_1369, %select_n3A_1282 : vector<16xi1>, vector<16xf32>
        %mul3A_1374 = arith.constant 16 : i32
        %mul3A_1375 = arith.muli %scan3A_379, %mul3A_1374 : i32
        %add3A_1376 = arith.constant 11 : i32
        %add3A_1377 = arith.addi %mul3A_1375, %add3A_1376 : i32
        %get3A_1378 = arith.constant 0 : i32
        %get3A_1379 = arith.constant 0 : i32
        %get3A_1380 = tpu.memref_slice %arg10[%scan3A_353, %get3A_1378, %get3A_1379] : memref<2x256x64xi32, #tpu.memory_space<vmem>> -> memref<1x256x64xi32, #tpu.memory_space<vmem>>
        %get3A_1381 = tpu.memref_squeeze %get3A_1380 : memref<1x256x64xi32, #tpu.memory_space<vmem>> -> memref<256x64xi32, #tpu.memory_space<vmem>>
        %get3A_1382 = arith.index_cast %add3A_1377 : i32 to index
        %get3A_1383 = arith.constant 0 : index
        %get3A_1384 = tpu.vector_load %get3A_1381[%get3A_1382, %get3A_1383] {strides = array<i32>} : memref<256x64xi32, #tpu.memory_space<vmem>>, vector<16xi32>,
        %shift_left3A_1385 = arith.constant 16 : i32
        %shift_left3A_1386 = vector.broadcast %shift_left3A_1385 : i32 to vector<16xi32>
        %shift_left3A_1387 = arith.shli %get3A_1384, %shift_left3A_1386 : vector<16xi32>
        %bitcast3A_1388 = vector.bitcast %shift_left3A_1387 : vector<16xi32> to vector<16xf32>
        %and3A_1389 = arith.andi %get3A_1384, %broadcast_in_dim3A_351 : vector<16xi32>
        %bitcast3A_1390 = vector.bitcast %and3A_1389 : vector<16xi32> to vector<16xf32>
        %mul3A_1391 = arith.mulf %bitcast3A_1388, %select_n3A_300 : vector<16xf32>
        %mul3A_1392 = arith.mulf %bitcast3A_1390, %select_n3A_328 : vector<16xf32>
        %get3A_1393 = arith.constant 0 : i32
        %get3A_1394 = arith.constant 0 : i32
        %get3A_1395 = tpu.memref_slice %arg10[%scan3A_353, %get3A_1393, %get3A_1394] : memref<2x256x64xi32, #tpu.memory_space<vmem>> -> memref<1x256x64xi32, #tpu.memory_space<vmem>>
        %get3A_1396 = tpu.memref_squeeze %get3A_1395 : memref<1x256x64xi32, #tpu.memory_space<vmem>> -> memref<256x64xi32, #tpu.memory_space<vmem>>
        %get3A_1397 = arith.index_cast %add3A_1377 : i32 to index
        %get3A_1398 = arith.constant 16 : index
        %get3A_1399 = tpu.vector_load %get3A_1396[%get3A_1397, %get3A_1398] {strides = array<i32>} : memref<256x64xi32, #tpu.memory_space<vmem>>, vector<16xi32>,
        %shift_left3A_1400 = arith.constant 16 : i32
        %shift_left3A_1401 = vector.broadcast %shift_left3A_1400 : i32 to vector<16xi32>
        %shift_left3A_1402 = arith.shli %get3A_1399, %shift_left3A_1401 : vector<16xi32>
        %bitcast3A_1403 = vector.bitcast %shift_left3A_1402 : vector<16xi32> to vector<16xf32>
        %and3A_1404 = arith.andi %get3A_1399, %broadcast_in_dim3A_351 : vector<16xi32>
        %bitcast3A_1405 = vector.bitcast %and3A_1404 : vector<16xi32> to vector<16xf32>
        %mul3A_1406 = arith.mulf %bitcast3A_1403, %select_n3A_307 : vector<16xf32>
        %mul3A_1407 = arith.mulf %bitcast3A_1405, %select_n3A_335 : vector<16xf32>
        %get3A_1408 = arith.constant 0 : i32
        %get3A_1409 = arith.constant 0 : i32
        %get3A_1410 = tpu.memref_slice %arg10[%scan3A_353, %get3A_1408, %get3A_1409] : memref<2x256x64xi32, #tpu.memory_space<vmem>> -> memref<1x256x64xi32, #tpu.memory_space<vmem>>
        %get3A_1411 = tpu.memref_squeeze %get3A_1410 : memref<1x256x64xi32, #tpu.memory_space<vmem>> -> memref<256x64xi32, #tpu.memory_space<vmem>>
        %get3A_1412 = arith.index_cast %add3A_1377 : i32 to index
        %get3A_1413 = arith.constant 32 : index
        %get3A_1414 = tpu.vector_load %get3A_1411[%get3A_1412, %get3A_1413] {strides = array<i32>} : memref<256x64xi32, #tpu.memory_space<vmem>>, vector<16xi32>,
        %shift_left3A_1415 = arith.constant 16 : i32
        %shift_left3A_1416 = vector.broadcast %shift_left3A_1415 : i32 to vector<16xi32>
        %shift_left3A_1417 = arith.shli %get3A_1414, %shift_left3A_1416 : vector<16xi32>
        %bitcast3A_1418 = vector.bitcast %shift_left3A_1417 : vector<16xi32> to vector<16xf32>
        %and3A_1419 = arith.andi %get3A_1414, %broadcast_in_dim3A_351 : vector<16xi32>
        %bitcast3A_1420 = vector.bitcast %and3A_1419 : vector<16xi32> to vector<16xf32>
        %mul3A_1421 = arith.mulf %bitcast3A_1418, %select_n3A_314 : vector<16xf32>
        %mul3A_1422 = arith.mulf %bitcast3A_1420, %select_n3A_342 : vector<16xf32>
        %get3A_1423 = arith.constant 0 : i32
        %get3A_1424 = arith.constant 0 : i32
        %get3A_1425 = tpu.memref_slice %arg10[%scan3A_353, %get3A_1423, %get3A_1424] : memref<2x256x64xi32, #tpu.memory_space<vmem>> -> memref<1x256x64xi32, #tpu.memory_space<vmem>>
        %get3A_1426 = tpu.memref_squeeze %get3A_1425 : memref<1x256x64xi32, #tpu.memory_space<vmem>> -> memref<256x64xi32, #tpu.memory_space<vmem>>
        %get3A_1427 = arith.index_cast %add3A_1377 : i32 to index
        %get3A_1428 = arith.constant 48 : index
        %get3A_1429 = tpu.vector_load %get3A_1426[%get3A_1427, %get3A_1428] {strides = array<i32>} : memref<256x64xi32, #tpu.memory_space<vmem>>, vector<16xi32>,
        %shift_left3A_1430 = arith.constant 16 : i32
        %shift_left3A_1431 = vector.broadcast %shift_left3A_1430 : i32 to vector<16xi32>
        %shift_left3A_1432 = arith.shli %get3A_1429, %shift_left3A_1431 : vector<16xi32>
        %bitcast3A_1433 = vector.bitcast %shift_left3A_1432 : vector<16xi32> to vector<16xf32>
        %and3A_1434 = arith.andi %get3A_1429, %broadcast_in_dim3A_351 : vector<16xi32>
        %bitcast3A_1435 = vector.bitcast %and3A_1434 : vector<16xi32> to vector<16xf32>
        %mul3A_1436 = arith.mulf %bitcast3A_1433, %select_n3A_321 : vector<16xf32>
        %mul3A_1437 = arith.mulf %bitcast3A_1435, %select_n3A_349 : vector<16xf32>
        %add3A_1438 = arith.addf %mul3A_1391, %mul3A_1392 : vector<16xf32>
        %add3A_1439 = arith.addf %mul3A_1406, %mul3A_1407 : vector<16xf32>
        %add3A_1440 = arith.addf %mul3A_1421, %mul3A_1422 : vector<16xf32>
        %add3A_1441 = arith.addf %mul3A_1436, %mul3A_1437 : vector<16xf32>
        %add3A_1442 = arith.addf %add3A_1438, %add3A_1439 : vector<16xf32>
        %add3A_1443 = arith.addf %add3A_1440, %add3A_1441 : vector<16xf32>
        %add3A_1444 = arith.addf %add3A_1442, %add3A_1443 : vector<16xf32>
        %broadcast_in_dim3A_1445 = vector.shape_cast %xor3A_13 : vector<16xi32> to vector<16x1xi32>
        %gather3A_1446 = vector.shape_cast %broadcast_in_dim3A_1445 : vector<16x1xi32> to vector<16xi32>
        %gather3A_1447 = tpu.dynamic_gather %add3A_1444[%gather3A_1446] in [0] : vector<16xf32>, vector<16xi32> -> vector<16xf32>
        %add3A_1448 = arith.addf %add3A_1444, %gather3A_1447 : vector<16xf32>
        %broadcast_in_dim3A_1449 = vector.shape_cast %xor3A_16 : vector<16xi32> to vector<16x1xi32>
        %gather3A_1450 = vector.shape_cast %broadcast_in_dim3A_1449 : vector<16x1xi32> to vector<16xi32>
        %gather3A_1451 = tpu.dynamic_gather %add3A_1448[%gather3A_1450] in [0] : vector<16xf32>, vector<16xi32> -> vector<16xf32>
        %add3A_1452 = arith.addf %add3A_1448, %gather3A_1451 : vector<16xf32>
        %broadcast_in_dim3A_1453 = vector.shape_cast %xor3A_19 : vector<16xi32> to vector<16x1xi32>
        %gather3A_1454 = vector.shape_cast %broadcast_in_dim3A_1453 : vector<16x1xi32> to vector<16xi32>
        %gather3A_1455 = tpu.dynamic_gather %add3A_1452[%gather3A_1454] in [0] : vector<16xf32>, vector<16xi32> -> vector<16xf32>
        %add3A_1456 = arith.addf %add3A_1452, %gather3A_1455 : vector<16xf32>
        %broadcast_in_dim3A_1457 = vector.shape_cast %xor3A_22 : vector<16xi32> to vector<16x1xi32>
        %gather3A_1458 = vector.shape_cast %broadcast_in_dim3A_1457 : vector<16x1xi32> to vector<16xi32>
        %gather3A_1459 = tpu.dynamic_gather %add3A_1456[%gather3A_1458] in [0] : vector<16xf32>, vector<16xi32> -> vector<16xf32>
        %add3A_1460 = arith.addf %add3A_1456, %gather3A_1459 : vector<16xf32>
        %eq3A_1461 = arith.constant 11 : i32
        %eq3A_1462 = vector.broadcast %eq3A_1461 : i32 to vector<16xi32>
        %eq3A_1463 = arith.cmpi eq, %iota3A, %eq3A_1462 : vector<16xi32>
        %select_n3A_1464 = arith.select %eq3A_1463, %add3A_1460, %select_n3A_1373 : vector<16xi1>, vector<16xf32>
        %mul3A_1465 = arith.constant 16 : i32
        %mul3A_1466 = arith.muli %scan3A_379, %mul3A_1465 : i32
        %add3A_1467 = arith.constant 12 : i32
        %add3A_1468 = arith.addi %mul3A_1466, %add3A_1467 : i32
        %get3A_1469 = arith.constant 0 : i32
        %get3A_1470 = arith.constant 0 : i32
        %get3A_1471 = tpu.memref_slice %arg10[%scan3A_353, %get3A_1469, %get3A_1470] : memref<2x256x64xi32, #tpu.memory_space<vmem>> -> memref<1x256x64xi32, #tpu.memory_space<vmem>>
        %get3A_1472 = tpu.memref_squeeze %get3A_1471 : memref<1x256x64xi32, #tpu.memory_space<vmem>> -> memref<256x64xi32, #tpu.memory_space<vmem>>
        %get3A_1473 = arith.index_cast %add3A_1468 : i32 to index
        %get3A_1474 = arith.constant 0 : index
        %get3A_1475 = tpu.vector_load %get3A_1472[%get3A_1473, %get3A_1474] {strides = array<i32>} : memref<256x64xi32, #tpu.memory_space<vmem>>, vector<16xi32>,
        %shift_left3A_1476 = arith.constant 16 : i32
        %shift_left3A_1477 = vector.broadcast %shift_left3A_1476 : i32 to vector<16xi32>
        %shift_left3A_1478 = arith.shli %get3A_1475, %shift_left3A_1477 : vector<16xi32>
        %bitcast3A_1479 = vector.bitcast %shift_left3A_1478 : vector<16xi32> to vector<16xf32>
        %and3A_1480 = arith.andi %get3A_1475, %broadcast_in_dim3A_351 : vector<16xi32>
        %bitcast3A_1481 = vector.bitcast %and3A_1480 : vector<16xi32> to vector<16xf32>
        %mul3A_1482 = arith.mulf %bitcast3A_1479, %select_n3A_300 : vector<16xf32>
        %mul3A_1483 = arith.mulf %bitcast3A_1481, %select_n3A_328 : vector<16xf32>
        %get3A_1484 = arith.constant 0 : i32
        %get3A_1485 = arith.constant 0 : i32
        %get3A_1486 = tpu.memref_slice %arg10[%scan3A_353, %get3A_1484, %get3A_1485] : memref<2x256x64xi32, #tpu.memory_space<vmem>> -> memref<1x256x64xi32, #tpu.memory_space<vmem>>
        %get3A_1487 = tpu.memref_squeeze %get3A_1486 : memref<1x256x64xi32, #tpu.memory_space<vmem>> -> memref<256x64xi32, #tpu.memory_space<vmem>>
        %get3A_1488 = arith.index_cast %add3A_1468 : i32 to index
        %get3A_1489 = arith.constant 16 : index
        %get3A_1490 = tpu.vector_load %get3A_1487[%get3A_1488, %get3A_1489] {strides = array<i32>} : memref<256x64xi32, #tpu.memory_space<vmem>>, vector<16xi32>,
        %shift_left3A_1491 = arith.constant 16 : i32
        %shift_left3A_1492 = vector.broadcast %shift_left3A_1491 : i32 to vector<16xi32>
        %shift_left3A_1493 = arith.shli %get3A_1490, %shift_left3A_1492 : vector<16xi32>
        %bitcast3A_1494 = vector.bitcast %shift_left3A_1493 : vector<16xi32> to vector<16xf32>
        %and3A_1495 = arith.andi %get3A_1490, %broadcast_in_dim3A_351 : vector<16xi32>
        %bitcast3A_1496 = vector.bitcast %and3A_1495 : vector<16xi32> to vector<16xf32>
        %mul3A_1497 = arith.mulf %bitcast3A_1494, %select_n3A_307 : vector<16xf32>
        %mul3A_1498 = arith.mulf %bitcast3A_1496, %select_n3A_335 : vector<16xf32>
        %get3A_1499 = arith.constant 0 : i32
        %get3A_1500 = arith.constant 0 : i32
        %get3A_1501 = tpu.memref_slice %arg10[%scan3A_353, %get3A_1499, %get3A_1500] : memref<2x256x64xi32, #tpu.memory_space<vmem>> -> memref<1x256x64xi32, #tpu.memory_space<vmem>>
        %get3A_1502 = tpu.memref_squeeze %get3A_1501 : memref<1x256x64xi32, #tpu.memory_space<vmem>> -> memref<256x64xi32, #tpu.memory_space<vmem>>
        %get3A_1503 = arith.index_cast %add3A_1468 : i32 to index
        %get3A_1504 = arith.constant 32 : index
        %get3A_1505 = tpu.vector_load %get3A_1502[%get3A_1503, %get3A_1504] {strides = array<i32>} : memref<256x64xi32, #tpu.memory_space<vmem>>, vector<16xi32>,
        %shift_left3A_1506 = arith.constant 16 : i32
        %shift_left3A_1507 = vector.broadcast %shift_left3A_1506 : i32 to vector<16xi32>
        %shift_left3A_1508 = arith.shli %get3A_1505, %shift_left3A_1507 : vector<16xi32>
        %bitcast3A_1509 = vector.bitcast %shift_left3A_1508 : vector<16xi32> to vector<16xf32>
        %and3A_1510 = arith.andi %get3A_1505, %broadcast_in_dim3A_351 : vector<16xi32>
        %bitcast3A_1511 = vector.bitcast %and3A_1510 : vector<16xi32> to vector<16xf32>
        %mul3A_1512 = arith.mulf %bitcast3A_1509, %select_n3A_314 : vector<16xf32>
        %mul3A_1513 = arith.mulf %bitcast3A_1511, %select_n3A_342 : vector<16xf32>
        %get3A_1514 = arith.constant 0 : i32
        %get3A_1515 = arith.constant 0 : i32
        %get3A_1516 = tpu.memref_slice %arg10[%scan3A_353, %get3A_1514, %get3A_1515] : memref<2x256x64xi32, #tpu.memory_space<vmem>> -> memref<1x256x64xi32, #tpu.memory_space<vmem>>
        %get3A_1517 = tpu.memref_squeeze %get3A_1516 : memref<1x256x64xi32, #tpu.memory_space<vmem>> -> memref<256x64xi32, #tpu.memory_space<vmem>>
        %get3A_1518 = arith.index_cast %add3A_1468 : i32 to index
        %get3A_1519 = arith.constant 48 : index
        %get3A_1520 = tpu.vector_load %get3A_1517[%get3A_1518, %get3A_1519] {strides = array<i32>} : memref<256x64xi32, #tpu.memory_space<vmem>>, vector<16xi32>,
        %shift_left3A_1521 = arith.constant 16 : i32
        %shift_left3A_1522 = vector.broadcast %shift_left3A_1521 : i32 to vector<16xi32>
        %shift_left3A_1523 = arith.shli %get3A_1520, %shift_left3A_1522 : vector<16xi32>
        %bitcast3A_1524 = vector.bitcast %shift_left3A_1523 : vector<16xi32> to vector<16xf32>
        %and3A_1525 = arith.andi %get3A_1520, %broadcast_in_dim3A_351 : vector<16xi32>
        %bitcast3A_1526 = vector.bitcast %and3A_1525 : vector<16xi32> to vector<16xf32>
        %mul3A_1527 = arith.mulf %bitcast3A_1524, %select_n3A_321 : vector<16xf32>
        %mul3A_1528 = arith.mulf %bitcast3A_1526, %select_n3A_349 : vector<16xf32>
        %add3A_1529 = arith.addf %mul3A_1482, %mul3A_1483 : vector<16xf32>
        %add3A_1530 = arith.addf %mul3A_1497, %mul3A_1498 : vector<16xf32>
        %add3A_1531 = arith.addf %mul3A_1512, %mul3A_1513 : vector<16xf32>
        %add3A_1532 = arith.addf %mul3A_1527, %mul3A_1528 : vector<16xf32>
        %add3A_1533 = arith.addf %add3A_1529, %add3A_1530 : vector<16xf32>
        %add3A_1534 = arith.addf %add3A_1531, %add3A_1532 : vector<16xf32>
        %add3A_1535 = arith.addf %add3A_1533, %add3A_1534 : vector<16xf32>
        %broadcast_in_dim3A_1536 = vector.shape_cast %xor3A_13 : vector<16xi32> to vector<16x1xi32>
        %gather3A_1537 = vector.shape_cast %broadcast_in_dim3A_1536 : vector<16x1xi32> to vector<16xi32>
        %gather3A_1538 = tpu.dynamic_gather %add3A_1535[%gather3A_1537] in [0] : vector<16xf32>, vector<16xi32> -> vector<16xf32>
        %add3A_1539 = arith.addf %add3A_1535, %gather3A_1538 : vector<16xf32>
        %broadcast_in_dim3A_1540 = vector.shape_cast %xor3A_16 : vector<16xi32> to vector<16x1xi32>
        %gather3A_1541 = vector.shape_cast %broadcast_in_dim3A_1540 : vector<16x1xi32> to vector<16xi32>
        %gather3A_1542 = tpu.dynamic_gather %add3A_1539[%gather3A_1541] in [0] : vector<16xf32>, vector<16xi32> -> vector<16xf32>
        %add3A_1543 = arith.addf %add3A_1539, %gather3A_1542 : vector<16xf32>
        %broadcast_in_dim3A_1544 = vector.shape_cast %xor3A_19 : vector<16xi32> to vector<16x1xi32>
        %gather3A_1545 = vector.shape_cast %broadcast_in_dim3A_1544 : vector<16x1xi32> to vector<16xi32>
        %gather3A_1546 = tpu.dynamic_gather %add3A_1543[%gather3A_1545] in [0] : vector<16xf32>, vector<16xi32> -> vector<16xf32>
        %add3A_1547 = arith.addf %add3A_1543, %gather3A_1546 : vector<16xf32>
        %broadcast_in_dim3A_1548 = vector.shape_cast %xor3A_22 : vector<16xi32> to vector<16x1xi32>
        %gather3A_1549 = vector.shape_cast %broadcast_in_dim3A_1548 : vector<16x1xi32> to vector<16xi32>
        %gather3A_1550 = tpu.dynamic_gather %add3A_1547[%gather3A_1549] in [0] : vector<16xf32>, vector<16xi32> -> vector<16xf32>
        %add3A_1551 = arith.addf %add3A_1547, %gather3A_1550 : vector<16xf32>
        %eq3A_1552 = arith.constant 12 : i32
        %eq3A_1553 = vector.broadcast %eq3A_1552 : i32 to vector<16xi32>
        %eq3A_1554 = arith.cmpi eq, %iota3A, %eq3A_1553 : vector<16xi32>
        %select_n3A_1555 = arith.select %eq3A_1554, %add3A_1551, %select_n3A_1464 : vector<16xi1>, vector<16xf32>
        %mul3A_1556 = arith.constant 16 : i32
        %mul3A_1557 = arith.muli %scan3A_379, %mul3A_1556 : i32
        %add3A_1558 = arith.constant 13 : i32
        %add3A_1559 = arith.addi %mul3A_1557, %add3A_1558 : i32
        %get3A_1560 = arith.constant 0 : i32
        %get3A_1561 = arith.constant 0 : i32
        %get3A_1562 = tpu.memref_slice %arg10[%scan3A_353, %get3A_1560, %get3A_1561] : memref<2x256x64xi32, #tpu.memory_space<vmem>> -> memref<1x256x64xi32, #tpu.memory_space<vmem>>
        %get3A_1563 = tpu.memref_squeeze %get3A_1562 : memref<1x256x64xi32, #tpu.memory_space<vmem>> -> memref<256x64xi32, #tpu.memory_space<vmem>>
        %get3A_1564 = arith.index_cast %add3A_1559 : i32 to index
        %get3A_1565 = arith.constant 0 : index
        %get3A_1566 = tpu.vector_load %get3A_1563[%get3A_1564, %get3A_1565] {strides = array<i32>} : memref<256x64xi32, #tpu.memory_space<vmem>>, vector<16xi32>,
        %shift_left3A_1567 = arith.constant 16 : i32
        %shift_left3A_1568 = vector.broadcast %shift_left3A_1567 : i32 to vector<16xi32>
        %shift_left3A_1569 = arith.shli %get3A_1566, %shift_left3A_1568 : vector<16xi32>
        %bitcast3A_1570 = vector.bitcast %shift_left3A_1569 : vector<16xi32> to vector<16xf32>
        %and3A_1571 = arith.andi %get3A_1566, %broadcast_in_dim3A_351 : vector<16xi32>
        %bitcast3A_1572 = vector.bitcast %and3A_1571 : vector<16xi32> to vector<16xf32>
        %mul3A_1573 = arith.mulf %bitcast3A_1570, %select_n3A_300 : vector<16xf32>
        %mul3A_1574 = arith.mulf %bitcast3A_1572, %select_n3A_328 : vector<16xf32>
        %get3A_1575 = arith.constant 0 : i32
        %get3A_1576 = arith.constant 0 : i32
        %get3A_1577 = tpu.memref_slice %arg10[%scan3A_353, %get3A_1575, %get3A_1576] : memref<2x256x64xi32, #tpu.memory_space<vmem>> -> memref<1x256x64xi32, #tpu.memory_space<vmem>>
        %get3A_1578 = tpu.memref_squeeze %get3A_1577 : memref<1x256x64xi32, #tpu.memory_space<vmem>> -> memref<256x64xi32, #tpu.memory_space<vmem>>
        %get3A_1579 = arith.index_cast %add3A_1559 : i32 to index
        %get3A_1580 = arith.constant 16 : index
        %get3A_1581 = tpu.vector_load %get3A_1578[%get3A_1579, %get3A_1580] {strides = array<i32>} : memref<256x64xi32, #tpu.memory_space<vmem>>, vector<16xi32>,
        %shift_left3A_1582 = arith.constant 16 : i32
        %shift_left3A_1583 = vector.broadcast %shift_left3A_1582 : i32 to vector<16xi32>
        %shift_left3A_1584 = arith.shli %get3A_1581, %shift_left3A_1583 : vector<16xi32>
        %bitcast3A_1585 = vector.bitcast %shift_left3A_1584 : vector<16xi32> to vector<16xf32>
        %and3A_1586 = arith.andi %get3A_1581, %broadcast_in_dim3A_351 : vector<16xi32>
        %bitcast3A_1587 = vector.bitcast %and3A_1586 : vector<16xi32> to vector<16xf32>
        %mul3A_1588 = arith.mulf %bitcast3A_1585, %select_n3A_307 : vector<16xf32>
        %mul3A_1589 = arith.mulf %bitcast3A_1587, %select_n3A_335 : vector<16xf32>
        %get3A_1590 = arith.constant 0 : i32
        %get3A_1591 = arith.constant 0 : i32
        %get3A_1592 = tpu.memref_slice %arg10[%scan3A_353, %get3A_1590, %get3A_1591] : memref<2x256x64xi32, #tpu.memory_space<vmem>> -> memref<1x256x64xi32, #tpu.memory_space<vmem>>
        %get3A_1593 = tpu.memref_squeeze %get3A_1592 : memref<1x256x64xi32, #tpu.memory_space<vmem>> -> memref<256x64xi32, #tpu.memory_space<vmem>>
        %get3A_1594 = arith.index_cast %add3A_1559 : i32 to index
        %get3A_1595 = arith.constant 32 : index
        %get3A_1596 = tpu.vector_load %get3A_1593[%get3A_1594, %get3A_1595] {strides = array<i32>} : memref<256x64xi32, #tpu.memory_space<vmem>>, vector<16xi32>,
        %shift_left3A_1597 = arith.constant 16 : i32
        %shift_left3A_1598 = vector.broadcast %shift_left3A_1597 : i32 to vector<16xi32>
        %shift_left3A_1599 = arith.shli %get3A_1596, %shift_left3A_1598 : vector<16xi32>
        %bitcast3A_1600 = vector.bitcast %shift_left3A_1599 : vector<16xi32> to vector<16xf32>
        %and3A_1601 = arith.andi %get3A_1596, %broadcast_in_dim3A_351 : vector<16xi32>
        %bitcast3A_1602 = vector.bitcast %and3A_1601 : vector<16xi32> to vector<16xf32>
        %mul3A_1603 = arith.mulf %bitcast3A_1600, %select_n3A_314 : vector<16xf32>
        %mul3A_1604 = arith.mulf %bitcast3A_1602, %select_n3A_342 : vector<16xf32>
        %get3A_1605 = arith.constant 0 : i32
        %get3A_1606 = arith.constant 0 : i32
        %get3A_1607 = tpu.memref_slice %arg10[%scan3A_353, %get3A_1605, %get3A_1606] : memref<2x256x64xi32, #tpu.memory_space<vmem>> -> memref<1x256x64xi32, #tpu.memory_space<vmem>>
        %get3A_1608 = tpu.memref_squeeze %get3A_1607 : memref<1x256x64xi32, #tpu.memory_space<vmem>> -> memref<256x64xi32, #tpu.memory_space<vmem>>
        %get3A_1609 = arith.index_cast %add3A_1559 : i32 to index
        %get3A_1610 = arith.constant 48 : index
        %get3A_1611 = tpu.vector_load %get3A_1608[%get3A_1609, %get3A_1610] {strides = array<i32>} : memref<256x64xi32, #tpu.memory_space<vmem>>, vector<16xi32>,
        %shift_left3A_1612 = arith.constant 16 : i32
        %shift_left3A_1613 = vector.broadcast %shift_left3A_1612 : i32 to vector<16xi32>
        %shift_left3A_1614 = arith.shli %get3A_1611, %shift_left3A_1613 : vector<16xi32>
        %bitcast3A_1615 = vector.bitcast %shift_left3A_1614 : vector<16xi32> to vector<16xf32>
        %and3A_1616 = arith.andi %get3A_1611, %broadcast_in_dim3A_351 : vector<16xi32>
        %bitcast3A_1617 = vector.bitcast %and3A_1616 : vector<16xi32> to vector<16xf32>
        %mul3A_1618 = arith.mulf %bitcast3A_1615, %select_n3A_321 : vector<16xf32>
        %mul3A_1619 = arith.mulf %bitcast3A_1617, %select_n3A_349 : vector<16xf32>
        %add3A_1620 = arith.addf %mul3A_1573, %mul3A_1574 : vector<16xf32>
        %add3A_1621 = arith.addf %mul3A_1588, %mul3A_1589 : vector<16xf32>
        %add3A_1622 = arith.addf %mul3A_1603, %mul3A_1604 : vector<16xf32>
        %add3A_1623 = arith.addf %mul3A_1618, %mul3A_1619 : vector<16xf32>
        %add3A_1624 = arith.addf %add3A_1620, %add3A_1621 : vector<16xf32>
        %add3A_1625 = arith.addf %add3A_1622, %add3A_1623 : vector<16xf32>
        %add3A_1626 = arith.addf %add3A_1624, %add3A_1625 : vector<16xf32>
        %broadcast_in_dim3A_1627 = vector.shape_cast %xor3A_13 : vector<16xi32> to vector<16x1xi32>
        %gather3A_1628 = vector.shape_cast %broadcast_in_dim3A_1627 : vector<16x1xi32> to vector<16xi32>
        %gather3A_1629 = tpu.dynamic_gather %add3A_1626[%gather3A_1628] in [0] : vector<16xf32>, vector<16xi32> -> vector<16xf32>
        %add3A_1630 = arith.addf %add3A_1626, %gather3A_1629 : vector<16xf32>
        %broadcast_in_dim3A_1631 = vector.shape_cast %xor3A_16 : vector<16xi32> to vector<16x1xi32>
        %gather3A_1632 = vector.shape_cast %broadcast_in_dim3A_1631 : vector<16x1xi32> to vector<16xi32>
        %gather3A_1633 = tpu.dynamic_gather %add3A_1630[%gather3A_1632] in [0] : vector<16xf32>, vector<16xi32> -> vector<16xf32>
        %add3A_1634 = arith.addf %add3A_1630, %gather3A_1633 : vector<16xf32>
        %broadcast_in_dim3A_1635 = vector.shape_cast %xor3A_19 : vector<16xi32> to vector<16x1xi32>
        %gather3A_1636 = vector.shape_cast %broadcast_in_dim3A_1635 : vector<16x1xi32> to vector<16xi32>
        %gather3A_1637 = tpu.dynamic_gather %add3A_1634[%gather3A_1636] in [0] : vector<16xf32>, vector<16xi32> -> vector<16xf32>
        %add3A_1638 = arith.addf %add3A_1634, %gather3A_1637 : vector<16xf32>
        %broadcast_in_dim3A_1639 = vector.shape_cast %xor3A_22 : vector<16xi32> to vector<16x1xi32>
        %gather3A_1640 = vector.shape_cast %broadcast_in_dim3A_1639 : vector<16x1xi32> to vector<16xi32>
        %gather3A_1641 = tpu.dynamic_gather %add3A_1638[%gather3A_1640] in [0] : vector<16xf32>, vector<16xi32> -> vector<16xf32>
        %add3A_1642 = arith.addf %add3A_1638, %gather3A_1641 : vector<16xf32>
        %eq3A_1643 = arith.constant 13 : i32
        %eq3A_1644 = vector.broadcast %eq3A_1643 : i32 to vector<16xi32>
        %eq3A_1645 = arith.cmpi eq, %iota3A, %eq3A_1644 : vector<16xi32>
        %select_n3A_1646 = arith.select %eq3A_1645, %add3A_1642, %select_n3A_1555 : vector<16xi1>, vector<16xf32>
        %mul3A_1647 = arith.constant 16 : i32
        %mul3A_1648 = arith.muli %scan3A_379, %mul3A_1647 : i32
        %add3A_1649 = arith.constant 14 : i32
        %add3A_1650 = arith.addi %mul3A_1648, %add3A_1649 : i32
        %get3A_1651 = arith.constant 0 : i32
        %get3A_1652 = arith.constant 0 : i32
        %get3A_1653 = tpu.memref_slice %arg10[%scan3A_353, %get3A_1651, %get3A_1652] : memref<2x256x64xi32, #tpu.memory_space<vmem>> -> memref<1x256x64xi32, #tpu.memory_space<vmem>>
        %get3A_1654 = tpu.memref_squeeze %get3A_1653 : memref<1x256x64xi32, #tpu.memory_space<vmem>> -> memref<256x64xi32, #tpu.memory_space<vmem>>
        %get3A_1655 = arith.index_cast %add3A_1650 : i32 to index
        %get3A_1656 = arith.constant 0 : index
        %get3A_1657 = tpu.vector_load %get3A_1654[%get3A_1655, %get3A_1656] {strides = array<i32>} : memref<256x64xi32, #tpu.memory_space<vmem>>, vector<16xi32>,
        %shift_left3A_1658 = arith.constant 16 : i32
        %shift_left3A_1659 = vector.broadcast %shift_left3A_1658 : i32 to vector<16xi32>
        %shift_left3A_1660 = arith.shli %get3A_1657, %shift_left3A_1659 : vector<16xi32>
        %bitcast3A_1661 = vector.bitcast %shift_left3A_1660 : vector<16xi32> to vector<16xf32>
        %and3A_1662 = arith.andi %get3A_1657, %broadcast_in_dim3A_351 : vector<16xi32>
        %bitcast3A_1663 = vector.bitcast %and3A_1662 : vector<16xi32> to vector<16xf32>
        %mul3A_1664 = arith.mulf %bitcast3A_1661, %select_n3A_300 : vector<16xf32>
        %mul3A_1665 = arith.mulf %bitcast3A_1663, %select_n3A_328 : vector<16xf32>
        %get3A_1666 = arith.constant 0 : i32
        %get3A_1667 = arith.constant 0 : i32
        %get3A_1668 = tpu.memref_slice %arg10[%scan3A_353, %get3A_1666, %get3A_1667] : memref<2x256x64xi32, #tpu.memory_space<vmem>> -> memref<1x256x64xi32, #tpu.memory_space<vmem>>
        %get3A_1669 = tpu.memref_squeeze %get3A_1668 : memref<1x256x64xi32, #tpu.memory_space<vmem>> -> memref<256x64xi32, #tpu.memory_space<vmem>>
        %get3A_1670 = arith.index_cast %add3A_1650 : i32 to index
        %get3A_1671 = arith.constant 16 : index
        %get3A_1672 = tpu.vector_load %get3A_1669[%get3A_1670, %get3A_1671] {strides = array<i32>} : memref<256x64xi32, #tpu.memory_space<vmem>>, vector<16xi32>,
        %shift_left3A_1673 = arith.constant 16 : i32
        %shift_left3A_1674 = vector.broadcast %shift_left3A_1673 : i32 to vector<16xi32>
        %shift_left3A_1675 = arith.shli %get3A_1672, %shift_left3A_1674 : vector<16xi32>
        %bitcast3A_1676 = vector.bitcast %shift_left3A_1675 : vector<16xi32> to vector<16xf32>
        %and3A_1677 = arith.andi %get3A_1672, %broadcast_in_dim3A_351 : vector<16xi32>
        %bitcast3A_1678 = vector.bitcast %and3A_1677 : vector<16xi32> to vector<16xf32>
        %mul3A_1679 = arith.mulf %bitcast3A_1676, %select_n3A_307 : vector<16xf32>
        %mul3A_1680 = arith.mulf %bitcast3A_1678, %select_n3A_335 : vector<16xf32>
        %get3A_1681 = arith.constant 0 : i32
        %get3A_1682 = arith.constant 0 : i32
        %get3A_1683 = tpu.memref_slice %arg10[%scan3A_353, %get3A_1681, %get3A_1682] : memref<2x256x64xi32, #tpu.memory_space<vmem>> -> memref<1x256x64xi32, #tpu.memory_space<vmem>>
        %get3A_1684 = tpu.memref_squeeze %get3A_1683 : memref<1x256x64xi32, #tpu.memory_space<vmem>> -> memref<256x64xi32, #tpu.memory_space<vmem>>
        %get3A_1685 = arith.index_cast %add3A_1650 : i32 to index
        %get3A_1686 = arith.constant 32 : index
        %get3A_1687 = tpu.vector_load %get3A_1684[%get3A_1685, %get3A_1686] {strides = array<i32>} : memref<256x64xi32, #tpu.memory_space<vmem>>, vector<16xi32>,
        %shift_left3A_1688 = arith.constant 16 : i32
        %shift_left3A_1689 = vector.broadcast %shift_left3A_1688 : i32 to vector<16xi32>
        %shift_left3A_1690 = arith.shli %get3A_1687, %shift_left3A_1689 : vector<16xi32>
        %bitcast3A_1691 = vector.bitcast %shift_left3A_1690 : vector<16xi32> to vector<16xf32>
        %and3A_1692 = arith.andi %get3A_1687, %broadcast_in_dim3A_351 : vector<16xi32>
        %bitcast3A_1693 = vector.bitcast %and3A_1692 : vector<16xi32> to vector<16xf32>
        %mul3A_1694 = arith.mulf %bitcast3A_1691, %select_n3A_314 : vector<16xf32>
        %mul3A_1695 = arith.mulf %bitcast3A_1693, %select_n3A_342 : vector<16xf32>
        %get3A_1696 = arith.constant 0 : i32
        %get3A_1697 = arith.constant 0 : i32
        %get3A_1698 = tpu.memref_slice %arg10[%scan3A_353, %get3A_1696, %get3A_1697] : memref<2x256x64xi32, #tpu.memory_space<vmem>> -> memref<1x256x64xi32, #tpu.memory_space<vmem>>
        %get3A_1699 = tpu.memref_squeeze %get3A_1698 : memref<1x256x64xi32, #tpu.memory_space<vmem>> -> memref<256x64xi32, #tpu.memory_space<vmem>>
        %get3A_1700 = arith.index_cast %add3A_1650 : i32 to index
        %get3A_1701 = arith.constant 48 : index
        %get3A_1702 = tpu.vector_load %get3A_1699[%get3A_1700, %get3A_1701] {strides = array<i32>} : memref<256x64xi32, #tpu.memory_space<vmem>>, vector<16xi32>,
        %shift_left3A_1703 = arith.constant 16 : i32
        %shift_left3A_1704 = vector.broadcast %shift_left3A_1703 : i32 to vector<16xi32>
        %shift_left3A_1705 = arith.shli %get3A_1702, %shift_left3A_1704 : vector<16xi32>
        %bitcast3A_1706 = vector.bitcast %shift_left3A_1705 : vector<16xi32> to vector<16xf32>
        %and3A_1707 = arith.andi %get3A_1702, %broadcast_in_dim3A_351 : vector<16xi32>
        %bitcast3A_1708 = vector.bitcast %and3A_1707 : vector<16xi32> to vector<16xf32>
        %mul3A_1709 = arith.mulf %bitcast3A_1706, %select_n3A_321 : vector<16xf32>
        %mul3A_1710 = arith.mulf %bitcast3A_1708, %select_n3A_349 : vector<16xf32>
        %add3A_1711 = arith.addf %mul3A_1664, %mul3A_1665 : vector<16xf32>
        %add3A_1712 = arith.addf %mul3A_1679, %mul3A_1680 : vector<16xf32>
        %add3A_1713 = arith.addf %mul3A_1694, %mul3A_1695 : vector<16xf32>
        %add3A_1714 = arith.addf %mul3A_1709, %mul3A_1710 : vector<16xf32>
        %add3A_1715 = arith.addf %add3A_1711, %add3A_1712 : vector<16xf32>
        %add3A_1716 = arith.addf %add3A_1713, %add3A_1714 : vector<16xf32>
        %add3A_1717 = arith.addf %add3A_1715, %add3A_1716 : vector<16xf32>
        %broadcast_in_dim3A_1718 = vector.shape_cast %xor3A_13 : vector<16xi32> to vector<16x1xi32>
        %gather3A_1719 = vector.shape_cast %broadcast_in_dim3A_1718 : vector<16x1xi32> to vector<16xi32>
        %gather3A_1720 = tpu.dynamic_gather %add3A_1717[%gather3A_1719] in [0] : vector<16xf32>, vector<16xi32> -> vector<16xf32>
        %add3A_1721 = arith.addf %add3A_1717, %gather3A_1720 : vector<16xf32>
        %broadcast_in_dim3A_1722 = vector.shape_cast %xor3A_16 : vector<16xi32> to vector<16x1xi32>
        %gather3A_1723 = vector.shape_cast %broadcast_in_dim3A_1722 : vector<16x1xi32> to vector<16xi32>
        %gather3A_1724 = tpu.dynamic_gather %add3A_1721[%gather3A_1723] in [0] : vector<16xf32>, vector<16xi32> -> vector<16xf32>
        %add3A_1725 = arith.addf %add3A_1721, %gather3A_1724 : vector<16xf32>
        %broadcast_in_dim3A_1726 = vector.shape_cast %xor3A_19 : vector<16xi32> to vector<16x1xi32>
        %gather3A_1727 = vector.shape_cast %broadcast_in_dim3A_1726 : vector<16x1xi32> to vector<16xi32>
        %gather3A_1728 = tpu.dynamic_gather %add3A_1725[%gather3A_1727] in [0] : vector<16xf32>, vector<16xi32> -> vector<16xf32>
        %add3A_1729 = arith.addf %add3A_1725, %gather3A_1728 : vector<16xf32>
        %broadcast_in_dim3A_1730 = vector.shape_cast %xor3A_22 : vector<16xi32> to vector<16x1xi32>
        %gather3A_1731 = vector.shape_cast %broadcast_in_dim3A_1730 : vector<16x1xi32> to vector<16xi32>
        %gather3A_1732 = tpu.dynamic_gather %add3A_1729[%gather3A_1731] in [0] : vector<16xf32>, vector<16xi32> -> vector<16xf32>
        %add3A_1733 = arith.addf %add3A_1729, %gather3A_1732 : vector<16xf32>
        %eq3A_1734 = arith.constant 14 : i32
        %eq3A_1735 = vector.broadcast %eq3A_1734 : i32 to vector<16xi32>
        %eq3A_1736 = arith.cmpi eq, %iota3A, %eq3A_1735 : vector<16xi32>
        %select_n3A_1737 = arith.select %eq3A_1736, %add3A_1733, %select_n3A_1646 : vector<16xi1>, vector<16xf32>
        %mul3A_1738 = arith.constant 16 : i32
        %mul3A_1739 = arith.muli %scan3A_379, %mul3A_1738 : i32
        %add3A_1740 = arith.constant 15 : i32
        %add3A_1741 = arith.addi %mul3A_1739, %add3A_1740 : i32
        %get3A_1742 = arith.constant 0 : i32
        %get3A_1743 = arith.constant 0 : i32
        %get3A_1744 = tpu.memref_slice %arg10[%scan3A_353, %get3A_1742, %get3A_1743] : memref<2x256x64xi32, #tpu.memory_space<vmem>> -> memref<1x256x64xi32, #tpu.memory_space<vmem>>
        %get3A_1745 = tpu.memref_squeeze %get3A_1744 : memref<1x256x64xi32, #tpu.memory_space<vmem>> -> memref<256x64xi32, #tpu.memory_space<vmem>>
        %get3A_1746 = arith.index_cast %add3A_1741 : i32 to index
        %get3A_1747 = arith.constant 0 : index
        %get3A_1748 = tpu.vector_load %get3A_1745[%get3A_1746, %get3A_1747] {strides = array<i32>} : memref<256x64xi32, #tpu.memory_space<vmem>>, vector<16xi32>,
        %shift_left3A_1749 = arith.constant 16 : i32
        %shift_left3A_1750 = vector.broadcast %shift_left3A_1749 : i32 to vector<16xi32>
        %shift_left3A_1751 = arith.shli %get3A_1748, %shift_left3A_1750 : vector<16xi32>
        %bitcast3A_1752 = vector.bitcast %shift_left3A_1751 : vector<16xi32> to vector<16xf32>
        %and3A_1753 = arith.andi %get3A_1748, %broadcast_in_dim3A_351 : vector<16xi32>
        %bitcast3A_1754 = vector.bitcast %and3A_1753 : vector<16xi32> to vector<16xf32>
        %mul3A_1755 = arith.mulf %bitcast3A_1752, %select_n3A_300 : vector<16xf32>
        %mul3A_1756 = arith.mulf %bitcast3A_1754, %select_n3A_328 : vector<16xf32>
        %get3A_1757 = arith.constant 0 : i32
        %get3A_1758 = arith.constant 0 : i32
        %get3A_1759 = tpu.memref_slice %arg10[%scan3A_353, %get3A_1757, %get3A_1758] : memref<2x256x64xi32, #tpu.memory_space<vmem>> -> memref<1x256x64xi32, #tpu.memory_space<vmem>>
        %get3A_1760 = tpu.memref_squeeze %get3A_1759 : memref<1x256x64xi32, #tpu.memory_space<vmem>> -> memref<256x64xi32, #tpu.memory_space<vmem>>
        %get3A_1761 = arith.index_cast %add3A_1741 : i32 to index
        %get3A_1762 = arith.constant 16 : index
        %get3A_1763 = tpu.vector_load %get3A_1760[%get3A_1761, %get3A_1762] {strides = array<i32>} : memref<256x64xi32, #tpu.memory_space<vmem>>, vector<16xi32>,
        %shift_left3A_1764 = arith.constant 16 : i32
        %shift_left3A_1765 = vector.broadcast %shift_left3A_1764 : i32 to vector<16xi32>
        %shift_left3A_1766 = arith.shli %get3A_1763, %shift_left3A_1765 : vector<16xi32>
        %bitcast3A_1767 = vector.bitcast %shift_left3A_1766 : vector<16xi32> to vector<16xf32>
        %and3A_1768 = arith.andi %get3A_1763, %broadcast_in_dim3A_351 : vector<16xi32>
        %bitcast3A_1769 = vector.bitcast %and3A_1768 : vector<16xi32> to vector<16xf32>
        %mul3A_1770 = arith.mulf %bitcast3A_1767, %select_n3A_307 : vector<16xf32>
        %mul3A_1771 = arith.mulf %bitcast3A_1769, %select_n3A_335 : vector<16xf32>
        %get3A_1772 = arith.constant 0 : i32
        %get3A_1773 = arith.constant 0 : i32
        %get3A_1774 = tpu.memref_slice %arg10[%scan3A_353, %get3A_1772, %get3A_1773] : memref<2x256x64xi32, #tpu.memory_space<vmem>> -> memref<1x256x64xi32, #tpu.memory_space<vmem>>
        %get3A_1775 = tpu.memref_squeeze %get3A_1774 : memref<1x256x64xi32, #tpu.memory_space<vmem>> -> memref<256x64xi32, #tpu.memory_space<vmem>>
        %get3A_1776 = arith.index_cast %add3A_1741 : i32 to index
        %get3A_1777 = arith.constant 32 : index
        %get3A_1778 = tpu.vector_load %get3A_1775[%get3A_1776, %get3A_1777] {strides = array<i32>} : memref<256x64xi32, #tpu.memory_space<vmem>>, vector<16xi32>,
        %shift_left3A_1779 = arith.constant 16 : i32
        %shift_left3A_1780 = vector.broadcast %shift_left3A_1779 : i32 to vector<16xi32>
        %shift_left3A_1781 = arith.shli %get3A_1778, %shift_left3A_1780 : vector<16xi32>
        %bitcast3A_1782 = vector.bitcast %shift_left3A_1781 : vector<16xi32> to vector<16xf32>
        %and3A_1783 = arith.andi %get3A_1778, %broadcast_in_dim3A_351 : vector<16xi32>
        %bitcast3A_1784 = vector.bitcast %and3A_1783 : vector<16xi32> to vector<16xf32>
        %mul3A_1785 = arith.mulf %bitcast3A_1782, %select_n3A_314 : vector<16xf32>
        %mul3A_1786 = arith.mulf %bitcast3A_1784, %select_n3A_342 : vector<16xf32>
        %get3A_1787 = arith.constant 0 : i32
        %get3A_1788 = arith.constant 0 : i32
        %get3A_1789 = tpu.memref_slice %arg10[%scan3A_353, %get3A_1787, %get3A_1788] : memref<2x256x64xi32, #tpu.memory_space<vmem>> -> memref<1x256x64xi32, #tpu.memory_space<vmem>>
        %get3A_1790 = tpu.memref_squeeze %get3A_1789 : memref<1x256x64xi32, #tpu.memory_space<vmem>> -> memref<256x64xi32, #tpu.memory_space<vmem>>
        %get3A_1791 = arith.index_cast %add3A_1741 : i32 to index
        %get3A_1792 = arith.constant 48 : index
        %get3A_1793 = tpu.vector_load %get3A_1790[%get3A_1791, %get3A_1792] {strides = array<i32>} : memref<256x64xi32, #tpu.memory_space<vmem>>, vector<16xi32>,
        %shift_left3A_1794 = arith.constant 16 : i32
        %shift_left3A_1795 = vector.broadcast %shift_left3A_1794 : i32 to vector<16xi32>
        %shift_left3A_1796 = arith.shli %get3A_1793, %shift_left3A_1795 : vector<16xi32>
        %bitcast3A_1797 = vector.bitcast %shift_left3A_1796 : vector<16xi32> to vector<16xf32>
        %and3A_1798 = arith.andi %get3A_1793, %broadcast_in_dim3A_351 : vector<16xi32>
        %bitcast3A_1799 = vector.bitcast %and3A_1798 : vector<16xi32> to vector<16xf32>
        %mul3A_1800 = arith.mulf %bitcast3A_1797, %select_n3A_321 : vector<16xf32>
        %mul3A_1801 = arith.mulf %bitcast3A_1799, %select_n3A_349 : vector<16xf32>
        %add3A_1802 = arith.addf %mul3A_1755, %mul3A_1756 : vector<16xf32>
        %add3A_1803 = arith.addf %mul3A_1770, %mul3A_1771 : vector<16xf32>
        %add3A_1804 = arith.addf %mul3A_1785, %mul3A_1786 : vector<16xf32>
        %add3A_1805 = arith.addf %mul3A_1800, %mul3A_1801 : vector<16xf32>
        %add3A_1806 = arith.addf %add3A_1802, %add3A_1803 : vector<16xf32>
        %add3A_1807 = arith.addf %add3A_1804, %add3A_1805 : vector<16xf32>
        %add3A_1808 = arith.addf %add3A_1806, %add3A_1807 : vector<16xf32>
        %broadcast_in_dim3A_1809 = vector.shape_cast %xor3A_13 : vector<16xi32> to vector<16x1xi32>
        %gather3A_1810 = vector.shape_cast %broadcast_in_dim3A_1809 : vector<16x1xi32> to vector<16xi32>
        %gather3A_1811 = tpu.dynamic_gather %add3A_1808[%gather3A_1810] in [0] : vector<16xf32>, vector<16xi32> -> vector<16xf32>
        %add3A_1812 = arith.addf %add3A_1808, %gather3A_1811 : vector<16xf32>
        %broadcast_in_dim3A_1813 = vector.shape_cast %xor3A_16 : vector<16xi32> to vector<16x1xi32>
        %gather3A_1814 = vector.shape_cast %broadcast_in_dim3A_1813 : vector<16x1xi32> to vector<16xi32>
        %gather3A_1815 = tpu.dynamic_gather %add3A_1812[%gather3A_1814] in [0] : vector<16xf32>, vector<16xi32> -> vector<16xf32>
        %add3A_1816 = arith.addf %add3A_1812, %gather3A_1815 : vector<16xf32>
        %broadcast_in_dim3A_1817 = vector.shape_cast %xor3A_19 : vector<16xi32> to vector<16x1xi32>
        %gather3A_1818 = vector.shape_cast %broadcast_in_dim3A_1817 : vector<16x1xi32> to vector<16xi32>
        %gather3A_1819 = tpu.dynamic_gather %add3A_1816[%gather3A_1818] in [0] : vector<16xf32>, vector<16xi32> -> vector<16xf32>
        %add3A_1820 = arith.addf %add3A_1816, %gather3A_1819 : vector<16xf32>
        %broadcast_in_dim3A_1821 = vector.shape_cast %xor3A_22 : vector<16xi32> to vector<16x1xi32>
        %gather3A_1822 = vector.shape_cast %broadcast_in_dim3A_1821 : vector<16x1xi32> to vector<16xi32>
        %gather3A_1823 = tpu.dynamic_gather %add3A_1820[%gather3A_1822] in [0] : vector<16xf32>, vector<16xi32> -> vector<16xf32>
        %add3A_1824 = arith.addf %add3A_1820, %gather3A_1823 : vector<16xf32>
        %eq3A_1825 = arith.constant 15 : i32
        %eq3A_1826 = vector.broadcast %eq3A_1825 : i32 to vector<16xi32>
        %eq3A_1827 = arith.cmpi eq, %iota3A, %eq3A_1826 : vector<16xi32>
        %select_n3A_1828 = arith.select %eq3A_1827, %add3A_1824, %select_n3A_1737 : vector<16xi1>, vector<16xf32>
        %mul3A_1829 = arith.constant 16 : i32
        %mul3A_1830 = arith.muli %scan3A_379, %mul3A_1829 : i32
        %multiple_of3A_1831 = tpu.assume_multiple %mul3A_1830, 8 : i32
        %swap3A = arith.constant 1 : i32
        %swap3A_1832 = arith.index_cast %swap3A : i32 to index
        %swap3A_1833 = arith.index_cast %multiple_of3A_1831 : i32 to index
        %swap3A_1834 = tpu.vector_load %arg11[%swap3A_1832, %swap3A_1833] {strides = array<i32>} : memref<2x256xf32, #tpu.memory_space<vmem>>, vector<16xf32>,
        tpu.vector_store %arg11[%swap3A_1832, %swap3A_1833], %select_n3A_1828 {strides = array<i32>} : memref<2x256xf32, #tpu.memory_space<vmem>>, vector<16xf32>,
      }
      %scan3A_358 = arith.constant 16 : i32
      %add3A_359 = arith.addi %multiple_of3A, %add3A_237 : i32
      %mul3A_360 = arith.constant 256 : i32
      %mul3A_361 = arith.muli %add3A_359, %mul3A_360 : i32
      %multiple_of3A_362 = tpu.assume_multiple %mul3A_361, 8 : i32
      %dma_start3A_363 = arith.constant 1 : i32
      %dma_start3A_364 = arith.constant 0 : i32
      %dma_start3A_365 = tpu.memref_slice %arg11[%dma_start3A_363, %dma_start3A_364] : memref<2x256xf32, #tpu.memory_space<vmem>> -> memref<1x256xf32, #tpu.memory_space<vmem>>
      %dma_start3A_366 = tpu.memref_squeeze %dma_start3A_365 : memref<1x256xf32, #tpu.memory_space<vmem>> -> memref<256xf32, #tpu.memory_space<vmem>>
      %dma_start3A_367 = tpu.memref_slice %arg6[%multiple_of3A_362] : memref<1048576xf32, #tpu.memory_space<hbm>> -> memref<256xf32, #tpu.memory_space<hbm>>
      %dma_start3A_368 = tpu.memref_slice %arg6[%multiple_of3A_362] : memref<1048576xf32, #tpu.memory_space<hbm>> -> memref<256xf32, #tpu.memory_space<hbm>>
      %dma_start3A_369 = arith.constant 0 : i32
      %dma_start3A_370 = tpu.memref_slice %arg11[%dma_start3A_363, %dma_start3A_369] : memref<2x256xf32, #tpu.memory_space<vmem>> -> memref<1x256xf32, #tpu.memory_space<vmem>>
      %dma_start3A_371 = tpu.memref_squeeze %dma_start3A_370 : memref<1x256xf32, #tpu.memory_space<vmem>> -> memref<256xf32, #tpu.memory_space<vmem>>
      tpu.enqueue_dma source(%dma_start3A_371 : memref<256xf32, #tpu.memory_space<vmem>>) target(%dma_start3A_368 : memref<256xf32, #tpu.memory_space<hbm>>) target_semaphore(%arg16 : memref<!tpu.dma_semaphore, #tpu.memory_space<semaphore_mem>>)
      %add3A_372 = arith.constant 2 : i32
      %add3A_373 = arith.addi %add3A_237, %add3A_372 : i32
      %lt3A_374 = arith.constant 128 : i32
      %lt3A_375 = arith.cmpi slt, %add3A_373, %lt3A_374 : i32
      %convert_element_type3A_376 = arith.extui %lt3A_375 : i1 to i32
      %cond3A_377 = arith.constant 0 : i32
      %cond3A_378 = arith.cmpi ne, %convert_element_type3A_376, %cond3A_377 : i32
      scf.if %cond3A_378 {
        %add3A_379 = arith.constant 2 : i32
        %add3A_380 = arith.addi %add3A_237, %add3A_379 : i32
        %mul3A_381 = arith.constant 2 : i32
        %mul3A_382 = arith.muli %add3A_380, %mul3A_381 : i32
        %add3A_383 = arith.constant 0 : i32
        %add3A_384 = arith.addi %mul3A_382, %add3A_383 : i32
        %dma_start3A_385 = arith.constant 1 : i32
        %dma_start3A_386 = arith.constant 0 : i32
        %dma_start3A_387 = arith.constant 0 : i32
        %dma_start3A_388 = tpu.memref_slice %arg10[%dma_start3A_385, %dma_start3A_386, %dma_start3A_387] : memref<2x256x64xi32, #tpu.memory_space<vmem>> -> memref<1x128x64xi32, #tpu.memory_space<vmem>>
        %dma_start3A_389 = tpu.memref_squeeze %dma_start3A_388 : memref<1x128x64xi32, #tpu.memory_space<vmem>> -> memref<128x64xi32, #tpu.memory_space<vmem>>
        %dma_start3A_390 = arith.constant 0 : i32
        %dma_start3A_391 = tpu.memref_slice %arg9[%add3A_384, %dma_start3A_390] : memref<256x128xi32, #tpu.memory_space<vmem>> -> memref<1x128xi32, #tpu.memory_space<vmem>>
        %dma_start3A_392 = tpu.memref_squeeze %dma_start3A_391 : memref<1x128xi32, #tpu.memory_space<vmem>> -> memref<128xi32, #tpu.memory_space<vmem>>
        %dma_start3A_393 = arith.constant 0 : i32
        %dma_start3A_394 = arith.constant 0 : i32
        %dma_start3A_395 = tpu.memref_slice %arg5[%dma_start3A_393, %dma_start3A_394] : memref<100000x64xi32, #tpu.memory_space<hbm>> -> memref<100000x64xi32, #tpu.memory_space<hbm>>
        tpu.enqueue_indirect_dma source(%dma_start3A_395 : memref<100000x64xi32, #tpu.memory_space<hbm>>) target(%dma_start3A_389 : memref<128x64xi32, #tpu.memory_space<vmem>>) offsets(%dma_start3A_392 : memref<128xi32, #tpu.memory_space<vmem>>) semaphore(%arg14 : memref<!tpu.dma_semaphore, #tpu.memory_space<semaphore_mem>>)
        %mul3A_396 = arith.constant 2 : i32
        %mul3A_397 = arith.muli %add3A_380, %mul3A_396 : i32
        %add3A_398 = arith.constant 1 : i32
        %add3A_399 = arith.addi %mul3A_397, %add3A_398 : i32
        %dma_start3A_400 = arith.constant 1 : i32
        %dma_start3A_401 = arith.constant 128 : i32
        %dma_start3A_402 = arith.constant 0 : i32
        %dma_start3A_403 = tpu.memref_slice %arg10[%dma_start3A_400, %dma_start3A_401, %dma_start3A_402] : memref<2x256x64xi32, #tpu.memory_space<vmem>> -> memref<1x128x64xi32, #tpu.memory_space<vmem>>
        %dma_start3A_404 = tpu.memref_squeeze %dma_start3A_403 : memref<1x128x64xi32, #tpu.memory_space<vmem>> -> memref<128x64xi32, #tpu.memory_space<vmem>>
        %dma_start3A_405 = arith.constant 0 : i32
        %dma_start3A_406 = tpu.memref_slice %arg9[%add3A_399, %dma_start3A_405] : memref<256x128xi32, #tpu.memory_space<vmem>> -> memref<1x128xi32, #tpu.memory_space<vmem>>
        %dma_start3A_407 = tpu.memref_squeeze %dma_start3A_406 : memref<1x128xi32, #tpu.memory_space<vmem>> -> memref<128xi32, #tpu.memory_space<vmem>>
        %dma_start3A_408 = arith.constant 0 : i32
        %dma_start3A_409 = arith.constant 0 : i32
        %dma_start3A_410 = tpu.memref_slice %arg5[%dma_start3A_408, %dma_start3A_409] : memref<100000x64xi32, #tpu.memory_space<hbm>> -> memref<100000x64xi32, #tpu.memory_space<hbm>>
        tpu.enqueue_indirect_dma source(%dma_start3A_410 : memref<100000x64xi32, #tpu.memory_space<hbm>>) target(%dma_start3A_404 : memref<128x64xi32, #tpu.memory_space<vmem>>) offsets(%dma_start3A_407 : memref<128xi32, #tpu.memory_space<vmem>>) semaphore(%arg14 : memref<!tpu.dma_semaphore, #tpu.memory_space<semaphore_mem>>)
      } else {
      }
    }
    %scan3A_75 = arith.constant 64 : i32
    %dma_wait3A_76 = arith.constant 0 : i32
    %dma_wait3A_77 = arith.constant 0 : i32
    %dma_wait3A_78 = tpu.memref_slice %arg11[%dma_wait3A_76, %dma_wait3A_77] : memref<2x256xf32, #tpu.memory_space<vmem>> -> memref<1x256xf32, #tpu.memory_space<vmem>>
    %dma_wait3A_79 = tpu.memref_squeeze %dma_wait3A_78 : memref<1x256xf32, #tpu.memory_space<vmem>> -> memref<256xf32, #tpu.memory_space<vmem>>
    %dma_wait3A_80 = arith.constant 0 : i32
    %dma_wait3A_81 = tpu.memref_slice %arg6[%dma_wait3A_80] : memref<1048576xf32, #tpu.memory_space<hbm>> -> memref<256xf32, #tpu.memory_space<hbm>>
    %dma_wait3A_82 = arith.constant 0 : i32
    %dma_wait3A_83 = tpu.memref_slice %arg6[%dma_wait3A_82] : memref<1048576xf32, #tpu.memory_space<hbm>> -> memref<256xf32, #tpu.memory_space<hbm>>
    %dma_wait3A_84 = arith.constant 0 : i32
    %dma_wait3A_85 = tpu.memref_slice %arg11[%dma_wait3A_76, %dma_wait3A_84] : memref<2x256xf32, #tpu.memory_space<vmem>> -> memref<1x256xf32, #tpu.memory_space<vmem>>
    %dma_wait3A_86 = tpu.memref_squeeze %dma_wait3A_85 : memref<1x256xf32, #tpu.memory_space<vmem>> -> memref<256xf32, #tpu.memory_space<vmem>>
    tpu.wait_dma2 semaphore(%arg15 : memref<!tpu.dma_semaphore, #tpu.memory_space<semaphore_mem>>) src(%dma_wait3A_86 : memref<256xf32, #tpu.memory_space<vmem>>) dst(%dma_wait3A_83 : memref<256xf32, #tpu.memory_space<hbm>>)
    %dma_wait3A_87 = arith.constant 1 : i32
    %dma_wait3A_88 = arith.constant 0 : i32
    %dma_wait3A_89 = tpu.memref_slice %arg11[%dma_wait3A_87, %dma_wait3A_88] : memref<2x256xf32, #tpu.memory_space<vmem>> -> memref<1x256xf32, #tpu.memory_space<vmem>>
    %dma_wait3A_90 = tpu.memref_squeeze %dma_wait3A_89 : memref<1x256xf32, #tpu.memory_space<vmem>> -> memref<256xf32, #tpu.memory_space<vmem>>
    %dma_wait3A_91 = arith.constant 0 : i32
    %dma_wait3A_92 = tpu.memref_slice %arg6[%dma_wait3A_91] : memref<1048576xf32, #tpu.memory_space<hbm>> -> memref<256xf32, #tpu.memory_space<hbm>>
    %dma_wait3A_93 = arith.constant 0 : i32
    %dma_wait3A_94 = tpu.memref_slice %arg6[%dma_wait3A_93] : memref<1048576xf32, #tpu.memory_space<hbm>> -> memref<256xf32, #tpu.memory_space<hbm>>
    %dma_wait3A_95 = arith.constant 0 : i32
    %dma_wait3A_96 = tpu.memref_slice %arg11[%dma_wait3A_87, %dma_wait3A_95] : memref<2x256xf32, #tpu.memory_space<vmem>> -> memref<1x256xf32, #tpu.memory_space<vmem>>
    %dma_wait3A_97 = tpu.memref_squeeze %dma_wait3A_96 : memref<1x256xf32, #tpu.memory_space<vmem>> -> memref<256xf32, #tpu.memory_space<vmem>>
    tpu.wait_dma2 semaphore(%arg16 : memref<!tpu.dma_semaphore, #tpu.memory_space<semaphore_mem>>) src(%dma_wait3A_97 : memref<256xf32, #tpu.memory_space<vmem>>) dst(%dma_wait3A_94 : memref<256xf32, #tpu.memory_space<hbm>>)
    return
  }
}

</mosaic_0001>

<sc_bundles>
// kernel: _sc_scores.3.cloned.1.call-start
scs
__scs_entry_jumppad:
0x0: {  	(pc) =	sbr.rel $0x88, $3  }
0x1: {  	(tag) =	ssettag $0x0;
	lr =	simm.s32 $0x1  }
0x2: {  	[smem:$0x3F9D] =	sst lr;
	_ =	strace $0xD0000000  }
0x3: {  	_ = 	snop  }
0x4: {  	_ = 	snop  }
0x5: {  	_ = 	snop  }
0x6: {  	_ = 	snop  }
0x7: {  	_ = 	snop  }
__scs_overlays_trampoline_lowered:
0x8: {  	[smem:$0x3FAC] =	sst s0  }
0x9: {  	[smem:$0x3FAD] =	sst s1  }
0xa: {  	[smem:$0x3FAE] =	sst s2  }
0xb: {  	[smem:$0x3FAF] =	sst s3  }
0xc: {  	[smem:$0x3FB0] =	sst s4  }
0xd: {  	[smem:$0x3FB1] =	sst s5  }
0xe: {  	[smem:$0x3FB2] =	sst s6  }
0xf: {  	[smem:$0x3FB3] =	sst s7  }
0x10: {  	[smem:$0x3FB4] =	sst s8  }
0x11: {  	[smem:$0x3FB5] =	sst s9;
	s0 =	simm.s32 @!p0 $0x0  }
0x12: {  	s1 =	sld [smem:$0x3F9B];
	s0 =	simm.s32 @p0 $0x1  }
0x13: {  	[smem:$0x3FB6] =	sst s0;
	s0 =	simm.s32 @!p1 $0x0  }
0x14: {  	s2 =	sld [smem:$0x3F9A];
	s0 =	simm.s32 @p1 $0x1  }
0x15: {  	[smem:$0x3FB7] =	sst s0;
	s0 =	simm.s32 @!p2 $0x0  }
0x16: {  	s3 =	sld [smem:$0x3FDB];
	s0 =	simm.s32 @p2 $0x1  }
0x17: {  	s4 =	simm.s32 $0x1BF5;
	[smem:$0x3FB9] =	sst s0  }
0x18: {  	s0 =	sld [smem:$0x3F9C];
	_ =	swait.ge [sflag:s4], $0x0  }
0x19: {  	s7 =	sld [smem:$0x3F9D]  }
0x1a: {  	s8 =	sadd.s32 $0xFFFFE003, lr  }
0x1b: {  	s9 =	sadd.s32 $0xFFFFFEF7, lr;
	s5 =	simm.s32 $0xFFFFFFFF;
	p2 =	slt.u32 s8, $0xFFFFF086  }
0x1c: {  	p1 =	slt.u32 s9, $0xF7A;
	s5 =	simm.s32 @!p2 $0x0  }
0x1d: {  	s5 =	simm.s32 @p1 $0x1;
	p0 =	seq.s32 s7, s2  }
0x1e: {  	s7 =	smul.u32 @!p0 $0xF7A, s2;
	p2 =	seq.s32 @!p0 s5, $0x0  }
0x1f: {  	s9 =	smul.u32 $0xF7A, s1;
	s8 =	simm.s32 @!p0 $0x1BF5;
	p2 =	por !p2, p0  }
0x20: {  	[sflag:s8] =	ssyncset.s32 @!p0 $0xFFFFF086;
	s6 =	sadd.s32 @!p0 s3, s7;
	s7 =	simm.s32 @!p0 $0x108  }
0x21: {  	s3 =	sadd.s32 s3, s9;
	s6 =	sadd.s32 @!p0 $0x88, s6;
	s7 =	simm.s32 @p2 $0x1082  }
0x22: {  	[simem:s7], [sflag:s8] =	dma.local @!p0 [hbm:s6], $0xF7A  }
0x23: {  	s9 =	sor.u32 $0xD0000000, s2;
	s6 =	simm.s32 $0x108;
	_ =	swait.ge @!p0 [sflag:s8], $0x0  }
0x24: {  	s3 =	sadd.s32 $0x88, s3;
	s6 =	simm.s32 @!p1 $0x1082;
	[sflag:s4] =	ssyncset.s32 $0xFFFFF086  }
0x25: {  	[simem:s6], [sflag:s4] =	dma.local [hbm:s3], $0xF7A  }
0x26: {  	[smem:$0x3F9D] =	sst s1;
	(tag) =	ssettag s2;
	_ =	strace s9  }
0x27: {  	s1 =	sld [smem:$0x3FAD]  }
0x28: {  	s2 =	sld [smem:$0x3FAE]  }
0x29: {  	s4 =	sld [smem:$0x3FB0]  }
0x2a: {  	p0 =	seq.s32 s5, $0x0;
	s5 =	sld [smem:$0x3FB1]  }
0x2b: {  	s6 =	sld [smem:$0x3FB2]  }
0x2c: {  	s7 =	sld [smem:$0x3FB3]  }
0x2d: {  	s3 =	simm.s32 $0x108;
	s8 =	sld [smem:$0x3FB4]  }
0x2e: {  	s3 =	simm.s32 @!p0 $0x1082;
	s9 =	sld [smem:$0x3FB5]  }
0x2f: {  	lr =	sadd.s32 s0, s3;
	s0 =	sld [smem:$0x3FAC]  }
0x30: {  	s3 =	sld [smem:$0x3FAF]  }
0x31: {  	[smem:$0x3FB8] =	sst s10  }
0x32: {  	s10 =	sld [smem:$0x3FB6];
	_ =	sdelay $0x3  }
0x33: {  	p0 =	seq.s32 s10, $0x1;
	s10 =	sld [smem:$0x3FB8];
	_ =	sdelay $0x3  }
0x34: {  	[smem:$0x3FB8] =	sst s10  }
0x35: {  	s10 =	sld [smem:$0x3FB7];
	_ =	sdelay $0x3  }
0x36: {  	p1 =	seq.s32 s10, $0x1;
	s10 =	sld [smem:$0x3FB8];
	_ =	sdelay $0x3  }
0x37: {  	[smem:$0x3FB8] =	sst s10  }
0x38: {  	s10 =	sld [smem:$0x3FB9]  }
0x39: {  	_ = 	snop;
	(pc) =	sbr.ind lr, $3  }
0x3a: {  	_ = 	snop  }
0x3b: {  	_ = 	snop  }
0x3c: {  	p2 =	seq.s32 s10, $0x1;
	s10 =	sld [smem:$0x3FB8]  }
0x3d: {  	_ =	shalt  }
0x3e: {  	_ =	shalt  }
0x3f: {  	_ =	shalt  }
0x40: {  	_ =	shalt  }
0x41: {  	_ =	shalt  }
0x42: {  	_ =	shalt  }
0x43: {  	_ =	shalt  }
0x44: {  	_ =	shalt  }
0x45: {  	_ =	shalt  }
0x46: {  	_ =	shalt  }
0x47: {  	_ =	shalt  }
0x48: {  	_ =	shalt  }
0x49: {  	_ =	shalt  }
0x4a: {  	_ =	shalt  }
0x4b: {  	_ =	shalt  }
0x4c: {  	_ =	shalt  }
0x4d: {  	_ =	shalt  }
0x4e: {  	_ =	shalt  }
0x4f: {  	_ =	shalt  }
0x50: {  	_ =	shalt  }
0x51: {  	_ =	shalt  }
0x52: {  	_ =	shalt  }
0x53: {  	_ =	shalt  }
0x54: {  	_ =	shalt  }
0x55: {  	_ =	shalt  }
0x56: {  	_ =	shalt  }
0x57: {  	_ =	shalt  }
0x58: {  	_ =	shalt  }
0x59: {  	_ =	shalt  }
0x5a: {  	_ =	shalt  }
0x5b: {  	_ =	shalt  }
0x5c: {  	_ =	shalt  }
0x5d: {  	_ =	shalt  }
0x5e: {  	_ =	shalt  }
0x5f: {  	_ =	shalt  }
0x60: {  	_ =	shalt  }
0x61: {  	_ =	shalt  }
0x62: {  	_ =	shalt  }
0x63: {  	_ =	shalt  }
0x64: {  	_ =	shalt  }
0x65: {  	_ =	shalt  }
0x66: {  	_ =	shalt  }
0x67: {  	_ =	shalt  }
0x68: {  	_ =	shalt  }
0x69: {  	_ =	shalt  }
0x6a: {  	_ =	shalt  }
0x6b: {  	_ =	shalt  }
0x6c: {  	_ =	shalt  }
0x6d: {  	_ =	shalt  }
0x6e: {  	_ =	shalt  }
0x6f: {  	_ =	shalt  }
0x70: {  	_ =	shalt  }
0x71: {  	_ =	shalt  }
0x72: {  	_ =	shalt  }
0x73: {  	_ =	shalt  }
0x74: {  	_ =	shalt  }
0x75: {  	_ =	shalt  }
0x76: {  	_ =	shalt  }
0x77: {  	_ =	shalt  }
0x78: {  	_ =	shalt  }
0x79: {  	_ =	shalt  }
0x7a: {  	_ =	shalt  }
0x7b: {  	_ =	shalt  }
0x7c: {  	_ =	shalt  }
0x7d: {  	_ =	shalt  }
0x7e: {  	_ =	shalt  }
0x7f: {  	_ =	shalt  }
0x80: {  	_ =	shalt  }
0x81: {  	_ =	shalt  }
0x82: {  	_ =	shalt  }
0x83: {  	_ =	shalt  }
0x84: {  	_ =	shalt  }
0x85: {  	_ =	shalt  }
0x86: {  	_ =	shalt  }
0x87: {  	_ =	shalt  }
.Lfunc_end0:
.L_simem_size_0:
called_computation_lowered:
.L_overlay_start_0:
0x88: {  	s2 =	sld [smem:$0x3FD9]  }
0x89: {  	s3 =	sld [smem:$0x3FFE];
	_ =	sdelay $0x1  }
0x8a: {  	s1 =	srdreg.scid  }
0x8b: {  	s0 =	sand.u32 $0x1, s1  }
0x8c: {  	s17 =	sshll.u32 s0, $0xA;
	s2 =	sadd.s32 s3, s2  }
0x8d: {  	s2 =	sadd.s32 s2, s17  }
0x8e: {  	[smem:$0x3FC4] =	sst s2  }
0x8f: {  	_ = 	snop  }
0x90: {  	s2 =	sld [smem:$0x3FC9]  }
0x91: {  	s18 =	sld [smem:$0x3FC8]  }
0x92: {  	s4 =	sld [smem:$0x3FC7]  }
0x93: {  	s5 =	sld [smem:$0x3FD0];
	(tm) =	ssettm $0x1  }
0x94: {  	s6 =	sld [smem:$0x3FFB];
	_ =	sdelay $0x3  }
0x95: {  	_ =	strace s6  }
0x96: {  	s6 =	sld [smem:$0x3FFC];
	_ =	sdelay $0x3  }
0x97: {  	_ =	strace s6  }
0x98: {  	s6 =	sld [smem:$0x3FFD];
	_ =	sdelay $0x3  }
0x99: {  	_ =	strace s6  }
0x9a: {  	_ =	strace $0x8FFFFFFF  }
0x9b: {  	s19 =	sld [smem:$0x3FDB];
	_ =	sdelay $0x1  }
0x9c: {  	s7 =	simm.s32 $_scs_section_size  }
0x9d: {  	s8 =	simm.s32 $_size__tile_overlayer_lowered;
	s9 =	simm.s32 $_tile_overlayer_lowered  }
0x9e: {  	s22 =	simm.s32 $0x1BFF;
	s21 =	sshll.u32 s9, $0x1;
	s6 =	sadd.s32 s7, s19  }
0x9f: {  	s10 =	simm.s32 $0x0;
	s20 =	sshll.u32 s8, $0x1;
	s8 =	sadd.s32 s21, s6  }
0xa0: {  	[timem:s10], [sflag:s22] =	dma.local [hbm:s8], s20  }
0xa1: {  	_ =	swait.ge [sflag:s22], s20  }
0xa2: {  	s7 =	ssub.s32 $0x0, s20;
	[sflag:s22] =	ssyncset.done $0x0  }
0xa3: {  	[sflag:s22] =	ssyncadd.s32 s7;
	_ =	sdelay $0x1  }
0xa4: {  	s23 =	simm.s32 $0x1B8B  }
0xa5: {  	_ =	swait.ge [sflag:s23], $0x1  }
0xa6: {  	[sflag:s23] =	ssyncset.done $0x0  }
0xa7: {  	s25 =	simm.s32 $0x1B8E;
	s24 =	sld [smem:$0x3FFE];
	[sflag:s23] =	ssyncadd.s32 $0xFFFFFFFF  }
0xa8: {  	s26 =	simm.s32 $execute0_lowered;
	[smem:$0x3FD2] =	sst s25  }
0xa9: {  	s8 =	sshll.u32 s26, $0x1;
	_ =	strace $0x80000046;
	[dreg:$0x1] =	wrdreg $0xFFFFFFFF  }
0xaa: {  	s28 =	simm.s32 $_size_execute0_lowered;
	s6 =	sadd.s32 s6, s8;
	[dreg:$0x0] =	wrdreg $0x0  }
0xab: {  	s8 =	sshll.u32 s28, $0x1;
	[dreg:$0x2] =	wrdreg s6  }
0xac: {  	[dreg:$0x3] =	wrdreg s8  }
0xad: {  	[dreg:$0x4] =	wrdreg $0xC0  }
0xae: {  	_ =	task [dreg:s10], $0x5FFFF  }
0xaf: {  	[dreg:$0x1] =	wrdreg $0xFFFFFFFF  }
0xb0: {  	[dreg:$0x0] =	wrdreg $0x60  }
0xb1: {  	[dreg:$0x2] =	wrdreg s2  }
0xb2: {  	[dreg:$0x3] =	wrdreg s18  }
0xb3: {  	[dreg:$0x4] =	wrdreg s4  }
0xb4: {  	[dreg:$0x5] =	wrdreg s24  }
0xb5: {  	[dreg:$0x6] =	wrdreg s5  }
0xb6: {  	[dreg:$0x7] =	wrdreg $0x9  }
0xb7: {  	_ =	task.clear_ibuf [dreg:s10], $0x8FFFF;
	_ =	strace $0x90000046  }
0xb8: {  	s29 =	simm.s32 $0x9;
	_ =	strace $0x80000048  }
0xb9: {  	_ =	swait.ge [sflag:s29], $0x1  }
0xba: {  	[sflag:s29] =	ssyncadd.s32 $0xFFFFFFFF  }
0xbb: {  	_ =	strace $0x90000048  }
0xbc: {  	_ =	sfence  }
0xbd: {  	s30 =	sld [smem:$0x0];
	_ =	sdelay $0x2  }
0xbe: {  	s31 =	sshll.u32 s1, $0xD;
	s1 =	sshrl.u32 s1, $0x2  }
0xbf: {  	s3 =	sand.u32 $0x4000, s31;
	s1 =	sadd.s32 s1, s30  }
0xc0: {  	s0 =	sor.u32 s3, s0;
	s1 =	sshll.u32 s1, $0x11  }
0xc1: {  	s0 =	sor.u32 s1, s0  }
0xc2: {  	s0 =	sadd.s32 $0x8F2B, s0  }
0xc3: {  	[sflag:s0] =	ssyncadd.remote.s32 $0x1  }
0xc4: {  	_ =	sfence.sel $0xFFFF  }
0xc5: {  	[dreg:$0x0] =	wrdreg $0xFFFFFFFF;
	(pc) =	sbr.abs _section_cstart, $3  }
0xc6: {  	[dreg:$0x1] =	wrdreg $0xFFFFFFFF  }
0xc7: {  	_ =	task.clear_ibuf [dreg:s10], $0x2FFFF;
	_ =	strace $0x9FFFFFFF  }
0xc8: {  	(tm) =	ssettm $0x7FFFFFFF  }
0xc9: {  	_ =	shalt  }
tec
execute0_lowered:
.L_overlay_start_1:
0x0: {  	(tag) =	ssettag $0x1  }
0x1: {  	v0 =	vimm.s32 $0xBA98FEDC;
	v1 =	vimm.s32 $0x32107654;
	v2 =	vlaneseq.u32  }
0x2: {  	s1 =	rddreg [dreg:$0x0];
	v4 =	vimm.s32 $0xFEDCBA98;
	v5 =	vimm.s32 $0xDCFE98BA;
	v7 =	vimm.s32 $0x67452301  }
0x3: {  	s4 =	rddreg [dreg:$0x1];
	vm0 =	vmmov $0xff;
	vm1 =	vmmov $0x1;
	vm2 =	vmmov $0x3  }
0x4: {  	s5 =	rddreg [dreg:$0x3];
	vm3 =	vmmov $0x7;
	vm4 =	vmmov $0xf;
	vm5 =	vmmov $0x1f  }
0x5: {  	s2 =	rddreg [dreg:$0x4];
	s6 =	srdreg.scid;
	vm6 =	vmmov $0x3f;
	v3 =	vunpack.c.l.s4.s8 v0;
	v1 =	vunpack.c.l.s4.s8 v1  }
0x6: {  	s3 =	simm.s32 $0x0;
	s0 =	stileid.u32;
	s11 =	simm.s32 $0x4080;
	vm7 =	vmmov $0x7f;
	vm8 =	vmmov $0x1ff;
	vm9 =	vmmov $0x3ff  }
0x7: {  	s12 =	simm.s32 $0x80;
	s13 =	simm.s32 $0x1;
	s14 =	simm.s32 $0xC080;
	v0 =	vand.u32 $0x7, v2;
	v2 =	vunpack.c.0.s8.s32 v3;
	v1 =	vunpack.c.0.s8.s32 v1  }
0x8: {  	s15 =	simm.s32 $0x4100;
	s16 =	simm.s32 $0xE080;
	s17 =	simm.s32 $0x4180;
	vm10 =	vmmov $0x7ff;
	vm11 =	vmmov $0xfff;
	vm12 =	vmmov $0x1fff  }
0x9: {  	s18 =	simm.s32 $0x10080;
	s19 =	simm.s32 $0x4200;
	s20 =	simm.s32 $0x12080;
	v4 =	vunpack.c.l.s4.s8 v4;
	v6 =	vcombine.low v1, v2;
	v2 =	vimm.s32 $0x54761032  }
0xa: {  	s21 =	simm.s32 $0x2;
	s22 =	simm.s32 $0x14080;
	s23 =	simm.s32 $0x3;
	v1 =	vunpack.c.l.s4.s8 v5;
	v5 =	vimm.s32 $0xEFCDAB89;
	v2 =	vunpack.c.l.s4.s8 v2  }
0xb: {  	s24 =	simm.s32 $0x14180;
	s25 =	simm.s32 $0x4;
	s26 =	simm.s32 $0x5;
	v7 =	vunpack.c.l.s4.s8 v7;
	v3 =	vimm.s32 $0x76543210;
	v5 =	vunpack.c.l.s4.s8 v5  }
0xc: {  	s28 =	simm.s32 $0x0;
	s6 =	sand.u32 $0x1, s6;
	[smem:$0x7FF] =	sst s3;
	v3 =	vunpack.c.l.s4.s8 v3;
	v1 =	vunpack.c.0.s8.s32 v1;
	v2 =	vunpack.c.0.s8.s32 v2  }
.Ltmp0:
0xd: {  	s9 =	sshll.u32 s0, $0x1;
	s5 =	sadd.s32 $0x186E00, s5;
	v4 =	vunpack.c.0.s8.s32 v4;
	v7 =	vunpack.c.0.s8.s32 v7;
	v5 =	vunpack.c.0.s8.s32 v5;
	(pc) =	sbr.rel .LBB2_1-.Ltmp0, $4  }
0xe: {  	v0 =	vmul.u32 $0x2, v0;
	s7 =	ssub.s32 $0x2, s6;
	_ =	strace $0x80000047;
	s30 =	sor.u32 s6, s9;
	v8 =	vcombine.low v2, v1;
	v2 =	vunpack.c.0.s8.s32 v3  }
0xf: {  	vm13 =	vmmov $0x3fff;
	s8 =	sshrl.u32 s7, $0x1;
	s6 =	sshll.u32 s30, $0x7;
	s31 =	sshll.u32 s30, $0x4;
	v5 =	vcombine.low v7, v5;
	v3 =	vand.u32 $0xF, v4  }
0x10: {  	vm14 =	vmmov $0x7fff;
	s9 =	sshll.u32 s30, $0xC;
	s10 =	ssub.s32 s7, s8;
	s7 =	sadd.s32 s1, s31;
	v1 =	vor.u32 $0x1, v0;
	v2 =	vcombine.low v3, v2  }
0x11: {  	s8 =	sadd.s32 s4, s9;
	s9 =	smax.u32 s10, $0x1;
	s10 =	simm.s32 $0x6;
	v3 =	vand.u32 $0xF, v6;
	v4 =	vand.u32 $0xF, v8;
	v5 =	vand.u32 $0xF, v5  }
.LBB2_8:
0x12: {  	s28 =	sadd.s32 $0x1, s28  }
0x13: {  	_ =	swait.ge [sflag:s25], $0x100;
	p0 =	sne.s32 s28, s9  }
.Ltmp1:
0x14: {  	[sflag:s25] =	ssyncset.done $0x0;
	(pc) =	sbr.rel @!p0 .LBB2_9-.Ltmp1, $4  }
0x15: {  	[sflag:s25] =	ssyncadd.s32 $0xFFFFFF00  }
0x16: {  	_ =	swait.ge [sflag:s26], $0x100  }
0x17: {  	[sflag:s26] =	ssyncset.done $0x0  }
0x18: {  	[sflag:s26] =	ssyncadd.s32 $0xFFFFFF00  }
.LBB2_1:
0x19: {  	[tilespmem:s3], [sflag:$0x6] =	stream.linear.gather [hbm4b:s7+s3], $0x80, $0x38;
	[tilespmem:$0x14280] =	vst v63  }
0x1a: {  	_ =	swait.ge [sflag:s10], $0x80  }
0x1b: {  	[sflag:s10] =	ssyncset.done $0x0  }
0x1c: {  	[sflag:s10] =	ssyncadd.s32 $0xFFFFFF80  }
0x1d: {  	[tilespmem:s11], [sflag:$0x6] =	stream.linear.gather [hbm4b:s8+s3], $0x8000, $0x38;
	[tilespmem:$0x14280] =	vst v63  }
0x1e: {  	_ =	swait.ge [sflag:s10], $0x8000  }
0x1f: {  	[sflag:s10] =	ssyncset.done $0x0  }
0x20: {  	[sflag:s10] =	ssyncadd.s32 $0xFFFF8000  }
0x21: {  	s0 =	rddreg [dreg:$0x2]  }
0x22: {  	[tilespmem:s12], [sflag:$0x1] =	stream.indirect.gather [hbm4b:s0+s12], $0x80, s3, s12, $0xb8;
	[tilespmem:$0x14280] =	vst v63  }
0x23: {  	_ =	swait.ge [sflag:s13], $0x4000  }
0x24: {  	[sflag:s13] =	ssyncset.done $0x0  }
0x25: {  	[sflag:s13] =	ssyncadd.s32 $0xFFFFC000  }
0x26: {  	[tilespmem:s14], [sflag:$0x2] =	stream.indirect.gather [hbm4b:s5+s12], $0x40, s11, s12, $0xb8;
	[tilespmem:$0x14280] =	vst v63  }
0x27: {  	_ = 	snop  }
0x28: {  	[tilespmem:s16], [sflag:$0x2] =	stream.indirect.gather [hbm4b:s5+s12], $0x40, s15, s12, $0xb8;
	[tilespmem:$0x14280] =	vst v63  }
0x29: {  	_ = 	snop  }
0x2a: {  	[tilespmem:s18], [sflag:$0x3] =	stream.indirect.gather [hbm4b:s5+s12], $0x40, s17, s12, $0xb8;
	[tilespmem:$0x14280] =	vst v63  }
0x2b: {  	s29 =	simm.s32 $0x0  }
0x2c: {  	[tilespmem:s20], [sflag:$0x3] =	stream.indirect.gather [hbm4b:s5+s12], $0x40, s19, s12, $0xb8;
	[tilespmem:$0x14280] =	vst v63  }
.LBB2_2:
0x2d: {  	_ =	swait.ge [sflag:s21], $0x4000  }
0x2e: {  	p1 =	seq.s32 s29, $0x0;
	[sflag:s21] =	ssyncset.done $0x0  }
0x2f: {  	s1 =	simm.s32 @!p1 $0x4;
	[sflag:s21] =	ssyncadd.s32 $0xFFFFC000  }
0x30: {  	_ =	swait.ge @!p1 [sflag:s1], $0x100  }
0x31: {  	s4 =	sshll.u32 s29, $0x8;
	[sflag:s1] =	ssyncset.done @!p1 $0x0  }
0x32: {  	s4 =	sand.u32 $0x3FFFFF00, s4;
	[sflag:s1] =	ssyncadd.s32 @!p1 $0xFFFFFF00  }
0x33: {  	v6 =	vld [tilespmem:s4+$0x80]  }
0x34: {  	v7 =	vld [tilespmem:s4+$0x90]  }
0x35: {  	v9 =	vld [tilespmem:s4+$0xA0]  }
0x36: {  	v10 =	vld [tilespmem:s4+$0xB0]  }
0x37: {  	v12 =	vld [tilespmem:s4+$0xC0]  }
0x38: {  	v13 =	vld [tilespmem:s4+$0xD0]  }
0x39: {  	v14 =	vld [tilespmem:s4+$0xE0]  }
0x3a: {  	v15 =	vld [tilespmem:s4+$0xF0];
	_ =	sdelay $0x1  }
0x3b: {  	v8 =	vperm.xlane v6, v0;
	v11 =	vperm.xlane v7, v0  }
0x3c: {  	v16 =	vperm.xlane v9, v0;
	v17 =	vperm.xlane v10, v0  }
0x3d: {  	v18 =	vperm.xlane v12, v0;
	v19 =	vperm.xlane v13, v0  }
0x3e: {  	s30 =	simm.s32 $0xC280;
	v20 =	vperm.xlane v14, v0;
	v21 =	vperm.xlane v15, v0  }
0x3f: {  	v22 =	vld [tilespmem:s30+$0x1C0];
	v23 =	vperm.xlane v6, v1;
	v24 =	vperm.xlane v7, v1  }
0x40: {  	v26 =	vld [tilespmem:s30+$0x1D0];
	v25 =	vperm.xlane v9, v1;
	v10 =	vperm.xlane v10, v1  }
0x41: {  	v12 =	vperm.xlane v12, v1;
	v13 =	vperm.xlane v13, v1  }
0x42: {  	v14 =	vperm.xlane v14, v1;
	v15 =	vperm.xlane v15, v1  }
0x43: {  	v8 =	vsel vm0, v8, v11;
	v9 =	vsel vm0, v16, v17;
	v7 =	vsel vm0, v18, v19  }
0x44: {  	v6 =	vsel vm0, v20, v21;
	v11 =	vsel vm0, v23, v24;
	v10 =	vsel vm0, v25, v10;
	v16 =	vld [tilespmem:s30+$0x1E0]  }
0x45: {  	v17 =	vshll.u32 v22, $0x10;
	v18 =	vand.u32 $0xFFFF0000, v22;
	v19 =	vld [tilespmem:s30+$0x1F0];
	v20 =	vshll.u32 v26, $0x10  }
0x46: {  	v21 =	vand.u32 $0xFFFF0000, v26;
	v23 =	vld [tilespmem:s30+$0x1B0];
	v17 =	vmul.f32 v17, v8;
	v18 =	vmul.f32 v18, v11  }
0x47: {  	v20 =	vmul.f32 v20, v9;
	v21 =	vmul.f32 v21, v10  }
0x48: {  	v13 =	vsel vm0, v12, v13;
	v12 =	vsel vm0, v14, v15  }
0x49: {  	v14 =	vld [tilespmem:s30+$0x180];
	v17 =	vadd.f32 v18, v17;
	v20 =	vadd.f32 v21, v20;
	v15 =	vshll.u32 v16, $0x10  }
0x4a: {  	v18 =	vld [tilespmem:s30+$0x190];
	v16 =	vand.u32 $0xFFFF0000, v16;
	v22 =	vshll.u32 v19, $0x10;
	v19 =	vand.u32 $0xFFFF0000, v19  }
0x4b: {  	v21 =	vld [tilespmem:s30+$0x1A0];
	v24 =	vshll.u32 v23, $0x10;
	v15 =	vmul.f32 v15, v7;
	v16 =	vmul.f32 v16, v13  }
0x4c: {  	v23 =	vand.u32 $0xFFFF0000, v23;
	v22 =	vmul.f32 v22, v6;
	v19 =	vmul.f32 v19, v12  }
0x4d: {  	v24 =	vmul.f32 v24, v6;
	v23 =	vmul.f32 v23, v12;
	v15 =	vadd.f32 v16, v15  }
0x4e: {  	v16 =	vadd.f32 v20, v17;
	v17 =	vshll.u32 v14, $0x10;
	v14 =	vand.u32 $0xFFFF0000, v14  }
0x4f: {  	v19 =	vadd.f32 v19, v22;
	v20 =	vshll.u32 v18, $0x10;
	v18 =	vand.u32 $0xFFFF0000, v18  }
0x50: {  	v22 =	vshll.u32 v21, $0x10;
	v17 =	vmul.f32 v17, v8;
	v14 =	vmul.f32 v14, v11  }
0x51: {  	v25 =	vld [tilespmem:s30+$0x140];
	v21 =	vand.u32 $0xFFFF0000, v21;
	v20 =	vmul.f32 v20, v9;
	v18 =	vmul.f32 v18, v10  }
0x52: {  	v22 =	vmul.f32 v22, v7;
	v21 =	vmul.f32 v21, v13;
	v15 =	vadd.f32 v19, v15  }
0x53: {  	v14 =	vadd.f32 v14, v17;
	v17 =	vadd.f32 v18, v20;
	v18 =	vld [tilespmem:s30+$0x150]  }
0x54: {  	v19 =	vadd.f32 v21, v22;
	v20 =	vadd.f32 v23, v24;
	v22 =	vld [tilespmem:s30+$0x170]  }
0x55: {  	v15 =	vadd.f32 v15, v16  }
0x56: {  	v16 =	vld [tilespmem:s30+$0x160];
	v14 =	vadd.f32 v17, v14;
	v17 =	vadd.f32 v20, v19;
	v19 =	vshll.u32 v25, $0x10  }
0x57: {  	v21 =	vand.u32 $0xFFFF0000, v25;
	v20 =	vperm.xlane v15, v2;
	v19 =	vmul.f32 v19, v8  }
0x58: {  	v14 =	vadd.f32 v17, v14;
	v17 =	vmul.f32 v21, v11;
	v21 =	vshll.u32 v18, $0x10  }
0x59: {  	v18 =	vand.u32 $0xFFFF0000, v18;
	v15 =	vadd.f32 v15, v20;
	v25 =	vshll.u32 v22, $0x10  }
0x5a: {  	v24 =	vld [tilespmem:s30+$0x110];
	v22 =	vand.u32 $0xFFFF0000, v22;
	v21 =	vmul.f32 v21, v9;
	v18 =	vmul.f32 v18, v10  }
0x5b: {  	v20 =	vld [tilespmem:s30+$0x100];
	v23 =	vshll.u32 v16, $0x10;
	v17 =	vadd.f32 v17, v19;
	v19 =	vperm.xlane v14, v2  }
0x5c: {  	v16 =	vand.u32 $0xFFFF0000, v16;
	v25 =	vmul.f32 v25, v6;
	v22 =	vmul.f32 v22, v12  }
0x5d: {  	v23 =	vmul.f32 v23, v7;
	v16 =	vmul.f32 v16, v13;
	v18 =	vadd.f32 v18, v21;
	v21 =	vld [tilespmem:s30+$0x120]  }
0x5e: {  	v14 =	vadd.f32 v14, v19;
	v19 =	vld [tilespmem:s30+$0x130];
	v22 =	vadd.f32 v22, v25  }
0x5f: {  	v16 =	vadd.f32 v16, v23;
	v23 =	vshll.u32 v24, $0x10;
	v24 =	vand.u32 $0xFFFF0000, v24  }
0x60: {  	v17 =	vadd.f32 v18, v17;
	v18 =	vshll.u32 v20, $0x10;
	v23 =	vmul.f32 v23, v9  }
0x61: {  	v20 =	vand.u32 $0xFFFF0000, v20;
	v24 =	vmul.f32 v24, v10;
	v18 =	vmul.f32 v18, v8  }
0x62: {  	v20 =	vmul.f32 v20, v11;
	v16 =	vadd.f32 v22, v16;
	v25 =	vshll.u32 v21, $0x10  }
0x63: {  	v21 =	vand.u32 $0xFFFF0000, v21;
	v26 =	vshll.u32 v19, $0x10;
	v19 =	vand.u32 $0xFFFF0000, v19  }
0x64: {  	v22 =	vld [tilespmem:s30+$0xC0];
	v18 =	vadd.f32 v20, v18;
	v25 =	vmul.f32 v25, v7;
	v21 =	vmul.f32 v21, v13  }
0x65: {  	v20 =	vadd.f32 v24, v23;
	v24 =	vld [tilespmem:s30+$0xE0];
	v26 =	vmul.f32 v26, v6;
	v19 =	vmul.f32 v19, v12  }
0x66: {  	v16 =	vadd.f32 v16, v17;
	v17 =	vperm.xlane v14, v3  }
0x67: {  	v23 =	vld [tilespmem:s30+$0xD0];
	v21 =	vadd.f32 v21, v25;
	v19 =	vadd.f32 v19, v26;
	v25 =	vperm.xlane v15, v3  }
0x68: {  	v18 =	vadd.f32 v20, v18;
	v20 =	vld [tilespmem:s30+$0xF0];
	v17 =	vadd.f32 v14, v17  }
0x69: {  	v19 =	vadd.f32 v19, v21;
	v21 =	vperm.xlane v16, v2;
	v14 =	vadd.f32 v15, v25  }
0x6a: {  	v15 =	vshll.u32 v22, $0x10;
	v22 =	vand.u32 $0xFFFF0000, v22;
	v25 =	vshll.u32 v24, $0x10  }
0x6b: {  	v24 =	vand.u32 $0xFFFF0000, v24;
	v15 =	vmul.f32 v15, v8;
	v25 =	vmul.f32 v25, v7  }
0x6c: {  	v28 =	vld [tilespmem:s30+$0x90];
	v24 =	vmul.f32 v24, v13;
	v18 =	vadd.f32 v19, v18;
	v19 =	vmul.f32 v22, v11  }
0x6d: {  	v22 =	vshll.u32 v23, $0x10;
	v23 =	vand.u32 $0xFFFF0000, v23;
	v27 =	vshll.u32 v20, $0x10  }
0x6e: {  	v26 =	vld [tilespmem:s30+$0x80];
	v20 =	vand.u32 $0xFFFF0000, v20;
	v22 =	vmul.f32 v22, v9;
	v23 =	vmul.f32 v23, v10  }
0x6f: {  	v16 =	vadd.f32 v16, v21;
	v21 =	vld [tilespmem:s30+$0xA0];
	v27 =	vmul.f32 v27, v6;
	v20 =	vmul.f32 v20, v12  }
0x70: {  	v15 =	vadd.f32 v19, v15;
	v19 =	vadd.f32 v23, v22;
	v22 =	vperm.xlane v18, v2  }
0x71: {  	v37 =	vld [tilespmem:s30+$0xFFFFFF00];
	v23 =	vadd.f32 v24, v25;
	v20 =	vadd.f32 v20, v27;
	v25 =	vand.u32 $0xFFFF0000, v28  }
0x72: {  	v24 =	vld [tilespmem:s30+$0xB0];
	v25 =	vmul.f32 v25, v10;
	v15 =	vadd.f32 v19, v15;
	v18 =	vadd.f32 v18, v22  }
0x73: {  	v19 =	vshll.u32 v26, $0x10;
	v22 =	vand.u32 $0xFFFF0000, v26;
	v20 =	vadd.f32 v20, v23  }
0x74: {  	v23 =	vshll.u32 v28, $0x10;
	v26 =	vshll.u32 v21, $0x10;
	v19 =	vmul.f32 v19, v8  }
0x75: {  	v34 =	vld [tilespmem:s30+$0xFFFFFF20];
	v21 =	vand.u32 $0xFFFF0000, v21;
	v22 =	vmul.f32 v22, v11;
	v23 =	vmul.f32 v23, v9  }
0x76: {  	v38 =	vshll.u32 v37, $0x10;
	v26 =	vmul.f32 v26, v7;
	v21 =	vmul.f32 v21, v13  }
0x77: {  	v36 =	vld [tilespmem:s30+$0xFFFFFF30];
	v15 =	vadd.f32 v20, v15;
	v27 =	vshll.u32 v24, $0x10;
	v24 =	vand.u32 $0xFFFF0000, v24  }
0x78: {  	v19 =	vadd.f32 v22, v19;
	v27 =	vmul.f32 v27, v6;
	v24 =	vmul.f32 v24, v12  }
0x79: {  	v20 =	vadd.f32 v25, v23;
	v22 =	vperm.xlane v16, v3;
	v25 =	vperm.xlane v18, v3  }
0x7a: {  	v39 =	vand.u32 $0xFFFF0000, v34;
	v21 =	vadd.f32 v21, v26;
	v23 =	vadd.f32 v24, v27  }
0x7b: {  	v16 =	vadd.f32 v16, v22;
	v18 =	vadd.f32 v18, v25;
	v25 =	vld [tilespmem:s30+$0x60];
	v24 =	vperm.xlane v15, v2  }
0x7c: {  	v40 =	vshll.u32 v36, $0x10;
	v19 =	vadd.f32 v20, v19;
	v20 =	vadd.f32 v23, v21  }
0x7d: {  	v21 =	vld [tilespmem:s30+$0x40];
	v22 =	vadd.f32 v15, v24;
	v15 =	vperm.xlane v14, v4;
	v24 =	vperm.xlane v17, v4  }
0x7e: {  	v27 =	vperm.xlane v18, v4;
	v23 =	vld [tilespmem:s30+$0x50];
	v19 =	vadd.f32 v20, v19;
	v20 =	vperm.xlane v16, v4  }
0x7f: {  	v26 =	vperm.xlane v22, v3;
	v14 =	vadd.f32 v14, v15;
	v15 =	vadd.f32 v17, v24  }
0x80: {  	v17 =	vadd.f32 v18, v27;
	v27 =	vshll.u32 v25, $0x10;
	v25 =	vand.u32 $0xFFFF0000, v25  }
0x81: {  	v36 =	vand.u32 $0xFFFF0000, v36;
	v24 =	vld [tilespmem:s30+$0x0];
	v27 =	vmul.f32 v27, v7;
	v25 =	vmul.f32 v25, v13  }
0x82: {  	v28 =	vperm.xlane v19, v2;
	v16 =	vadd.f32 v16, v20;
	v20 =	vld [tilespmem:s30+$0x70];
	v22 =	vadd.f32 v22, v26  }
0x83: {  	v18 =	vshll.u32 v21, $0x10;
	v21 =	vand.u32 $0xFFFF0000, v21;
	v26 =	vshll.u32 v23, $0x10  }
0x84: {  	v23 =	vand.u32 $0xFFFF0000, v23;
	v18 =	vmul.f32 v18, v8;
	v21 =	vmul.f32 v21, v11  }
0x85: {  	v19 =	vadd.f32 v19, v28;
	v26 =	vmul.f32 v26, v9;
	v28 =	vld [tilespmem:s30+$0x10];
	v23 =	vmul.f32 v23, v10  }
0x86: {  	v30 =	vld [tilespmem:s30+$0x20];
	v25 =	vadd.f32 v25, v27;
	v18 =	vadd.f32 v21, v18;
	v21 =	vshll.u32 v24, $0x10  }
0x87: {  	v23 =	vadd.f32 v23, v26;
	v29 =	vshll.u32 v20, $0x10;
	v20 =	vand.u32 $0xFFFF0000, v20  }
0x88: {  	v24 =	vand.u32 $0xFFFF0000, v24;
	v29 =	vmul.f32 v29, v6;
	v20 =	vmul.f32 v20, v12  }
0x89: {  	v26 =	vld [tilespmem:s30+$0x30];
	v21 =	vmul.f32 v21, v8;
	v24 =	vmul.f32 v24, v11;
	v18 =	vadd.f32 v23, v18  }
0x8a: {  	v27 =	vshll.u32 v28, $0x10;
	v28 =	vand.u32 $0xFFFF0000, v28;
	v20 =	vadd.f32 v20, v29  }
0x8b: {  	v23 =	vld [tilespmem:s30+$0xFFFFFFC0];
	v27 =	vmul.f32 v27, v9;
	v28 =	vmul.f32 v28, v10;
	v29 =	vshll.u32 v30, $0x10  }
0x8c: {  	v36 =	vmul.f32 v36, v12;
	v21 =	vadd.f32 v24, v21;
	v29 =	vmul.f32 v29, v7  }
0x8d: {  	v24 =	vld [tilespmem:s30+$0xFFFFFFD0];
	v20 =	vadd.f32 v20, v25;
	v25 =	vand.u32 $0xFFFF0000, v30;
	v27 =	vadd.f32 v28, v27  }
0x8e: {  	v44 =	vld [tilespmem:s30+$0xFFFFFE80];
	v30 =	vshll.u32 v26, $0x10;
	v26 =	vand.u32 $0xFFFF0000, v26;
	v25 =	vmul.f32 v25, v13  }
0x8f: {  	v28 =	vld [tilespmem:s30+$0xFFFFFFE0];
	v30 =	vmul.f32 v30, v6;
	v26 =	vmul.f32 v26, v12;
	v18 =	vadd.f32 v20, v18  }
0x90: {  	v33 =	vld [tilespmem:s30+$0xFFFFFF90];
	v21 =	vadd.f32 v27, v21;
	v27 =	vshll.u32 v23, $0x10;
	v23 =	vand.u32 $0xFFFF0000, v23  }
0x91: {  	v20 =	vld [tilespmem:s30+$0xFFFFFFF0];
	v25 =	vadd.f32 v25, v29;
	v26 =	vadd.f32 v26, v30;
	v27 =	vmul.f32 v27, v8  }
0x92: {  	v31 =	vld [tilespmem:s30+$0xFFFFFF80];
	v23 =	vmul.f32 v23, v11;
	v29 =	vshll.u32 v24, $0x10;
	v24 =	vand.u32 $0xFFFF0000, v24  }
0x93: {  	v48 =	vand.u32 $0xFFFF0000, v44;
	v29 =	vmul.f32 v29, v9;
	v24 =	vmul.f32 v24, v10  }
0x94: {  	v30 =	vshll.u32 v28, $0x10;
	v28 =	vand.u32 $0xFFFF0000, v28;
	v25 =	vadd.f32 v26, v25  }
0x95: {  	v26 =	vld [tilespmem:s30+$0xFFFFFFA0];
	v23 =	vadd.f32 v23, v27;
	v30 =	vmul.f32 v30, v7;
	v28 =	vmul.f32 v28, v13  }
0x96: {  	v24 =	vadd.f32 v24, v29;
	v29 =	vand.u32 $0xFFFF0000, v33;
	v32 =	vshll.u32 v20, $0x10  }
0x97: {  	v20 =	vand.u32 $0xFFFF0000, v20;
	v21 =	vadd.f32 v25, v21;
	v25 =	vand.u32 $0xFFFF0000, v31  }
0x98: {  	v32 =	vmul.f32 v32, v6;
	v20 =	vmul.f32 v20, v12;
	v27 =	vadd.f32 v28, v30;
	v28 =	vld [tilespmem:s30+$0xFFFFFFB0]  }
0x99: {  	v29 =	vmul.f32 v29, v10;
	v23 =	vadd.f32 v24, v23;
	v24 =	vshll.u32 v31, $0x10  }
0x9a: {  	v25 =	vmul.f32 v25, v11;
	v20 =	vadd.f32 v20, v32;
	v30 =	vshll.u32 v26, $0x10  }
0x9b: {  	v24 =	vmul.f32 v24, v8;
	v26 =	vand.u32 $0xFFFF0000, v26;
	v30 =	vmul.f32 v30, v7  }
0x9c: {  	v26 =	vmul.f32 v26, v13;
	v20 =	vadd.f32 v20, v27;
	v27 =	vshll.u32 v33, $0x10  }
0x9d: {  	v27 =	vmul.f32 v27, v9;
	v31 =	vshll.u32 v28, $0x10;
	v28 =	vand.u32 $0xFFFF0000, v28  }
0x9e: {  	v32 =	vand.u32 $0xFFFF0000, v37;
	v31 =	vmul.f32 v31, v6;
	v28 =	vmul.f32 v28, v12  }
0x9f: {  	v20 =	vadd.f32 v20, v23;
	v23 =	vadd.f32 v25, v24;
	v25 =	vperm.xlane v18, v2  }
0xa0: {  	v26 =	vadd.f32 v26, v30;
	v24 =	vadd.f32 v29, v27;
	v29 =	vperm.xlane v21, v2  }
0xa1: {  	v27 =	vadd.f32 v28, v31;
	v28 =	vperm.xlane v20, v2;
	v18 =	vadd.f32 v18, v25  }
0xa2: {  	v25 =	vperm.xlane v19, v3;
	v23 =	vadd.f32 v24, v23;
	v21 =	vadd.f32 v21, v29  }
0xa3: {  	v50 =	vld [tilespmem:s30+$0xFFFFFEB0];
	v32 =	vmul.f32 v32, v11;
	v24 =	vadd.f32 v27, v26;
	v20 =	vadd.f32 v20, v28  }
0xa4: {  	v26 =	vperm.xlane v18, v3;
	v19 =	vadd.f32 v19, v25;
	v28 =	vperm.xlane v21, v3  }
0xa5: {  	v25 =	vld [tilespmem:s30+$0xFFFFFF40];
	v23 =	vadd.f32 v24, v23;
	v24 =	vperm.xlane v22, v4;
	v27 =	vperm.xlane v20, v3  }
0xa6: {  	v33 =	vmul.f32 v38, v8;
	v26 =	vadd.f32 v18, v26;
	v21 =	vadd.f32 v21, v28  }
0xa7: {  	v29 =	vperm.xlane v23, v2;
	v18 =	vadd.f32 v22, v24;
	v22 =	vadd.f32 v20, v27  }
0xa8: {  	v56 =	vshll.u32 v50, $0x10;
	v30 =	vperm.xlane v19, v4;
	v24 =	vld [tilespmem:s30+$0xFFFFFF50];
	v20 =	vperm.xlane v26, v4  }
0xa9: {  	v27 =	vld [tilespmem:s30+$0xFFFFFF60];
	v23 =	vadd.f32 v23, v29;
	v28 =	vperm.xlane v22, v4;
	v29 =	vperm.xlane v21, v4  }
0xaa: {  	v20 =	vadd.f32 v26, v20;
	v26 =	vshll.u32 v25, $0x10;
	v25 =	vand.u32 $0xFFFF0000, v25  }
0xab: {  	v19 =	vadd.f32 v19, v30;
	v30 =	vld [tilespmem:s30+$0xFFFFFF70];
	v26 =	vmul.f32 v26, v8;
	v25 =	vmul.f32 v25, v11  }
0xac: {  	v51 =	vld [tilespmem:s30+$0xFFFFFE00];
	v31 =	vperm.xlane v23, v3;
	v21 =	vadd.f32 v21, v29;
	v22 =	vadd.f32 v22, v28  }
0xad: {  	v37 =	vld [tilespmem:s30+$0xFFFFFEC0];
	v29 =	vshll.u32 v24, $0x10;
	v24 =	vand.u32 $0xFFFF0000, v24;
	v25 =	vadd.f32 v25, v26  }
0xae: {  	v28 =	vld [tilespmem:s30+$0xFFFFFF10];
	v26 =	vshll.u32 v27, $0x10;
	v27 =	vand.u32 $0xFFFF0000, v27;
	v29 =	vmul.f32 v29, v9  }
0xaf: {  	v23 =	vadd.f32 v23, v31;
	v24 =	vmul.f32 v24, v10;
	v26 =	vmul.f32 v26, v7  }
0xb0: {  	v27 =	vmul.f32 v27, v13;
	v31 =	vshll.u32 v30, $0x10;
	v30 =	vand.u32 $0xFFFF0000, v30  }
0xb1: {  	v46 =	vld [tilespmem:s30+$0xFFFFFEA0];
	v57 =	vshll.u32 v51, $0x10;
	v31 =	vmul.f32 v31, v6;
	v30 =	vmul.f32 v30, v12  }
0xb2: {  	v41 =	vand.u32 $0xFFFF0000, v37;
	v24 =	vadd.f32 v24, v29;
	v26 =	vadd.f32 v27, v26  }
0xb3: {  	v29 =	vld [tilespmem:s30+$0xFFFFFED0];
	v35 =	vshll.u32 v28, $0x10;
	v28 =	vand.u32 $0xFFFF0000, v28;
	v27 =	vadd.f32 v30, v31  }
0xb4: {  	v30 =	vadd.f32 v32, v33;
	v35 =	vmul.f32 v35, v9;
	v28 =	vmul.f32 v28, v10  }
0xb5: {  	v31 =	vshll.u32 v34, $0x10;
	v32 =	vmul.f32 v40, v6;
	v33 =	vmul.f32 v41, v11  }
0xb6: {  	v54 =	vld [tilespmem:s30+$0xFFFFFE10];
	v34 =	vand.u32 $0xFFFF0000, v46;
	v24 =	vadd.f32 v24, v25;
	v28 =	vadd.f32 v28, v35  }
0xb7: {  	v31 =	vmul.f32 v31, v7;
	v34 =	vmul.f32 v34, v13;
	v25 =	vadd.f32 v27, v26;
	v27 =	vld [tilespmem:s30+$0xFFFFFEE0]  }
0xb8: {  	v43 =	vshll.u32 v29, $0x10;
	v29 =	vand.u32 $0xFFFF0000, v29;
	v26 =	vadd.f32 v28, v30  }
0xb9: {  	v42 =	vld [tilespmem:s30+$0xFFFFFEF0];
	v28 =	vshll.u32 v37, $0x10;
	v30 =	vmul.f32 v39, v13;
	v35 =	vmul.f32 v43, v9  }
0xba: {  	v29 =	vmul.f32 v29, v10;
	v37 =	vand.u32 $0xFFFF0000, v51;
	v43 =	vmul.f32 v57, v8  }
0xbb: {  	v59 =	vshll.u32 v54, $0x10;
	v28 =	vmul.f32 v28, v8;
	v37 =	vmul.f32 v37, v11  }
0xbc: {  	v38 =	vshll.u32 v27, $0x10;
	v27 =	vand.u32 $0xFFFF0000, v27;
	v29 =	vadd.f32 v29, v35  }
0xbd: {  	v39 =	vld [tilespmem:s30+$0xFFFFFE90];
	v35 =	vmul.f32 v56, v6;
	v33 =	vadd.f32 v33, v28;
	v38 =	vmul.f32 v38, v7  }
0xbe: {  	v45 =	vmul.f32 v27, v13;
	v27 =	vshll.u32 v42, $0x10;
	v28 =	vand.u32 $0xFFFF0000, v42  }
0xbf: {  	v60 =	vand.u32 $0xFFFF0000, v54;
	v40 =	vmul.f32 v27, v6;
	v41 =	vmul.f32 v28, v12  }
0xc0: {  	v28 =	vadd.f32 v30, v31;
	v30 =	vshll.u32 v44, $0x10;
	v27 =	vadd.f32 v29, v33  }
0xc1: {  	v44 =	vmul.f32 v59, v9;
	v29 =	vadd.f32 v36, v32;
	v31 =	vadd.f32 v45, v38  }
0xc2: {  	v42 =	vld [tilespmem:s30+$0xFFFFFE20];
	v49 =	vmul.f32 v30, v8;
	v30 =	vshll.u32 v39, $0x10;
	v33 =	vmul.f32 v48, v11  }
0xc3: {  	v52 =	vand.u32 $0xFFFF0000, v39;
	v36 =	vand.u32 $0xFFFF0000, v50;
	v47 =	vadd.f32 v41, v40  }
0xc4: {  	v58 =	vld [tilespmem:s30+$0xFFFFFE30];
	v53 =	vmul.f32 v30, v9;
	v38 =	vmul.f32 v52, v10;
	v30 =	vshll.u32 v46, $0x10  }
0xc5: {  	v45 =	vmul.f32 v60, v10;
	v55 =	vmul.f32 v30, v7;
	v30 =	vadd.f32 v47, v31  }
0xc6: {  	v36 =	vmul.f32 v36, v12;
	v40 =	vld [tilespmem:s30+$0xFFFFFE40];
	v31 =	vadd.f32 v33, v49;
	v32 =	vadd.f32 v38, v53  }
0xc7: {  	v39 =	vld [tilespmem:s30+$0xFFFFFE50];
	v61 =	vshll.u32 v42, $0x10;
	v62 =	vand.u32 $0xFFFF0000, v42;
	v33 =	vadd.f32 v34, v55  }
0xc8: {  	v38 =	vld [tilespmem:s30+$0xFFFFFE60];
	v63 =	vmul.f32 v61, v7;
	v46 =	vmul.f32 v62, v13;
	v34 =	vadd.f32 v36, v35  }
0xc9: {  	v47 =	vshll.u32 v58, $0x10;
	v35 =	vadd.f32 v37, v43;
	v36 =	vadd.f32 v45, v44  }
0xca: {  	s31 =	simm.s32 $0x0;
	s1 =	sshll.u32 s29, $0x1;
	s4 =	simm.s32 $0x40;
	v42 =	vld [tilespmem:s30+$0xFFFFFE70];
	v43 =	vand.u32 $0xFFFF0000, v58;
	v41 =	vmul.f32 v47, v6;
	v37 =	vadd.f32 v46, v63  }
.LBB2_3:
0xcb: {  	p0 =	sne.s32 s4, $0x3C0;
	v43 =	vmul.f32 v43, v12;
	v44 =	vshll.u32 v40, $0x10;
	v40 =	vand.u32 $0xFFFF0000, v40  }
0xcc: {  	v44 =	vmul.f32 v44, v8;
	v40 =	vmul.f32 v40, v11;
	v45 =	vshll.u32 v39, $0x10  }
0xcd: {  	v39 =	vand.u32 $0xFFFF0000, v39;
	v45 =	vmul.f32 v45, v9;
	v46 =	vshll.u32 v38, $0x10  }
0xce: {  	v39 =	vmul.f32 v39, v10;
	v38 =	vand.u32 $0xFFFF0000, v38;
	v46 =	vmul.f32 v46, v7  }
0xcf: {  	v38 =	vmul.f32 v38, v13;
	v47 =	vshll.u32 v42, $0x10;
	v42 =	vand.u32 $0xFFFF0000, v42  }
0xd0: {  	v41 =	vadd.f32 v43, v41;
	v43 =	vmul.f32 v47, v6;
	v42 =	vmul.f32 v42, v12  }
0xd1: {  	v40 =	vadd.f32 v40, v44;
	v39 =	vadd.f32 v39, v45  }
0xd2: {  	v38 =	vadd.f32 v38, v46;
	v42 =	vadd.f32 v42, v43  }
0xd3: {  	v35 =	vadd.f32 v36, v35;
	v36 =	vadd.f32 v41, v37  }
0xd4: {  	v37 =	vadd.f32 v39, v40;
	v38 =	vadd.f32 v42, v38  }
0xd5: {  	v31 =	vadd.f32 v32, v31;
	v32 =	vadd.f32 v34, v33  }
0xd6: {  	v33 =	vadd.f32 v36, v35;
	v34 =	vadd.f32 v38, v37  }
0xd7: {  	v28 =	vadd.f32 v29, v28;
	v29 =	vperm.xlane v23, v4;
	v31 =	vadd.f32 v32, v31  }
0xd8: {  	v27 =	vadd.f32 v30, v27;
	v32 =	vperm.xlane v33, v2;
	v35 =	vperm.xlane v34, v2  }
0xd9: {  	v24 =	vadd.f32 v25, v24;
	v26 =	vadd.f32 v28, v26;
	v30 =	vperm.xlane v31, v2  }
0xda: {  	v25 =	vadd.f32 v33, v32;
	v32 =	vperm.xlane v27, v2;
	v28 =	vadd.f32 v34, v35  }
0xdb: {  	v30 =	vadd.f32 v31, v30;
	v31 =	vperm.xlane v26, v2;
	v33 =	vperm.xlane v24, v2  }
0xdc: {  	v27 =	vadd.f32 v27, v32;
	v34 =	vperm.xlane v25, v3;
	v35 =	vperm.xlane v28, v3  }
0xdd: {  	v26 =	vadd.f32 v26, v31;
	v32 =	vperm.xlane v30, v3;
	v24 =	vadd.f32 v24, v33  }
0xde: {  	v31 =	vperm.xlane v27, v3;
	v25 =	vadd.f32 v25, v34;
	v28 =	vadd.f32 v28, v35  }
0xdf: {  	v30 =	vadd.f32 v30, v32;
	v32 =	vperm.xlane v26, v3;
	v33 =	vperm.xlane v24, v3  }
0xe0: {  	v27 =	vadd.f32 v27, v31;
	v34 =	vperm.xlane v25, v4;
	v35 =	vperm.xlane v28, v4  }
0xe1: {  	v31 =	vperm.xlane v30, v4;
	v26 =	vadd.f32 v26, v32;
	v24 =	vadd.f32 v24, v33  }
0xe2: {  	v32 =	vperm.xlane v27, v4;
	v25 =	vadd.f32 v25, v34;
	v28 =	vadd.f32 v28, v35  }
0xe3: {  	v30 =	vadd.f32 v30, v31;
	v31 =	vperm.xlane v26, v4;
	v33 =	vperm.xlane v24, v4  }
0xe4: {  	v27 =	vadd.f32 v27, v32;
	v34 =	vperm.xlane v25, v5;
	v35 =	vperm.xlane v28, v5  }
0xe5: {  	v32 =	vperm.xlane v30, v5;
	v26 =	vadd.f32 v26, v31;
	v24 =	vadd.f32 v24, v33  }
0xe6: {  	v31 =	vperm.xlane v27, v5;
	v25 =	vadd.f32 v25, v34;
	v28 =	vadd.f32 v28, v35  }
0xe7: {  	v23 =	vadd.f32 v23, v29;
	v30 =	vadd.f32 v30, v32;
	v32 =	vperm.xlane v26, v5  }
0xe8: {  	v27 =	vadd.f32 v27, v31;
	v25 =	vsel vm1, v25, v28;
	v28 =	vperm.xlane v24, v5  }
0xe9: {  	v29 =	vperm.xlane v23, v5;
	v26 =	vadd.f32 v26, v32;
	v25 =	vsel vm2, v25, v30  }
0xea: {  	v25 =	vsel vm3, v25, v27;
	v24 =	vadd.f32 v24, v28;
	v27 =	vperm.xlane v22, v5  }
0xeb: {  	v23 =	vadd.f32 v23, v29;
	v25 =	vsel vm4, v25, v26;
	v26 =	vperm.xlane v21, v5  }
0xec: {  	v24 =	vsel vm5, v25, v24;
	v22 =	vadd.f32 v22, v27;
	v25 =	vperm.xlane v20, v5  }
0xed: {  	v23 =	vsel vm6, v24, v23;
	v21 =	vadd.f32 v21, v26;
	v24 =	vperm.xlane v19, v5  }
0xee: {  	v22 =	vsel vm7, v23, v22;
	v20 =	vadd.f32 v20, v25;
	v23 =	vperm.xlane v18, v5  }
0xef: {  	v21 =	vsel vm0, v22, v21;
	v19 =	vadd.f32 v19, v24;
	v22 =	vperm.xlane v17, v5  }
0xf0: {  	v20 =	vsel vm8, v21, v20;
	v18 =	vadd.f32 v18, v23;
	v21 =	vperm.xlane v16, v5  }
0xf1: {  	v19 =	vsel vm9, v20, v19;
	v17 =	vadd.f32 v17, v22;
	v20 =	vperm.xlane v15, v5  }
0xf2: {  	v18 =	vsel vm10, v19, v18;
	v16 =	vadd.f32 v16, v21;
	v19 =	vperm.xlane v14, v5  }
0xf3: {  	v17 =	vsel vm11, v18, v17;
	v15 =	vadd.f32 v15, v20  }
0xf4: {  	v16 =	vsel vm12, v17, v16;
	v14 =	vadd.f32 v14, v19  }
0xf5: {  	v15 =	vsel vm13, v16, v15  }
0xf6: {  	s0 =	sshra.s32 s31, $0x2;
	s31 =	smov.u32 s4;
	v14 =	vsel vm14, v15, v14  }
0xf7: {  	s30 =	sadd.s32 $0x400, s30;
	[tilespmem:s0+$0x14080] =	vst v14  }
0xf8: {  	v14 =	vld [tilespmem:s30+$0x1C0];
	_ =	sdelay $0x1  }
0xf9: {  	v15 =	vld [tilespmem:s30+$0x1D0];
	_ =	sdelay $0x1  }
0xfa: {  	v16 =	vld [tilespmem:s30+$0x1E0]  }
0xfb: {  	v17 =	vshll.u32 v14, $0x10  }
0xfc: {  	v14 =	vand.u32 $0xFFFF0000, v14;
	v17 =	vmul.f32 v17, v8;
	v18 =	vld [tilespmem:s30+$0x1F0]  }
0xfd: {  	v14 =	vmul.f32 v14, v11;
	v19 =	vshll.u32 v15, $0x10;
	v15 =	vand.u32 $0xFFFF0000, v15  }
0xfe: {  	v19 =	vmul.f32 v19, v9;
	v15 =	vmul.f32 v15, v10  }
0xff: {  	v14 =	vadd.f32 v14, v17;
	v20 =	vld [tilespmem:s30+$0x180];
	v21 =	vshll.u32 v16, $0x10  }
0x100: {  	v16 =	vand.u32 $0xFFFF0000, v16;
	v17 =	vld [tilespmem:s30+$0x190];
	v21 =	vmul.f32 v21, v7;
	v15 =	vadd.f32 v15, v19  }
0x101: {  	v16 =	vmul.f32 v16, v13;
	v19 =	vld [tilespmem:s30+$0x1A0];
	v22 =	vshll.u32 v18, $0x10;
	v18 =	vand.u32 $0xFFFF0000, v18  }
0x102: {  	v22 =	vmul.f32 v22, v6;
	v18 =	vmul.f32 v18, v12  }
0x103: {  	v16 =	vadd.f32 v16, v21;
	v14 =	vadd.f32 v15, v14;
	v23 =	vld [tilespmem:s30+$0x1B0]  }
0x104: {  	v15 =	vshll.u32 v20, $0x10;
	v20 =	vand.u32 $0xFFFF0000, v20;
	v18 =	vadd.f32 v18, v22  }
0x105: {  	v15 =	vmul.f32 v15, v8;
	v20 =	vmul.f32 v20, v11;
	v21 =	vshll.u32 v17, $0x10  }
0x106: {  	v17 =	vand.u32 $0xFFFF0000, v17;
	v21 =	vmul.f32 v21, v9;
	v22 =	vshll.u32 v19, $0x10  }
0x107: {  	v17 =	vmul.f32 v17, v10;
	v19 =	vand.u32 $0xFFFF0000, v19;
	v22 =	vmul.f32 v22, v7  }
0x108: {  	v19 =	vmul.f32 v19, v13;
	v24 =	vshll.u32 v23, $0x10;
	v23 =	vand.u32 $0xFFFF0000, v23  }
0x109: {  	v16 =	vadd.f32 v18, v16;
	v25 =	vld [tilespmem:s30+$0x140];
	v24 =	vmul.f32 v24, v6;
	v23 =	vmul.f32 v23, v12  }
0x10a: {  	v15 =	vadd.f32 v20, v15;
	v17 =	vadd.f32 v17, v21  }
0x10b: {  	v19 =	vadd.f32 v19, v22;
	v18 =	vld [tilespmem:s30+$0x150];
	v20 =	vadd.f32 v23, v24  }
0x10c: {  	v14 =	vadd.f32 v16, v14  }
0x10d: {  	v15 =	vadd.f32 v17, v15;
	v16 =	vld [tilespmem:s30+$0x160];
	v17 =	vadd.f32 v20, v19  }
0x10e: {  	v20 =	vperm.xlane v14, v2;
	v19 =	vshll.u32 v25, $0x10  }
0x10f: {  	v21 =	vand.u32 $0xFFFF0000, v25;
	v19 =	vmul.f32 v19, v8;
	v22 =	vld [tilespmem:s30+$0x170];
	v15 =	vadd.f32 v17, v15  }
0x110: {  	v17 =	vmul.f32 v21, v11;
	v21 =	vshll.u32 v18, $0x10;
	v18 =	vand.u32 $0xFFFF0000, v18  }
0x111: {  	v14 =	vadd.f32 v14, v20;
	v21 =	vmul.f32 v21, v9;
	v18 =	vmul.f32 v18, v10  }
0x112: {  	v17 =	vadd.f32 v17, v19;
	v19 =	vperm.xlane v15, v2;
	v20 =	vld [tilespmem:s30+$0x100];
	v23 =	vshll.u32 v16, $0x10  }
0x113: {  	v16 =	vand.u32 $0xFFFF0000, v16;
	v24 =	vld [tilespmem:s30+$0x110];
	v23 =	vmul.f32 v23, v7;
	v18 =	vadd.f32 v18, v21  }
0x114: {  	v16 =	vmul.f32 v16, v13;
	v21 =	vld [tilespmem:s30+$0x120];
	v25 =	vshll.u32 v22, $0x10;
	v22 =	vand.u32 $0xFFFF0000, v22  }
0x115: {  	v15 =	vadd.f32 v15, v19;
	v25 =	vmul.f32 v25, v6;
	v22 =	vmul.f32 v22, v12  }
0x116: {  	v16 =	vadd.f32 v16, v23;
	v17 =	vadd.f32 v18, v17;
	v19 =	vld [tilespmem:s30+$0x130]  }
0x117: {  	v18 =	vshll.u32 v20, $0x10;
	v20 =	vand.u32 $0xFFFF0000, v20;
	v22 =	vadd.f32 v22, v25  }
0x118: {  	v18 =	vmul.f32 v18, v8;
	v20 =	vmul.f32 v20, v11;
	v23 =	vshll.u32 v24, $0x10  }
0x119: {  	v24 =	vand.u32 $0xFFFF0000, v24;
	v23 =	vmul.f32 v23, v9;
	v25 =	vshll.u32 v21, $0x10  }
0x11a: {  	v24 =	vmul.f32 v24, v10;
	v21 =	vand.u32 $0xFFFF0000, v21;
	v25 =	vmul.f32 v25, v7  }
0x11b: {  	v21 =	vmul.f32 v21, v13;
	v26 =	vshll.u32 v19, $0x10;
	v19 =	vand.u32 $0xFFFF0000, v19  }
0x11c: {  	v16 =	vadd.f32 v22, v16;
	v26 =	vmul.f32 v26, v6;
	v19 =	vmul.f32 v19, v12  }
0x11d: {  	v18 =	vadd.f32 v20, v18;
	v20 =	vadd.f32 v24, v23;
	v22 =	vld [tilespmem:s30+$0xC0]  }
0x11e: {  	v21 =	vadd.f32 v21, v25;
	v23 =	vld [tilespmem:s30+$0xD0];
	v19 =	vadd.f32 v19, v26  }
0x11f: {  	v16 =	vadd.f32 v16, v17;
	v17 =	vperm.xlane v15, v3;
	v25 =	vperm.xlane v14, v3;
	v24 =	vld [tilespmem:s30+$0xE0]  }
0x120: {  	v18 =	vadd.f32 v20, v18;
	v19 =	vadd.f32 v19, v21  }
0x121: {  	v15 =	vadd.f32 v15, v17;
	v14 =	vadd.f32 v14, v25;
	v21 =	vperm.xlane v16, v2;
	v20 =	vld [tilespmem:s30+$0xF0]  }
0x122: {  	v17 =	vshll.u32 v22, $0x10;
	v22 =	vand.u32 $0xFFFF0000, v22;
	v18 =	vadd.f32 v19, v18  }
0x123: {  	v17 =	vmul.f32 v17, v8;
	v19 =	vmul.f32 v22, v11;
	v22 =	vshll.u32 v23, $0x10  }
0x124: {  	v23 =	vand.u32 $0xFFFF0000, v23;
	v22 =	vmul.f32 v22, v9;
	v25 =	vshll.u32 v24, $0x10  }
0x125: {  	v23 =	vmul.f32 v23, v10;
	v24 =	vand.u32 $0xFFFF0000, v24;
	v25 =	vmul.f32 v25, v7  }
0x126: {  	v24 =	vmul.f32 v24, v13;
	v26 =	vld [tilespmem:s30+$0x80];
	v27 =	vshll.u32 v20, $0x10;
	v20 =	vand.u32 $0xFFFF0000, v20  }
0x127: {  	v16 =	vadd.f32 v16, v21;
	v28 =	vld [tilespmem:s30+$0x90];
	v27 =	vmul.f32 v27, v6;
	v20 =	vmul.f32 v20, v12  }
0x128: {  	v17 =	vadd.f32 v19, v17;
	v19 =	vadd.f32 v23, v22;
	v22 =	vperm.xlane v18, v2;
	v21 =	vld [tilespmem:s30+$0xA0]  }
0x129: {  	v23 =	vadd.f32 v24, v25;
	v20 =	vadd.f32 v20, v27  }
0x12a: {  	v17 =	vadd.f32 v19, v17;
	v18 =	vadd.f32 v18, v22;
	v24 =	vld [tilespmem:s30+$0xB0]  }
0x12b: {  	v19 =	vshll.u32 v26, $0x10;
	v22 =	vand.u32 $0xFFFF0000, v26;
	v20 =	vadd.f32 v20, v23  }
0x12c: {  	v19 =	vmul.f32 v19, v8;
	v22 =	vmul.f32 v22, v11;
	v23 =	vshll.u32 v28, $0x10  }
0x12d: {  	v25 =	vand.u32 $0xFFFF0000, v28;
	v23 =	vmul.f32 v23, v9;
	v26 =	vshll.u32 v21, $0x10  }
0x12e: {  	v25 =	vmul.f32 v25, v10;
	v21 =	vand.u32 $0xFFFF0000, v21;
	v26 =	vmul.f32 v26, v7  }
0x12f: {  	v21 =	vmul.f32 v21, v13;
	v27 =	vshll.u32 v24, $0x10;
	v24 =	vand.u32 $0xFFFF0000, v24  }
0x130: {  	v17 =	vadd.f32 v20, v17;
	v27 =	vmul.f32 v27, v6;
	v24 =	vmul.f32 v24, v12  }
0x131: {  	v19 =	vadd.f32 v22, v19;
	v22 =	vperm.xlane v16, v3;
	v20 =	vadd.f32 v25, v23  }
0x132: {  	v21 =	vadd.f32 v21, v26;
	v23 =	vadd.f32 v24, v27  }
0x133: {  	v25 =	vperm.xlane v18, v3;
	v16 =	vadd.f32 v16, v22;
	v24 =	vperm.xlane v17, v2  }
0x134: {  	v19 =	vadd.f32 v20, v19;
	v20 =	vadd.f32 v23, v21  }
0x135: {  	v22 =	vadd.f32 v18, v25;
	v18 =	vperm.xlane v14, v4;
	v17 =	vadd.f32 v17, v24;
	v21 =	vld [tilespmem:s30+$0x40]  }
0x136: {  	v24 =	vperm.xlane v15, v4;
	v23 =	vld [tilespmem:s30+$0x50];
	v19 =	vadd.f32 v20, v19;
	v20 =	vperm.xlane v16, v4  }
0x137: {  	v27 =	vperm.xlane v22, v4;
	v14 =	vadd.f32 v14, v18;
	v26 =	vperm.xlane v17, v3;
	v25 =	vld [tilespmem:s30+$0x60]  }
0x138: {  	v15 =	vadd.f32 v15, v24;
	v28 =	vperm.xlane v19, v2;
	v16 =	vadd.f32 v16, v20  }
0x139: {  	v18 =	vadd.f32 v17, v26;
	v17 =	vadd.f32 v22, v27;
	v20 =	vld [tilespmem:s30+$0x70]  }
0x13a: {  	v22 =	vshll.u32 v21, $0x10;
	v21 =	vand.u32 $0xFFFF0000, v21;
	v19 =	vadd.f32 v19, v28  }
0x13b: {  	v24 =	vld [tilespmem:s30+$0x0];
	v22 =	vmul.f32 v22, v8;
	v21 =	vmul.f32 v21, v11;
	v26 =	vshll.u32 v23, $0x10  }
0x13c: {  	v23 =	vand.u32 $0xFFFF0000, v23;
	v26 =	vmul.f32 v26, v9;
	v27 =	vshll.u32 v25, $0x10  }
0x13d: {  	v23 =	vmul.f32 v23, v10;
	v25 =	vand.u32 $0xFFFF0000, v25;
	v28 =	vld [tilespmem:s30+$0x10];
	v27 =	vmul.f32 v27, v7  }
0x13e: {  	v25 =	vmul.f32 v25, v13;
	v29 =	vshll.u32 v20, $0x10;
	v20 =	vand.u32 $0xFFFF0000, v20  }
0x13f: {  	v21 =	vadd.f32 v21, v22;
	v30 =	vld [tilespmem:s30+$0x20];
	v29 =	vmul.f32 v29, v6;
	v20 =	vmul.f32 v20, v12  }
0x140: {  	v23 =	vadd.f32 v23, v26;
	v25 =	vadd.f32 v25, v27;
	v22 =	vshll.u32 v24, $0x10  }
0x141: {  	v24 =	vand.u32 $0xFFFF0000, v24;
	v22 =	vmul.f32 v22, v8;
	v26 =	vld [tilespmem:s30+$0x30];
	v20 =	vadd.f32 v20, v29  }
0x142: {  	v24 =	vmul.f32 v24, v11;
	v27 =	vshll.u32 v28, $0x10;
	v28 =	vand.u32 $0xFFFF0000, v28  }
0x143: {  	v21 =	vadd.f32 v23, v21;
	v27 =	vmul.f32 v27, v9;
	v28 =	vmul.f32 v28, v10  }
0x144: {  	v22 =	vadd.f32 v24, v22;
	v20 =	vadd.f32 v20, v25;
	v23 =	vld [tilespmem:s30+$0xFFFFFFC0];
	v29 =	vshll.u32 v30, $0x10  }
0x145: {  	v25 =	vand.u32 $0xFFFF0000, v30;
	v24 =	vld [tilespmem:s30+$0xFFFFFFD0];
	v29 =	vmul.f32 v29, v7;
	v27 =	vadd.f32 v28, v27  }
0x146: {  	v25 =	vmul.f32 v25, v13;
	v28 =	vld [tilespmem:s30+$0xFFFFFFE0];
	v30 =	vshll.u32 v26, $0x10;
	v26 =	vand.u32 $0xFFFF0000, v26  }
0x147: {  	v20 =	vadd.f32 v20, v21;
	v30 =	vmul.f32 v30, v6;
	v26 =	vmul.f32 v26, v12  }
0x148: {  	v25 =	vadd.f32 v25, v29;
	v22 =	vadd.f32 v27, v22;
	v21 =	vld [tilespmem:s30+$0xFFFFFFF0]  }
0x149: {  	v27 =	vshll.u32 v23, $0x10;
	v23 =	vand.u32 $0xFFFF0000, v23;
	v26 =	vadd.f32 v26, v30  }
0x14a: {  	v27 =	vmul.f32 v27, v8;
	v23 =	vmul.f32 v23, v11;
	v29 =	vshll.u32 v24, $0x10  }
0x14b: {  	v24 =	vand.u32 $0xFFFF0000, v24;
	v29 =	vmul.f32 v29, v9;
	v30 =	vshll.u32 v28, $0x10  }
0x14c: {  	v24 =	vmul.f32 v24, v10;
	v28 =	vand.u32 $0xFFFF0000, v28;
	v30 =	vmul.f32 v30, v7  }
0x14d: {  	v28 =	vmul.f32 v28, v13;
	v31 =	vld [tilespmem:s30+$0xFFFFFF80];
	v32 =	vshll.u32 v21, $0x10;
	v21 =	vand.u32 $0xFFFF0000, v21  }
0x14e: {  	v25 =	vadd.f32 v26, v25;
	v33 =	vld [tilespmem:s30+$0xFFFFFF90];
	v32 =	vmul.f32 v32, v6;
	v21 =	vmul.f32 v21, v12  }
0x14f: {  	v23 =	vadd.f32 v23, v27;
	v24 =	vadd.f32 v24, v29;
	v26 =	vld [tilespmem:s30+$0xFFFFFFA0]  }
0x150: {  	v27 =	vadd.f32 v28, v30;
	v21 =	vadd.f32 v21, v32  }
0x151: {  	v22 =	vadd.f32 v25, v22;
	v23 =	vadd.f32 v24, v23;
	v28 =	vld [tilespmem:s30+$0xFFFFFFB0]  }
0x152: {  	v24 =	vshll.u32 v31, $0x10;
	v25 =	vand.u32 $0xFFFF0000, v31;
	v21 =	vadd.f32 v21, v27  }
0x153: {  	v24 =	vmul.f32 v24, v8;
	v25 =	vmul.f32 v25, v11;
	v27 =	vshll.u32 v33, $0x10  }
0x154: {  	v29 =	vand.u32 $0xFFFF0000, v33;
	v27 =	vmul.f32 v27, v9;
	v30 =	vshll.u32 v26, $0x10  }
0x155: {  	v29 =	vmul.f32 v29, v10;
	v26 =	vand.u32 $0xFFFF0000, v26;
	v30 =	vmul.f32 v30, v7  }
0x156: {  	v26 =	vmul.f32 v26, v13;
	v31 =	vshll.u32 v28, $0x10;
	v28 =	vand.u32 $0xFFFF0000, v28  }
0x157: {  	v21 =	vadd.f32 v21, v23;
	v31 =	vmul.f32 v31, v6;
	v28 =	vmul.f32 v28, v12  }
0x158: {  	v23 =	vadd.f32 v25, v24;
	v25 =	vperm.xlane v20, v2;
	v24 =	vadd.f32 v29, v27  }
0x159: {  	v26 =	vadd.f32 v26, v30;
	v27 =	vadd.f32 v28, v31  }
0x15a: {  	v29 =	vperm.xlane v22, v2;
	v20 =	vadd.f32 v20, v25;
	v28 =	vperm.xlane v21, v2  }
0x15b: {  	v25 =	vperm.xlane v19, v3;
	v23 =	vadd.f32 v24, v23;
	v24 =	vadd.f32 v27, v26  }
0x15c: {  	v22 =	vadd.f32 v22, v29;
	v21 =	vadd.f32 v21, v28;
	v26 =	vperm.xlane v20, v3  }
0x15d: {  	v19 =	vadd.f32 v19, v25;
	v23 =	vadd.f32 v24, v23;
	v24 =	vperm.xlane v18, v4  }
0x15e: {  	v28 =	vperm.xlane v22, v3;
	v27 =	vperm.xlane v21, v3;
	v20 =	vadd.f32 v20, v26;
	v25 =	vld [tilespmem:s30+$0xFFFFFF40]  }
0x15f: {  	v29 =	vperm.xlane v19, v4;
	v26 =	vperm.xlane v23, v2;
	v18 =	vadd.f32 v18, v24  }
0x160: {  	v27 =	vadd.f32 v21, v27;
	v21 =	vadd.f32 v22, v28;
	v22 =	vperm.xlane v20, v4;
	v24 =	vld [tilespmem:s30+$0xFFFFFF50]  }
0x161: {  	v19 =	vadd.f32 v19, v29;
	v23 =	vadd.f32 v23, v26  }
0x162: {  	v28 =	vperm.xlane v27, v4;
	v29 =	vperm.xlane v21, v4;
	v20 =	vadd.f32 v20, v22;
	v26 =	vld [tilespmem:s30+$0xFFFFFF60]  }
0x163: {  	v22 =	vshll.u32 v25, $0x10;
	v25 =	vand.u32 $0xFFFF0000, v25;
	v30 =	vld [tilespmem:s30+$0xFFFFFF70];
	v31 =	vperm.xlane v23, v3  }
0x164: {  	v21 =	vadd.f32 v21, v29;
	v32 =	vld [tilespmem:s30+$0xFFFFFF00];
	v33 =	vmul.f32 v22, v8;
	v25 =	vmul.f32 v25, v11  }
0x165: {  	v22 =	vadd.f32 v27, v28;
	v29 =	vshll.u32 v24, $0x10;
	v23 =	vadd.f32 v23, v31  }
0x166: {  	v24 =	vand.u32 $0xFFFF0000, v24;
	v27 =	vld [tilespmem:s30+$0xFFFFFF10];
	v28 =	vmul.f32 v29, v9;
	v25 =	vadd.f32 v25, v33  }
0x167: {  	v24 =	vmul.f32 v24, v10;
	v29 =	vshll.u32 v26, $0x10;
	v26 =	vand.u32 $0xFFFF0000, v26  }
0x168: {  	v29 =	vmul.f32 v29, v7;
	v26 =	vmul.f32 v26, v13;
	v31 =	vshll.u32 v30, $0x10  }
0x169: {  	v30 =	vand.u32 $0xFFFF0000, v30;
	v33 =	vshll.u32 v32, $0x10;
	v31 =	vmul.f32 v31, v6  }
0x16a: {  	v32 =	vand.u32 $0xFFFF0000, v32;
	v30 =	vmul.f32 v30, v12;
	v33 =	vmul.f32 v33, v8;
	v34 =	vld [tilespmem:s30+$0xFFFFFF20]  }
0x16b: {  	v32 =	vmul.f32 v32, v11;
	v35 =	vshll.u32 v27, $0x10;
	v27 =	vand.u32 $0xFFFF0000, v27;
	v36 =	vld [tilespmem:s30+$0xFFFFFF30]  }
0x16c: {  	v24 =	vadd.f32 v24, v28;
	v37 =	vld [tilespmem:s30+$0xFFFFFEC0];
	v35 =	vmul.f32 v35, v9;
	v27 =	vmul.f32 v27, v10  }
0x16d: {  	v26 =	vadd.f32 v26, v29;
	v28 =	vadd.f32 v30, v31  }
0x16e: {  	v30 =	vadd.f32 v32, v33;
	v29 =	vld [tilespmem:s30+$0xFFFFFED0];
	v27 =	vadd.f32 v27, v35  }
0x16f: {  	v24 =	vadd.f32 v24, v25;
	v25 =	vadd.f32 v28, v26;
	v31 =	vshll.u32 v34, $0x10  }
0x170: {  	v32 =	vand.u32 $0xFFFF0000, v34;
	v28 =	vld [tilespmem:s30+$0xFFFFFEE0];
	v31 =	vmul.f32 v31, v7;
	v26 =	vadd.f32 v27, v30  }
0x171: {  	v30 =	vmul.f32 v32, v13;
	v32 =	vshll.u32 v36, $0x10;
	v27 =	vshll.u32 v37, $0x10  }
0x172: {  	v33 =	vand.u32 $0xFFFF0000, v37;
	v32 =	vmul.f32 v32, v6;
	v27 =	vmul.f32 v27, v8;
	v34 =	vld [tilespmem:s30+$0xFFFFFEF0]  }
0x173: {  	v33 =	vmul.f32 v33, v11;
	v35 =	vshll.u32 v29, $0x10;
	v29 =	vand.u32 $0xFFFF0000, v29  }
0x174: {  	v36 =	vand.u32 $0xFFFF0000, v36;
	v35 =	vmul.f32 v35, v9;
	v29 =	vmul.f32 v29, v10  }
0x175: {  	v27 =	vadd.f32 v33, v27;
	v33 =	vmul.f32 v36, v12;
	v37 =	vld [tilespmem:s30+$0xFFFFFE80];
	v38 =	vshll.u32 v28, $0x10  }
0x176: {  	v28 =	vand.u32 $0xFFFF0000, v28;
	v36 =	vld [tilespmem:s30+$0xFFFFFE90];
	v38 =	vmul.f32 v38, v7;
	v29 =	vadd.f32 v29, v35  }
0x177: {  	v35 =	vmul.f32 v28, v13;
	v28 =	vshll.u32 v34, $0x10;
	v34 =	vand.u32 $0xFFFF0000, v34  }
0x178: {  	v39 =	vld [tilespmem:s30+$0xFFFFFEA0];
	v40 =	vmul.f32 v28, v6;
	v34 =	vmul.f32 v34, v12;
	v28 =	vadd.f32 v30, v31  }
0x179: {  	v27 =	vadd.f32 v29, v27;
	v29 =	vadd.f32 v33, v32  }
0x17a: {  	v31 =	vadd.f32 v35, v38;
	v30 =	vshll.u32 v37, $0x10;
	v32 =	vadd.f32 v34, v40  }
0x17b: {  	v33 =	vand.u32 $0xFFFF0000, v37;
	v34 =	vmul.f32 v30, v8;
	v30 =	vshll.u32 v36, $0x10;
	v35 =	vld [tilespmem:s30+$0xFFFFFEB0]  }
0x17c: {  	v33 =	vmul.f32 v33, v11;
	v36 =	vand.u32 $0xFFFF0000, v36;
	v37 =	vld [tilespmem:s30+$0xFFFFFE00];
	v38 =	vmul.f32 v30, v9  }
0x17d: {  	v36 =	vmul.f32 v36, v10;
	v40 =	vld [tilespmem:s30+$0xFFFFFE10];
	v30 =	vshll.u32 v39, $0x10;
	v39 =	vand.u32 $0xFFFF0000, v39  }
0x17e: {  	v41 =	vmul.f32 v30, v7;
	v39 =	vmul.f32 v39, v13;
	v30 =	vadd.f32 v32, v31  }
0x17f: {  	v31 =	vadd.f32 v33, v34;
	v32 =	vadd.f32 v36, v38;
	v42 =	vld [tilespmem:s30+$0xFFFFFE20]  }
0x180: {  	v34 =	vshll.u32 v35, $0x10;
	v35 =	vand.u32 $0xFFFF0000, v35;
	v33 =	vadd.f32 v39, v41  }
0x181: {  	v36 =	vshll.u32 v37, $0x10;
	v41 =	vld [tilespmem:s30+$0xFFFFFE30];
	v34 =	vmul.f32 v34, v6;
	v35 =	vmul.f32 v35, v12  }
0x182: {  	v37 =	vand.u32 $0xFFFF0000, v37;
	v36 =	vmul.f32 v36, v8;
	v38 =	vshll.u32 v40, $0x10  }
.Ltmp2:
0x183: {  	v37 =	vmul.f32 v37, v11;
	v39 =	vand.u32 $0xFFFF0000, v40;
	v43 =	vmul.f32 v38, v9;
	v40 =	vld [tilespmem:s30+$0xFFFFFE40];
	(pc) =	sbr.rel @p0 .LBB2_3-.Ltmp2, $4  }
0x184: {  	v44 =	vmul.f32 v39, v10;
	v38 =	vshll.u32 v42, $0x10;
	v42 =	vand.u32 $0xFFFF0000, v42;
	v39 =	vld [tilespmem:s30+$0xFFFFFE50]  }
0x185: {  	v34 =	vadd.f32 v35, v34;
	v45 =	vmul.f32 v38, v7;
	v42 =	vmul.f32 v42, v13;
	v38 =	vld [tilespmem:s30+$0xFFFFFE60]  }
0x186: {  	v35 =	vadd.f32 v37, v36;
	v36 =	vadd.f32 v44, v43;
	v46 =	vshll.u32 v41, $0x10  }
0x187: {  	s4 =	sadd.s32 $0x40, s4;
	v43 =	vand.u32 $0xFFFF0000, v41;
	v41 =	vmul.f32 v46, v6;
	v37 =	vadd.f32 v42, v45;
	v42 =	vld [tilespmem:s30+$0xFFFFFE70]  }
0x188: {  	v44 =	vshll.u32 v40, $0x10  }
0x189: {  	v43 =	vmul.f32 v43, v12;
	v56 =	vand.u32 $0xFFFF0000, v40;
	v8 =	vmul.f32 v44, v8  }
0x18a: {  	v11 =	vmul.f32 v56, v11;
	v57 =	vshll.u32 v39, $0x10;
	v58 =	vand.u32 $0xFFFF0000, v39  }
0x18b: {  	v9 =	vmul.f32 v57, v9;
	v59 =	vshll.u32 v38, $0x10;
	v10 =	vmul.f32 v58, v10  }
0x18c: {  	v60 =	vand.u32 $0xFFFF0000, v38;
	v63 =	vadd.f32 v43, v41;
	v7 =	vmul.f32 v59, v7  }
0x18d: {  	v13 =	vmul.f32 v60, v13;
	v61 =	vshll.u32 v42, $0x10;
	v62 =	vand.u32 $0xFFFF0000, v42  }
0x18e: {  	v8 =	vadd.f32 v11, v8;
	v6 =	vmul.f32 v61, v6;
	v12 =	vmul.f32 v62, v12  }
0x18f: {  	v9 =	vadd.f32 v10, v9;
	v10 =	vadd.f32 v36, v35  }
0x190: {  	v7 =	vadd.f32 v13, v7;
	v6 =	vadd.f32 v12, v6  }
0x191: {  	v11 =	vadd.f32 v63, v37;
	v8 =	vadd.f32 v9, v8  }
0x192: {  	v9 =	vadd.f32 v34, v33;
	v6 =	vadd.f32 v6, v7  }
0x193: {  	v10 =	vadd.f32 v11, v10;
	v7 =	vadd.f32 v32, v31  }
0x194: {  	v6 =	vadd.f32 v6, v8  }
0x195: {  	v11 =	vperm.xlane v10, v2;
	v7 =	vadd.f32 v9, v7;
	v8 =	vadd.f32 v29, v28  }
0x196: {  	v24 =	vadd.f32 v25, v24;
	v13 =	vadd.f32 v30, v27;
	v12 =	vperm.xlane v6, v2  }
0x197: {  	v10 =	vadd.f32 v10, v11;
	v27 =	vperm.xlane v7, v2;
	v8 =	vadd.f32 v8, v26  }
0x198: {  	v25 =	vperm.xlane v24, v2;
	v11 =	vperm.xlane v13, v2;
	v6 =	vadd.f32 v6, v12  }
0x199: {  	v26 =	vperm.xlane v10, v3;
	v7 =	vadd.f32 v7, v27;
	v12 =	vperm.xlane v8, v2  }
0x19a: {  	v9 =	vperm.xlane v23, v4;
	v11 =	vadd.f32 v13, v11;
	v27 =	vperm.xlane v6, v3  }
0x19b: {  	v10 =	vadd.f32 v10, v26;
	v13 =	vperm.xlane v7, v3;
	v8 =	vadd.f32 v8, v12  }
0x19c: {  	v12 =	vadd.f32 v24, v25;
	v24 =	vperm.xlane v11, v3;
	v6 =	vadd.f32 v6, v27  }
0x19d: {  	v26 =	vperm.xlane v10, v4;
	v7 =	vadd.f32 v7, v13;
	v13 =	vperm.xlane v8, v3  }
0x19e: {  	v25 =	vperm.xlane v12, v3;
	v11 =	vadd.f32 v11, v24;
	v27 =	vperm.xlane v6, v4  }
0x19f: {  	v10 =	vadd.f32 v10, v26;
	v24 =	vperm.xlane v7, v4;
	v8 =	vadd.f32 v8, v13  }
0x1a0: {  	v12 =	vadd.f32 v12, v25;
	v13 =	vperm.xlane v11, v4;
	v6 =	vadd.f32 v6, v27  }
0x1a1: {  	v26 =	vperm.xlane v10, v5;
	v7 =	vadd.f32 v7, v24;
	v24 =	vperm.xlane v8, v4  }
0x1a2: {  	v25 =	vperm.xlane v12, v4;
	v11 =	vadd.f32 v11, v13;
	v27 =	vperm.xlane v6, v5  }
0x1a3: {  	v10 =	vadd.f32 v10, v26;
	v13 =	vperm.xlane v7, v5;
	v8 =	vadd.f32 v8, v24  }
0x1a4: {  	v12 =	vadd.f32 v12, v25;
	v24 =	vperm.xlane v11, v5;
	v6 =	vadd.f32 v6, v27  }
0x1a5: {  	v9 =	vadd.f32 v23, v9;
	v7 =	vadd.f32 v7, v13;
	v13 =	vperm.xlane v8, v5  }
0x1a6: {  	v6 =	vsel vm1, v10, v6;
	v10 =	vadd.f32 v11, v24;
	v11 =	vperm.xlane v12, v5  }
0x1a7: {  	v6 =	vsel vm2, v6, v7;
	v7 =	vadd.f32 v8, v13;
	v8 =	vperm.xlane v9, v5  }
0x1a8: {  	v6 =	vsel vm3, v6, v10;
	v10 =	vadd.f32 v12, v11;
	v11 =	vperm.xlane v22, v5  }
0x1a9: {  	v6 =	vsel vm4, v6, v7;
	v7 =	vadd.f32 v9, v8;
	v8 =	vperm.xlane v21, v5  }
0x1aa: {  	v6 =	vsel vm5, v6, v10;
	v9 =	vadd.f32 v22, v11;
	v10 =	vperm.xlane v20, v5  }
0x1ab: {  	v6 =	vsel vm6, v6, v7;
	v7 =	vadd.f32 v21, v8;
	v8 =	vperm.xlane v19, v5  }
0x1ac: {  	v6 =	vsel vm7, v6, v9;
	v9 =	vadd.f32 v20, v10;
	v10 =	vperm.xlane v18, v5  }
0x1ad: {  	v6 =	vsel vm0, v6, v7;
	v7 =	vadd.f32 v19, v8;
	v8 =	vperm.xlane v17, v5  }
0x1ae: {  	v6 =	vsel vm8, v6, v9;
	v9 =	vadd.f32 v18, v10;
	v10 =	vperm.xlane v16, v5  }
0x1af: {  	v6 =	vsel vm9, v6, v7;
	v7 =	vadd.f32 v17, v8;
	v8 =	vperm.xlane v15, v5  }
0x1b0: {  	v6 =	vsel vm10, v6, v9;
	v9 =	vadd.f32 v16, v10;
	v10 =	vperm.xlane v14, v5  }
0x1b1: {  	v6 =	vsel vm11, v6, v7;
	v7 =	vadd.f32 v15, v8  }
0x1b2: {  	v6 =	vsel vm12, v6, v9;
	v8 =	vadd.f32 v14, v10  }
0x1b3: {  	s0 =	sadd.s32 s6, s1;
	v6 =	vsel vm13, v6, v7  }
0x1b4: {  	s4 =	sshra.s32 s31, $0x2;
	s0 =	sshll.u32 s0, $0x5;
	v6 =	vsel vm14, v6, v8  }
0x1b5: {  	p0 =	seq.s32 s29, $0x3F;
	s0 =	sadd.s32 s2, s0;
	[tilespmem:s4+$0x14080] =	vst v6  }
0x1b6: {  	[hbm4b:s0+s3] =	stream.linear.scatter [tilespmem:s22], [sflag:$0x4], $0x100, $0x38;
	[tilespmem:$0x14280] =	vst v63  }
0x1b7: {  	s0 =	sshll.u32 @!p0 s29, $0x9  }
0x1b8: {  	s0 =	sand.u32 @!p0 $0x3FFFFE00, s0  }
0x1b9: {  	s30 =	simm.s32 @!p0 $0x80;
	s31 =	simm.s32 @!p0 $0xC080;
	s4 =	sadd.s32 @!p0 $0x4280, s0  }
0x1ba: {  	[tilespmem:s31], [sflag:$0x2] =	stream.indirect.gather @!p0 [hbm4b:s5+s30], $0x40, s4, s30, $0xb8;
	[tilespmem:$0x14280] =	vst v63  }
0x1bb: {  	s0 =	sadd.s32 @!p0 $0x4300, s0;
	s4 =	simm.s32 @!p0 $0xE080  }
0x1bc: {  	[tilespmem:s4], [sflag:$0x2] =	stream.indirect.gather @!p0 [hbm4b:s5+s30], $0x40, s0, s30, $0xb8;
	[tilespmem:$0x14280] =	vst v63  }
0x1bd: {  	_ =	swait.ge [sflag:s23], $0x4000  }
0x1be: {  	[sflag:s23] =	ssyncset.done $0x0  }
0x1bf: {  	s0 =	simm.s32 @!p1 $0x5;
	[sflag:s23] =	ssyncadd.s32 $0xFFFFC000  }
0x1c0: {  	s30 =	sor.u32 $0x1, s1;
	_ =	swait.ge @!p1 [sflag:s0], $0x100  }
0x1c1: {  	s1 =	sshll.u32 s30, $0x7;
	[sflag:s0] =	ssyncset.done @!p1 $0x0  }
0x1c2: {  	s1 =	sand.u32 $0x3FFFFF80, s1;
	[sflag:s0] =	ssyncadd.s32 @!p1 $0xFFFFFF00  }
0x1c3: {  	v6 =	vld [tilespmem:s1+$0x80]  }
0x1c4: {  	v7 =	vld [tilespmem:s1+$0x90]  }
0x1c5: {  	v9 =	vld [tilespmem:s1+$0xA0]  }
0x1c6: {  	v10 =	vld [tilespmem:s1+$0xB0]  }
0x1c7: {  	v12 =	vld [tilespmem:s1+$0xC0]  }
0x1c8: {  	v13 =	vld [tilespmem:s1+$0xD0]  }
0x1c9: {  	v14 =	vld [tilespmem:s1+$0xE0]  }
0x1ca: {  	v15 =	vld [tilespmem:s1+$0xF0];
	_ =	sdelay $0x1  }
0x1cb: {  	v8 =	vperm.xlane v6, v0;
	v11 =	vperm.xlane v7, v0  }
0x1cc: {  	v16 =	vperm.xlane v9, v0;
	v17 =	vperm.xlane v10, v0  }
0x1cd: {  	v18 =	vperm.xlane v12, v0;
	v19 =	vperm.xlane v13, v0  }
0x1ce: {  	s4 =	simm.s32 $0x0;
	v20 =	vperm.xlane v14, v0;
	v21 =	vperm.xlane v15, v0  }
0x1cf: {  	v22 =	vld [tilespmem:s4+$0x10440];
	v23 =	vperm.xlane v6, v1;
	v24 =	vperm.xlane v7, v1  }
0x1d0: {  	v26 =	vld [tilespmem:s4+$0x10450];
	v25 =	vperm.xlane v9, v1;
	v10 =	vperm.xlane v10, v1  }
0x1d1: {  	v12 =	vperm.xlane v12, v1;
	v13 =	vperm.xlane v13, v1  }
0x1d2: {  	v14 =	vperm.xlane v14, v1;
	v15 =	vperm.xlane v15, v1  }
0x1d3: {  	v8 =	vsel vm0, v8, v11;
	v9 =	vsel vm0, v16, v17;
	v7 =	vsel vm0, v18, v19  }
0x1d4: {  	v6 =	vsel vm0, v20, v21;
	v11 =	vsel vm0, v23, v24;
	v10 =	vsel vm0, v25, v10;
	v16 =	vld [tilespmem:s4+$0x10460]  }
0x1d5: {  	v17 =	vshll.u32 v22, $0x10;
	v18 =	vand.u32 $0xFFFF0000, v22;
	v19 =	vld [tilespmem:s4+$0x10470];
	v20 =	vshll.u32 v26, $0x10  }
0x1d6: {  	v21 =	vand.u32 $0xFFFF0000, v26;
	v23 =	vld [tilespmem:s4+$0x10430];
	v17 =	vmul.f32 v17, v8;
	v18 =	vmul.f32 v18, v11  }
0x1d7: {  	v20 =	vmul.f32 v20, v9;
	v21 =	vmul.f32 v21, v10  }
0x1d8: {  	v13 =	vsel vm0, v12, v13;
	v12 =	vsel vm0, v14, v15  }
0x1d9: {  	v14 =	vld [tilespmem:s4+$0x10400];
	v17 =	vadd.f32 v18, v17;
	v20 =	vadd.f32 v21, v20;
	v15 =	vshll.u32 v16, $0x10  }
0x1da: {  	v18 =	vld [tilespmem:s4+$0x10410];
	v16 =	vand.u32 $0xFFFF0000, v16;
	v22 =	vshll.u32 v19, $0x10;
	v19 =	vand.u32 $0xFFFF0000, v19  }
0x1db: {  	v21 =	vld [tilespmem:s4+$0x10420];
	v24 =	vshll.u32 v23, $0x10;
	v15 =	vmul.f32 v15, v7;
	v16 =	vmul.f32 v16, v13  }
0x1dc: {  	v23 =	vand.u32 $0xFFFF0000, v23;
	v22 =	vmul.f32 v22, v6;
	v19 =	vmul.f32 v19, v12  }
0x1dd: {  	v38 =	vld [tilespmem:s4+$0x10180];
	v24 =	vmul.f32 v24, v6;
	v23 =	vmul.f32 v23, v12;
	v15 =	vadd.f32 v16, v15  }
0x1de: {  	v42 =	vld [tilespmem:s4+$0x101B0];
	v16 =	vadd.f32 v20, v17;
	v17 =	vshll.u32 v14, $0x10;
	v14 =	vand.u32 $0xFFFF0000, v14  }
0x1df: {  	v43 =	vld [tilespmem:s4+$0x10140];
	v19 =	vadd.f32 v19, v22;
	v20 =	vshll.u32 v18, $0x10;
	v18 =	vand.u32 $0xFFFF0000, v18  }
0x1e0: {  	v46 =	vld [tilespmem:s4+$0x10170];
	v22 =	vshll.u32 v21, $0x10;
	v17 =	vmul.f32 v17, v8;
	v14 =	vmul.f32 v14, v11  }
0x1e1: {  	v25 =	vld [tilespmem:s4+$0x103C0];
	v21 =	vand.u32 $0xFFFF0000, v21;
	v20 =	vmul.f32 v20, v9;
	v18 =	vmul.f32 v18, v10  }
0x1e2: {  	v22 =	vmul.f32 v22, v7;
	v21 =	vmul.f32 v21, v13;
	v15 =	vadd.f32 v19, v15  }
0x1e3: {  	v39 =	vshll.u32 v38, $0x10;
	v14 =	vadd.f32 v14, v17;
	v17 =	vadd.f32 v18, v20;
	v18 =	vld [tilespmem:s4+$0x103D0]  }
0x1e4: {  	v44 =	vshll.u32 v42, $0x10;
	v19 =	vadd.f32 v21, v22;
	v20 =	vadd.f32 v23, v24;
	v22 =	vld [tilespmem:s4+$0x103F0]  }
0x1e5: {  	v45 =	vand.u32 $0xFFFF0000, v43;
	v52 =	vshll.u32 v46, $0x10;
	v15 =	vadd.f32 v15, v16  }
0x1e6: {  	v16 =	vld [tilespmem:s4+$0x103E0];
	v14 =	vadd.f32 v17, v14;
	v17 =	vadd.f32 v20, v19;
	v19 =	vshll.u32 v25, $0x10  }
0x1e7: {  	v21 =	vand.u32 $0xFFFF0000, v25;
	v20 =	vperm.xlane v15, v2;
	v19 =	vmul.f32 v19, v8  }
0x1e8: {  	v14 =	vadd.f32 v17, v14;
	v17 =	vmul.f32 v21, v11;
	v21 =	vshll.u32 v18, $0x10  }
0x1e9: {  	v18 =	vand.u32 $0xFFFF0000, v18;
	v15 =	vadd.f32 v15, v20;
	v25 =	vshll.u32 v22, $0x10  }
0x1ea: {  	v24 =	vld [tilespmem:s4+$0x10390];
	v22 =	vand.u32 $0xFFFF0000, v22;
	v21 =	vmul.f32 v21, v9;
	v18 =	vmul.f32 v18, v10  }
0x1eb: {  	v20 =	vld [tilespmem:s4+$0x10380];
	v23 =	vshll.u32 v16, $0x10;
	v17 =	vadd.f32 v17, v19;
	v19 =	vperm.xlane v14, v2  }
0x1ec: {  	v16 =	vand.u32 $0xFFFF0000, v16;
	v25 =	vmul.f32 v25, v6;
	v22 =	vmul.f32 v22, v12  }
0x1ed: {  	v23 =	vmul.f32 v23, v7;
	v16 =	vmul.f32 v16, v13;
	v18 =	vadd.f32 v18, v21;
	v21 =	vld [tilespmem:s4+$0x103A0]  }
0x1ee: {  	v34 =	vand.u32 $0xFFFF0000, v46;
	v14 =	vadd.f32 v14, v19;
	v19 =	vld [tilespmem:s4+$0x103B0];
	v22 =	vadd.f32 v22, v25  }
0x1ef: {  	v16 =	vadd.f32 v16, v23;
	v23 =	vshll.u32 v24, $0x10;
	v24 =	vand.u32 $0xFFFF0000, v24  }
0x1f0: {  	v17 =	vadd.f32 v18, v17;
	v18 =	vshll.u32 v20, $0x10;
	v23 =	vmul.f32 v23, v9  }
0x1f1: {  	v48 =	vld [tilespmem:s4+$0x10100];
	v20 =	vand.u32 $0xFFFF0000, v20;
	v24 =	vmul.f32 v24, v10;
	v18 =	vmul.f32 v18, v8  }
0x1f2: {  	v20 =	vmul.f32 v20, v11;
	v16 =	vadd.f32 v22, v16;
	v25 =	vshll.u32 v21, $0x10  }
0x1f3: {  	v51 =	vld [tilespmem:s4+$0x10110];
	v21 =	vand.u32 $0xFFFF0000, v21;
	v26 =	vshll.u32 v19, $0x10;
	v19 =	vand.u32 $0xFFFF0000, v19  }
0x1f4: {  	v22 =	vld [tilespmem:s4+$0x10340];
	v18 =	vadd.f32 v20, v18;
	v25 =	vmul.f32 v25, v7;
	v21 =	vmul.f32 v21, v13  }
0x1f5: {  	v20 =	vadd.f32 v24, v23;
	v24 =	vld [tilespmem:s4+$0x10360];
	v26 =	vmul.f32 v26, v6;
	v19 =	vmul.f32 v19, v12  }
0x1f6: {  	v55 =	vand.u32 $0xFFFF0000, v48;
	v16 =	vadd.f32 v16, v17;
	v17 =	vperm.xlane v14, v3  }
0x1f7: {  	v23 =	vld [tilespmem:s4+$0x10350];
	v21 =	vadd.f32 v21, v25;
	v19 =	vadd.f32 v19, v26;
	v25 =	vperm.xlane v15, v3  }
0x1f8: {  	v56 =	vshll.u32 v51, $0x10;
	v18 =	vadd.f32 v20, v18;
	v20 =	vld [tilespmem:s4+$0x10370];
	v17 =	vadd.f32 v14, v17  }
0x1f9: {  	v19 =	vadd.f32 v19, v21;
	v21 =	vperm.xlane v16, v2;
	v14 =	vadd.f32 v15, v25  }
0x1fa: {  	v15 =	vshll.u32 v22, $0x10;
	v22 =	vand.u32 $0xFFFF0000, v22;
	v25 =	vshll.u32 v24, $0x10  }
0x1fb: {  	v24 =	vand.u32 $0xFFFF0000, v24;
	v15 =	vmul.f32 v15, v8;
	v25 =	vmul.f32 v25, v7  }
0x1fc: {  	v28 =	vld [tilespmem:s4+$0x10310];
	v24 =	vmul.f32 v24, v13;
	v18 =	vadd.f32 v19, v18;
	v19 =	vmul.f32 v22, v11  }
0x1fd: {  	v22 =	vshll.u32 v23, $0x10;
	v23 =	vand.u32 $0xFFFF0000, v23;
	v27 =	vshll.u32 v20, $0x10  }
0x1fe: {  	v26 =	vld [tilespmem:s4+$0x10300];
	v20 =	vand.u32 $0xFFFF0000, v20;
	v22 =	vmul.f32 v22, v9;
	v23 =	vmul.f32 v23, v10  }
0x1ff: {  	v16 =	vadd.f32 v16, v21;
	v21 =	vld [tilespmem:s4+$0x10320];
	v27 =	vmul.f32 v27, v6;
	v20 =	vmul.f32 v20, v12  }
0x200: {  	v15 =	vadd.f32 v19, v15;
	v19 =	vadd.f32 v23, v22;
	v22 =	vperm.xlane v18, v2  }
0x201: {  	v53 =	vld [tilespmem:s4+$0x10120];
	v23 =	vadd.f32 v24, v25;
	v20 =	vadd.f32 v20, v27;
	v25 =	vand.u32 $0xFFFF0000, v28  }
0x202: {  	v24 =	vld [tilespmem:s4+$0x10330];
	v25 =	vmul.f32 v25, v10;
	v15 =	vadd.f32 v19, v15;
	v18 =	vadd.f32 v18, v22  }
0x203: {  	v19 =	vshll.u32 v26, $0x10;
	v22 =	vand.u32 $0xFFFF0000, v26;
	v20 =	vadd.f32 v20, v23  }
0x204: {  	v23 =	vshll.u32 v28, $0x10;
	v26 =	vshll.u32 v21, $0x10;
	v19 =	vmul.f32 v19, v8  }
0x205: {  	v21 =	vand.u32 $0xFFFF0000, v21;
	v22 =	vmul.f32 v22, v11;
	v23 =	vmul.f32 v23, v9  }
0x206: {  	v60 =	vshll.u32 v53, $0x10;
	v26 =	vmul.f32 v26, v7;
	v21 =	vmul.f32 v21, v13  }
0x207: {  	v15 =	vadd.f32 v20, v15;
	v27 =	vshll.u32 v24, $0x10;
	v24 =	vand.u32 $0xFFFF0000, v24  }
0x208: {  	v19 =	vadd.f32 v22, v19;
	v27 =	vmul.f32 v27, v6;
	v24 =	vmul.f32 v24, v12  }
0x209: {  	v20 =	vadd.f32 v25, v23;
	v22 =	vperm.xlane v16, v3;
	v25 =	vperm.xlane v18, v3  }
0x20a: {  	v33 =	vmul.f32 v39, v8;
	v21 =	vadd.f32 v21, v26;
	v23 =	vadd.f32 v24, v27  }
0x20b: {  	v16 =	vadd.f32 v16, v22;
	v18 =	vadd.f32 v18, v25;
	v25 =	vld [tilespmem:s4+$0x102E0];
	v24 =	vperm.xlane v15, v2  }
0x20c: {  	v34 =	vmul.f32 v34, v12;
	v19 =	vadd.f32 v20, v19;
	v20 =	vadd.f32 v23, v21  }
0x20d: {  	v21 =	vld [tilespmem:s4+$0x102C0];
	v22 =	vadd.f32 v15, v24;
	v15 =	vperm.xlane v14, v4;
	v24 =	vperm.xlane v17, v4  }
0x20e: {  	v27 =	vperm.xlane v18, v4;
	v23 =	vld [tilespmem:s4+$0x102D0];
	v19 =	vadd.f32 v20, v19;
	v20 =	vperm.xlane v16, v4  }
0x20f: {  	v26 =	vperm.xlane v22, v3;
	v14 =	vadd.f32 v14, v15;
	v15 =	vadd.f32 v17, v24  }
0x210: {  	v17 =	vadd.f32 v18, v27;
	v27 =	vshll.u32 v25, $0x10;
	v25 =	vand.u32 $0xFFFF0000, v25  }
0x211: {  	v39 =	vand.u32 $0xFFFF0000, v53;
	v24 =	vld [tilespmem:s4+$0x10280];
	v27 =	vmul.f32 v27, v7;
	v25 =	vmul.f32 v25, v13  }
0x212: {  	v28 =	vperm.xlane v19, v2;
	v16 =	vadd.f32 v16, v20;
	v20 =	vld [tilespmem:s4+$0x102F0];
	v22 =	vadd.f32 v22, v26  }
0x213: {  	v18 =	vshll.u32 v21, $0x10;
	v21 =	vand.u32 $0xFFFF0000, v21;
	v26 =	vshll.u32 v23, $0x10  }
0x214: {  	v23 =	vand.u32 $0xFFFF0000, v23;
	v18 =	vmul.f32 v18, v8;
	v21 =	vmul.f32 v21, v11  }
0x215: {  	v19 =	vadd.f32 v19, v28;
	v26 =	vmul.f32 v26, v9;
	v28 =	vld [tilespmem:s4+$0x10290];
	v23 =	vmul.f32 v23, v10  }
0x216: {  	v30 =	vld [tilespmem:s4+$0x102A0];
	v25 =	vadd.f32 v25, v27;
	v18 =	vadd.f32 v21, v18;
	v21 =	vshll.u32 v24, $0x10  }
0x217: {  	v23 =	vadd.f32 v23, v26;
	v29 =	vshll.u32 v20, $0x10;
	v20 =	vand.u32 $0xFFFF0000, v20  }
0x218: {  	v24 =	vand.u32 $0xFFFF0000, v24;
	v29 =	vmul.f32 v29, v6;
	v20 =	vmul.f32 v20, v12  }
0x219: {  	v26 =	vld [tilespmem:s4+$0x102B0];
	v21 =	vmul.f32 v21, v8;
	v24 =	vmul.f32 v24, v11;
	v18 =	vadd.f32 v23, v18  }
0x21a: {  	v27 =	vshll.u32 v28, $0x10;
	v28 =	vand.u32 $0xFFFF0000, v28;
	v20 =	vadd.f32 v20, v29  }
0x21b: {  	v23 =	vld [tilespmem:s4+$0x10240];
	v27 =	vmul.f32 v27, v9;
	v28 =	vmul.f32 v28, v10;
	v29 =	vshll.u32 v30, $0x10  }
0x21c: {  	v39 =	vmul.f32 v39, v13;
	v21 =	vadd.f32 v24, v21;
	v29 =	vmul.f32 v29, v7  }
0x21d: {  	v24 =	vld [tilespmem:s4+$0x10250];
	v20 =	vadd.f32 v20, v25;
	v25 =	vand.u32 $0xFFFF0000, v30;
	v27 =	vadd.f32 v28, v27  }
0x21e: {  	v57 =	vld [tilespmem:s4+$0x10130];
	v30 =	vshll.u32 v26, $0x10;
	v26 =	vand.u32 $0xFFFF0000, v26;
	v25 =	vmul.f32 v25, v13  }
0x21f: {  	v28 =	vld [tilespmem:s4+$0x10260];
	v30 =	vmul.f32 v30, v6;
	v26 =	vmul.f32 v26, v12;
	v18 =	vadd.f32 v20, v18  }
0x220: {  	v37 =	vld [tilespmem:s4+$0x10210];
	v21 =	vadd.f32 v27, v21;
	v27 =	vshll.u32 v23, $0x10;
	v23 =	vand.u32 $0xFFFF0000, v23  }
0x221: {  	v20 =	vld [tilespmem:s4+$0x10270];
	v25 =	vadd.f32 v25, v29;
	v26 =	vadd.f32 v26, v30;
	v27 =	vmul.f32 v27, v8  }
0x222: {  	v23 =	vmul.f32 v23, v11;
	v29 =	vshll.u32 v24, $0x10;
	v24 =	vand.u32 $0xFFFF0000, v24  }
0x223: {  	v31 =	vld [tilespmem:s4+$0x10200];
	v62 =	vshll.u32 v57, $0x10;
	v29 =	vmul.f32 v29, v9;
	v24 =	vmul.f32 v24, v10  }
0x224: {  	v30 =	vshll.u32 v28, $0x10;
	v28 =	vand.u32 $0xFFFF0000, v28;
	v25 =	vadd.f32 v26, v25  }
0x225: {  	v23 =	vadd.f32 v23, v27;
	v30 =	vmul.f32 v30, v7;
	v28 =	vmul.f32 v28, v13  }
0x226: {  	v26 =	vld [tilespmem:s4+$0x10220];
	v24 =	vadd.f32 v24, v29;
	v29 =	vand.u32 $0xFFFF0000, v37;
	v36 =	vshll.u32 v20, $0x10  }
0x227: {  	v20 =	vand.u32 $0xFFFF0000, v20;
	v21 =	vadd.f32 v25, v21;
	v29 =	vmul.f32 v29, v10  }
0x228: {  	v25 =	vand.u32 $0xFFFF0000, v31;
	v32 =	vmul.f32 v36, v6;
	v20 =	vmul.f32 v20, v12  }
0x229: {  	v27 =	vadd.f32 v28, v30;
	v28 =	vld [tilespmem:s4+$0x10230];
	v23 =	vadd.f32 v24, v23;
	v24 =	vshll.u32 v31, $0x10  }
0x22a: {  	v25 =	vmul.f32 v25, v11;
	v36 =	vand.u32 $0xFFFF0000, v42;
	v24 =	vmul.f32 v24, v8  }
0x22b: {  	v50 =	vmul.f32 v36, v12;
	v20 =	vadd.f32 v20, v32;
	v30 =	vshll.u32 v26, $0x10  }
0x22c: {  	v36 =	vand.u32 $0xFFFF0000, v51;
	v26 =	vand.u32 $0xFFFF0000, v26;
	v30 =	vmul.f32 v30, v7  }
0x22d: {  	v26 =	vmul.f32 v26, v13;
	v20 =	vadd.f32 v20, v27;
	v27 =	vshll.u32 v37, $0x10  }
0x22e: {  	v27 =	vmul.f32 v27, v9;
	v31 =	vshll.u32 v28, $0x10;
	v28 =	vand.u32 $0xFFFF0000, v28  }
0x22f: {  	v32 =	vand.u32 $0xFFFF0000, v38;
	v31 =	vmul.f32 v31, v6;
	v28 =	vmul.f32 v28, v12  }
0x230: {  	v20 =	vadd.f32 v20, v23;
	v23 =	vadd.f32 v25, v24;
	v25 =	vperm.xlane v18, v2  }
0x231: {  	v26 =	vadd.f32 v26, v30;
	v24 =	vadd.f32 v29, v27;
	v29 =	vperm.xlane v21, v2  }
0x232: {  	v27 =	vadd.f32 v28, v31;
	v28 =	vperm.xlane v20, v2;
	v18 =	vadd.f32 v18, v25  }
0x233: {  	v25 =	vperm.xlane v19, v3;
	v23 =	vadd.f32 v24, v23;
	v21 =	vadd.f32 v21, v29  }
0x234: {  	v61 =	vld [tilespmem:s4+$0x100A0];
	v36 =	vmul.f32 v36, v10;
	v24 =	vadd.f32 v27, v26;
	v20 =	vadd.f32 v20, v28  }
0x235: {  	v26 =	vperm.xlane v18, v3;
	v19 =	vadd.f32 v19, v25;
	v28 =	vperm.xlane v21, v3  }
0x236: {  	v25 =	vld [tilespmem:s4+$0x101C0];
	v23 =	vadd.f32 v24, v23;
	v24 =	vperm.xlane v22, v4;
	v27 =	vperm.xlane v20, v3  }
0x237: {  	v32 =	vmul.f32 v32, v11;
	v26 =	vadd.f32 v18, v26;
	v21 =	vadd.f32 v21, v28  }
0x238: {  	v29 =	vperm.xlane v23, v2;
	v18 =	vadd.f32 v22, v24;
	v22 =	vadd.f32 v20, v27  }
0x239: {  	v51 =	vshll.u32 v61, $0x10;
	v30 =	vperm.xlane v19, v4;
	v24 =	vld [tilespmem:s4+$0x101D0];
	v20 =	vperm.xlane v26, v4  }
0x23a: {  	v27 =	vld [tilespmem:s4+$0x101E0];
	v23 =	vadd.f32 v23, v29;
	v28 =	vperm.xlane v22, v4;
	v29 =	vperm.xlane v21, v4  }
0x23b: {  	v20 =	vadd.f32 v26, v20;
	v26 =	vshll.u32 v25, $0x10;
	v25 =	vand.u32 $0xFFFF0000, v25  }
0x23c: {  	v19 =	vadd.f32 v19, v30;
	v30 =	vld [tilespmem:s4+$0x101F0];
	v26 =	vmul.f32 v26, v8;
	v25 =	vmul.f32 v25, v11  }
0x23d: {  	v58 =	vld [tilespmem:s4+$0x10080];
	v31 =	vperm.xlane v23, v3;
	v21 =	vadd.f32 v21, v29;
	v22 =	vadd.f32 v22, v28  }
0x23e: {  	v29 =	vshll.u32 v24, $0x10;
	v24 =	vand.u32 $0xFFFF0000, v24;
	v25 =	vadd.f32 v25, v26  }
0x23f: {  	v28 =	vld [tilespmem:s4+$0x10190];
	v26 =	vshll.u32 v27, $0x10;
	v27 =	vand.u32 $0xFFFF0000, v27;
	v29 =	vmul.f32 v29, v9  }
0x240: {  	v40 =	vld [tilespmem:s4+$0x101A0];
	v23 =	vadd.f32 v23, v31;
	v24 =	vmul.f32 v24, v10;
	v26 =	vmul.f32 v26, v7  }
0x241: {  	v27 =	vmul.f32 v27, v13;
	v31 =	vshll.u32 v30, $0x10;
	v30 =	vand.u32 $0xFFFF0000, v30  }
0x242: {  	v37 =	vand.u32 $0xFFFF0000, v58;
	v31 =	vmul.f32 v31, v6;
	v30 =	vmul.f32 v30, v12  }
0x243: {  	v37 =	vmul.f32 v37, v11;
	v24 =	vadd.f32 v24, v29;
	v26 =	vadd.f32 v27, v26  }
0x244: {  	v29 =	vld [tilespmem:s4+$0x10150];
	v41 =	vshll.u32 v28, $0x10;
	v28 =	vand.u32 $0xFFFF0000, v28;
	v27 =	vadd.f32 v30, v31  }
0x245: {  	v30 =	vadd.f32 v32, v33;
	v31 =	vshll.u32 v40, $0x10;
	v32 =	vmul.f32 v44, v6  }
0x246: {  	v35 =	vmul.f32 v41, v9;
	v28 =	vmul.f32 v28, v10;
	v24 =	vadd.f32 v24, v25  }
0x247: {  	v25 =	vadd.f32 v27, v26;
	v27 =	vand.u32 $0xFFFF0000, v40;
	v40 =	vmul.f32 v60, v7  }
0x248: {  	v33 =	vmul.f32 v45, v11;
	v45 =	vld [tilespmem:s4+$0x100E0];
	v31 =	vmul.f32 v31, v7;
	v28 =	vadd.f32 v28, v35  }
0x249: {  	v27 =	vmul.f32 v27, v13;
	v47 =	vshll.u32 v29, $0x10;
	v63 =	vadd.f32 v39, v40  }
0x24a: {  	v26 =	vld [tilespmem:s4+$0x10160];
	v29 =	vand.u32 $0xFFFF0000, v29;
	v24 =	vadd.f32 v25, v24;
	v28 =	vadd.f32 v28, v30  }
0x24b: {  	v30 =	vshll.u32 v43, $0x10;
	v35 =	vmul.f32 v47, v9;
	v29 =	vmul.f32 v29, v10  }
0x24c: {  	v27 =	vadd.f32 v27, v31;
	v31 =	vshll.u32 v48, $0x10;
	v47 =	vshll.u32 v58, $0x10  }
0x24d: {  	v59 =	vld [tilespmem:s4+$0x10090];
	v43 =	vmul.f32 v51, v7;
	v46 =	vshll.u32 v45, $0x10;
	v30 =	vmul.f32 v30, v8  }
0x24e: {  	v45 =	vand.u32 $0xFFFF0000, v45;
	v31 =	vmul.f32 v31, v8;
	v39 =	vmul.f32 v47, v8  }
0x24f: {  	v46 =	vmul.f32 v46, v7;
	v45 =	vmul.f32 v45, v13;
	v49 =	vshll.u32 v26, $0x10  }
0x250: {  	v26 =	vand.u32 $0xFFFF0000, v26;
	v29 =	vadd.f32 v29, v35;
	v35 =	vmul.f32 v52, v6  }
0x251: {  	v30 =	vadd.f32 v33, v30;
	v38 =	vmul.f32 v49, v7;
	v26 =	vmul.f32 v26, v13  }
0x252: {  	v48 =	vld [tilespmem:s4+$0x100B0];
	v33 =	vmul.f32 v55, v11;
	v49 =	vshll.u32 v59, $0x10;
	v37 =	vadd.f32 v37, v39  }
0x253: {  	v60 =	vadd.f32 v45, v46;
	v54 =	vadd.f32 v34, v35;
	v34 =	vmul.f32 v56, v9  }
0x254: {  	v52 =	vld [tilespmem:s4+$0x100D0];
	v35 =	vand.u32 $0xFFFF0000, v57;
	v29 =	vadd.f32 v29, v30;
	v30 =	vadd.f32 v50, v32  }
0x255: {  	v41 =	vmul.f32 v49, v9;
	v26 =	vadd.f32 v26, v38;
	v31 =	vadd.f32 v33, v31  }
0x256: {  	v55 =	vld [tilespmem:s4+$0x100F0];
	v35 =	vmul.f32 v35, v12;
	v38 =	vand.u32 $0xFFFF0000, v59;
	v32 =	vand.u32 $0xFFFF0000, v61  }
0x257: {  	v53 =	vshll.u32 v48, $0x10;
	v33 =	vadd.f32 v36, v34;
	v34 =	vmul.f32 v62, v6  }
0x258: {  	v50 =	vld [tilespmem:s4+$0x100C0];
	v38 =	vmul.f32 v38, v10;
	v32 =	vmul.f32 v32, v13;
	v26 =	vadd.f32 v54, v26  }
0x259: {  	v54 =	vand.u32 $0xFFFF0000, v48;
	v57 =	vshll.u32 v52, $0x10;
	v44 =	vand.u32 $0xFFFF0000, v52  }
0x25a: {  	v34 =	vadd.f32 v35, v34;
	v35 =	vmul.f32 v53, v6;
	v32 =	vadd.f32 v32, v43  }
0x25b: {  	v39 =	vmul.f32 v54, v12;
	v43 =	vmul.f32 v57, v9;
	v47 =	vshll.u32 v55, $0x10  }
0x25c: {  	v44 =	vmul.f32 v44, v10;
	v40 =	vand.u32 $0xFFFF0000, v55;
	v58 =	vmul.f32 v47, v6  }
0x25d: {  	v40 =	vmul.f32 v40, v12;
	v56 =	vshll.u32 v50, $0x10;
	v42 =	vand.u32 $0xFFFF0000, v50  }
0x25e: {  	v38 =	vadd.f32 v38, v41;
	v41 =	vmul.f32 v56, v8;
	v42 =	vmul.f32 v42, v11  }
0x25f: {  	v35 =	vadd.f32 v39, v35;
	v59 =	vadd.f32 v44, v43  }
0x260: {  	v39 =	vadd.f32 v40, v58;
	v41 =	vadd.f32 v42, v41  }
0x261: {  	v37 =	vadd.f32 v38, v37;
	v32 =	vadd.f32 v35, v32  }
0x262: {  	v62 =	vadd.f32 v39, v60;
	v61 =	vadd.f32 v59, v41  }
0x263: {  	v31 =	vadd.f32 v33, v31;
	v63 =	vadd.f32 v34, v63  }
0x264: {  	v32 =	vadd.f32 v32, v37;
	v36 =	vadd.f32 v62, v61  }
0x265: {  	v27 =	vadd.f32 v30, v27;
	v31 =	vadd.f32 v63, v31  }
0x266: {  	v26 =	vadd.f32 v26, v29;
	v37 =	vperm.xlane v32, v2;
	v35 =	vperm.xlane v36, v2  }
0x267: {  	v30 =	vperm.xlane v23, v4;
	v27 =	vadd.f32 v27, v28;
	v29 =	vperm.xlane v31, v2  }
0x268: {  	v38 =	vperm.xlane v26, v2;
	v25 =	vadd.f32 v32, v37;
	v28 =	vadd.f32 v36, v35  }
0x269: {  	v39 =	vperm.xlane v24, v2;
	v29 =	vadd.f32 v31, v29;
	v31 =	vperm.xlane v27, v2  }
0x26a: {  	v26 =	vadd.f32 v26, v38;
	v40 =	vperm.xlane v25, v3;
	v35 =	vperm.xlane v28, v3  }
0x26b: {  	v24 =	vadd.f32 v24, v39;
	v41 =	vperm.xlane v29, v3;
	v27 =	vadd.f32 v27, v31  }
0x26c: {  	v31 =	vperm.xlane v26, v3;
	v25 =	vadd.f32 v25, v40;
	v28 =	vadd.f32 v28, v35  }
0x26d: {  	v33 =	vperm.xlane v24, v3;
	v29 =	vadd.f32 v29, v41;
	v42 =	vperm.xlane v27, v3  }
0x26e: {  	v26 =	vadd.f32 v26, v31;
	v34 =	vperm.xlane v25, v4;
	v35 =	vperm.xlane v28, v4  }
0x26f: {  	v24 =	vadd.f32 v24, v33;
	v31 =	vperm.xlane v29, v4;
	v27 =	vadd.f32 v27, v42  }
0x270: {  	v43 =	vperm.xlane v26, v4;
	v25 =	vadd.f32 v25, v34;
	v28 =	vadd.f32 v28, v35  }
0x271: {  	v33 =	vperm.xlane v24, v4;
	v29 =	vadd.f32 v29, v31;
	v31 =	vperm.xlane v27, v4  }
0x272: {  	v26 =	vadd.f32 v26, v43;
	v34 =	vperm.xlane v25, v5;
	v35 =	vperm.xlane v28, v5  }
0x273: {  	v24 =	vadd.f32 v24, v33;
	v44 =	vperm.xlane v29, v5;
	v27 =	vadd.f32 v27, v31  }
0x274: {  	v31 =	vperm.xlane v26, v5;
	v25 =	vadd.f32 v25, v34;
	v28 =	vadd.f32 v28, v35  }
0x275: {  	v23 =	vadd.f32 v23, v30;
	v29 =	vadd.f32 v29, v44;
	v45 =	vperm.xlane v27, v5  }
0x276: {  	v26 =	vadd.f32 v26, v31;
	v25 =	vsel vm1, v25, v28;
	v28 =	vperm.xlane v24, v5  }
0x277: {  	v27 =	vadd.f32 v27, v45;
	v25 =	vsel vm2, v25, v29;
	v29 =	vperm.xlane v23, v5  }
0x278: {  	v25 =	vsel vm3, v25, v26;
	v24 =	vadd.f32 v24, v28;
	v26 =	vperm.xlane v22, v5  }
0x279: {  	v25 =	vsel vm4, v25, v27;
	v23 =	vadd.f32 v23, v29;
	v27 =	vperm.xlane v21, v5  }
0x27a: {  	v24 =	vsel vm5, v25, v24;
	v22 =	vadd.f32 v22, v26;
	v25 =	vperm.xlane v20, v5  }
0x27b: {  	v23 =	vsel vm6, v24, v23;
	v21 =	vadd.f32 v21, v27;
	v24 =	vperm.xlane v19, v5  }
0x27c: {  	v22 =	vsel vm7, v23, v22;
	v20 =	vadd.f32 v20, v25;
	v23 =	vperm.xlane v18, v5  }
0x27d: {  	v21 =	vsel vm0, v22, v21;
	v19 =	vadd.f32 v19, v24;
	v22 =	vperm.xlane v17, v5  }
0x27e: {  	v20 =	vsel vm8, v21, v20;
	v18 =	vadd.f32 v18, v23;
	v21 =	vperm.xlane v16, v5  }
0x27f: {  	v19 =	vsel vm9, v20, v19;
	v17 =	vadd.f32 v17, v22;
	v20 =	vperm.xlane v15, v5  }
0x280: {  	v18 =	vsel vm10, v19, v18;
	v16 =	vadd.f32 v16, v21;
	v19 =	vperm.xlane v14, v5  }
0x281: {  	v17 =	vsel vm11, v18, v17;
	v15 =	vadd.f32 v15, v20  }
0x282: {  	v16 =	vsel vm12, v17, v16;
	v14 =	vadd.f32 v14, v19  }
0x283: {  	v15 =	vsel vm13, v16, v15  }
0x284: {  	s31 =	simm.s32 $0x14180;
	v14 =	vsel vm14, v15, v14  }
0x285: {  	s1 =	simm.s32 $0x400;
	[tilespmem:s31+$0x0] =	vst v14  }
0x286: {  	v14 =	vld [tilespmem:s1+$0x10440]  }
0x287: {  	v15 =	vld [tilespmem:s1+$0x10450]  }
0x288: {  	v16 =	vld [tilespmem:s1+$0x10460];
	_ =	sdelay $0x1  }
0x289: {  	v18 =	vld [tilespmem:s1+$0x10470];
	_ =	sdelay $0x1  }
0x28a: {  	v17 =	vshll.u32 v14, $0x10;
	v14 =	vand.u32 $0xFFFF0000, v14  }
0x28b: {  	v19 =	vshll.u32 v15, $0x10;
	v15 =	vand.u32 $0xFFFF0000, v15;
	v21 =	vshll.u32 v16, $0x10  }
0x28c: {  	v16 =	vand.u32 $0xFFFF0000, v16;
	v17 =	vmul.f32 v17, v8;
	v14 =	vmul.f32 v14, v11  }
0x28d: {  	v23 =	vld [tilespmem:s1+$0x10430];
	v22 =	vshll.u32 v18, $0x10;
	v19 =	vmul.f32 v19, v9;
	v15 =	vmul.f32 v15, v10  }
0x28e: {  	v18 =	vand.u32 $0xFFFF0000, v18;
	v21 =	vmul.f32 v21, v7;
	v16 =	vmul.f32 v16, v13  }
0x28f: {  	v20 =	vld [tilespmem:s1+$0x10400];
	v22 =	vmul.f32 v22, v6;
	v18 =	vmul.f32 v18, v12  }
0x290: {  	v14 =	vadd.f32 v14, v17;
	v17 =	vld [tilespmem:s1+$0x10410];
	v15 =	vadd.f32 v15, v19  }
0x291: {  	v19 =	vld [tilespmem:s1+$0x10420];
	v16 =	vadd.f32 v16, v21;
	v18 =	vadd.f32 v18, v22  }
0x292: {  	v24 =	vshll.u32 v23, $0x10;
	v23 =	vand.u32 $0xFFFF0000, v23  }
0x293: {  	v24 =	vmul.f32 v24, v6;
	v14 =	vadd.f32 v15, v14;
	v16 =	vadd.f32 v18, v16  }
0x294: {  	v23 =	vmul.f32 v23, v12;
	v15 =	vshll.u32 v20, $0x10;
	v20 =	vand.u32 $0xFFFF0000, v20  }
0x295: {  	v25 =	vld [tilespmem:s1+$0x103C0];
	v15 =	vmul.f32 v15, v8;
	v20 =	vmul.f32 v20, v11;
	v14 =	vadd.f32 v16, v14  }
0x296: {  	v16 =	vld [tilespmem:s1+$0x103E0];
	v21 =	vshll.u32 v17, $0x10;
	v17 =	vand.u32 $0xFFFF0000, v17;
	v22 =	vshll.u32 v19, $0x10  }
0x297: {  	v19 =	vand.u32 $0xFFFF0000, v19;
	v21 =	vmul.f32 v21, v9;
	v17 =	vmul.f32 v17, v10  }
0x298: {  	v22 =	vmul.f32 v22, v7;
	v19 =	vmul.f32 v19, v13  }
0x299: {  	v15 =	vadd.f32 v20, v15;
	v20 =	vadd.f32 v23, v24  }
0x29a: {  	v18 =	vld [tilespmem:s1+$0x103D0];
	v17 =	vadd.f32 v17, v21;
	v19 =	vadd.f32 v19, v22  }
0x29b: {  	v24 =	vld [tilespmem:s1+$0x10390];
	v21 =	vand.u32 $0xFFFF0000, v25;
	v23 =	vshll.u32 v16, $0x10  }
0x29c: {  	v22 =	vld [tilespmem:s1+$0x103F0];
	v16 =	vand.u32 $0xFFFF0000, v16;
	v15 =	vadd.f32 v17, v15;
	v17 =	vadd.f32 v20, v19  }
0x29d: {  	v19 =	vshll.u32 v25, $0x10;
	v20 =	vperm.xlane v14, v2;
	v23 =	vmul.f32 v23, v7  }
0x29e: {  	v16 =	vmul.f32 v16, v13;
	v19 =	vmul.f32 v19, v8;
	v15 =	vadd.f32 v17, v15  }
0x29f: {  	v17 =	vmul.f32 v21, v11;
	v21 =	vshll.u32 v18, $0x10;
	v18 =	vand.u32 $0xFFFF0000, v18  }
0x2a0: {  	v14 =	vadd.f32 v14, v20;
	v16 =	vadd.f32 v16, v23;
	v23 =	vshll.u32 v24, $0x10  }
0x2a1: {  	v20 =	vld [tilespmem:s1+$0x10380];
	v21 =	vmul.f32 v21, v9;
	v18 =	vmul.f32 v18, v10;
	v25 =	vshll.u32 v22, $0x10  }
0x2a2: {  	v48 =	vld [tilespmem:s1+$0x10180];
	v22 =	vand.u32 $0xFFFF0000, v22;
	v17 =	vadd.f32 v17, v19;
	v19 =	vperm.xlane v15, v2  }
0x2a3: {  	v25 =	vmul.f32 v25, v6;
	v22 =	vmul.f32 v22, v12;
	v18 =	vadd.f32 v18, v21;
	v21 =	vld [tilespmem:s1+$0x103A0]  }
0x2a4: {  	v24 =	vand.u32 $0xFFFF0000, v24;
	v23 =	vmul.f32 v23, v9  }
0x2a5: {  	v24 =	vmul.f32 v24, v10;
	v15 =	vadd.f32 v15, v19;
	v22 =	vadd.f32 v22, v25  }
0x2a6: {  	v19 =	vld [tilespmem:s1+$0x103B0];
	v17 =	vadd.f32 v18, v17;
	v18 =	vshll.u32 v20, $0x10;
	v20 =	vand.u32 $0xFFFF0000, v20  }
0x2a7: {  	v18 =	vmul.f32 v18, v8;
	v20 =	vmul.f32 v20, v11  }
0x2a8: {  	v51 =	vld [tilespmem:s1+$0x101A0];
	v50 =	vshll.u32 v48, $0x10;
	v16 =	vadd.f32 v22, v16;
	v25 =	vshll.u32 v21, $0x10  }
0x2a9: {  	v22 =	vld [tilespmem:s1+$0x10340];
	v21 =	vand.u32 $0xFFFF0000, v21;
	v18 =	vadd.f32 v20, v18;
	v20 =	vadd.f32 v24, v23  }
0x2aa: {  	v53 =	vld [tilespmem:s1+$0x101B0];
	v16 =	vadd.f32 v16, v17;
	v17 =	vperm.xlane v15, v3;
	v25 =	vmul.f32 v25, v7  }
0x2ab: {  	v24 =	vld [tilespmem:s1+$0x10360];
	v21 =	vmul.f32 v21, v13;
	v26 =	vshll.u32 v19, $0x10;
	v19 =	vand.u32 $0xFFFF0000, v19  }
0x2ac: {  	v26 =	vmul.f32 v26, v6;
	v19 =	vmul.f32 v19, v12;
	v18 =	vadd.f32 v20, v18  }
0x2ad: {  	v55 =	vand.u32 $0xFFFF0000, v51;
	v20 =	vld [tilespmem:s1+$0x10370];
	v15 =	vadd.f32 v15, v17;
	v21 =	vadd.f32 v21, v25  }
0x2ae: {  	v23 =	vld [tilespmem:s1+$0x10350];
	v25 =	vperm.xlane v14, v3;
	v17 =	vshll.u32 v22, $0x10;
	v19 =	vadd.f32 v19, v26  }
0x2af: {  	v36 =	vand.u32 $0xFFFF0000, v53;
	v22 =	vand.u32 $0xFFFF0000, v22;
	v17 =	vmul.f32 v17, v8  }
0x2b0: {  	v14 =	vadd.f32 v14, v25;
	v25 =	vshll.u32 v24, $0x10;
	v19 =	vadd.f32 v19, v21  }
0x2b1: {  	v24 =	vand.u32 $0xFFFF0000, v24;
	v21 =	vperm.xlane v16, v2;
	v25 =	vmul.f32 v25, v7  }
0x2b2: {  	v28 =	vld [tilespmem:s1+$0x10310];
	v24 =	vmul.f32 v24, v13;
	v27 =	vshll.u32 v20, $0x10;
	v18 =	vadd.f32 v19, v18  }
0x2b3: {  	v19 =	vmul.f32 v22, v11;
	v22 =	vshll.u32 v23, $0x10;
	v23 =	vand.u32 $0xFFFF0000, v23  }
0x2b4: {  	v26 =	vld [tilespmem:s1+$0x10300];
	v20 =	vand.u32 $0xFFFF0000, v20;
	v22 =	vmul.f32 v22, v9;
	v23 =	vmul.f32 v23, v10  }
0x2b5: {  	v27 =	vmul.f32 v27, v6;
	v20 =	vmul.f32 v20, v12;
	v16 =	vadd.f32 v16, v21;
	v21 =	vld [tilespmem:s1+$0x10320]  }
0x2b6: {  	v17 =	vadd.f32 v19, v17;
	v19 =	vadd.f32 v23, v22;
	v22 =	vperm.xlane v18, v2  }
0x2b7: {  	v20 =	vadd.f32 v20, v27;
	v23 =	vadd.f32 v24, v25;
	v24 =	vld [tilespmem:s1+$0x10330];
	v25 =	vand.u32 $0xFFFF0000, v28  }
0x2b8: {  	v25 =	vmul.f32 v25, v10;
	v17 =	vadd.f32 v19, v17;
	v18 =	vadd.f32 v18, v22  }
0x2b9: {  	v19 =	vshll.u32 v26, $0x10;
	v22 =	vand.u32 $0xFFFF0000, v26;
	v20 =	vadd.f32 v20, v23  }
0x2ba: {  	v23 =	vshll.u32 v28, $0x10;
	v26 =	vshll.u32 v21, $0x10;
	v19 =	vmul.f32 v19, v8  }
0x2bb: {  	v21 =	vand.u32 $0xFFFF0000, v21;
	v22 =	vmul.f32 v22, v11;
	v23 =	vmul.f32 v23, v9  }
0x2bc: {  	v26 =	vmul.f32 v26, v7;
	v21 =	vmul.f32 v21, v13;
	v27 =	vshll.u32 v24, $0x10  }
0x2bd: {  	v24 =	vand.u32 $0xFFFF0000, v24;
	v19 =	vadd.f32 v22, v19;
	v22 =	vperm.xlane v16, v3  }
0x2be: {  	v17 =	vadd.f32 v20, v17;
	v27 =	vmul.f32 v27, v6;
	v24 =	vmul.f32 v24, v12  }
0x2bf: {  	v20 =	vadd.f32 v25, v23;
	v21 =	vadd.f32 v21, v26;
	v25 =	vperm.xlane v18, v3  }
0x2c0: {  	v16 =	vadd.f32 v16, v22;
	v23 =	vadd.f32 v24, v27;
	v24 =	vperm.xlane v17, v2  }
0x2c1: {  	v33 =	vmul.f32 v50, v8;
	v19 =	vadd.f32 v20, v19;
	v18 =	vadd.f32 v18, v25;
	v25 =	vld [tilespmem:s1+$0x102E0]  }
0x2c2: {  	v62 =	vmul.f32 v36, v12;
	v20 =	vadd.f32 v23, v21;
	v21 =	vld [tilespmem:s1+$0x102C0];
	v17 =	vadd.f32 v17, v24  }
0x2c3: {  	v56 =	vshll.u32 v53, $0x10;
	v22 =	vperm.xlane v14, v4;
	v23 =	vld [tilespmem:s1+$0x102D0];
	v24 =	vperm.xlane v15, v4  }
0x2c4: {  	v19 =	vadd.f32 v20, v19;
	v20 =	vperm.xlane v16, v4;
	v26 =	vperm.xlane v17, v3  }
0x2c5: {  	v27 =	vperm.xlane v18, v4;
	v14 =	vadd.f32 v14, v22;
	v15 =	vadd.f32 v15, v24  }
0x2c6: {  	v58 =	vld [tilespmem:s1+$0x10170];
	v22 =	vperm.xlane v19, v2;
	v16 =	vadd.f32 v16, v20;
	v24 =	vadd.f32 v17, v26  }
0x2c7: {  	v28 =	vld [tilespmem:s1+$0x10290];
	v17 =	vadd.f32 v18, v27;
	v27 =	vshll.u32 v25, $0x10;
	v25 =	vand.u32 $0xFFFF0000, v25  }
0x2c8: {  	v18 =	vshll.u32 v21, $0x10;
	v21 =	vand.u32 $0xFFFF0000, v21;
	v26 =	vshll.u32 v23, $0x10  }
0x2c9: {  	v20 =	vld [tilespmem:s1+$0x102F0];
	v23 =	vand.u32 $0xFFFF0000, v23;
	v27 =	vmul.f32 v27, v7;
	v25 =	vmul.f32 v25, v13  }
0x2ca: {  	v19 =	vadd.f32 v19, v22;
	v22 =	vld [tilespmem:s1+$0x10280];
	v18 =	vmul.f32 v18, v8;
	v21 =	vmul.f32 v21, v11  }
0x2cb: {  	v34 =	vand.u32 $0xFFFF0000, v58;
	v26 =	vmul.f32 v26, v9;
	v23 =	vmul.f32 v23, v10  }
0x2cc: {  	v30 =	vld [tilespmem:s1+$0x102A0];
	v25 =	vadd.f32 v25, v27;
	v27 =	vshll.u32 v28, $0x10;
	v28 =	vand.u32 $0xFFFF0000, v28  }
0x2cd: {  	v18 =	vadd.f32 v21, v18;
	v23 =	vadd.f32 v23, v26;
	v27 =	vmul.f32 v27, v9  }
0x2ce: {  	v28 =	vmul.f32 v28, v10;
	v29 =	vshll.u32 v20, $0x10;
	v20 =	vand.u32 $0xFFFF0000, v20  }
0x2cf: {  	v26 =	vld [tilespmem:s1+$0x102B0];
	v29 =	vmul.f32 v29, v6;
	v20 =	vmul.f32 v20, v12;
	v21 =	vshll.u32 v22, $0x10  }
0x2d0: {  	v18 =	vadd.f32 v23, v18;
	v22 =	vand.u32 $0xFFFF0000, v22;
	v21 =	vmul.f32 v21, v8  }
0x2d1: {  	v23 =	vld [tilespmem:s1+$0x10240];
	v20 =	vadd.f32 v20, v29;
	v22 =	vmul.f32 v22, v11;
	v29 =	vshll.u32 v30, $0x10  }
0x2d2: {  	v34 =	vmul.f32 v34, v12;
	v27 =	vadd.f32 v28, v27;
	v29 =	vmul.f32 v29, v7  }
0x2d3: {  	v28 =	vld [tilespmem:s1+$0x10260];
	v21 =	vadd.f32 v22, v21;
	v20 =	vadd.f32 v20, v25;
	v25 =	vand.u32 $0xFFFF0000, v30  }
0x2d4: {  	v54 =	vld [tilespmem:s1+$0x10140];
	v30 =	vshll.u32 v26, $0x10;
	v26 =	vand.u32 $0xFFFF0000, v26;
	v25 =	vmul.f32 v25, v13  }
0x2d5: {  	v22 =	vld [tilespmem:s1+$0x10250];
	v30 =	vmul.f32 v30, v6;
	v26 =	vmul.f32 v26, v12;
	v18 =	vadd.f32 v20, v18  }
0x2d6: {  	v21 =	vadd.f32 v27, v21;
	v27 =	vshll.u32 v23, $0x10;
	v23 =	vand.u32 $0xFFFF0000, v23  }
0x2d7: {  	v20 =	vld [tilespmem:s1+$0x10270];
	v25 =	vadd.f32 v25, v29;
	v26 =	vadd.f32 v26, v30;
	v27 =	vmul.f32 v27, v8  }
0x2d8: {  	v31 =	vld [tilespmem:s1+$0x10200];
	v23 =	vmul.f32 v23, v11;
	v30 =	vshll.u32 v28, $0x10;
	v28 =	vand.u32 $0xFFFF0000, v28  }
0x2d9: {  	v47 =	vld [tilespmem:s1+$0x10210];
	v57 =	vand.u32 $0xFFFF0000, v54;
	v30 =	vmul.f32 v30, v7;
	v28 =	vmul.f32 v28, v13  }
0x2da: {  	v45 =	vld [tilespmem:s1+$0x10120];
	v29 =	vshll.u32 v22, $0x10;
	v22 =	vand.u32 $0xFFFF0000, v22;
	v25 =	vadd.f32 v26, v25  }
0x2db: {  	v23 =	vadd.f32 v23, v27;
	v29 =	vmul.f32 v29, v9;
	v22 =	vmul.f32 v22, v10  }
0x2dc: {  	v26 =	vld [tilespmem:s1+$0x10220];
	v27 =	vadd.f32 v28, v30;
	v46 =	vshll.u32 v20, $0x10;
	v20 =	vand.u32 $0xFFFF0000, v20  }
0x2dd: {  	v63 =	vld [tilespmem:s1+$0x10110];
	v21 =	vadd.f32 v25, v21;
	v25 =	vand.u32 $0xFFFF0000, v31;
	v32 =	vmul.f32 v46, v6  }
0x2de: {  	v28 =	vld [tilespmem:s1+$0x10230];
	v20 =	vmul.f32 v20, v12;
	v22 =	vadd.f32 v22, v29;
	v29 =	vand.u32 $0xFFFF0000, v47  }
0x2df: {  	v39 =	vand.u32 $0xFFFF0000, v45;
	v25 =	vmul.f32 v25, v11;
	v29 =	vmul.f32 v29, v10  }
0x2e0: {  	v20 =	vadd.f32 v20, v32;
	v22 =	vadd.f32 v22, v23;
	v23 =	vshll.u32 v31, $0x10  }
0x2e1: {  	v30 =	vshll.u32 v26, $0x10;
	v26 =	vand.u32 $0xFFFF0000, v26;
	v23 =	vmul.f32 v23, v8  }
0x2e2: {  	v36 =	vand.u32 $0xFFFF0000, v63;
	v30 =	vmul.f32 v30, v7;
	v26 =	vmul.f32 v26, v13  }
0x2e3: {  	v31 =	vshll.u32 v28, $0x10;
	v20 =	vadd.f32 v20, v27;
	v27 =	vshll.u32 v47, $0x10  }
0x2e4: {  	v28 =	vand.u32 $0xFFFF0000, v28;
	v31 =	vmul.f32 v31, v6;
	v27 =	vmul.f32 v27, v9  }
0x2e5: {  	v28 =	vmul.f32 v28, v12;
	v26 =	vadd.f32 v26, v30;
	v20 =	vadd.f32 v20, v22  }
0x2e6: {  	v22 =	vadd.f32 v25, v23;
	v25 =	vperm.xlane v18, v2;
	v23 =	vadd.f32 v29, v27  }
0x2e7: {  	v27 =	vadd.f32 v28, v31;
	v29 =	vperm.xlane v21, v2;
	v28 =	vperm.xlane v20, v2  }
0x2e8: {  	v18 =	vadd.f32 v18, v25;
	v25 =	vperm.xlane v19, v3;
	v22 =	vadd.f32 v23, v22  }
0x2e9: {  	v39 =	vmul.f32 v39, v13;
	v23 =	vadd.f32 v27, v26;
	v21 =	vadd.f32 v21, v29  }
0x2ea: {  	v20 =	vadd.f32 v20, v28;
	v26 =	vperm.xlane v18, v3;
	v19 =	vadd.f32 v19, v25  }
0x2eb: {  	v25 =	vld [tilespmem:s1+$0x101C0];
	v22 =	vadd.f32 v23, v22;
	v23 =	vperm.xlane v24, v4;
	v28 =	vperm.xlane v21, v3  }
0x2ec: {  	v27 =	vperm.xlane v20, v3;
	v26 =	vadd.f32 v18, v26;
	v30 =	vperm.xlane v19, v4  }
0x2ed: {  	v29 =	vperm.xlane v22, v2;
	v18 =	vadd.f32 v24, v23;
	v24 =	vld [tilespmem:s1+$0x101D0];
	v21 =	vadd.f32 v21, v28  }
0x2ee: {  	v36 =	vmul.f32 v36, v10;
	v27 =	vadd.f32 v20, v27;
	v20 =	vperm.xlane v26, v4  }
0x2ef: {  	v28 =	vld [tilespmem:s1+$0x101E0];
	v19 =	vadd.f32 v19, v30;
	v22 =	vadd.f32 v22, v29;
	v23 =	vperm.xlane v21, v4  }
0x2f0: {  	v30 =	vld [tilespmem:s1+$0x101F0];
	v29 =	vperm.xlane v27, v4;
	v20 =	vadd.f32 v26, v20;
	v26 =	vshll.u32 v25, $0x10  }
0x2f1: {  	v25 =	vand.u32 $0xFFFF0000, v25;
	v31 =	vperm.xlane v22, v3;
	v26 =	vmul.f32 v26, v8  }
0x2f2: {  	v25 =	vmul.f32 v25, v11;
	v21 =	vadd.f32 v21, v23;
	v49 =	vshll.u32 v24, $0x10  }
0x2f3: {  	v60 =	vld [tilespmem:s1+$0x10100];
	v24 =	vand.u32 $0xFFFF0000, v24;
	v23 =	vadd.f32 v22, v31;
	v22 =	vadd.f32 v27, v29  }
0x2f4: {  	v29 =	vmul.f32 v49, v9;
	v25 =	vadd.f32 v25, v26;
	v24 =	vmul.f32 v24, v10  }
0x2f5: {  	v27 =	vld [tilespmem:s1+$0x10190];
	v26 =	vshll.u32 v28, $0x10;
	v28 =	vand.u32 $0xFFFF0000, v28;
	v31 =	vshll.u32 v30, $0x10  }
0x2f6: {  	v30 =	vand.u32 $0xFFFF0000, v30;
	v26 =	vmul.f32 v26, v7;
	v28 =	vmul.f32 v28, v13  }
0x2f7: {  	v50 =	vld [tilespmem:s1+$0x10130];
	v32 =	vand.u32 $0xFFFF0000, v48;
	v31 =	vmul.f32 v31, v6;
	v30 =	vmul.f32 v30, v12  }
0x2f8: {  	v48 =	vand.u32 $0xFFFF0000, v60;
	v32 =	vmul.f32 v32, v11;
	v24 =	vadd.f32 v24, v29;
	v29 =	vld [tilespmem:s1+$0x10150]  }
0x2f9: {  	v26 =	vadd.f32 v28, v26;
	v28 =	vadd.f32 v30, v31;
	v31 =	vshll.u32 v51, $0x10  }
0x2fa: {  	v51 =	vld [tilespmem:s1+$0x10080];
	v24 =	vadd.f32 v24, v25;
	v52 =	vshll.u32 v27, $0x10;
	v27 =	vand.u32 $0xFFFF0000, v27  }
0x2fb: {  	v25 =	vadd.f32 v28, v26;
	v28 =	vld [tilespmem:s1+$0x10160];
	v35 =	vmul.f32 v52, v9;
	v27 =	vmul.f32 v27, v10  }
0x2fc: {  	v30 =	vadd.f32 v32, v33;
	v32 =	vmul.f32 v56, v6;
	v33 =	vmul.f32 v57, v11  }
0x2fd: {  	v56 =	vshll.u32 v50, $0x10;
	v59 =	vshll.u32 v29, $0x10;
	v27 =	vadd.f32 v27, v35  }
0x2fe: {  	v53 =	vld [tilespmem:s1+$0x10090];
	v31 =	vmul.f32 v31, v7;
	v29 =	vand.u32 $0xFFFF0000, v29;
	v35 =	vmul.f32 v59, v9  }
0x2ff: {  	v29 =	vmul.f32 v29, v10;
	v57 =	vshll.u32 v51, $0x10;
	v26 =	vadd.f32 v27, v30  }
0x300: {  	v27 =	vshll.u32 v54, $0x10;
	v30 =	vmul.f32 v55, v13;
	v61 =	vshll.u32 v28, $0x10  }
0x301: {  	v28 =	vand.u32 $0xFFFF0000, v28;
	v29 =	vadd.f32 v29, v35;
	v27 =	vmul.f32 v27, v8  }
0x302: {  	v35 =	vand.u32 $0xFFFF0000, v50;
	v38 =	vmul.f32 v61, v7;
	v44 =	vmul.f32 v28, v13  }
0x303: {  	v28 =	vshll.u32 v58, $0x10;
	v35 =	vmul.f32 v35, v12;
	v58 =	vshll.u32 v53, $0x10  }
0x304: {  	v46 =	vmul.f32 v28, v6;
	v28 =	vadd.f32 v30, v31;
	v30 =	vshll.u32 v60, $0x10  }
0x305: {  	v55 =	vld [tilespmem:s1+$0x100A0];
	v60 =	vand.u32 $0xFFFF0000, v53;
	v61 =	vmul.f32 v58, v9;
	v27 =	vadd.f32 v33, v27  }
0x306: {  	v31 =	vadd.f32 v44, v38;
	v49 =	vmul.f32 v30, v8;
	v30 =	vshll.u32 v63, $0x10  }
0x307: {  	v33 =	vmul.f32 v48, v11;
	v38 =	vand.u32 $0xFFFF0000, v51;
	v47 =	vadd.f32 v34, v46  }
0x308: {  	v52 =	vmul.f32 v30, v9;
	v30 =	vshll.u32 v45, $0x10;
	v34 =	vmul.f32 v56, v6  }
0x309: {  	v37 =	vld [tilespmem:s1+$0x100B0];
	v59 =	vmul.f32 v38, v11;
	v27 =	vadd.f32 v29, v27;
	v29 =	vadd.f32 v62, v32  }
0x30a: {  	v54 =	vmul.f32 v30, v7;
	v62 =	vmul.f32 v60, v10;
	v63 =	vshll.u32 v55, $0x10  }
0x30b: {  	v40 =	vld [tilespmem:s1+$0x100C0];
	v42 =	vand.u32 $0xFFFF0000, v55;
	v30 =	vadd.f32 v47, v31;
	v31 =	vadd.f32 v33, v49  }
0x30c: {  	v32 =	vadd.f32 v36, v52;
	v36 =	vmul.f32 v57, v8;
	v33 =	vadd.f32 v39, v54;
	v39 =	vld [tilespmem:s1+$0x100D0]  }
0x30d: {  	v38 =	vld [tilespmem:s1+$0x100E0];
	v41 =	vmul.f32 v63, v7;
	v42 =	vmul.f32 v42, v13;
	v34 =	vadd.f32 v35, v34  }
0x30e: {  	s4 =	simm.s32 $0x2000;
	v43 =	vshll.u32 v37, $0x10;
	v35 =	vadd.f32 v59, v36;
	v36 =	vadd.f32 v62, v61  }
.LBB2_5:
0x30f: {  	p1 =	sne.s32 s4, $0xF000;
	v37 =	vand.u32 $0xFFFF0000, v37;
	v43 =	vmul.f32 v43, v6;
	v41 =	vadd.f32 v42, v41;
	v42 =	vld [tilespmem:s1+$0x100F0]  }
0x310: {  	v37 =	vmul.f32 v37, v12;
	v44 =	vshll.u32 v40, $0x10;
	v40 =	vand.u32 $0xFFFF0000, v40  }
0x311: {  	v44 =	vmul.f32 v44, v8;
	v40 =	vmul.f32 v40, v11;
	v45 =	vshll.u32 v39, $0x10  }
0x312: {  	v39 =	vand.u32 $0xFFFF0000, v39;
	v45 =	vmul.f32 v45, v9;
	v46 =	vshll.u32 v38, $0x10  }
0x313: {  	v39 =	vmul.f32 v39, v10;
	v38 =	vand.u32 $0xFFFF0000, v38;
	v46 =	vmul.f32 v46, v7  }
0x314: {  	v38 =	vmul.f32 v38, v13;
	v47 =	vshll.u32 v42, $0x10;
	v42 =	vand.u32 $0xFFFF0000, v42  }
0x315: {  	v37 =	vadd.f32 v37, v43;
	v43 =	vmul.f32 v47, v6;
	v42 =	vmul.f32 v42, v12  }
0x316: {  	v40 =	vadd.f32 v40, v44;
	v39 =	vadd.f32 v39, v45  }
0x317: {  	v38 =	vadd.f32 v38, v46;
	v42 =	vadd.f32 v42, v43  }
0x318: {  	v35 =	vadd.f32 v36, v35;
	v36 =	vadd.f32 v37, v41  }
0x319: {  	v37 =	vadd.f32 v39, v40;
	v38 =	vadd.f32 v42, v38  }
0x31a: {  	v31 =	vadd.f32 v32, v31;
	v32 =	vadd.f32 v34, v33  }
0x31b: {  	v33 =	vadd.f32 v36, v35;
	v34 =	vadd.f32 v38, v37  }
0x31c: {  	v28 =	vadd.f32 v29, v28;
	v29 =	vperm.xlane v23, v4;
	v31 =	vadd.f32 v32, v31  }
0x31d: {  	v27 =	vadd.f32 v30, v27;
	v32 =	vperm.xlane v33, v2;
	v35 =	vperm.xlane v34, v2  }
0x31e: {  	v24 =	vadd.f32 v25, v24;
	v26 =	vadd.f32 v28, v26;
	v30 =	vperm.xlane v31, v2  }
0x31f: {  	v25 =	vadd.f32 v33, v32;
	v32 =	vperm.xlane v27, v2;
	v28 =	vadd.f32 v34, v35  }
0x320: {  	v30 =	vadd.f32 v31, v30;
	v31 =	vperm.xlane v26, v2;
	v33 =	vperm.xlane v24, v2  }
0x321: {  	v27 =	vadd.f32 v27, v32;
	v34 =	vperm.xlane v25, v3;
	v35 =	vperm.xlane v28, v3  }
0x322: {  	v26 =	vadd.f32 v26, v31;
	v32 =	vperm.xlane v30, v3;
	v24 =	vadd.f32 v24, v33  }
0x323: {  	v31 =	vperm.xlane v27, v3;
	v25 =	vadd.f32 v25, v34;
	v28 =	vadd.f32 v28, v35  }
0x324: {  	v30 =	vadd.f32 v30, v32;
	v32 =	vperm.xlane v26, v3;
	v33 =	vperm.xlane v24, v3  }
0x325: {  	v27 =	vadd.f32 v27, v31;
	v34 =	vperm.xlane v25, v4;
	v35 =	vperm.xlane v28, v4  }
0x326: {  	v31 =	vperm.xlane v30, v4;
	v26 =	vadd.f32 v26, v32;
	v24 =	vadd.f32 v24, v33  }
0x327: {  	v32 =	vperm.xlane v27, v4;
	v25 =	vadd.f32 v25, v34;
	v28 =	vadd.f32 v28, v35  }
0x328: {  	v30 =	vadd.f32 v30, v31;
	v31 =	vperm.xlane v26, v4;
	v33 =	vperm.xlane v24, v4  }
0x329: {  	v27 =	vadd.f32 v27, v32;
	v34 =	vperm.xlane v25, v5;
	v35 =	vperm.xlane v28, v5  }
0x32a: {  	v32 =	vperm.xlane v30, v5;
	v26 =	vadd.f32 v26, v31;
	v24 =	vadd.f32 v24, v33  }
0x32b: {  	v31 =	vperm.xlane v27, v5;
	v25 =	vadd.f32 v25, v34;
	v28 =	vadd.f32 v28, v35  }
0x32c: {  	v23 =	vadd.f32 v23, v29;
	v30 =	vadd.f32 v30, v32;
	v32 =	vperm.xlane v26, v5  }
0x32d: {  	v27 =	vadd.f32 v27, v31;
	v25 =	vsel vm1, v25, v28;
	v28 =	vperm.xlane v24, v5  }
0x32e: {  	v29 =	vperm.xlane v23, v5;
	v26 =	vadd.f32 v26, v32;
	v25 =	vsel vm2, v25, v30  }
0x32f: {  	v25 =	vsel vm3, v25, v27;
	v24 =	vadd.f32 v24, v28;
	v27 =	vperm.xlane v22, v5  }
0x330: {  	v23 =	vadd.f32 v23, v29;
	v25 =	vsel vm4, v25, v26;
	v26 =	vperm.xlane v21, v5  }
0x331: {  	v24 =	vsel vm5, v25, v24;
	v22 =	vadd.f32 v22, v27;
	v25 =	vperm.xlane v20, v5  }
0x332: {  	v23 =	vsel vm6, v24, v23;
	v21 =	vadd.f32 v21, v26;
	v24 =	vperm.xlane v19, v5  }
0x333: {  	v22 =	vsel vm7, v23, v22;
	v20 =	vadd.f32 v20, v25;
	v23 =	vperm.xlane v18, v5  }
0x334: {  	v21 =	vsel vm0, v22, v21;
	v19 =	vadd.f32 v19, v24;
	v22 =	vperm.xlane v17, v5  }
0x335: {  	v20 =	vsel vm8, v21, v20;
	v18 =	vadd.f32 v18, v23;
	v21 =	vperm.xlane v16, v5  }
0x336: {  	v19 =	vsel vm9, v20, v19;
	v17 =	vadd.f32 v17, v22;
	v20 =	vperm.xlane v15, v5  }
0x337: {  	v18 =	vsel vm10, v19, v18;
	v16 =	vadd.f32 v16, v21;
	v19 =	vperm.xlane v14, v5  }
0x338: {  	v17 =	vsel vm11, v18, v17;
	v15 =	vadd.f32 v15, v20  }
0x339: {  	v16 =	vsel vm12, v17, v16;
	v14 =	vadd.f32 v14, v19  }
0x33a: {  	v15 =	vsel vm13, v16, v15  }
0x33b: {  	s31 =	sadd.s32 $0x10, s31;
	v14 =	vsel vm14, v15, v14  }
0x33c: {  	s1 =	sshra.s32 s4, $0x2;
	[tilespmem:s31+$0x0] =	vst v14  }
0x33d: {  	v14 =	vld [tilespmem:s1+$0x10440];
	_ =	sdelay $0x1  }
0x33e: {  	v15 =	vld [tilespmem:s1+$0x10450];
	_ =	sdelay $0x1  }
0x33f: {  	v16 =	vld [tilespmem:s1+$0x10460]  }
0x340: {  	v17 =	vshll.u32 v14, $0x10  }
0x341: {  	v14 =	vand.u32 $0xFFFF0000, v14;
	v17 =	vmul.f32 v17, v8;
	v18 =	vld [tilespmem:s1+$0x10470]  }
0x342: {  	v14 =	vmul.f32 v14, v11;
	v19 =	vshll.u32 v15, $0x10;
	v15 =	vand.u32 $0xFFFF0000, v15  }
0x343: {  	v19 =	vmul.f32 v19, v9;
	v15 =	vmul.f32 v15, v10  }
0x344: {  	v14 =	vadd.f32 v14, v17;
	v20 =	vld [tilespmem:s1+$0x10400];
	v21 =	vshll.u32 v16, $0x10  }
0x345: {  	v16 =	vand.u32 $0xFFFF0000, v16;
	v17 =	vld [tilespmem:s1+$0x10410];
	v21 =	vmul.f32 v21, v7;
	v15 =	vadd.f32 v15, v19  }
0x346: {  	v16 =	vmul.f32 v16, v13;
	v19 =	vld [tilespmem:s1+$0x10420];
	v22 =	vshll.u32 v18, $0x10;
	v18 =	vand.u32 $0xFFFF0000, v18  }
0x347: {  	v22 =	vmul.f32 v22, v6;
	v18 =	vmul.f32 v18, v12  }
0x348: {  	v16 =	vadd.f32 v16, v21;
	v14 =	vadd.f32 v15, v14;
	v23 =	vld [tilespmem:s1+$0x10430]  }
0x349: {  	v15 =	vshll.u32 v20, $0x10;
	v20 =	vand.u32 $0xFFFF0000, v20;
	v18 =	vadd.f32 v18, v22  }
0x34a: {  	v15 =	vmul.f32 v15, v8;
	v20 =	vmul.f32 v20, v11;
	v21 =	vshll.u32 v17, $0x10  }
0x34b: {  	v17 =	vand.u32 $0xFFFF0000, v17;
	v21 =	vmul.f32 v21, v9;
	v22 =	vshll.u32 v19, $0x10  }
0x34c: {  	v17 =	vmul.f32 v17, v10;
	v19 =	vand.u32 $0xFFFF0000, v19;
	v22 =	vmul.f32 v22, v7  }
0x34d: {  	v19 =	vmul.f32 v19, v13;
	v24 =	vshll.u32 v23, $0x10;
	v23 =	vand.u32 $0xFFFF0000, v23  }
0x34e: {  	v16 =	vadd.f32 v18, v16;
	v25 =	vld [tilespmem:s1+$0x103C0];
	v24 =	vmul.f32 v24, v6;
	v23 =	vmul.f32 v23, v12  }
0x34f: {  	v15 =	vadd.f32 v20, v15;
	v17 =	vadd.f32 v17, v21  }
0x350: {  	v19 =	vadd.f32 v19, v22;
	v18 =	vld [tilespmem:s1+$0x103D0];
	v20 =	vadd.f32 v23, v24  }
0x351: {  	v14 =	vadd.f32 v16, v14  }
0x352: {  	v15 =	vadd.f32 v17, v15;
	v16 =	vld [tilespmem:s1+$0x103E0];
	v17 =	vadd.f32 v20, v19  }
0x353: {  	v20 =	vperm.xlane v14, v2;
	v19 =	vshll.u32 v25, $0x10  }
0x354: {  	v21 =	vand.u32 $0xFFFF0000, v25;
	v19 =	vmul.f32 v19, v8;
	v22 =	vld [tilespmem:s1+$0x103F0];
	v15 =	vadd.f32 v17, v15  }
0x355: {  	v17 =	vmul.f32 v21, v11;
	v21 =	vshll.u32 v18, $0x10;
	v18 =	vand.u32 $0xFFFF0000, v18  }
0x356: {  	v14 =	vadd.f32 v14, v20;
	v21 =	vmul.f32 v21, v9;
	v18 =	vmul.f32 v18, v10  }
0x357: {  	v17 =	vadd.f32 v17, v19;
	v19 =	vperm.xlane v15, v2;
	v20 =	vld [tilespmem:s1+$0x10380];
	v23 =	vshll.u32 v16, $0x10  }
0x358: {  	v16 =	vand.u32 $0xFFFF0000, v16;
	v24 =	vld [tilespmem:s1+$0x10390];
	v23 =	vmul.f32 v23, v7;
	v18 =	vadd.f32 v18, v21  }
0x359: {  	v16 =	vmul.f32 v16, v13;
	v21 =	vld [tilespmem:s1+$0x103A0];
	v25 =	vshll.u32 v22, $0x10;
	v22 =	vand.u32 $0xFFFF0000, v22  }
0x35a: {  	v15 =	vadd.f32 v15, v19;
	v25 =	vmul.f32 v25, v6;
	v22 =	vmul.f32 v22, v12  }
0x35b: {  	v16 =	vadd.f32 v16, v23;
	v17 =	vadd.f32 v18, v17;
	v19 =	vld [tilespmem:s1+$0x103B0]  }
0x35c: {  	v18 =	vshll.u32 v20, $0x10;
	v20 =	vand.u32 $0xFFFF0000, v20;
	v22 =	vadd.f32 v22, v25  }
0x35d: {  	v18 =	vmul.f32 v18, v8;
	v20 =	vmul.f32 v20, v11;
	v23 =	vshll.u32 v24, $0x10  }
0x35e: {  	v24 =	vand.u32 $0xFFFF0000, v24;
	v23 =	vmul.f32 v23, v9;
	v25 =	vshll.u32 v21, $0x10  }
0x35f: {  	v24 =	vmul.f32 v24, v10;
	v21 =	vand.u32 $0xFFFF0000, v21;
	v25 =	vmul.f32 v25, v7  }
0x360: {  	v21 =	vmul.f32 v21, v13;
	v26 =	vshll.u32 v19, $0x10;
	v19 =	vand.u32 $0xFFFF0000, v19  }
0x361: {  	v16 =	vadd.f32 v22, v16;
	v26 =	vmul.f32 v26, v6;
	v19 =	vmul.f32 v19, v12  }
0x362: {  	v18 =	vadd.f32 v20, v18;
	v20 =	vadd.f32 v24, v23;
	v22 =	vld [tilespmem:s1+$0x10340]  }
0x363: {  	v21 =	vadd.f32 v21, v25;
	v23 =	vld [tilespmem:s1+$0x10350];
	v19 =	vadd.f32 v19, v26  }
0x364: {  	v16 =	vadd.f32 v16, v17;
	v17 =	vperm.xlane v15, v3;
	v25 =	vperm.xlane v14, v3;
	v24 =	vld [tilespmem:s1+$0x10360]  }
0x365: {  	v18 =	vadd.f32 v20, v18;
	v19 =	vadd.f32 v19, v21  }
0x366: {  	v15 =	vadd.f32 v15, v17;
	v14 =	vadd.f32 v14, v25;
	v21 =	vperm.xlane v16, v2;
	v20 =	vld [tilespmem:s1+$0x10370]  }
0x367: {  	v17 =	vshll.u32 v22, $0x10;
	v22 =	vand.u32 $0xFFFF0000, v22;
	v18 =	vadd.f32 v19, v18  }
0x368: {  	v17 =	vmul.f32 v17, v8;
	v19 =	vmul.f32 v22, v11;
	v22 =	vshll.u32 v23, $0x10  }
0x369: {  	v23 =	vand.u32 $0xFFFF0000, v23;
	v22 =	vmul.f32 v22, v9;
	v25 =	vshll.u32 v24, $0x10  }
0x36a: {  	v23 =	vmul.f32 v23, v10;
	v24 =	vand.u32 $0xFFFF0000, v24;
	v25 =	vmul.f32 v25, v7  }
0x36b: {  	v24 =	vmul.f32 v24, v13;
	v26 =	vld [tilespmem:s1+$0x10300];
	v27 =	vshll.u32 v20, $0x10;
	v20 =	vand.u32 $0xFFFF0000, v20  }
0x36c: {  	v16 =	vadd.f32 v16, v21;
	v28 =	vld [tilespmem:s1+$0x10310];
	v27 =	vmul.f32 v27, v6;
	v20 =	vmul.f32 v20, v12  }
0x36d: {  	v17 =	vadd.f32 v19, v17;
	v19 =	vadd.f32 v23, v22;
	v22 =	vperm.xlane v18, v2;
	v21 =	vld [tilespmem:s1+$0x10320]  }
0x36e: {  	v23 =	vadd.f32 v24, v25;
	v20 =	vadd.f32 v20, v27  }
0x36f: {  	v17 =	vadd.f32 v19, v17;
	v18 =	vadd.f32 v18, v22;
	v24 =	vld [tilespmem:s1+$0x10330]  }
0x370: {  	v19 =	vshll.u32 v26, $0x10;
	v22 =	vand.u32 $0xFFFF0000, v26;
	v20 =	vadd.f32 v20, v23  }
0x371: {  	v19 =	vmul.f32 v19, v8;
	v22 =	vmul.f32 v22, v11;
	v23 =	vshll.u32 v28, $0x10  }
0x372: {  	v25 =	vand.u32 $0xFFFF0000, v28;
	v23 =	vmul.f32 v23, v9;
	v26 =	vshll.u32 v21, $0x10  }
0x373: {  	v25 =	vmul.f32 v25, v10;
	v21 =	vand.u32 $0xFFFF0000, v21;
	v26 =	vmul.f32 v26, v7  }
0x374: {  	v21 =	vmul.f32 v21, v13;
	v27 =	vshll.u32 v24, $0x10;
	v24 =	vand.u32 $0xFFFF0000, v24  }
0x375: {  	v17 =	vadd.f32 v20, v17;
	v27 =	vmul.f32 v27, v6;
	v24 =	vmul.f32 v24, v12  }
0x376: {  	v19 =	vadd.f32 v22, v19;
	v22 =	vperm.xlane v16, v3;
	v20 =	vadd.f32 v25, v23  }
0x377: {  	v21 =	vadd.f32 v21, v26;
	v23 =	vadd.f32 v24, v27  }
0x378: {  	v25 =	vperm.xlane v18, v3;
	v16 =	vadd.f32 v16, v22;
	v24 =	vperm.xlane v17, v2  }
0x379: {  	v19 =	vadd.f32 v20, v19;
	v20 =	vadd.f32 v23, v21  }
0x37a: {  	v22 =	vadd.f32 v18, v25;
	v18 =	vperm.xlane v14, v4;
	v17 =	vadd.f32 v17, v24;
	v21 =	vld [tilespmem:s1+$0x102C0]  }
0x37b: {  	v24 =	vperm.xlane v15, v4;
	v23 =	vld [tilespmem:s1+$0x102D0];
	v19 =	vadd.f32 v20, v19;
	v20 =	vperm.xlane v16, v4  }
0x37c: {  	v27 =	vperm.xlane v22, v4;
	v14 =	vadd.f32 v14, v18;
	v26 =	vperm.xlane v17, v3;
	v25 =	vld [tilespmem:s1+$0x102E0]  }
0x37d: {  	v15 =	vadd.f32 v15, v24;
	v28 =	vperm.xlane v19, v2;
	v16 =	vadd.f32 v16, v20  }
0x37e: {  	v18 =	vadd.f32 v17, v26;
	v17 =	vadd.f32 v22, v27;
	v20 =	vld [tilespmem:s1+$0x102F0]  }
0x37f: {  	v22 =	vshll.u32 v21, $0x10;
	v21 =	vand.u32 $0xFFFF0000, v21;
	v19 =	vadd.f32 v19, v28  }
0x380: {  	v24 =	vld [tilespmem:s1+$0x10280];
	v22 =	vmul.f32 v22, v8;
	v21 =	vmul.f32 v21, v11;
	v26 =	vshll.u32 v23, $0x10  }
0x381: {  	v23 =	vand.u32 $0xFFFF0000, v23;
	v26 =	vmul.f32 v26, v9;
	v27 =	vshll.u32 v25, $0x10  }
0x382: {  	v23 =	vmul.f32 v23, v10;
	v25 =	vand.u32 $0xFFFF0000, v25;
	v28 =	vld [tilespmem:s1+$0x10290];
	v27 =	vmul.f32 v27, v7  }
0x383: {  	v25 =	vmul.f32 v25, v13;
	v29 =	vshll.u32 v20, $0x10;
	v20 =	vand.u32 $0xFFFF0000, v20  }
0x384: {  	v21 =	vadd.f32 v21, v22;
	v30 =	vld [tilespmem:s1+$0x102A0];
	v29 =	vmul.f32 v29, v6;
	v20 =	vmul.f32 v20, v12  }
0x385: {  	v23 =	vadd.f32 v23, v26;
	v25 =	vadd.f32 v25, v27;
	v22 =	vshll.u32 v24, $0x10  }
0x386: {  	v24 =	vand.u32 $0xFFFF0000, v24;
	v22 =	vmul.f32 v22, v8;
	v26 =	vld [tilespmem:s1+$0x102B0];
	v20 =	vadd.f32 v20, v29  }
0x387: {  	v24 =	vmul.f32 v24, v11;
	v27 =	vshll.u32 v28, $0x10;
	v28 =	vand.u32 $0xFFFF0000, v28  }
0x388: {  	v21 =	vadd.f32 v23, v21;
	v27 =	vmul.f32 v27, v9;
	v28 =	vmul.f32 v28, v10  }
0x389: {  	v22 =	vadd.f32 v24, v22;
	v20 =	vadd.f32 v20, v25;
	v23 =	vld [tilespmem:s1+$0x10240];
	v29 =	vshll.u32 v30, $0x10  }
0x38a: {  	v25 =	vand.u32 $0xFFFF0000, v30;
	v24 =	vld [tilespmem:s1+$0x10250];
	v29 =	vmul.f32 v29, v7;
	v27 =	vadd.f32 v28, v27  }
0x38b: {  	v25 =	vmul.f32 v25, v13;
	v28 =	vld [tilespmem:s1+$0x10260];
	v30 =	vshll.u32 v26, $0x10;
	v26 =	vand.u32 $0xFFFF0000, v26  }
0x38c: {  	v20 =	vadd.f32 v20, v21;
	v30 =	vmul.f32 v30, v6;
	v26 =	vmul.f32 v26, v12  }
0x38d: {  	v25 =	vadd.f32 v25, v29;
	v22 =	vadd.f32 v27, v22;
	v21 =	vld [tilespmem:s1+$0x10270]  }
0x38e: {  	v27 =	vshll.u32 v23, $0x10;
	v23 =	vand.u32 $0xFFFF0000, v23;
	v26 =	vadd.f32 v26, v30  }
0x38f: {  	v27 =	vmul.f32 v27, v8;
	v23 =	vmul.f32 v23, v11;
	v29 =	vshll.u32 v24, $0x10  }
0x390: {  	v24 =	vand.u32 $0xFFFF0000, v24;
	v29 =	vmul.f32 v29, v9;
	v30 =	vshll.u32 v28, $0x10  }
0x391: {  	v24 =	vmul.f32 v24, v10;
	v28 =	vand.u32 $0xFFFF0000, v28;
	v30 =	vmul.f32 v30, v7  }
0x392: {  	v28 =	vmul.f32 v28, v13;
	v31 =	vld [tilespmem:s1+$0x10200];
	v32 =	vshll.u32 v21, $0x10;
	v21 =	vand.u32 $0xFFFF0000, v21  }
0x393: {  	v25 =	vadd.f32 v26, v25;
	v33 =	vld [tilespmem:s1+$0x10210];
	v32 =	vmul.f32 v32, v6;
	v21 =	vmul.f32 v21, v12  }
0x394: {  	v23 =	vadd.f32 v23, v27;
	v24 =	vadd.f32 v24, v29;
	v26 =	vld [tilespmem:s1+$0x10220]  }
0x395: {  	v27 =	vadd.f32 v28, v30;
	v21 =	vadd.f32 v21, v32  }
0x396: {  	v22 =	vadd.f32 v25, v22;
	v23 =	vadd.f32 v24, v23;
	v28 =	vld [tilespmem:s1+$0x10230]  }
0x397: {  	v24 =	vshll.u32 v31, $0x10;
	v25 =	vand.u32 $0xFFFF0000, v31;
	v21 =	vadd.f32 v21, v27  }
0x398: {  	v24 =	vmul.f32 v24, v8;
	v25 =	vmul.f32 v25, v11;
	v27 =	vshll.u32 v33, $0x10  }
0x399: {  	v29 =	vand.u32 $0xFFFF0000, v33;
	v27 =	vmul.f32 v27, v9;
	v30 =	vshll.u32 v26, $0x10  }
0x39a: {  	v29 =	vmul.f32 v29, v10;
	v26 =	vand.u32 $0xFFFF0000, v26;
	v30 =	vmul.f32 v30, v7  }
0x39b: {  	v26 =	vmul.f32 v26, v13;
	v31 =	vshll.u32 v28, $0x10;
	v28 =	vand.u32 $0xFFFF0000, v28  }
0x39c: {  	v21 =	vadd.f32 v21, v23;
	v31 =	vmul.f32 v31, v6;
	v28 =	vmul.f32 v28, v12  }
0x39d: {  	v23 =	vadd.f32 v25, v24;
	v25 =	vperm.xlane v20, v2;
	v24 =	vadd.f32 v29, v27  }
0x39e: {  	v26 =	vadd.f32 v26, v30;
	v27 =	vadd.f32 v28, v31  }
0x39f: {  	v29 =	vperm.xlane v22, v2;
	v20 =	vadd.f32 v20, v25;
	v28 =	vperm.xlane v21, v2  }
0x3a0: {  	v25 =	vperm.xlane v19, v3;
	v23 =	vadd.f32 v24, v23;
	v24 =	vadd.f32 v27, v26  }
0x3a1: {  	v22 =	vadd.f32 v22, v29;
	v21 =	vadd.f32 v21, v28;
	v26 =	vperm.xlane v20, v3  }
0x3a2: {  	v19 =	vadd.f32 v19, v25;
	v23 =	vadd.f32 v24, v23;
	v24 =	vperm.xlane v18, v4  }
0x3a3: {  	v28 =	vperm.xlane v22, v3;
	v27 =	vperm.xlane v21, v3;
	v20 =	vadd.f32 v20, v26;
	v25 =	vld [tilespmem:s1+$0x101C0]  }
0x3a4: {  	v29 =	vperm.xlane v19, v4;
	v26 =	vperm.xlane v23, v2;
	v18 =	vadd.f32 v18, v24  }
0x3a5: {  	v27 =	vadd.f32 v21, v27;
	v21 =	vadd.f32 v22, v28;
	v22 =	vperm.xlane v20, v4;
	v24 =	vld [tilespmem:s1+$0x101D0]  }
0x3a6: {  	v19 =	vadd.f32 v19, v29;
	v23 =	vadd.f32 v23, v26  }
0x3a7: {  	v28 =	vperm.xlane v27, v4;
	v29 =	vperm.xlane v21, v4;
	v20 =	vadd.f32 v20, v22;
	v26 =	vld [tilespmem:s1+$0x101E0]  }
0x3a8: {  	v22 =	vshll.u32 v25, $0x10;
	v25 =	vand.u32 $0xFFFF0000, v25;
	v30 =	vld [tilespmem:s1+$0x101F0];
	v31 =	vperm.xlane v23, v3  }
0x3a9: {  	v21 =	vadd.f32 v21, v29;
	v32 =	vld [tilespmem:s1+$0x10180];
	v33 =	vmul.f32 v22, v8;
	v25 =	vmul.f32 v25, v11  }
0x3aa: {  	v22 =	vadd.f32 v27, v28;
	v29 =	vshll.u32 v24, $0x10;
	v23 =	vadd.f32 v23, v31  }
0x3ab: {  	v24 =	vand.u32 $0xFFFF0000, v24;
	v27 =	vld [tilespmem:s1+$0x10190];
	v28 =	vmul.f32 v29, v9;
	v25 =	vadd.f32 v25, v33  }
0x3ac: {  	v24 =	vmul.f32 v24, v10;
	v29 =	vshll.u32 v26, $0x10;
	v26 =	vand.u32 $0xFFFF0000, v26  }
0x3ad: {  	v29 =	vmul.f32 v29, v7;
	v26 =	vmul.f32 v26, v13;
	v31 =	vshll.u32 v30, $0x10  }
0x3ae: {  	v30 =	vand.u32 $0xFFFF0000, v30;
	v33 =	vshll.u32 v32, $0x10;
	v31 =	vmul.f32 v31, v6  }
0x3af: {  	v32 =	vand.u32 $0xFFFF0000, v32;
	v30 =	vmul.f32 v30, v12;
	v33 =	vmul.f32 v33, v8;
	v34 =	vld [tilespmem:s1+$0x101A0]  }
0x3b0: {  	v32 =	vmul.f32 v32, v11;
	v35 =	vshll.u32 v27, $0x10;
	v27 =	vand.u32 $0xFFFF0000, v27;
	v36 =	vld [tilespmem:s1+$0x101B0]  }
0x3b1: {  	v24 =	vadd.f32 v24, v28;
	v37 =	vld [tilespmem:s1+$0x10140];
	v35 =	vmul.f32 v35, v9;
	v27 =	vmul.f32 v27, v10  }
0x3b2: {  	v26 =	vadd.f32 v26, v29;
	v28 =	vadd.f32 v30, v31  }
0x3b3: {  	v30 =	vadd.f32 v32, v33;
	v29 =	vld [tilespmem:s1+$0x10150];
	v27 =	vadd.f32 v27, v35  }
0x3b4: {  	v24 =	vadd.f32 v24, v25;
	v25 =	vadd.f32 v28, v26;
	v31 =	vshll.u32 v34, $0x10  }
0x3b5: {  	v32 =	vand.u32 $0xFFFF0000, v34;
	v28 =	vld [tilespmem:s1+$0x10160];
	v31 =	vmul.f32 v31, v7;
	v26 =	vadd.f32 v27, v30  }
0x3b6: {  	v30 =	vmul.f32 v32, v13;
	v32 =	vshll.u32 v36, $0x10;
	v27 =	vshll.u32 v37, $0x10  }
0x3b7: {  	v33 =	vand.u32 $0xFFFF0000, v37;
	v32 =	vmul.f32 v32, v6;
	v27 =	vmul.f32 v27, v8;
	v34 =	vld [tilespmem:s1+$0x10170]  }
0x3b8: {  	v33 =	vmul.f32 v33, v11;
	v35 =	vshll.u32 v29, $0x10;
	v29 =	vand.u32 $0xFFFF0000, v29  }
0x3b9: {  	v36 =	vand.u32 $0xFFFF0000, v36;
	v35 =	vmul.f32 v35, v9;
	v29 =	vmul.f32 v29, v10  }
0x3ba: {  	v27 =	vadd.f32 v33, v27;
	v33 =	vmul.f32 v36, v12;
	v37 =	vld [tilespmem:s1+$0x10100];
	v38 =	vshll.u32 v28, $0x10  }
0x3bb: {  	v28 =	vand.u32 $0xFFFF0000, v28;
	v36 =	vld [tilespmem:s1+$0x10110];
	v38 =	vmul.f32 v38, v7;
	v29 =	vadd.f32 v29, v35  }
0x3bc: {  	v35 =	vmul.f32 v28, v13;
	v28 =	vshll.u32 v34, $0x10;
	v34 =	vand.u32 $0xFFFF0000, v34  }
0x3bd: {  	v39 =	vld [tilespmem:s1+$0x10120];
	v40 =	vmul.f32 v28, v6;
	v34 =	vmul.f32 v34, v12;
	v28 =	vadd.f32 v30, v31  }
0x3be: {  	v27 =	vadd.f32 v29, v27;
	v29 =	vadd.f32 v33, v32  }
0x3bf: {  	v31 =	vadd.f32 v35, v38;
	v30 =	vshll.u32 v37, $0x10;
	v32 =	vadd.f32 v34, v40  }
0x3c0: {  	v33 =	vand.u32 $0xFFFF0000, v37;
	v34 =	vmul.f32 v30, v8;
	v30 =	vshll.u32 v36, $0x10;
	v35 =	vld [tilespmem:s1+$0x10130]  }
0x3c1: {  	v33 =	vmul.f32 v33, v11;
	v36 =	vand.u32 $0xFFFF0000, v36;
	v38 =	vld [tilespmem:s1+$0x10080];
	v37 =	vmul.f32 v30, v9  }
0x3c2: {  	v36 =	vmul.f32 v36, v10;
	v40 =	vld [tilespmem:s1+$0x10090];
	v30 =	vshll.u32 v39, $0x10;
	v39 =	vand.u32 $0xFFFF0000, v39  }
0x3c3: {  	v41 =	vmul.f32 v30, v7;
	v39 =	vmul.f32 v39, v13;
	v30 =	vadd.f32 v32, v31  }
0x3c4: {  	v31 =	vadd.f32 v33, v34;
	v32 =	vadd.f32 v36, v37;
	v42 =	vld [tilespmem:s1+$0x100A0]  }
0x3c5: {  	v34 =	vshll.u32 v35, $0x10;
	v35 =	vand.u32 $0xFFFF0000, v35;
	v33 =	vadd.f32 v39, v41  }
0x3c6: {  	v36 =	vshll.u32 v38, $0x10;
	v37 =	vld [tilespmem:s1+$0x100B0];
	v34 =	vmul.f32 v34, v6;
	v35 =	vmul.f32 v35, v12  }
.Ltmp3:
0x3c7: {  	v38 =	vand.u32 $0xFFFF0000, v38;
	v36 =	vmul.f32 v36, v8;
	v39 =	vshll.u32 v40, $0x10;
	(pc) =	sbr.rel @p1 .LBB2_5-.Ltmp3, $4  }
0x3c8: {  	v44 =	vmul.f32 v38, v11;
	v38 =	vand.u32 $0xFFFF0000, v40;
	v45 =	vmul.f32 v39, v9;
	v40 =	vld [tilespmem:s1+$0x100C0]  }
0x3c9: {  	v46 =	vmul.f32 v38, v10;
	v38 =	vshll.u32 v42, $0x10;
	v42 =	vand.u32 $0xFFFF0000, v42;
	v39 =	vld [tilespmem:s1+$0x100D0]  }
0x3ca: {  	v34 =	vadd.f32 v35, v34;
	v41 =	vmul.f32 v38, v7;
	v42 =	vmul.f32 v42, v13;
	v38 =	vld [tilespmem:s1+$0x100E0]  }
0x3cb: {  	s4 =	sadd.s32 $0x1000, s4;
	v35 =	vadd.f32 v44, v36;
	v36 =	vadd.f32 v46, v45;
	v43 =	vshll.u32 v37, $0x10  }
0x3cc: {  	v37 =	vand.u32 $0xFFFF0000, v37;
	v43 =	vmul.f32 v43, v6;
	v41 =	vadd.f32 v42, v41;
	v49 =	vld [tilespmem:s1+$0x100F0]  }
0x3cd: {  	v37 =	vmul.f32 v37, v12;
	v44 =	vshll.u32 v40, $0x10;
	v50 =	vand.u32 $0xFFFF0000, v40  }
0x3ce: {  	v8 =	vmul.f32 v44, v8;
	v11 =	vmul.f32 v50, v11;
	v51 =	vshll.u32 v39, $0x10  }
0x3cf: {  	v52 =	vand.u32 $0xFFFF0000, v39;
	v9 =	vmul.f32 v51, v9;
	v53 =	vshll.u32 v38, $0x10  }
0x3d0: {  	v10 =	vmul.f32 v52, v10;
	v54 =	vand.u32 $0xFFFF0000, v38;
	v7 =	vmul.f32 v53, v7  }
0x3d1: {  	v13 =	vmul.f32 v54, v13;
	v55 =	vshll.u32 v49, $0x10;
	v56 =	vand.u32 $0xFFFF0000, v49  }
0x3d2: {  	v37 =	vadd.f32 v37, v43;
	v6 =	vmul.f32 v55, v6;
	v57 =	vmul.f32 v56, v12  }
0x3d3: {  	v8 =	vadd.f32 v11, v8;
	v9 =	vadd.f32 v10, v9  }
0x3d4: {  	v7 =	vadd.f32 v13, v7;
	v6 =	vadd.f32 v57, v6  }
0x3d5: {  	v58 =	vadd.f32 v36, v35;
	v59 =	vadd.f32 v37, v41  }
0x3d6: {  	v8 =	vadd.f32 v9, v8;
	v6 =	vadd.f32 v6, v7  }
0x3d7: {  	v60 =	vadd.f32 v34, v33;
	v7 =	vadd.f32 v32, v31  }
0x3d8: {  	v10 =	vadd.f32 v59, v58;
	v6 =	vadd.f32 v6, v8  }
0x3d9: {  	v61 =	vadd.f32 v29, v28;
	v62 =	vperm.xlane v23, v4;
	v7 =	vadd.f32 v60, v7  }
0x3da: {  	v30 =	vadd.f32 v30, v27;
	v11 =	vperm.xlane v10, v2;
	v63 =	vperm.xlane v6, v2  }
0x3db: {  	v24 =	vadd.f32 v25, v24;
	v8 =	vadd.f32 v61, v26;
	v31 =	vperm.xlane v7, v2  }
0x3dc: {  	v32 =	vperm.xlane v30, v2;
	v10 =	vadd.f32 v10, v11;
	v6 =	vadd.f32 v6, v63  }
0x3dd: {  	v25 =	vperm.xlane v24, v2;
	v33 =	vperm.xlane v8, v2;
	v7 =	vadd.f32 v7, v31  }
0x3de: {  	v11 =	vadd.f32 v30, v32;
	v34 =	vperm.xlane v10, v3;
	v35 =	vperm.xlane v6, v3  }
0x3df: {  	v37 =	vadd.f32 v24, v25;
	v8 =	vadd.f32 v8, v33;
	v36 =	vperm.xlane v7, v3  }
0x3e0: {  	v38 =	vperm.xlane v11, v3;
	v10 =	vadd.f32 v10, v34;
	v6 =	vadd.f32 v6, v35  }
0x3e1: {  	v25 =	vperm.xlane v37, v3;
	v39 =	vperm.xlane v8, v3;
	v7 =	vadd.f32 v7, v36  }
0x3e2: {  	v11 =	vadd.f32 v11, v38;
	v26 =	vperm.xlane v10, v4;
	v27 =	vperm.xlane v6, v4  }
0x3e3: {  	v12 =	vadd.f32 v37, v25;
	v8 =	vadd.f32 v8, v39;
	v40 =	vperm.xlane v7, v4  }
0x3e4: {  	v41 =	vperm.xlane v11, v4;
	v10 =	vadd.f32 v10, v26;
	v6 =	vadd.f32 v6, v27  }
0x3e5: {  	v25 =	vperm.xlane v12, v4;
	v42 =	vperm.xlane v8, v4;
	v7 =	vadd.f32 v7, v40  }
0x3e6: {  	v11 =	vadd.f32 v11, v41;
	v26 =	vperm.xlane v10, v5;
	v27 =	vperm.xlane v6, v5  }
0x3e7: {  	v12 =	vadd.f32 v12, v25;
	v8 =	vadd.f32 v8, v42;
	v43 =	vperm.xlane v7, v5  }
0x3e8: {  	v44 =	vperm.xlane v11, v5;
	v10 =	vadd.f32 v10, v26;
	v6 =	vadd.f32 v6, v27  }
0x3e9: {  	v9 =	vadd.f32 v23, v62;
	v45 =	vperm.xlane v8, v5;
	v7 =	vadd.f32 v7, v43  }
0x3ea: {  	v47 =	vperm.xlane v12, v5;
	v46 =	vadd.f32 v11, v44;
	v6 =	vsel vm1, v10, v6  }
0x3eb: {  	v48 =	vperm.xlane v9, v5;
	v6 =	vsel vm2, v6, v7;
	v7 =	vadd.f32 v8, v45  }
0x3ec: {  	v50 =	vperm.xlane v22, v5;
	v49 =	vadd.f32 v12, v47;
	v6 =	vsel vm3, v6, v46  }
0x3ed: {  	v51 =	vperm.xlane v21, v5;
	v6 =	vsel vm4, v6, v7;
	v7 =	vadd.f32 v9, v48  }
0x3ee: {  	v52 =	vadd.f32 v22, v50;
	v53 =	vperm.xlane v20, v5;
	v6 =	vsel vm5, v6, v49  }
0x3ef: {  	v54 =	vperm.xlane v19, v5;
	v6 =	vsel vm6, v6, v7;
	v7 =	vadd.f32 v21, v51  }
0x3f0: {  	v55 =	vadd.f32 v20, v53;
	v56 =	vperm.xlane v18, v5;
	v6 =	vsel vm7, v6, v52  }
0x3f1: {  	v57 =	vperm.xlane v17, v5;
	v6 =	vsel vm0, v6, v7;
	v7 =	vadd.f32 v19, v54  }
0x3f2: {  	v59 =	vperm.xlane v16, v5;
	v58 =	vadd.f32 v18, v56;
	v6 =	vsel vm8, v6, v55  }
0x3f3: {  	v60 =	vperm.xlane v15, v5;
	v6 =	vsel vm9, v6, v7;
	v7 =	vadd.f32 v17, v57  }
0x3f4: {  	v62 =	vperm.xlane v14, v5;
	v61 =	vadd.f32 v16, v59;
	v6 =	vsel vm10, v6, v58  }
0x3f5: {  	v6 =	vsel vm11, v6, v7;
	v7 =	vadd.f32 v15, v60  }
.Ltmp4:
0x3f6: {  	s0 =	sadd.s32 s6, s30;
	v63 =	vadd.f32 v14, v62;
	v6 =	vsel vm12, v6, v61;
	(pc) =	sbr.rel @p0 .LBB2_8-.Ltmp4, $4  }
0x3f7: {  	s0 =	sshll.u32 s0, $0x5;
	v6 =	vsel vm13, v6, v7  }
0x3f8: {  	s31 =	sadd.s32 $0x10, s31;
	s0 =	sand.u32 $0x1FFFFFE0, s0;
	v6 =	vsel vm14, v6, v63  }
0x3f9: {  	s0 =	sadd.s32 s2, s0;
	[tilespmem:s31+$0x0] =	vst v6  }
0x3fa: {  	[hbm4b:s0+s3] =	stream.linear.scatter [tilespmem:s24], [sflag:$0x5], $0x100, $0x38;
	[tilespmem:$0x14280] =	vst v63  }
0x3fb: {  	s0 =	sshll.u32 s29, $0x9  }
.Ltmp5:
0x3fc: {  	s0 =	sand.u32 $0x3FFFFE00, s0;
	(pc) =	sbr.rel .LBB2_2-.Ltmp5, $4  }
0x3fd: {  	s1 =	sadd.s32 $0x4380, s0  }
0x3fe: {  	[tilespmem:s18], [sflag:$0x3] =	stream.indirect.gather [hbm4b:s5+s12], $0x40, s1, s12, $0xb8;
	[tilespmem:$0x14280] =	vst v63  }
0x3ff: {  	s29 =	sadd.s32 $0x1, s29;
	s0 =	sadd.s32 $0x4400, s0  }
0x400: {  	[tilespmem:s20], [sflag:$0x3] =	stream.indirect.gather [hbm4b:s5+s12], $0x40, s0, s12, $0xb8;
	[tilespmem:$0x14280] =	vst v63  }
.LBB2_9:
0x401: {  	_ =	sfence.sel $0x180000  }
0x402: {  	[bflag:$0x0] =	sbarrier.arrive $0xFFFF  }
0x403: {  	_ =	strace $0x90000047  }
0x404: {  	s0 =	stileid.u32;
	[bflag:$0x2] =	sbarrier.arrive $0xFFFF  }
0x405: {  	p0 =	sne.s32 s0, $0x0;
	s0 =	rddreg [dreg:$0x5]  }
0x406: {  	s0 =	sadd.s32 @!p0 $0x100000, s0  }
0x407: {  	[sflag:s0] =	ssyncadd.tile.s32 @!p0 $0x1;
	_ =	shalt  }
.Lfunc_end2:
_tile_overlayer_lowered:
.L_overlay_start_2:
0x408: {  	(tag) =	ssettag $0x2  }
0x409: {  	s0 =	rddreg [dreg:$0x0];
	s2 =	stileid.u32  }
0x40a: {  	s1 =	rddreg [dreg:$0x1];
	p0 =	sne.s32 s2, $0x0  }
0x40b: {  	s3 =	rddreg [dreg:$0x2];
	[bflag:$0x3] =	sbarrier.arrive $0xFFFF;
	s2 =	simm.s32 @!p0 $0x1C06  }
0x40c: {  	[timem:s3], [sflag:s2] =	dma.local @!p0 [hbm:s0], s1  }
0x40d: {  	s0 =	simm.s32 @!p0 $0x6  }
0x40e: {  	_ =	swait.ge @!p0 [sflag:s0], s1  }
0x40f: {  	s1 =	ssub.s32 @!p0 $0x0, s1;
	[sflag:s0] =	ssyncset.done @!p0 $0x0  }
0x410: {  	[sflag:s0] =	ssyncadd.s32 @!p0 s1  }
0x411: {  	[bflag:$0x3] =	sbarrier.arrive $0xFFFF  }
0x412: {  	_ =	shalt  }

</sc_bundles>
